<compile_context>
chip_gen: v7x
topology: tpu7x:2x2x1
jax: 0.10.2.dev20260603
libtpu: 0.0.44.dev20260713+nightly
codegen_flags: <defaults>
</compile_context>

<pallas_src>
import functools

import jax
import jax.numpy as jnp
from jax import lax
from jax.experimental import pallas as pl
from jax.experimental.pallas import tpu as pltpu
from jax.experimental.pallas import tpu_sc as plsc

N = 10000
E = 320000
NV = 100000
H = 128
B = 256

NC = 2
NS = 16
NW = NC * NS
NP = 10240
GPW = NP // NW
CK = 128
NCHUNK = 80
CKP = NCHUNK + 4
GCH = NW * NCHUNK + 4

RB = 2048
VB = 8192

@functools.cache
def _build_sc_kernels():
    mesh = plsc.VectorSubcoreMesh(core_axis_name="c", subcore_axis_name="s",
                                  num_cores=NC, num_subcores=NS)

    @functools.partial(
        pl.kernel, mesh=mesh,
        out_type=jax.ShapeDtypeStruct((NP, H), jnp.float32),
        scratch_types=[
            pltpu.VMEM((4, 80), jnp.int32),
            pltpu.VMEM((GPW, H), jnp.float32),
            pltpu.SemaphoreType.DMA,
        ],
    )
    def gather_k(x3_hbm, embed_hbm, out_hbm, idx_v, rows_v, sem):
        wid = lax.axis_index("s") * NC + lax.axis_index("c")
        pltpu.sync_copy(x3_hbm.at[wid], idx_v)
        descs = [
            pltpu.async_copy(embed_hbm.at[idx_v.at[i]],
                             rows_v.at[pl.ds(i * 80, 80)], sem)
            for i in range(4)
        ]
        for d in descs:
            d.wait()
        pltpu.sync_copy(rows_v, out_hbm.at[pl.ds(wid * GPW, GPW)])

    @functools.partial(
        pl.kernel, mesh=mesh,
        compiler_params=pltpu.CompilerParams(needs_layout_passes=False),
        out_type=jax.ShapeDtypeStruct((NC * NP, H), jnp.float32),
        scratch_types=(
            [pltpu.VMEM((4, 2, CK), jnp.int32),
             pltpu.VMEM((CKP * CK,), jnp.float32),
             pltpu.VMEM((2, CK), jnp.int32)]
            + [pltpu.VMEM((CK, H), jnp.float32)] * 2
            + [pltpu.VMEM_SHARED((NP, H), jnp.float32)]
            + [pltpu.SemaphoreType.DMA] * 8
        ),
    )
    def edges_k(sd_hbm, wdata_hbm, m_hbm, out_hbm,
                ebuf, wdata_v, dstb, rows0, rows1, agg_s,
                gs0, gs1, ss0, ss1, es0, es1, es2, es3):
        rows = (rows0, rows1)
        gsems = (gs0, gs1)
        ssems = (ss0, ss1)
        esems = (es0, es1, es2, es3)
        cid = lax.axis_index("c")
        sid = lax.axis_index("s")
        wid = sid * NC + cid

        def _fill_slot(slot, c):
            gc = wid * NCHUNK + c
            pltpu.async_copy(sd_hbm.at[0, gc], ebuf.at[slot, 0], esems[slot])
            pltpu.async_copy(sd_hbm.at[1, gc], ebuf.at[slot, 1], esems[slot])

        def _wait_slot(slot):
            for k in range(2):
                pltpu.make_async_copy(sd_hbm.at[0, 0], ebuf.at[slot, k],
                                      esems[slot]).wait()

        def _gather(rp, slot):
            pltpu.async_copy(m_hbm.at[ebuf.at[slot, 0]], rows[rp], gsems[rp])

        def _wait_gather(rp):
            pltpu.make_async_copy(m_hbm.at[pl.ds(0, CK)], rows[rp],
                                  gsems[rp]).wait()

        def _wait_scatter(rp):
            pltpu.make_async_copy(rows[rp], agg_s.at[pl.ds(0, CK)],
                                  ssems[rp]).wait()

        def _scale(rp, c):
            rv = rows[rp]
            cbase = c * CK

            @plsc.parallel_loop(0, CK, 1, unroll=4)
            def _srow(r):
                wk = plsc.load_gather(
                    wdata_v, [jnp.full((16,), cbase + r, jnp.int32)])
                for j in range(H // 16):
                    rv[r, pl.ds(j * 16, 16)] = rv[r, pl.ds(j * 16, 16)] * wk

        for k in range(4):
            _fill_slot(k, k)
        pltpu.sync_copy(wdata_hbm.at[pl.ds(wid * NCHUNK * CK, CKP * CK)],
                        wdata_v)

        zero16 = jnp.zeros((16,), jnp.float32)

        def _zrow(r, carry):
            for j in range(H // 16):
                rows0[r, pl.ds(j * 16, 16)] = zero16
            return carry

        lax.fori_loop(0, CK, _zrow, 0)
        rows_per_sub = NP // NS
        for i in range(rows_per_sub // CK):
            pltpu.sync_copy(rows0,
                            agg_s.at[pl.ds(sid * rows_per_sub + i * CK, CK)])
        plsc.subcore_barrier()

        _wait_slot(0)
        _gather(0, 0)

        def _quad(i, carry):
            for p in range(4):
                c = 4 * i + p
                rp = p & 1

                if p == 0:
                    @pl.when(i > 0)
                    def _():
                        _wait_scatter(1 - rp)
                else:
                    _wait_scatter(1 - rp)
                _wait_slot((p + 1) % 4)
                _gather(1 - rp, (p + 1) % 4)

                _wait_gather(rp)
                for j in range(H // 16):
                    dstb[rp, pl.ds(j * 16, 16)] = ebuf[p, 1, pl.ds(j * 16, 16)]
                _fill_slot(p, c + 4)
                _scale(rp, c)
                pltpu.async_copy(rows[rp], agg_s.at[dstb.at[rp]], ssems[rp],
                                 add=True)
            return carry

        lax.fori_loop(0, NCHUNK // 4, _quad, 0)

        _wait_gather(0)
        _wait_scatter(1)
        for k in (1, 2, 3):
            _wait_slot(k)
        plsc.subcore_barrier()

        descs = []
        for i in range(rows_per_sub // CK):
            p = i % 2
            r0 = sid * rows_per_sub + i * CK
            if i >= 2:
                descs[i - 2].wait()
            pltpu.sync_copy(agg_s.at[pl.ds(r0, CK)], rows[p])
            descs.append(
                pltpu.async_copy(rows[p], out_hbm.at[pl.ds(cid * NP + r0, CK)],
                                 gsems[p]))
        for d in descs[-2:]:
            d.wait()

    return gather_k, edges_k


def _sc_gather(x3, embed):
    return _build_sc_kernels()[0](x3, embed)


def _sc_edges(edata, wdata, m):
    return _build_sc_kernels()[1](edata, wdata, m)



def _last_body(b3_ref, last_ref):
    i = pl.program_id(0)
    bb = b3_ref[0, 0, :]
    gid = i * RB + lax.broadcasted_iota(jnp.int32, (B, RB), 1)
    eq = bb[None, :] == lax.broadcasted_iota(jnp.int32, (B, RB), 0)
    cand = jnp.where(eq, gid, -1)
    bmax = jnp.max(cand, axis=1)[None, :]

    @pl.when(i == 0)
    def _():
        last_ref[...] = jnp.full((1, B), -1, jnp.int32)

    last_ref[...] = jnp.maximum(last_ref[...], bmax)


def _gru_body(h_ref, a0_ref, a1_ref, last_ref, wggc_ref, wih_ref, whh_ref,
              bih_ref, bhh_ref, v_ref, sl_ref):
    i = pl.program_id(0)
    aggh = a0_ref[...] + a1_ref[...]
    agg = jnp.dot(aggh, wggc_ref[...], preferred_element_type=jnp.float32)
    h = h_ref[...]
    gi = jax.lax.dot_general(agg, wih_ref[...], (((1,), (1,)), ((), ())),
                             preferred_element_type=jnp.float32) + bih_ref[...]
    gh = jax.lax.dot_general(h, whh_ref[...], (((1,), (1,)), ((), ())),
                             preferred_element_type=jnp.float32) + bhh_ref[...]
    r = jax.nn.sigmoid(gi[:, :H] + gh[:, :H])
    z = jax.nn.sigmoid(gi[:, H:2 * H] + gh[:, H:2 * H])
    n = jnp.tanh(gi[:, 2 * H:] + r * gh[:, 2 * H:])
    v = (1.0 - z) * n + z * h
    v_ref[...] = v

    lastv = jnp.maximum(last_ref[0, :], 0)
    gid = i * RB + lax.broadcasted_iota(jnp.int32, (B, RB), 1)
    oh = (lastv[:, None] == gid).astype(jnp.float32)
    part = jnp.dot(oh, v, preferred_element_type=jnp.float32)

    @pl.when(i == 0)
    def _():
        sl_ref[...] = jnp.zeros_like(sl_ref)

    sl_ref[...] += part


def _sg_body(v_ref, b3_ref, sl_ref, w1_ref, w2_ref, b12_ref, q_ref, qb_ref,
             w3_ref, b3w_ref, o_ref, sh_ref):
    i = pl.program_id(0)
    bb = b3_ref[0, 0, :]
    v = v_ref[...]
    oh = (bb[:, None] == lax.broadcasted_iota(jnp.int32, (RB, B), 1)
          ).astype(jnp.float32)
    v_n = jnp.dot(oh, sl_ref[...], preferred_element_type=jnp.float32)
    pre = (jax.lax.dot_general(v_n, w1_ref[...], (((1,), (1,)), ((), ())),
                               preferred_element_type=jnp.float32)
           + jax.lax.dot_general(v, w2_ref[...], (((1,), (1,)), ((), ())),
                                 preferred_element_type=jnp.float32)
           + b12_ref[...])
    sig = jax.nn.sigmoid(pre)
    alpha = jnp.dot(sig, q_ref[...],
                    preferred_element_type=jnp.float32) + qb_ref[0, 0]
    contrib = alpha * v
    part = jax.lax.dot_general(oh, contrib, (((0,), (0,)), ((), ())),
                               preferred_element_type=jnp.float32)

    @pl.when(i == 0)
    def _():
        o_ref[...] = jnp.zeros_like(o_ref)

    o_ref[...] += part

    @pl.when(i == pl.num_programs(0) - 1)
    def _():
        sh_ref[...] = (
            jax.lax.dot_general(sl_ref[...], w3_ref[:, :H],
                                (((1,), (1,)), ((), ())),
                                preferred_element_type=jnp.float32)
            + jax.lax.dot_general(o_ref[...], w3_ref[:, H:],
                                  (((1,), (1,)), ((), ())),
                                  preferred_element_type=jnp.float32)
            + b3w_ref[...])


def _z_body(sh_ref, emb_ref, o_ref):
    o_ref[...] = jax.lax.dot_general(emb_ref[...], sh_ref[...],
                                     (((1,), (1,)), ((), ())),
                                     preferred_element_type=jnp.float32)


def kernel(x, edge_index, edge_weight, batch, embed, W_ggc, W_ih, W_hh, b_ih,
           b_hh, W1_w, W1_b, W2_w, W2_b, q_w, q_b, W3_w, W3_b):
    xp = jnp.concatenate([x, jnp.zeros((NP - N,), x.dtype)])
    x3 = xp.astype(jnp.int32).reshape(NW, 4, 80)
    pad_e = GCH * CK - E
    pad_idx = ((jnp.arange(pad_e, dtype=jnp.int32) * 97) % N)
    sd = jnp.concatenate(
        [edge_index.astype(jnp.int32), jnp.stack([pad_idx, pad_idx])],
        axis=1).reshape(2, GCH, CK)
    wdata = jnp.concatenate(
        [edge_weight, jnp.zeros((pad_e,), jnp.float32)])
    batch_p = jnp.concatenate(
        [batch.astype(jnp.int32), jnp.full((NP - N,), 2**30, jnp.int32)])
    batch3 = batch_p.reshape(NP // RB, 1, RB)
    bih2 = b_ih.reshape(1, 3 * H)
    bhh2 = b_hh.reshape(1, 3 * H)
    b12 = (W1_b + W2_b).reshape(1, H)
    qb2 = q_b.reshape(1, 1)
    qmat = jnp.broadcast_to(q_w.reshape(H, 1), (H, H))
    b3w = W3_b.reshape(1, H)

    h = _sc_gather(x3, embed)

    nb = NP // RB

    last = pl.pallas_call(
        _last_body,
        grid=(nb,),
        in_specs=[pl.BlockSpec((1, 1, RB), lambda i: (i, 0, 0))],
        out_specs=pl.BlockSpec((1, B), lambda i: (0, 0)),
        out_shape=jax.ShapeDtypeStruct((1, B), jnp.int32),
    )(batch3)

    agg2 = _sc_edges(sd, wdata, h)

    v, s_l = pl.pallas_call(
        _gru_body,
        grid=(nb,),
        in_specs=[
            pl.BlockSpec((RB, H), lambda i: (i, 0)),
            pl.BlockSpec((RB, H), lambda i: (i, 0)),
            pl.BlockSpec((RB, H), lambda i: (i + nb, 0)),
            pl.BlockSpec((1, B), lambda i: (0, 0)),
            pl.BlockSpec((H, H), lambda i: (0, 0)),
            pl.BlockSpec((3 * H, H), lambda i: (0, 0)),
            pl.BlockSpec((3 * H, H), lambda i: (0, 0)),
            pl.BlockSpec((1, 3 * H), lambda i: (0, 0)),
            pl.BlockSpec((1, 3 * H), lambda i: (0, 0)),
        ],
        out_specs=[pl.BlockSpec((RB, H), lambda i: (i, 0)),
                   pl.BlockSpec((B, H), lambda i: (0, 0))],
        out_shape=[jax.ShapeDtypeStruct((NP, H), jnp.float32),
                   jax.ShapeDtypeStruct((B, H), jnp.float32)],
    )(h, agg2, agg2, last, W_ggc, W_ih, W_hh, bih2, bhh2)

    s_g, s_h = pl.pallas_call(
        _sg_body,
        grid=(nb,),
        in_specs=[
            pl.BlockSpec((RB, H), lambda i: (i, 0)),
            pl.BlockSpec((1, 1, RB), lambda i: (i, 0, 0)),
            pl.BlockSpec((B, H), lambda i: (0, 0)),
            pl.BlockSpec((H, H), lambda i: (0, 0)),
            pl.BlockSpec((H, H), lambda i: (0, 0)),
            pl.BlockSpec((1, H), lambda i: (0, 0)),
            pl.BlockSpec((H, H), lambda i: (0, 0)),
            pl.BlockSpec(memory_space=pltpu.SMEM),
            pl.BlockSpec((H, 2 * H), lambda i: (0, 0)),
            pl.BlockSpec((1, H), lambda i: (0, 0)),
        ],
        out_specs=[pl.BlockSpec((B, H), lambda i: (0, 0)),
                   pl.BlockSpec((B, H), lambda i: (0, 0))],
        out_shape=[jax.ShapeDtypeStruct((B, H), jnp.float32),
                   jax.ShapeDtypeStruct((B, H), jnp.float32)],
    )(v, batch3, s_l, W1_w, W2_w, b12, qmat, qb2, W3_w, b3w)
    del s_g

    nvb = -(-NV // VB)
    zt = pl.pallas_call(
        _z_body,
        grid=(nvb,),
        in_specs=[pl.BlockSpec((B, H), lambda i: (0, 0)),
                  pl.BlockSpec((VB, H), lambda i: (i, 0))],
        out_specs=pl.BlockSpec((VB, B), lambda i: (i, 0)),
        out_shape=jax.ShapeDtypeStruct((NV, B), jnp.float32),
    )(s_h, embed)

    return zt.T

# --- scband reference (transcript-rebuilt; emitter-appended) ---
"""Pipeline reference for scband-sr-gnn-17978733101798 (READ-ONLY COPY).

The authoritative reference and input builder live on the scoring server;
editing this copy changes nothing except your own understanding.
"""

import jax, jax.numpy as jnp
import numpy as np

N = 10000
E = 320000
N_NODE = 100000
H = 128
B = 256


def setup_inputs(seed: int = 0) -> dict:
    key = jax.random.key(seed)
    ks = jax.random.split(key, 20)
    stdv = 1.0 / np.sqrt(H)
    u = lambda k, shape: jax.random.uniform(k, shape, jnp.float32, -stdv, stdv)
    x = jax.random.randint(ks[0], (N,), 0, N_NODE)
    edge_index = jax.random.randint(ks[1], (2, E), 0, N)
    edge_weight = jax.random.uniform(ks[2], (E,), jnp.float32)
    batch = jnp.sort(jax.random.randint(ks[3], (N,), 0, B))
    embed = u(ks[4], (N_NODE, H))
    W_ggc = u(ks[5], (H, H))
    W_ih = u(ks[6], (3 * H, H))
    W_hh = u(ks[7], (3 * H, H))
    b_ih = u(ks[8], (3 * H,))
    b_hh = u(ks[9], (3 * H,))
    W1_w = u(ks[10], (H, H))
    W1_b = u(ks[11], (H,))
    W2_w = u(ks[12], (H, H))
    W2_b = u(ks[13], (H,))
    q_w = u(ks[14], (1, H))
    q_b = u(ks[15], (1,))
    W3_w = u(ks[16], (H, 2 * H))
    W3_b = u(ks[17], (H,))
    return dict(x=x, edge_index=edge_index, edge_weight=edge_weight, batch=batch,
                embed=embed, W_ggc=W_ggc, W_ih=W_ih, W_hh=W_hh, b_ih=b_ih, b_hh=b_hh,
                W1_w=W1_w, W1_b=W1_b, W2_w=W2_w, W2_b=W2_b, q_w=q_w, q_b=q_b,
                W3_w=W3_w, W3_b=W3_b)


def reference(x, edge_index, edge_weight, batch, embed, W_ggc, W_ih, W_hh, b_ih, b_hh,
              W1_w, W1_b, W2_w, W2_b, q_w, q_b, W3_w, W3_b):
    # embedding lookup (SparseCore gather)
    h = jnp.take(embed, x, axis=0)  # [N, H]
    # GatedGraphConv, num_layers=1
    m = h @ W_ggc
    src = edge_index[0]
    dst = edge_index[1]
    msgs = edge_weight[:, None] * jnp.take(m, src, axis=0)
    agg = jnp.zeros((N, H), jnp.float32).at[dst].add(msgs)
    # GRUCell(agg, h)
    gi = agg @ W_ih.T + b_ih
    gh = h @ W_hh.T + b_hh
    i_r, i_z, i_n = jnp.split(gi, 3, axis=1)
    h_r, h_z, h_n = jnp.split(gh, 3, axis=1)
    r = jax.nn.sigmoid(i_r + h_r)
    zg = jax.nn.sigmoid(i_z + h_z)
    ng = jnp.tanh(i_n + r * h_n)
    v = (1.0 - zg) * ng + zg * h
    # session readout: last node of each session (batch is sorted)
    last_idx = jax.ops.segment_max(jnp.arange(N), batch, num_segments=B)
    last_idx = jnp.maximum(last_idx, 0)
    s_l = jnp.take(v, last_idx, axis=0)          # [B, H]
    v_n = jnp.take(s_l, batch, axis=0)           # [N, H] (repeat of last per node)
    alpha = jax.nn.sigmoid(v_n @ W1_w.T + W1_b + v @ W2_w.T + W2_b) @ q_w.T + q_b
    s_g = jax.ops.segment_sum(alpha * v, batch, num_segments=B)
    s_h = jnp.concatenate([s_l, s_g], axis=-1) @ W3_w.T + W3_b
    z = s_h @ embed.T
    return z

if __name__ == "__main__":
    import jax
    _d = setup_inputs()
    print(jax.jit(kernel)(*tuple(_d.values())))

</pallas_src>

<mosaic_0001>
#map = affine_map<(d0, d1) -> (0, 0, 0)>
#map1 = affine_map<(d0, d1) -> (0, 0)>
module attributes {stable_mosaic.version = 14 : i64} {
  func.func @gather_k(%arg0: i32, %arg1: i32, %arg2: memref<32x4x80xi32, #tpu.memory_space<hbm>>, %arg3: memref<100000x128xf32, #tpu.memory_space<hbm>>, %arg4: memref<10240x128xf32, #tpu.memory_space<hbm>>, %arg5: memref<4x80xi32, #tpu.memory_space<vmem>>, %arg6: memref<320x128xf32, #tpu.memory_space<vmem>>, %arg7: memref<!tpu.dma_semaphore, #tpu.memory_space<semaphore_mem>>) attributes {dimension_semantics = [#tpu.dimension_semantics<core_parallel>, #tpu.dimension_semantics<subcore_parallel>], iteration_bounds = array<i64: 2, 16>, scalar_prefetch = 0 : i64, scratch_operands = 3 : i64, tpu.core_type = #tpu.core_type<sc_vector_subcore>, window_params = [{transform_indices = #map}, {transform_indices = #map1}, {transform_indices = #map1}]} {
    %mul3A = arith.constant 2 : i32
    %mul3A_0 = arith.muli %arg1, %mul3A : i32
    %add3A = arith.addi %mul3A_0, %arg0 : i32
    "tpu.region"() ({
      %run_scoped3A = tpu.sem_alloc : memref<!tpu.dma_semaphore, #tpu.memory_space<semaphore_mem>>
      %dma_start3A_81 = arith.constant 0 : i32
      %dma_start3A_82 = arith.constant 0 : i32
      %dma_start3A_83 = tpu.memref_slice %arg2[%add3A, %dma_start3A_81, %dma_start3A_82] : memref<32x4x80xi32, #tpu.memory_space<hbm>> -> memref<1x4x80xi32, #tpu.memory_space<hbm>>
      %dma_start3A_84 = tpu.memref_squeeze %dma_start3A_83 : memref<1x4x80xi32, #tpu.memory_space<hbm>> -> memref<4x80xi32, #tpu.memory_space<hbm>>
      %dma_start3A_85 = arith.constant 0 : i32
      %dma_start3A_86 = arith.constant 0 : i32
      %dma_start3A_87 = tpu.memref_slice %arg2[%add3A, %dma_start3A_85, %dma_start3A_86] : memref<32x4x80xi32, #tpu.memory_space<hbm>> -> memref<1x4x80xi32, #tpu.memory_space<hbm>>
      %dma_start3A_88 = tpu.memref_squeeze %dma_start3A_87 : memref<1x4x80xi32, #tpu.memory_space<hbm>> -> memref<4x80xi32, #tpu.memory_space<hbm>>
      tpu.enqueue_dma source(%dma_start3A_88 : memref<4x80xi32, #tpu.memory_space<hbm>>) target(%arg5 : memref<4x80xi32, #tpu.memory_space<vmem>>) target_semaphore(%run_scoped3A : memref<!tpu.dma_semaphore, #tpu.memory_space<semaphore_mem>>)
      %dma_wait3A_89 = arith.constant 0 : i32
      %dma_wait3A_90 = arith.constant 0 : i32
      %dma_wait3A_91 = tpu.memref_slice %arg2[%add3A, %dma_wait3A_89, %dma_wait3A_90] : memref<32x4x80xi32, #tpu.memory_space<hbm>> -> memref<1x4x80xi32, #tpu.memory_space<hbm>>
      %dma_wait3A_92 = tpu.memref_squeeze %dma_wait3A_91 : memref<1x4x80xi32, #tpu.memory_space<hbm>> -> memref<4x80xi32, #tpu.memory_space<hbm>>
      %dma_wait3A_93 = arith.constant 0 : i32
      %dma_wait3A_94 = arith.constant 0 : i32
      %dma_wait3A_95 = tpu.memref_slice %arg2[%add3A, %dma_wait3A_93, %dma_wait3A_94] : memref<32x4x80xi32, #tpu.memory_space<hbm>> -> memref<1x4x80xi32, #tpu.memory_space<hbm>>
      %dma_wait3A_96 = tpu.memref_squeeze %dma_wait3A_95 : memref<1x4x80xi32, #tpu.memory_space<hbm>> -> memref<4x80xi32, #tpu.memory_space<hbm>>
      tpu.wait_dma2 semaphore(%run_scoped3A : memref<!tpu.dma_semaphore, #tpu.memory_space<semaphore_mem>>) src(%dma_wait3A_96 : memref<4x80xi32, #tpu.memory_space<hbm>>) dst(%arg5 : memref<4x80xi32, #tpu.memory_space<vmem>>)
      tpu.yield
    }) : () -> ()
    %dma_start3A = arith.constant 0 : i32
    %dma_start3A_1 = arith.constant 0 : i32
    %dma_start3A_2 = arith.constant 0 : i32
    %dma_start3A_3 = tpu.memref_slice %arg6[%dma_start3A_1, %dma_start3A_2] : memref<320x128xf32, #tpu.memory_space<vmem>> -> memref<80x128xf32, #tpu.memory_space<vmem>>
    %dma_start3A_4 = arith.constant 0 : i32
    %dma_start3A_5 = tpu.memref_slice %arg5[%dma_start3A, %dma_start3A_4] : memref<4x80xi32, #tpu.memory_space<vmem>> -> memref<1x80xi32, #tpu.memory_space<vmem>>
    %dma_start3A_6 = tpu.memref_squeeze %dma_start3A_5 : memref<1x80xi32, #tpu.memory_space<vmem>> -> memref<80xi32, #tpu.memory_space<vmem>>
    %dma_start3A_7 = arith.constant 0 : i32
    %dma_start3A_8 = arith.constant 0 : i32
    %dma_start3A_9 = tpu.memref_slice %arg3[%dma_start3A_7, %dma_start3A_8] : memref<100000x128xf32, #tpu.memory_space<hbm>> -> memref<100000x128xf32, #tpu.memory_space<hbm>>
    tpu.enqueue_indirect_dma source(%dma_start3A_9 : memref<100000x128xf32, #tpu.memory_space<hbm>>) target(%dma_start3A_3 : memref<80x128xf32, #tpu.memory_space<vmem>>) offsets(%dma_start3A_6 : memref<80xi32, #tpu.memory_space<vmem>>) semaphore(%arg7 : memref<!tpu.dma_semaphore, #tpu.memory_space<semaphore_mem>>)
    %dma_start3A_10 = arith.constant 1 : i32
    %dma_start3A_11 = arith.constant 80 : i32
    %dma_start3A_12 = arith.constant 0 : i32
    %dma_start3A_13 = tpu.memref_slice %arg6[%dma_start3A_11, %dma_start3A_12] : memref<320x128xf32, #tpu.memory_space<vmem>> -> memref<80x128xf32, #tpu.memory_space<vmem>>
    %dma_start3A_14 = arith.constant 0 : i32
    %dma_start3A_15 = tpu.memref_slice %arg5[%dma_start3A_10, %dma_start3A_14] : memref<4x80xi32, #tpu.memory_space<vmem>> -> memref<1x80xi32, #tpu.memory_space<vmem>>
    %dma_start3A_16 = tpu.memref_squeeze %dma_start3A_15 : memref<1x80xi32, #tpu.memory_space<vmem>> -> memref<80xi32, #tpu.memory_space<vmem>>
    %dma_start3A_17 = arith.constant 0 : i32
    %dma_start3A_18 = arith.constant 0 : i32
    %dma_start3A_19 = tpu.memref_slice %arg3[%dma_start3A_17, %dma_start3A_18] : memref<100000x128xf32, #tpu.memory_space<hbm>> -> memref<100000x128xf32, #tpu.memory_space<hbm>>
    tpu.enqueue_indirect_dma source(%dma_start3A_19 : memref<100000x128xf32, #tpu.memory_space<hbm>>) target(%dma_start3A_13 : memref<80x128xf32, #tpu.memory_space<vmem>>) offsets(%dma_start3A_16 : memref<80xi32, #tpu.memory_space<vmem>>) semaphore(%arg7 : memref<!tpu.dma_semaphore, #tpu.memory_space<semaphore_mem>>)
    %dma_start3A_20 = arith.constant 2 : i32
    %dma_start3A_21 = arith.constant 160 : i32
    %dma_start3A_22 = arith.constant 0 : i32
    %dma_start3A_23 = tpu.memref_slice %arg6[%dma_start3A_21, %dma_start3A_22] : memref<320x128xf32, #tpu.memory_space<vmem>> -> memref<80x128xf32, #tpu.memory_space<vmem>>
    %dma_start3A_24 = arith.constant 0 : i32
    %dma_start3A_25 = tpu.memref_slice %arg5[%dma_start3A_20, %dma_start3A_24] : memref<4x80xi32, #tpu.memory_space<vmem>> -> memref<1x80xi32, #tpu.memory_space<vmem>>
    %dma_start3A_26 = tpu.memref_squeeze %dma_start3A_25 : memref<1x80xi32, #tpu.memory_space<vmem>> -> memref<80xi32, #tpu.memory_space<vmem>>
    %dma_start3A_27 = arith.constant 0 : i32
    %dma_start3A_28 = arith.constant 0 : i32
    %dma_start3A_29 = tpu.memref_slice %arg3[%dma_start3A_27, %dma_start3A_28] : memref<100000x128xf32, #tpu.memory_space<hbm>> -> memref<100000x128xf32, #tpu.memory_space<hbm>>
    tpu.enqueue_indirect_dma source(%dma_start3A_29 : memref<100000x128xf32, #tpu.memory_space<hbm>>) target(%dma_start3A_23 : memref<80x128xf32, #tpu.memory_space<vmem>>) offsets(%dma_start3A_26 : memref<80xi32, #tpu.memory_space<vmem>>) semaphore(%arg7 : memref<!tpu.dma_semaphore, #tpu.memory_space<semaphore_mem>>)
    %dma_start3A_30 = arith.constant 3 : i32
    %dma_start3A_31 = arith.constant 240 : i32
    %dma_start3A_32 = arith.constant 0 : i32
    %dma_start3A_33 = tpu.memref_slice %arg6[%dma_start3A_31, %dma_start3A_32] : memref<320x128xf32, #tpu.memory_space<vmem>> -> memref<80x128xf32, #tpu.memory_space<vmem>>
    %dma_start3A_34 = arith.constant 0 : i32
    %dma_start3A_35 = tpu.memref_slice %arg5[%dma_start3A_30, %dma_start3A_34] : memref<4x80xi32, #tpu.memory_space<vmem>> -> memref<1x80xi32, #tpu.memory_space<vmem>>
    %dma_start3A_36 = tpu.memref_squeeze %dma_start3A_35 : memref<1x80xi32, #tpu.memory_space<vmem>> -> memref<80xi32, #tpu.memory_space<vmem>>
    %dma_start3A_37 = arith.constant 0 : i32
    %dma_start3A_38 = arith.constant 0 : i32
    %dma_start3A_39 = tpu.memref_slice %arg3[%dma_start3A_37, %dma_start3A_38] : memref<100000x128xf32, #tpu.memory_space<hbm>> -> memref<100000x128xf32, #tpu.memory_space<hbm>>
    tpu.enqueue_indirect_dma source(%dma_start3A_39 : memref<100000x128xf32, #tpu.memory_space<hbm>>) target(%dma_start3A_33 : memref<80x128xf32, #tpu.memory_space<vmem>>) offsets(%dma_start3A_36 : memref<80xi32, #tpu.memory_space<vmem>>) semaphore(%arg7 : memref<!tpu.dma_semaphore, #tpu.memory_space<semaphore_mem>>)
    %dma_wait3A = arith.constant 0 : i32
    %dma_wait3A_40 = arith.constant 0 : i32
    %dma_wait3A_41 = arith.constant 0 : i32
    %dma_wait3A_42 = tpu.memref_slice %arg6[%dma_wait3A_40, %dma_wait3A_41] : memref<320x128xf32, #tpu.memory_space<vmem>> -> memref<80x128xf32, #tpu.memory_space<vmem>>
    %dma_wait3A_43 = arith.constant 0 : i32
    %dma_wait3A_44 = tpu.memref_slice %arg5[%dma_wait3A, %dma_wait3A_43] : memref<4x80xi32, #tpu.memory_space<vmem>> -> memref<1x80xi32, #tpu.memory_space<vmem>>
    %dma_wait3A_45 = tpu.memref_squeeze %dma_wait3A_44 : memref<1x80xi32, #tpu.memory_space<vmem>> -> memref<80xi32, #tpu.memory_space<vmem>>
    %dma_wait3A_46 = arith.constant 0 : i32
    %dma_wait3A_47 = arith.constant 0 : i32
    %dma_wait3A_48 = tpu.memref_slice %arg3[%dma_wait3A_46, %dma_wait3A_47] : memref<100000x128xf32, #tpu.memory_space<hbm>> -> memref<100000x128xf32, #tpu.memory_space<hbm>>
    tpu.wait_indirect_dma semaphore(%arg7 : memref<!tpu.dma_semaphore, #tpu.memory_space<semaphore_mem>>) src(%dma_wait3A_48 : memref<100000x128xf32, #tpu.memory_space<hbm>>) dst(%dma_wait3A_42 : memref<80x128xf32, #tpu.memory_space<vmem>>)
    %dma_wait3A_49 = arith.constant 1 : i32
    %dma_wait3A_50 = arith.constant 80 : i32
    %dma_wait3A_51 = arith.constant 0 : i32
    %dma_wait3A_52 = tpu.memref_slice %arg6[%dma_wait3A_50, %dma_wait3A_51] : memref<320x128xf32, #tpu.memory_space<vmem>> -> memref<80x128xf32, #tpu.memory_space<vmem>>
    %dma_wait3A_53 = arith.constant 0 : i32
    %dma_wait3A_54 = tpu.memref_slice %arg5[%dma_wait3A_49, %dma_wait3A_53] : memref<4x80xi32, #tpu.memory_space<vmem>> -> memref<1x80xi32, #tpu.memory_space<vmem>>
    %dma_wait3A_55 = tpu.memref_squeeze %dma_wait3A_54 : memref<1x80xi32, #tpu.memory_space<vmem>> -> memref<80xi32, #tpu.memory_space<vmem>>
    %dma_wait3A_56 = arith.constant 0 : i32
    %dma_wait3A_57 = arith.constant 0 : i32
    %dma_wait3A_58 = tpu.memref_slice %arg3[%dma_wait3A_56, %dma_wait3A_57] : memref<100000x128xf32, #tpu.memory_space<hbm>> -> memref<100000x128xf32, #tpu.memory_space<hbm>>
    tpu.wait_indirect_dma semaphore(%arg7 : memref<!tpu.dma_semaphore, #tpu.memory_space<semaphore_mem>>) src(%dma_wait3A_58 : memref<100000x128xf32, #tpu.memory_space<hbm>>) dst(%dma_wait3A_52 : memref<80x128xf32, #tpu.memory_space<vmem>>)
    %dma_wait3A_59 = arith.constant 2 : i32
    %dma_wait3A_60 = arith.constant 160 : i32
    %dma_wait3A_61 = arith.constant 0 : i32
    %dma_wait3A_62 = tpu.memref_slice %arg6[%dma_wait3A_60, %dma_wait3A_61] : memref<320x128xf32, #tpu.memory_space<vmem>> -> memref<80x128xf32, #tpu.memory_space<vmem>>
    %dma_wait3A_63 = arith.constant 0 : i32
    %dma_wait3A_64 = tpu.memref_slice %arg5[%dma_wait3A_59, %dma_wait3A_63] : memref<4x80xi32, #tpu.memory_space<vmem>> -> memref<1x80xi32, #tpu.memory_space<vmem>>
    %dma_wait3A_65 = tpu.memref_squeeze %dma_wait3A_64 : memref<1x80xi32, #tpu.memory_space<vmem>> -> memref<80xi32, #tpu.memory_space<vmem>>
    %dma_wait3A_66 = arith.constant 0 : i32
    %dma_wait3A_67 = arith.constant 0 : i32
    %dma_wait3A_68 = tpu.memref_slice %arg3[%dma_wait3A_66, %dma_wait3A_67] : memref<100000x128xf32, #tpu.memory_space<hbm>> -> memref<100000x128xf32, #tpu.memory_space<hbm>>
    tpu.wait_indirect_dma semaphore(%arg7 : memref<!tpu.dma_semaphore, #tpu.memory_space<semaphore_mem>>) src(%dma_wait3A_68 : memref<100000x128xf32, #tpu.memory_space<hbm>>) dst(%dma_wait3A_62 : memref<80x128xf32, #tpu.memory_space<vmem>>)
    %dma_wait3A_69 = arith.constant 3 : i32
    %dma_wait3A_70 = arith.constant 240 : i32
    %dma_wait3A_71 = arith.constant 0 : i32
    %dma_wait3A_72 = tpu.memref_slice %arg6[%dma_wait3A_70, %dma_wait3A_71] : memref<320x128xf32, #tpu.memory_space<vmem>> -> memref<80x128xf32, #tpu.memory_space<vmem>>
    %dma_wait3A_73 = arith.constant 0 : i32
    %dma_wait3A_74 = tpu.memref_slice %arg5[%dma_wait3A_69, %dma_wait3A_73] : memref<4x80xi32, #tpu.memory_space<vmem>> -> memref<1x80xi32, #tpu.memory_space<vmem>>
    %dma_wait3A_75 = tpu.memref_squeeze %dma_wait3A_74 : memref<1x80xi32, #tpu.memory_space<vmem>> -> memref<80xi32, #tpu.memory_space<vmem>>
    %dma_wait3A_76 = arith.constant 0 : i32
    %dma_wait3A_77 = arith.constant 0 : i32
    %dma_wait3A_78 = tpu.memref_slice %arg3[%dma_wait3A_76, %dma_wait3A_77] : memref<100000x128xf32, #tpu.memory_space<hbm>> -> memref<100000x128xf32, #tpu.memory_space<hbm>>
    tpu.wait_indirect_dma semaphore(%arg7 : memref<!tpu.dma_semaphore, #tpu.memory_space<semaphore_mem>>) src(%dma_wait3A_78 : memref<100000x128xf32, #tpu.memory_space<hbm>>) dst(%dma_wait3A_72 : memref<80x128xf32, #tpu.memory_space<vmem>>)
    %mul3A_79 = arith.constant 320 : i32
    %mul3A_80 = arith.muli %add3A, %mul3A_79 : i32
    "tpu.region"() ({
      %run_scoped3A = tpu.sem_alloc : memref<!tpu.dma_semaphore, #tpu.memory_space<semaphore_mem>>
      %dma_start3A_81 = arith.constant 0 : i32
      %dma_start3A_82 = tpu.memref_slice %arg4[%mul3A_80, %dma_start3A_81] : memref<10240x128xf32, #tpu.memory_space<hbm>> -> memref<320x128xf32, #tpu.memory_space<hbm>>
      %dma_start3A_83 = arith.constant 0 : i32
      %dma_start3A_84 = tpu.memref_slice %arg4[%mul3A_80, %dma_start3A_83] : memref<10240x128xf32, #tpu.memory_space<hbm>> -> memref<320x128xf32, #tpu.memory_space<hbm>>
      tpu.enqueue_dma source(%arg6 : memref<320x128xf32, #tpu.memory_space<vmem>>) target(%dma_start3A_84 : memref<320x128xf32, #tpu.memory_space<hbm>>) target_semaphore(%run_scoped3A : memref<!tpu.dma_semaphore, #tpu.memory_space<semaphore_mem>>)
      %dma_wait3A_85 = arith.constant 0 : i32
      %dma_wait3A_86 = tpu.memref_slice %arg4[%mul3A_80, %dma_wait3A_85] : memref<10240x128xf32, #tpu.memory_space<hbm>> -> memref<320x128xf32, #tpu.memory_space<hbm>>
      %dma_wait3A_87 = arith.constant 0 : i32
      %dma_wait3A_88 = tpu.memref_slice %arg4[%mul3A_80, %dma_wait3A_87] : memref<10240x128xf32, #tpu.memory_space<hbm>> -> memref<320x128xf32, #tpu.memory_space<hbm>>
      tpu.wait_dma2 semaphore(%run_scoped3A : memref<!tpu.dma_semaphore, #tpu.memory_space<semaphore_mem>>) src(%arg6 : memref<320x128xf32, #tpu.memory_space<vmem>>) dst(%dma_wait3A_88 : memref<320x128xf32, #tpu.memory_space<hbm>>)
      tpu.yield
    }) : () -> ()
    return
  }
}

#map = affine_map<(d0, d1) -> (0, 0, 0)>
#map1 = affine_map<(d0, d1) -> (0)>
#map2 = affine_map<(d0, d1) -> (0, 0)>
module attributes {stable_mosaic.version = 14 : i64} {
  func.func @edges_k(%arg0: i32, %arg1: i32, %arg2: memref<2x2564x128xi32, #tpu.memory_space<hbm>>, %arg3: memref<328192xf32, #tpu.memory_space<hbm>>, %arg4: memref<10240x128xf32, #tpu.memory_space<hbm>>, %arg5: memref<20480x128xf32, #tpu.memory_space<hbm>>, %arg6: memref<4x2x128xi32, #tpu.memory_space<vmem>>, %arg7: memref<10752xf32, #tpu.memory_space<vmem>>, %arg8: memref<2x128xi32, #tpu.memory_space<vmem>>, %arg9: memref<128x128xf32, #tpu.memory_space<vmem>>, %arg10: memref<128x128xf32, #tpu.memory_space<vmem>>, %arg11: memref<10240x128xf32, #tpu.memory_space<vmem_shared>>, %arg12: memref<!tpu.dma_semaphore, #tpu.memory_space<semaphore_mem>>, %arg13: memref<!tpu.dma_semaphore, #tpu.memory_space<semaphore_mem>>, %arg14: memref<!tpu.dma_semaphore, #tpu.memory_space<semaphore_mem>>, %arg15: memref<!tpu.dma_semaphore, #tpu.memory_space<semaphore_mem>>, %arg16: memref<!tpu.dma_semaphore, #tpu.memory_space<semaphore_mem>>, %arg17: memref<!tpu.dma_semaphore, #tpu.memory_space<semaphore_mem>>, %arg18: memref<!tpu.dma_semaphore, #tpu.memory_space<semaphore_mem>>, %arg19: memref<!tpu.dma_semaphore, #tpu.memory_space<semaphore_mem>>) attributes {dimension_semantics = [#tpu.dimension_semantics<core_parallel>, #tpu.dimension_semantics<subcore_parallel>], iteration_bounds = array<i64: 2, 16>, scalar_prefetch = 0 : i64, scratch_operands = 14 : i64, tpu.core_type = #tpu.core_type<sc_vector_subcore>, window_params = [{transform_indices = #map}, {transform_indices = #map1}, {transform_indices = #map2}, {transform_indices = #map2}]} {
    %mul3A = arith.constant 2 : i32
    %mul3A_0 = arith.muli %arg1, %mul3A : i32
    %add3A = arith.addi %mul3A_0, %arg0 : i32
    %mul3A_1 = arith.constant 80 : i32
    %mul3A_2 = arith.muli %add3A, %mul3A_1 : i32
    %add3A_3 = arith.constant 0 : i32
    %add3A_4 = arith.addi %mul3A_2, %add3A_3 : i32
    %dma_start3A = arith.constant 0 : i32
    %dma_start3A_5 = arith.constant 0 : i32
    %dma_start3A_6 = arith.constant 0 : i32
    %dma_start3A_7 = arith.constant 0 : i32
    %dma_start3A_8 = tpu.memref_slice %arg6[%dma_start3A_5, %dma_start3A_6, %dma_start3A_7] : memref<4x2x128xi32, #tpu.memory_space<vmem>> -> memref<1x1x128xi32, #tpu.memory_space<vmem>>
    %dma_start3A_9 = tpu.memref_squeeze %dma_start3A_8 : memref<1x1x128xi32, #tpu.memory_space<vmem>> -> memref<128xi32, #tpu.memory_space<vmem>>
    %dma_start3A_10 = arith.constant 0 : i32
    %dma_start3A_11 = tpu.memref_slice %arg2[%dma_start3A, %add3A_4, %dma_start3A_10] : memref<2x2564x128xi32, #tpu.memory_space<hbm>> -> memref<1x1x128xi32, #tpu.memory_space<hbm>>
    %dma_start3A_12 = tpu.memref_squeeze %dma_start3A_11 : memref<1x1x128xi32, #tpu.memory_space<hbm>> -> memref<128xi32, #tpu.memory_space<hbm>>
    %dma_start3A_13 = arith.constant 0 : i32
    %dma_start3A_14 = tpu.memref_slice %arg6[%dma_start3A_5, %dma_start3A_6, %dma_start3A_13] : memref<4x2x128xi32, #tpu.memory_space<vmem>> -> memref<1x1x128xi32, #tpu.memory_space<vmem>>
    %dma_start3A_15 = tpu.memref_squeeze %dma_start3A_14 : memref<1x1x128xi32, #tpu.memory_space<vmem>> -> memref<128xi32, #tpu.memory_space<vmem>>
    %dma_start3A_16 = arith.constant 0 : i32
    %dma_start3A_17 = tpu.memref_slice %arg2[%dma_start3A, %add3A_4, %dma_start3A_16] : memref<2x2564x128xi32, #tpu.memory_space<hbm>> -> memref<1x1x128xi32, #tpu.memory_space<hbm>>
    %dma_start3A_18 = tpu.memref_squeeze %dma_start3A_17 : memref<1x1x128xi32, #tpu.memory_space<hbm>> -> memref<128xi32, #tpu.memory_space<hbm>>
    tpu.enqueue_dma source(%dma_start3A_18 : memref<128xi32, #tpu.memory_space<hbm>>) target(%dma_start3A_15 : memref<128xi32, #tpu.memory_space<vmem>>) target_semaphore(%arg16 : memref<!tpu.dma_semaphore, #tpu.memory_space<semaphore_mem>>)
    %dma_start3A_19 = arith.constant 1 : i32
    %dma_start3A_20 = arith.constant 0 : i32
    %dma_start3A_21 = arith.constant 1 : i32
    %dma_start3A_22 = arith.constant 0 : i32
    %dma_start3A_23 = tpu.memref_slice %arg6[%dma_start3A_20, %dma_start3A_21, %dma_start3A_22] : memref<4x2x128xi32, #tpu.memory_space<vmem>> -> memref<1x1x128xi32, #tpu.memory_space<vmem>>
    %dma_start3A_24 = tpu.memref_squeeze %dma_start3A_23 : memref<1x1x128xi32, #tpu.memory_space<vmem>> -> memref<128xi32, #tpu.memory_space<vmem>>
    %dma_start3A_25 = arith.constant 0 : i32
    %dma_start3A_26 = tpu.memref_slice %arg2[%dma_start3A_19, %add3A_4, %dma_start3A_25] : memref<2x2564x128xi32, #tpu.memory_space<hbm>> -> memref<1x1x128xi32, #tpu.memory_space<hbm>>
    %dma_start3A_27 = tpu.memref_squeeze %dma_start3A_26 : memref<1x1x128xi32, #tpu.memory_space<hbm>> -> memref<128xi32, #tpu.memory_space<hbm>>
    %dma_start3A_28 = arith.constant 0 : i32
    %dma_start3A_29 = tpu.memref_slice %arg6[%dma_start3A_20, %dma_start3A_21, %dma_start3A_28] : memref<4x2x128xi32, #tpu.memory_space<vmem>> -> memref<1x1x128xi32, #tpu.memory_space<vmem>>
    %dma_start3A_30 = tpu.memref_squeeze %dma_start3A_29 : memref<1x1x128xi32, #tpu.memory_space<vmem>> -> memref<128xi32, #tpu.memory_space<vmem>>
    %dma_start3A_31 = arith.constant 0 : i32
    %dma_start3A_32 = tpu.memref_slice %arg2[%dma_start3A_19, %add3A_4, %dma_start3A_31] : memref<2x2564x128xi32, #tpu.memory_space<hbm>> -> memref<1x1x128xi32, #tpu.memory_space<hbm>>
    %dma_start3A_33 = tpu.memref_squeeze %dma_start3A_32 : memref<1x1x128xi32, #tpu.memory_space<hbm>> -> memref<128xi32, #tpu.memory_space<hbm>>
    tpu.enqueue_dma source(%dma_start3A_33 : memref<128xi32, #tpu.memory_space<hbm>>) target(%dma_start3A_30 : memref<128xi32, #tpu.memory_space<vmem>>) target_semaphore(%arg16 : memref<!tpu.dma_semaphore, #tpu.memory_space<semaphore_mem>>)
    %mul3A_34 = arith.constant 80 : i32
    %mul3A_35 = arith.muli %add3A, %mul3A_34 : i32
    %add3A_36 = arith.constant 1 : i32
    %add3A_37 = arith.addi %mul3A_35, %add3A_36 : i32
    %dma_start3A_38 = arith.constant 0 : i32
    %dma_start3A_39 = arith.constant 1 : i32
    %dma_start3A_40 = arith.constant 0 : i32
    %dma_start3A_41 = arith.constant 0 : i32
    %dma_start3A_42 = tpu.memref_slice %arg6[%dma_start3A_39, %dma_start3A_40, %dma_start3A_41] : memref<4x2x128xi32, #tpu.memory_space<vmem>> -> memref<1x1x128xi32, #tpu.memory_space<vmem>>
    %dma_start3A_43 = tpu.memref_squeeze %dma_start3A_42 : memref<1x1x128xi32, #tpu.memory_space<vmem>> -> memref<128xi32, #tpu.memory_space<vmem>>
    %dma_start3A_44 = arith.constant 0 : i32
    %dma_start3A_45 = tpu.memref_slice %arg2[%dma_start3A_38, %add3A_37, %dma_start3A_44] : memref<2x2564x128xi32, #tpu.memory_space<hbm>> -> memref<1x1x128xi32, #tpu.memory_space<hbm>>
    %dma_start3A_46 = tpu.memref_squeeze %dma_start3A_45 : memref<1x1x128xi32, #tpu.memory_space<hbm>> -> memref<128xi32, #tpu.memory_space<hbm>>
    %dma_start3A_47 = arith.constant 0 : i32
    %dma_start3A_48 = tpu.memref_slice %arg6[%dma_start3A_39, %dma_start3A_40, %dma_start3A_47] : memref<4x2x128xi32, #tpu.memory_space<vmem>> -> memref<1x1x128xi32, #tpu.memory_space<vmem>>
    %dma_start3A_49 = tpu.memref_squeeze %dma_start3A_48 : memref<1x1x128xi32, #tpu.memory_space<vmem>> -> memref<128xi32, #tpu.memory_space<vmem>>
    %dma_start3A_50 = arith.constant 0 : i32
    %dma_start3A_51 = tpu.memref_slice %arg2[%dma_start3A_38, %add3A_37, %dma_start3A_50] : memref<2x2564x128xi32, #tpu.memory_space<hbm>> -> memref<1x1x128xi32, #tpu.memory_space<hbm>>
    %dma_start3A_52 = tpu.memref_squeeze %dma_start3A_51 : memref<1x1x128xi32, #tpu.memory_space<hbm>> -> memref<128xi32, #tpu.memory_space<hbm>>
    tpu.enqueue_dma source(%dma_start3A_52 : memref<128xi32, #tpu.memory_space<hbm>>) target(%dma_start3A_49 : memref<128xi32, #tpu.memory_space<vmem>>) target_semaphore(%arg17 : memref<!tpu.dma_semaphore, #tpu.memory_space<semaphore_mem>>)
    %dma_start3A_53 = arith.constant 1 : i32
    %dma_start3A_54 = arith.constant 1 : i32
    %dma_start3A_55 = arith.constant 1 : i32
    %dma_start3A_56 = arith.constant 0 : i32
    %dma_start3A_57 = tpu.memref_slice %arg6[%dma_start3A_54, %dma_start3A_55, %dma_start3A_56] : memref<4x2x128xi32, #tpu.memory_space<vmem>> -> memref<1x1x128xi32, #tpu.memory_space<vmem>>
    %dma_start3A_58 = tpu.memref_squeeze %dma_start3A_57 : memref<1x1x128xi32, #tpu.memory_space<vmem>> -> memref<128xi32, #tpu.memory_space<vmem>>
    %dma_start3A_59 = arith.constant 0 : i32
    %dma_start3A_60 = tpu.memref_slice %arg2[%dma_start3A_53, %add3A_37, %dma_start3A_59] : memref<2x2564x128xi32, #tpu.memory_space<hbm>> -> memref<1x1x128xi32, #tpu.memory_space<hbm>>
    %dma_start3A_61 = tpu.memref_squeeze %dma_start3A_60 : memref<1x1x128xi32, #tpu.memory_space<hbm>> -> memref<128xi32, #tpu.memory_space<hbm>>
    %dma_start3A_62 = arith.constant 0 : i32
    %dma_start3A_63 = tpu.memref_slice %arg6[%dma_start3A_54, %dma_start3A_55, %dma_start3A_62] : memref<4x2x128xi32, #tpu.memory_space<vmem>> -> memref<1x1x128xi32, #tpu.memory_space<vmem>>
    %dma_start3A_64 = tpu.memref_squeeze %dma_start3A_63 : memref<1x1x128xi32, #tpu.memory_space<vmem>> -> memref<128xi32, #tpu.memory_space<vmem>>
    %dma_start3A_65 = arith.constant 0 : i32
    %dma_start3A_66 = tpu.memref_slice %arg2[%dma_start3A_53, %add3A_37, %dma_start3A_65] : memref<2x2564x128xi32, #tpu.memory_space<hbm>> -> memref<1x1x128xi32, #tpu.memory_space<hbm>>
    %dma_start3A_67 = tpu.memref_squeeze %dma_start3A_66 : memref<1x1x128xi32, #tpu.memory_space<hbm>> -> memref<128xi32, #tpu.memory_space<hbm>>
    tpu.enqueue_dma source(%dma_start3A_67 : memref<128xi32, #tpu.memory_space<hbm>>) target(%dma_start3A_64 : memref<128xi32, #tpu.memory_space<vmem>>) target_semaphore(%arg17 : memref<!tpu.dma_semaphore, #tpu.memory_space<semaphore_mem>>)
    %mul3A_68 = arith.constant 80 : i32
    %mul3A_69 = arith.muli %add3A, %mul3A_68 : i32
    %add3A_70 = arith.constant 2 : i32
    %add3A_71 = arith.addi %mul3A_69, %add3A_70 : i32
    %dma_start3A_72 = arith.constant 0 : i32
    %dma_start3A_73 = arith.constant 2 : i32
    %dma_start3A_74 = arith.constant 0 : i32
    %dma_start3A_75 = arith.constant 0 : i32
    %dma_start3A_76 = tpu.memref_slice %arg6[%dma_start3A_73, %dma_start3A_74, %dma_start3A_75] : memref<4x2x128xi32, #tpu.memory_space<vmem>> -> memref<1x1x128xi32, #tpu.memory_space<vmem>>
    %dma_start3A_77 = tpu.memref_squeeze %dma_start3A_76 : memref<1x1x128xi32, #tpu.memory_space<vmem>> -> memref<128xi32, #tpu.memory_space<vmem>>
    %dma_start3A_78 = arith.constant 0 : i32
    %dma_start3A_79 = tpu.memref_slice %arg2[%dma_start3A_72, %add3A_71, %dma_start3A_78] : memref<2x2564x128xi32, #tpu.memory_space<hbm>> -> memref<1x1x128xi32, #tpu.memory_space<hbm>>
    %dma_start3A_80 = tpu.memref_squeeze %dma_start3A_79 : memref<1x1x128xi32, #tpu.memory_space<hbm>> -> memref<128xi32, #tpu.memory_space<hbm>>
    %dma_start3A_81 = arith.constant 0 : i32
    %dma_start3A_82 = tpu.memref_slice %arg6[%dma_start3A_73, %dma_start3A_74, %dma_start3A_81] : memref<4x2x128xi32, #tpu.memory_space<vmem>> -> memref<1x1x128xi32, #tpu.memory_space<vmem>>
    %dma_start3A_83 = tpu.memref_squeeze %dma_start3A_82 : memref<1x1x128xi32, #tpu.memory_space<vmem>> -> memref<128xi32, #tpu.memory_space<vmem>>
    %dma_start3A_84 = arith.constant 0 : i32
    %dma_start3A_85 = tpu.memref_slice %arg2[%dma_start3A_72, %add3A_71, %dma_start3A_84] : memref<2x2564x128xi32, #tpu.memory_space<hbm>> -> memref<1x1x128xi32, #tpu.memory_space<hbm>>
    %dma_start3A_86 = tpu.memref_squeeze %dma_start3A_85 : memref<1x1x128xi32, #tpu.memory_space<hbm>> -> memref<128xi32, #tpu.memory_space<hbm>>
    tpu.enqueue_dma source(%dma_start3A_86 : memref<128xi32, #tpu.memory_space<hbm>>) target(%dma_start3A_83 : memref<128xi32, #tpu.memory_space<vmem>>) target_semaphore(%arg18 : memref<!tpu.dma_semaphore, #tpu.memory_space<semaphore_mem>>)
    %dma_start3A_87 = arith.constant 1 : i32
    %dma_start3A_88 = arith.constant 2 : i32
    %dma_start3A_89 = arith.constant 1 : i32
    %dma_start3A_90 = arith.constant 0 : i32
    %dma_start3A_91 = tpu.memref_slice %arg6[%dma_start3A_88, %dma_start3A_89, %dma_start3A_90] : memref<4x2x128xi32, #tpu.memory_space<vmem>> -> memref<1x1x128xi32, #tpu.memory_space<vmem>>
    %dma_start3A_92 = tpu.memref_squeeze %dma_start3A_91 : memref<1x1x128xi32, #tpu.memory_space<vmem>> -> memref<128xi32, #tpu.memory_space<vmem>>
    %dma_start3A_93 = arith.constant 0 : i32
    %dma_start3A_94 = tpu.memref_slice %arg2[%dma_start3A_87, %add3A_71, %dma_start3A_93] : memref<2x2564x128xi32, #tpu.memory_space<hbm>> -> memref<1x1x128xi32, #tpu.memory_space<hbm>>
    %dma_start3A_95 = tpu.memref_squeeze %dma_start3A_94 : memref<1x1x128xi32, #tpu.memory_space<hbm>> -> memref<128xi32, #tpu.memory_space<hbm>>
    %dma_start3A_96 = arith.constant 0 : i32
    %dma_start3A_97 = tpu.memref_slice %arg6[%dma_start3A_88, %dma_start3A_89, %dma_start3A_96] : memref<4x2x128xi32, #tpu.memory_space<vmem>> -> memref<1x1x128xi32, #tpu.memory_space<vmem>>
    %dma_start3A_98 = tpu.memref_squeeze %dma_start3A_97 : memref<1x1x128xi32, #tpu.memory_space<vmem>> -> memref<128xi32, #tpu.memory_space<vmem>>
    %dma_start3A_99 = arith.constant 0 : i32
    %dma_start3A_100 = tpu.memref_slice %arg2[%dma_start3A_87, %add3A_71, %dma_start3A_99] : memref<2x2564x128xi32, #tpu.memory_space<hbm>> -> memref<1x1x128xi32, #tpu.memory_space<hbm>>
    %dma_start3A_101 = tpu.memref_squeeze %dma_start3A_100 : memref<1x1x128xi32, #tpu.memory_space<hbm>> -> memref<128xi32, #tpu.memory_space<hbm>>
    tpu.enqueue_dma source(%dma_start3A_101 : memref<128xi32, #tpu.memory_space<hbm>>) target(%dma_start3A_98 : memref<128xi32, #tpu.memory_space<vmem>>) target_semaphore(%arg18 : memref<!tpu.dma_semaphore, #tpu.memory_space<semaphore_mem>>)
    %mul3A_102 = arith.constant 80 : i32
    %mul3A_103 = arith.muli %add3A, %mul3A_102 : i32
    %add3A_104 = arith.constant 3 : i32
    %add3A_105 = arith.addi %mul3A_103, %add3A_104 : i32
    %dma_start3A_106 = arith.constant 0 : i32
    %dma_start3A_107 = arith.constant 3 : i32
    %dma_start3A_108 = arith.constant 0 : i32
    %dma_start3A_109 = arith.constant 0 : i32
    %dma_start3A_110 = tpu.memref_slice %arg6[%dma_start3A_107, %dma_start3A_108, %dma_start3A_109] : memref<4x2x128xi32, #tpu.memory_space<vmem>> -> memref<1x1x128xi32, #tpu.memory_space<vmem>>
    %dma_start3A_111 = tpu.memref_squeeze %dma_start3A_110 : memref<1x1x128xi32, #tpu.memory_space<vmem>> -> memref<128xi32, #tpu.memory_space<vmem>>
    %dma_start3A_112 = arith.constant 0 : i32
    %dma_start3A_113 = tpu.memref_slice %arg2[%dma_start3A_106, %add3A_105, %dma_start3A_112] : memref<2x2564x128xi32, #tpu.memory_space<hbm>> -> memref<1x1x128xi32, #tpu.memory_space<hbm>>
    %dma_start3A_114 = tpu.memref_squeeze %dma_start3A_113 : memref<1x1x128xi32, #tpu.memory_space<hbm>> -> memref<128xi32, #tpu.memory_space<hbm>>
    %dma_start3A_115 = arith.constant 0 : i32
    %dma_start3A_116 = tpu.memref_slice %arg6[%dma_start3A_107, %dma_start3A_108, %dma_start3A_115] : memref<4x2x128xi32, #tpu.memory_space<vmem>> -> memref<1x1x128xi32, #tpu.memory_space<vmem>>
    %dma_start3A_117 = tpu.memref_squeeze %dma_start3A_116 : memref<1x1x128xi32, #tpu.memory_space<vmem>> -> memref<128xi32, #tpu.memory_space<vmem>>
    %dma_start3A_118 = arith.constant 0 : i32
    %dma_start3A_119 = tpu.memref_slice %arg2[%dma_start3A_106, %add3A_105, %dma_start3A_118] : memref<2x2564x128xi32, #tpu.memory_space<hbm>> -> memref<1x1x128xi32, #tpu.memory_space<hbm>>
    %dma_start3A_120 = tpu.memref_squeeze %dma_start3A_119 : memref<1x1x128xi32, #tpu.memory_space<hbm>> -> memref<128xi32, #tpu.memory_space<hbm>>
    tpu.enqueue_dma source(%dma_start3A_120 : memref<128xi32, #tpu.memory_space<hbm>>) target(%dma_start3A_117 : memref<128xi32, #tpu.memory_space<vmem>>) target_semaphore(%arg19 : memref<!tpu.dma_semaphore, #tpu.memory_space<semaphore_mem>>)
    %dma_start3A_121 = arith.constant 1 : i32
    %dma_start3A_122 = arith.constant 3 : i32
    %dma_start3A_123 = arith.constant 1 : i32
    %dma_start3A_124 = arith.constant 0 : i32
    %dma_start3A_125 = tpu.memref_slice %arg6[%dma_start3A_122, %dma_start3A_123, %dma_start3A_124] : memref<4x2x128xi32, #tpu.memory_space<vmem>> -> memref<1x1x128xi32, #tpu.memory_space<vmem>>
    %dma_start3A_126 = tpu.memref_squeeze %dma_start3A_125 : memref<1x1x128xi32, #tpu.memory_space<vmem>> -> memref<128xi32, #tpu.memory_space<vmem>>
    %dma_start3A_127 = arith.constant 0 : i32
    %dma_start3A_128 = tpu.memref_slice %arg2[%dma_start3A_121, %add3A_105, %dma_start3A_127] : memref<2x2564x128xi32, #tpu.memory_space<hbm>> -> memref<1x1x128xi32, #tpu.memory_space<hbm>>
    %dma_start3A_129 = tpu.memref_squeeze %dma_start3A_128 : memref<1x1x128xi32, #tpu.memory_space<hbm>> -> memref<128xi32, #tpu.memory_space<hbm>>
    %dma_start3A_130 = arith.constant 0 : i32
    %dma_start3A_131 = tpu.memref_slice %arg6[%dma_start3A_122, %dma_start3A_123, %dma_start3A_130] : memref<4x2x128xi32, #tpu.memory_space<vmem>> -> memref<1x1x128xi32, #tpu.memory_space<vmem>>
    %dma_start3A_132 = tpu.memref_squeeze %dma_start3A_131 : memref<1x1x128xi32, #tpu.memory_space<vmem>> -> memref<128xi32, #tpu.memory_space<vmem>>
    %dma_start3A_133 = arith.constant 0 : i32
    %dma_start3A_134 = tpu.memref_slice %arg2[%dma_start3A_121, %add3A_105, %dma_start3A_133] : memref<2x2564x128xi32, #tpu.memory_space<hbm>> -> memref<1x1x128xi32, #tpu.memory_space<hbm>>
    %dma_start3A_135 = tpu.memref_squeeze %dma_start3A_134 : memref<1x1x128xi32, #tpu.memory_space<hbm>> -> memref<128xi32, #tpu.memory_space<hbm>>
    tpu.enqueue_dma source(%dma_start3A_135 : memref<128xi32, #tpu.memory_space<hbm>>) target(%dma_start3A_132 : memref<128xi32, #tpu.memory_space<vmem>>) target_semaphore(%arg19 : memref<!tpu.dma_semaphore, #tpu.memory_space<semaphore_mem>>)
    %mul3A_136 = arith.constant 80 : i32
    %mul3A_137 = arith.muli %add3A, %mul3A_136 : i32
    %mul3A_138 = arith.constant 128 : i32
    %mul3A_139 = arith.muli %mul3A_137, %mul3A_138 : i32
    "tpu.region"() ({
      %run_scoped3A = tpu.sem_alloc : memref<!tpu.dma_semaphore, #tpu.memory_space<semaphore_mem>>
      %dma_start3A_395 = tpu.memref_slice %arg3[%mul3A_139] : memref<328192xf32, #tpu.memory_space<hbm>> -> memref<10752xf32, #tpu.memory_space<hbm>>
      %dma_start3A_396 = tpu.memref_slice %arg3[%mul3A_139] : memref<328192xf32, #tpu.memory_space<hbm>> -> memref<10752xf32, #tpu.memory_space<hbm>>
      tpu.enqueue_dma source(%dma_start3A_396 : memref<10752xf32, #tpu.memory_space<hbm>>) target(%arg7 : memref<10752xf32, #tpu.memory_space<vmem>>) target_semaphore(%run_scoped3A : memref<!tpu.dma_semaphore, #tpu.memory_space<semaphore_mem>>)
      %dma_wait3A_397 = tpu.memref_slice %arg3[%mul3A_139] : memref<328192xf32, #tpu.memory_space<hbm>> -> memref<10752xf32, #tpu.memory_space<hbm>>
      %dma_wait3A_398 = tpu.memref_slice %arg3[%mul3A_139] : memref<328192xf32, #tpu.memory_space<hbm>> -> memref<10752xf32, #tpu.memory_space<hbm>>
      tpu.wait_dma2 semaphore(%run_scoped3A : memref<!tpu.dma_semaphore, #tpu.memory_space<semaphore_mem>>) src(%dma_wait3A_398 : memref<10752xf32, #tpu.memory_space<hbm>>) dst(%arg7 : memref<10752xf32, #tpu.memory_space<vmem>>)
      tpu.yield
    }) : () -> ()
    %broadcast_in_dim3A = arith.constant 0.000000e+00 : f32
    %broadcast_in_dim3A_140 = vector.broadcast %broadcast_in_dim3A : f32 to vector<16xf32>
    %scan3A = arith.constant 0 : i32
    %scan3A_141 = arith.constant 0 : i32
    %scan3A_142 = arith.constant 128 : i32
    %scan3A_143 = arith.addi %scan3A_141, %scan3A_142 : i32
    %scan3A_144 = arith.constant 1 : i32
    scf.for %scan3A_395 = %scan3A_141 to %scan3A_143 step %scan3A_144  : i32 {
      %swap3A = arith.index_cast %scan3A_395 : i32 to index
      %swap3A_396 = arith.constant 0 : index
      %swap3A_397 = tpu.vector_load %arg9[%swap3A, %swap3A_396] {strides = array<i32>} : memref<128x128xf32, #tpu.memory_space<vmem>>, vector<16xf32>,
      tpu.vector_store %arg9[%swap3A, %swap3A_396], %broadcast_in_dim3A_140 {strides = array<i32>} : memref<128x128xf32, #tpu.memory_space<vmem>>, vector<16xf32>,
      %swap3A_398 = arith.index_cast %scan3A_395 : i32 to index
      %swap3A_399 = arith.constant 16 : index
      %swap3A_400 = tpu.vector_load %arg9[%swap3A_398, %swap3A_399] {strides = array<i32>} : memref<128x128xf32, #tpu.memory_space<vmem>>, vector<16xf32>,
      tpu.vector_store %arg9[%swap3A_398, %swap3A_399], %broadcast_in_dim3A_140 {strides = array<i32>} : memref<128x128xf32, #tpu.memory_space<vmem>>, vector<16xf32>,
      %swap3A_401 = arith.index_cast %scan3A_395 : i32 to index
      %swap3A_402 = arith.constant 32 : index
      %swap3A_403 = tpu.vector_load %arg9[%swap3A_401, %swap3A_402] {strides = array<i32>} : memref<128x128xf32, #tpu.memory_space<vmem>>, vector<16xf32>,
      tpu.vector_store %arg9[%swap3A_401, %swap3A_402], %broadcast_in_dim3A_140 {strides = array<i32>} : memref<128x128xf32, #tpu.memory_space<vmem>>, vector<16xf32>,
      %swap3A_404 = arith.index_cast %scan3A_395 : i32 to index
      %swap3A_405 = arith.constant 48 : index
      %swap3A_406 = tpu.vector_load %arg9[%swap3A_404, %swap3A_405] {strides = array<i32>} : memref<128x128xf32, #tpu.memory_space<vmem>>, vector<16xf32>,
      tpu.vector_store %arg9[%swap3A_404, %swap3A_405], %broadcast_in_dim3A_140 {strides = array<i32>} : memref<128x128xf32, #tpu.memory_space<vmem>>, vector<16xf32>,
      %swap3A_407 = arith.index_cast %scan3A_395 : i32 to index
      %swap3A_408 = arith.constant 64 : index
      %swap3A_409 = tpu.vector_load %arg9[%swap3A_407, %swap3A_408] {strides = array<i32>} : memref<128x128xf32, #tpu.memory_space<vmem>>, vector<16xf32>,
      tpu.vector_store %arg9[%swap3A_407, %swap3A_408], %broadcast_in_dim3A_140 {strides = array<i32>} : memref<128x128xf32, #tpu.memory_space<vmem>>, vector<16xf32>,
      %swap3A_410 = arith.index_cast %scan3A_395 : i32 to index
      %swap3A_411 = arith.constant 80 : index
      %swap3A_412 = tpu.vector_load %arg9[%swap3A_410, %swap3A_411] {strides = array<i32>} : memref<128x128xf32, #tpu.memory_space<vmem>>, vector<16xf32>,
      tpu.vector_store %arg9[%swap3A_410, %swap3A_411], %broadcast_in_dim3A_140 {strides = array<i32>} : memref<128x128xf32, #tpu.memory_space<vmem>>, vector<16xf32>,
      %swap3A_413 = arith.index_cast %scan3A_395 : i32 to index
      %swap3A_414 = arith.constant 96 : index
      %swap3A_415 = tpu.vector_load %arg9[%swap3A_413, %swap3A_414] {strides = array<i32>} : memref<128x128xf32, #tpu.memory_space<vmem>>, vector<16xf32>,
      tpu.vector_store %arg9[%swap3A_413, %swap3A_414], %broadcast_in_dim3A_140 {strides = array<i32>} : memref<128x128xf32, #tpu.memory_space<vmem>>, vector<16xf32>,
      %swap3A_416 = arith.index_cast %scan3A_395 : i32 to index
      %swap3A_417 = arith.constant 112 : index
      %swap3A_418 = tpu.vector_load %arg9[%swap3A_416, %swap3A_417] {strides = array<i32>} : memref<128x128xf32, #tpu.memory_space<vmem>>, vector<16xf32>,
      tpu.vector_store %arg9[%swap3A_416, %swap3A_417], %broadcast_in_dim3A_140 {strides = array<i32>} : memref<128x128xf32, #tpu.memory_space<vmem>>, vector<16xf32>,
    }
    %scan3A_145 = arith.constant 128 : i32
    %mul3A_146 = arith.constant 640 : i32
    %mul3A_147 = arith.muli %arg1, %mul3A_146 : i32
    %add3A_148 = arith.constant 0 : i32
    %add3A_149 = arith.addi %mul3A_147, %add3A_148 : i32
    "tpu.region"() ({
      %run_scoped3A = tpu.sem_alloc : memref<!tpu.dma_semaphore, #tpu.memory_space<semaphore_mem>>
      %dma_start3A_395 = arith.constant 0 : i32
      %dma_start3A_396 = tpu.memref_slice %arg11[%add3A_149, %dma_start3A_395] : memref<10240x128xf32, #tpu.memory_space<vmem_shared>> -> memref<128x128xf32, #tpu.memory_space<vmem_shared>>
      %dma_start3A_397 = arith.constant 0 : i32
      %dma_start3A_398 = tpu.memref_slice %arg11[%add3A_149, %dma_start3A_397] : memref<10240x128xf32, #tpu.memory_space<vmem_shared>> -> memref<128x128xf32, #tpu.memory_space<vmem_shared>>
      tpu.enqueue_dma source(%arg9 : memref<128x128xf32, #tpu.memory_space<vmem>>) target(%dma_start3A_398 : memref<128x128xf32, #tpu.memory_space<vmem_shared>>) target_semaphore(%run_scoped3A : memref<!tpu.dma_semaphore, #tpu.memory_space<semaphore_mem>>)
      %dma_wait3A_399 = arith.constant 0 : i32
      %dma_wait3A_400 = tpu.memref_slice %arg11[%add3A_149, %dma_wait3A_399] : memref<10240x128xf32, #tpu.memory_space<vmem_shared>> -> memref<128x128xf32, #tpu.memory_space<vmem_shared>>
      %dma_wait3A_401 = arith.constant 0 : i32
      %dma_wait3A_402 = tpu.memref_slice %arg11[%add3A_149, %dma_wait3A_401] : memref<10240x128xf32, #tpu.memory_space<vmem_shared>> -> memref<128x128xf32, #tpu.memory_space<vmem_shared>>
      tpu.wait_dma2 semaphore(%run_scoped3A : memref<!tpu.dma_semaphore, #tpu.memory_space<semaphore_mem>>) src(%arg9 : memref<128x128xf32, #tpu.memory_space<vmem>>) dst(%dma_wait3A_402 : memref<128x128xf32, #tpu.memory_space<vmem_shared>>)
      tpu.yield
    }) : () -> ()
    %mul3A_150 = arith.constant 640 : i32
    %mul3A_151 = arith.muli %arg1, %mul3A_150 : i32
    %add3A_152 = arith.constant 128 : i32
    %add3A_153 = arith.addi %mul3A_151, %add3A_152 : i32
    "tpu.region"() ({
      %run_scoped3A = tpu.sem_alloc : memref<!tpu.dma_semaphore, #tpu.memory_space<semaphore_mem>>
      %dma_start3A_395 = arith.constant 0 : i32
      %dma_start3A_396 = tpu.memref_slice %arg11[%add3A_153, %dma_start3A_395] : memref<10240x128xf32, #tpu.memory_space<vmem_shared>> -> memref<128x128xf32, #tpu.memory_space<vmem_shared>>
      %dma_start3A_397 = arith.constant 0 : i32
      %dma_start3A_398 = tpu.memref_slice %arg11[%add3A_153, %dma_start3A_397] : memref<10240x128xf32, #tpu.memory_space<vmem_shared>> -> memref<128x128xf32, #tpu.memory_space<vmem_shared>>
      tpu.enqueue_dma source(%arg9 : memref<128x128xf32, #tpu.memory_space<vmem>>) target(%dma_start3A_398 : memref<128x128xf32, #tpu.memory_space<vmem_shared>>) target_semaphore(%run_scoped3A : memref<!tpu.dma_semaphore, #tpu.memory_space<semaphore_mem>>)
      %dma_wait3A_399 = arith.constant 0 : i32
      %dma_wait3A_400 = tpu.memref_slice %arg11[%add3A_153, %dma_wait3A_399] : memref<10240x128xf32, #tpu.memory_space<vmem_shared>> -> memref<128x128xf32, #tpu.memory_space<vmem_shared>>
      %dma_wait3A_401 = arith.constant 0 : i32
      %dma_wait3A_402 = tpu.memref_slice %arg11[%add3A_153, %dma_wait3A_401] : memref<10240x128xf32, #tpu.memory_space<vmem_shared>> -> memref<128x128xf32, #tpu.memory_space<vmem_shared>>
      tpu.wait_dma2 semaphore(%run_scoped3A : memref<!tpu.dma_semaphore, #tpu.memory_space<semaphore_mem>>) src(%arg9 : memref<128x128xf32, #tpu.memory_space<vmem>>) dst(%dma_wait3A_402 : memref<128x128xf32, #tpu.memory_space<vmem_shared>>)
      tpu.yield
    }) : () -> ()
    %mul3A_154 = arith.constant 640 : i32
    %mul3A_155 = arith.muli %arg1, %mul3A_154 : i32
    %add3A_156 = arith.constant 256 : i32
    %add3A_157 = arith.addi %mul3A_155, %add3A_156 : i32
    "tpu.region"() ({
      %run_scoped3A = tpu.sem_alloc : memref<!tpu.dma_semaphore, #tpu.memory_space<semaphore_mem>>
      %dma_start3A_395 = arith.constant 0 : i32
      %dma_start3A_396 = tpu.memref_slice %arg11[%add3A_157, %dma_start3A_395] : memref<10240x128xf32, #tpu.memory_space<vmem_shared>> -> memref<128x128xf32, #tpu.memory_space<vmem_shared>>
      %dma_start3A_397 = arith.constant 0 : i32
      %dma_start3A_398 = tpu.memref_slice %arg11[%add3A_157, %dma_start3A_397] : memref<10240x128xf32, #tpu.memory_space<vmem_shared>> -> memref<128x128xf32, #tpu.memory_space<vmem_shared>>
      tpu.enqueue_dma source(%arg9 : memref<128x128xf32, #tpu.memory_space<vmem>>) target(%dma_start3A_398 : memref<128x128xf32, #tpu.memory_space<vmem_shared>>) target_semaphore(%run_scoped3A : memref<!tpu.dma_semaphore, #tpu.memory_space<semaphore_mem>>)
      %dma_wait3A_399 = arith.constant 0 : i32
      %dma_wait3A_400 = tpu.memref_slice %arg11[%add3A_157, %dma_wait3A_399] : memref<10240x128xf32, #tpu.memory_space<vmem_shared>> -> memref<128x128xf32, #tpu.memory_space<vmem_shared>>
      %dma_wait3A_401 = arith.constant 0 : i32
      %dma_wait3A_402 = tpu.memref_slice %arg11[%add3A_157, %dma_wait3A_401] : memref<10240x128xf32, #tpu.memory_space<vmem_shared>> -> memref<128x128xf32, #tpu.memory_space<vmem_shared>>
      tpu.wait_dma2 semaphore(%run_scoped3A : memref<!tpu.dma_semaphore, #tpu.memory_space<semaphore_mem>>) src(%arg9 : memref<128x128xf32, #tpu.memory_space<vmem>>) dst(%dma_wait3A_402 : memref<128x128xf32, #tpu.memory_space<vmem_shared>>)
      tpu.yield
    }) : () -> ()
    %mul3A_158 = arith.constant 640 : i32
    %mul3A_159 = arith.muli %arg1, %mul3A_158 : i32
    %add3A_160 = arith.constant 384 : i32
    %add3A_161 = arith.addi %mul3A_159, %add3A_160 : i32
    "tpu.region"() ({
      %run_scoped3A = tpu.sem_alloc : memref<!tpu.dma_semaphore, #tpu.memory_space<semaphore_mem>>
      %dma_start3A_395 = arith.constant 0 : i32
      %dma_start3A_396 = tpu.memref_slice %arg11[%add3A_161, %dma_start3A_395] : memref<10240x128xf32, #tpu.memory_space<vmem_shared>> -> memref<128x128xf32, #tpu.memory_space<vmem_shared>>
      %dma_start3A_397 = arith.constant 0 : i32
      %dma_start3A_398 = tpu.memref_slice %arg11[%add3A_161, %dma_start3A_397] : memref<10240x128xf32, #tpu.memory_space<vmem_shared>> -> memref<128x128xf32, #tpu.memory_space<vmem_shared>>
      tpu.enqueue_dma source(%arg9 : memref<128x128xf32, #tpu.memory_space<vmem>>) target(%dma_start3A_398 : memref<128x128xf32, #tpu.memory_space<vmem_shared>>) target_semaphore(%run_scoped3A : memref<!tpu.dma_semaphore, #tpu.memory_space<semaphore_mem>>)
      %dma_wait3A_399 = arith.constant 0 : i32
      %dma_wait3A_400 = tpu.memref_slice %arg11[%add3A_161, %dma_wait3A_399] : memref<10240x128xf32, #tpu.memory_space<vmem_shared>> -> memref<128x128xf32, #tpu.memory_space<vmem_shared>>
      %dma_wait3A_401 = arith.constant 0 : i32
      %dma_wait3A_402 = tpu.memref_slice %arg11[%add3A_161, %dma_wait3A_401] : memref<10240x128xf32, #tpu.memory_space<vmem_shared>> -> memref<128x128xf32, #tpu.memory_space<vmem_shared>>
      tpu.wait_dma2 semaphore(%run_scoped3A : memref<!tpu.dma_semaphore, #tpu.memory_space<semaphore_mem>>) src(%arg9 : memref<128x128xf32, #tpu.memory_space<vmem>>) dst(%dma_wait3A_402 : memref<128x128xf32, #tpu.memory_space<vmem_shared>>)
      tpu.yield
    }) : () -> ()
    %mul3A_162 = arith.constant 640 : i32
    %mul3A_163 = arith.muli %arg1, %mul3A_162 : i32
    %add3A_164 = arith.constant 512 : i32
    %add3A_165 = arith.addi %mul3A_163, %add3A_164 : i32
    "tpu.region"() ({
      %run_scoped3A = tpu.sem_alloc : memref<!tpu.dma_semaphore, #tpu.memory_space<semaphore_mem>>
      %dma_start3A_395 = arith.constant 0 : i32
      %dma_start3A_396 = tpu.memref_slice %arg11[%add3A_165, %dma_start3A_395] : memref<10240x128xf32, #tpu.memory_space<vmem_shared>> -> memref<128x128xf32, #tpu.memory_space<vmem_shared>>
      %dma_start3A_397 = arith.constant 0 : i32
      %dma_start3A_398 = tpu.memref_slice %arg11[%add3A_165, %dma_start3A_397] : memref<10240x128xf32, #tpu.memory_space<vmem_shared>> -> memref<128x128xf32, #tpu.memory_space<vmem_shared>>
      tpu.enqueue_dma source(%arg9 : memref<128x128xf32, #tpu.memory_space<vmem>>) target(%dma_start3A_398 : memref<128x128xf32, #tpu.memory_space<vmem_shared>>) target_semaphore(%run_scoped3A : memref<!tpu.dma_semaphore, #tpu.memory_space<semaphore_mem>>)
      %dma_wait3A_399 = arith.constant 0 : i32
      %dma_wait3A_400 = tpu.memref_slice %arg11[%add3A_165, %dma_wait3A_399] : memref<10240x128xf32, #tpu.memory_space<vmem_shared>> -> memref<128x128xf32, #tpu.memory_space<vmem_shared>>
      %dma_wait3A_401 = arith.constant 0 : i32
      %dma_wait3A_402 = tpu.memref_slice %arg11[%add3A_165, %dma_wait3A_401] : memref<10240x128xf32, #tpu.memory_space<vmem_shared>> -> memref<128x128xf32, #tpu.memory_space<vmem_shared>>
      tpu.wait_dma2 semaphore(%run_scoped3A : memref<!tpu.dma_semaphore, #tpu.memory_space<semaphore_mem>>) src(%arg9 : memref<128x128xf32, #tpu.memory_space<vmem>>) dst(%dma_wait3A_402 : memref<128x128xf32, #tpu.memory_space<vmem_shared>>)
      tpu.yield
    }) : () -> ()
    %barrier3A = arith.constant 0 : index
    tpu.barrier barrier_id(%barrier3A)
    %dma_wait3A = arith.constant 0 : i32
    %dma_wait3A_166 = arith.constant 0 : i32
    %dma_wait3A_167 = arith.constant 0 : i32
    %dma_wait3A_168 = arith.constant 0 : i32
    %dma_wait3A_169 = arith.constant 0 : i32
    %dma_wait3A_170 = tpu.memref_slice %arg6[%dma_wait3A_167, %dma_wait3A_168, %dma_wait3A_169] : memref<4x2x128xi32, #tpu.memory_space<vmem>> -> memref<1x1x128xi32, #tpu.memory_space<vmem>>
    %dma_wait3A_171 = tpu.memref_squeeze %dma_wait3A_170 : memref<1x1x128xi32, #tpu.memory_space<vmem>> -> memref<128xi32, #tpu.memory_space<vmem>>
    %dma_wait3A_172 = arith.constant 0 : i32
    %dma_wait3A_173 = tpu.memref_slice %arg2[%dma_wait3A, %dma_wait3A_166, %dma_wait3A_172] : memref<2x2564x128xi32, #tpu.memory_space<hbm>> -> memref<1x1x128xi32, #tpu.memory_space<hbm>>
    %dma_wait3A_174 = tpu.memref_squeeze %dma_wait3A_173 : memref<1x1x128xi32, #tpu.memory_space<hbm>> -> memref<128xi32, #tpu.memory_space<hbm>>
    %dma_wait3A_175 = arith.constant 0 : i32
    %dma_wait3A_176 = tpu.memref_slice %arg6[%dma_wait3A_167, %dma_wait3A_168, %dma_wait3A_175] : memref<4x2x128xi32, #tpu.memory_space<vmem>> -> memref<1x1x128xi32, #tpu.memory_space<vmem>>
    %dma_wait3A_177 = tpu.memref_squeeze %dma_wait3A_176 : memref<1x1x128xi32, #tpu.memory_space<vmem>> -> memref<128xi32, #tpu.memory_space<vmem>>
    %dma_wait3A_178 = arith.constant 0 : i32
    %dma_wait3A_179 = tpu.memref_slice %arg2[%dma_wait3A, %dma_wait3A_166, %dma_wait3A_178] : memref<2x2564x128xi32, #tpu.memory_space<hbm>> -> memref<1x1x128xi32, #tpu.memory_space<hbm>>
    %dma_wait3A_180 = tpu.memref_squeeze %dma_wait3A_179 : memref<1x1x128xi32, #tpu.memory_space<hbm>> -> memref<128xi32, #tpu.memory_space<hbm>>
    tpu.wait_dma2 semaphore(%arg16 : memref<!tpu.dma_semaphore, #tpu.memory_space<semaphore_mem>>) src(%dma_wait3A_180 : memref<128xi32, #tpu.memory_space<hbm>>) dst(%dma_wait3A_177 : memref<128xi32, #tpu.memory_space<vmem>>)
    %dma_wait3A_181 = arith.constant 0 : i32
    %dma_wait3A_182 = arith.constant 0 : i32
    %dma_wait3A_183 = arith.constant 0 : i32
    %dma_wait3A_184 = arith.constant 1 : i32
    %dma_wait3A_185 = arith.constant 0 : i32
    %dma_wait3A_186 = tpu.memref_slice %arg6[%dma_wait3A_183, %dma_wait3A_184, %dma_wait3A_185] : memref<4x2x128xi32, #tpu.memory_space<vmem>> -> memref<1x1x128xi32, #tpu.memory_space<vmem>>
    %dma_wait3A_187 = tpu.memref_squeeze %dma_wait3A_186 : memref<1x1x128xi32, #tpu.memory_space<vmem>> -> memref<128xi32, #tpu.memory_space<vmem>>
    %dma_wait3A_188 = arith.constant 0 : i32
    %dma_wait3A_189 = tpu.memref_slice %arg2[%dma_wait3A_181, %dma_wait3A_182, %dma_wait3A_188] : memref<2x2564x128xi32, #tpu.memory_space<hbm>> -> memref<1x1x128xi32, #tpu.memory_space<hbm>>
    %dma_wait3A_190 = tpu.memref_squeeze %dma_wait3A_189 : memref<1x1x128xi32, #tpu.memory_space<hbm>> -> memref<128xi32, #tpu.memory_space<hbm>>
    %dma_wait3A_191 = arith.constant 0 : i32
    %dma_wait3A_192 = tpu.memref_slice %arg6[%dma_wait3A_183, %dma_wait3A_184, %dma_wait3A_191] : memref<4x2x128xi32, #tpu.memory_space<vmem>> -> memref<1x1x128xi32, #tpu.memory_space<vmem>>
    %dma_wait3A_193 = tpu.memref_squeeze %dma_wait3A_192 : memref<1x1x128xi32, #tpu.memory_space<vmem>> -> memref<128xi32, #tpu.memory_space<vmem>>
    %dma_wait3A_194 = arith.constant 0 : i32
    %dma_wait3A_195 = tpu.memref_slice %arg2[%dma_wait3A_181, %dma_wait3A_182, %dma_wait3A_194] : memref<2x2564x128xi32, #tpu.memory_space<hbm>> -> memref<1x1x128xi32, #tpu.memory_space<hbm>>
    %dma_wait3A_196 = tpu.memref_squeeze %dma_wait3A_195 : memref<1x1x128xi32, #tpu.memory_space<hbm>> -> memref<128xi32, #tpu.memory_space<hbm>>
    tpu.wait_dma2 semaphore(%arg16 : memref<!tpu.dma_semaphore, #tpu.memory_space<semaphore_mem>>) src(%dma_wait3A_196 : memref<128xi32, #tpu.memory_space<hbm>>) dst(%dma_wait3A_193 : memref<128xi32, #tpu.memory_space<vmem>>)
    %dma_start3A_197 = arith.constant 0 : i32
    %dma_start3A_198 = arith.constant 0 : i32
    %dma_start3A_199 = arith.constant 0 : i32
    %dma_start3A_200 = tpu.memref_slice %arg6[%dma_start3A_197, %dma_start3A_198, %dma_start3A_199] : memref<4x2x128xi32, #tpu.memory_space<vmem>> -> memref<1x1x128xi32, #tpu.memory_space<vmem>>
    %dma_start3A_201 = tpu.memref_squeeze %dma_start3A_200 : memref<1x1x128xi32, #tpu.memory_space<vmem>> -> memref<128xi32, #tpu.memory_space<vmem>>
    %dma_start3A_202 = arith.constant 0 : i32
    %dma_start3A_203 = arith.constant 0 : i32
    %dma_start3A_204 = tpu.memref_slice %arg4[%dma_start3A_202, %dma_start3A_203] : memref<10240x128xf32, #tpu.memory_space<hbm>> -> memref<10240x128xf32, #tpu.memory_space<hbm>>
    tpu.enqueue_indirect_dma source(%dma_start3A_204 : memref<10240x128xf32, #tpu.memory_space<hbm>>) target(%arg9 : memref<128x128xf32, #tpu.memory_space<vmem>>) offsets(%dma_start3A_201 : memref<128xi32, #tpu.memory_space<vmem>>) semaphore(%arg12 : memref<!tpu.dma_semaphore, #tpu.memory_space<semaphore_mem>>)
    %scan3A_205 = arith.constant 0 : i32
    %scan3A_206 = arith.constant 0 : i32
    %scan3A_207 = arith.constant 20 : i32
    %scan3A_208 = arith.addi %scan3A_206, %scan3A_207 : i32
    %scan3A_209 = arith.constant 1 : i32
    scf.for %scan3A_395 = %scan3A_206 to %scan3A_208 step %scan3A_209  : i32 {
      %mul3A_396 = arith.constant 4 : i32
      %mul3A_397 = arith.muli %mul3A_396, %scan3A_395 : i32
      %add3A_398 = arith.constant 0 : i32
      %add3A_399 = arith.addi %mul3A_397, %add3A_398 : i32
      %gt3A = arith.constant 0 : i32
      %gt3A_400 = arith.cmpi sgt, %scan3A_395, %gt3A : i32
      %convert_element_type3A = arith.extui %gt3A_400 : i1 to i32
      %cond3A = arith.constant 0 : i32
      %cond3A_401 = arith.cmpi ne, %convert_element_type3A, %cond3A : i32
      scf.if %cond3A_401 {
        %dma_wait3A_1121 = arith.constant 0 : i32
        %dma_wait3A_1122 = arith.constant 0 : i32
        %dma_wait3A_1123 = tpu.memref_slice %arg11[%dma_wait3A_1121, %dma_wait3A_1122] : memref<10240x128xf32, #tpu.memory_space<vmem_shared>> -> memref<128x128xf32, #tpu.memory_space<vmem_shared>>
        %dma_wait3A_1124 = arith.constant 0 : i32
        %dma_wait3A_1125 = arith.constant 0 : i32
        %dma_wait3A_1126 = tpu.memref_slice %arg11[%dma_wait3A_1124, %dma_wait3A_1125] : memref<10240x128xf32, #tpu.memory_space<vmem_shared>> -> memref<128x128xf32, #tpu.memory_space<vmem_shared>>
        tpu.wait_dma2 semaphore(%arg15 : memref<!tpu.dma_semaphore, #tpu.memory_space<semaphore_mem>>) src(%arg10 : memref<128x128xf32, #tpu.memory_space<vmem>>) dst(%dma_wait3A_1126 : memref<128x128xf32, #tpu.memory_space<vmem_shared>>)
      } else {
      }
      %dma_wait3A_402 = arith.constant 0 : i32
      %dma_wait3A_403 = arith.constant 0 : i32
      %dma_wait3A_404 = arith.constant 1 : i32
      %dma_wait3A_405 = arith.constant 0 : i32
      %dma_wait3A_406 = arith.constant 0 : i32
      %dma_wait3A_407 = tpu.memref_slice %arg6[%dma_wait3A_404, %dma_wait3A_405, %dma_wait3A_406] : memref<4x2x128xi32, #tpu.memory_space<vmem>> -> memref<1x1x128xi32, #tpu.memory_space<vmem>>
      %dma_wait3A_408 = tpu.memref_squeeze %dma_wait3A_407 : memref<1x1x128xi32, #tpu.memory_space<vmem>> -> memref<128xi32, #tpu.memory_space<vmem>>
      %dma_wait3A_409 = arith.constant 0 : i32
      %dma_wait3A_410 = tpu.memref_slice %arg2[%dma_wait3A_402, %dma_wait3A_403, %dma_wait3A_409] : memref<2x2564x128xi32, #tpu.memory_space<hbm>> -> memref<1x1x128xi32, #tpu.memory_space<hbm>>
      %dma_wait3A_411 = tpu.memref_squeeze %dma_wait3A_410 : memref<1x1x128xi32, #tpu.memory_space<hbm>> -> memref<128xi32, #tpu.memory_space<hbm>>
      %dma_wait3A_412 = arith.constant 0 : i32
      %dma_wait3A_413 = tpu.memref_slice %arg6[%dma_wait3A_404, %dma_wait3A_405, %dma_wait3A_412] : memref<4x2x128xi32, #tpu.memory_space<vmem>> -> memref<1x1x128xi32, #tpu.memory_space<vmem>>
      %dma_wait3A_414 = tpu.memref_squeeze %dma_wait3A_413 : memref<1x1x128xi32, #tpu.memory_space<vmem>> -> memref<128xi32, #tpu.memory_space<vmem>>
      %dma_wait3A_415 = arith.constant 0 : i32
      %dma_wait3A_416 = tpu.memref_slice %arg2[%dma_wait3A_402, %dma_wait3A_403, %dma_wait3A_415] : memref<2x2564x128xi32, #tpu.memory_space<hbm>> -> memref<1x1x128xi32, #tpu.memory_space<hbm>>
      %dma_wait3A_417 = tpu.memref_squeeze %dma_wait3A_416 : memref<1x1x128xi32, #tpu.memory_space<hbm>> -> memref<128xi32, #tpu.memory_space<hbm>>
      tpu.wait_dma2 semaphore(%arg17 : memref<!tpu.dma_semaphore, #tpu.memory_space<semaphore_mem>>) src(%dma_wait3A_417 : memref<128xi32, #tpu.memory_space<hbm>>) dst(%dma_wait3A_414 : memref<128xi32, #tpu.memory_space<vmem>>)
      %dma_wait3A_418 = arith.constant 0 : i32
      %dma_wait3A_419 = arith.constant 0 : i32
      %dma_wait3A_420 = arith.constant 1 : i32
      %dma_wait3A_421 = arith.constant 1 : i32
      %dma_wait3A_422 = arith.constant 0 : i32
      %dma_wait3A_423 = tpu.memref_slice %arg6[%dma_wait3A_420, %dma_wait3A_421, %dma_wait3A_422] : memref<4x2x128xi32, #tpu.memory_space<vmem>> -> memref<1x1x128xi32, #tpu.memory_space<vmem>>
      %dma_wait3A_424 = tpu.memref_squeeze %dma_wait3A_423 : memref<1x1x128xi32, #tpu.memory_space<vmem>> -> memref<128xi32, #tpu.memory_space<vmem>>
      %dma_wait3A_425 = arith.constant 0 : i32
      %dma_wait3A_426 = tpu.memref_slice %arg2[%dma_wait3A_418, %dma_wait3A_419, %dma_wait3A_425] : memref<2x2564x128xi32, #tpu.memory_space<hbm>> -> memref<1x1x128xi32, #tpu.memory_space<hbm>>
      %dma_wait3A_427 = tpu.memref_squeeze %dma_wait3A_426 : memref<1x1x128xi32, #tpu.memory_space<hbm>> -> memref<128xi32, #tpu.memory_space<hbm>>
      %dma_wait3A_428 = arith.constant 0 : i32
      %dma_wait3A_429 = tpu.memref_slice %arg6[%dma_wait3A_420, %dma_wait3A_421, %dma_wait3A_428] : memref<4x2x128xi32, #tpu.memory_space<vmem>> -> memref<1x1x128xi32, #tpu.memory_space<vmem>>
      %dma_wait3A_430 = tpu.memref_squeeze %dma_wait3A_429 : memref<1x1x128xi32, #tpu.memory_space<vmem>> -> memref<128xi32, #tpu.memory_space<vmem>>
      %dma_wait3A_431 = arith.constant 0 : i32
      %dma_wait3A_432 = tpu.memref_slice %arg2[%dma_wait3A_418, %dma_wait3A_419, %dma_wait3A_431] : memref<2x2564x128xi32, #tpu.memory_space<hbm>> -> memref<1x1x128xi32, #tpu.memory_space<hbm>>
      %dma_wait3A_433 = tpu.memref_squeeze %dma_wait3A_432 : memref<1x1x128xi32, #tpu.memory_space<hbm>> -> memref<128xi32, #tpu.memory_space<hbm>>
      tpu.wait_dma2 semaphore(%arg17 : memref<!tpu.dma_semaphore, #tpu.memory_space<semaphore_mem>>) src(%dma_wait3A_433 : memref<128xi32, #tpu.memory_space<hbm>>) dst(%dma_wait3A_430 : memref<128xi32, #tpu.memory_space<vmem>>)
      %dma_start3A_434 = arith.constant 1 : i32
      %dma_start3A_435 = arith.constant 0 : i32
      %dma_start3A_436 = arith.constant 0 : i32
      %dma_start3A_437 = tpu.memref_slice %arg6[%dma_start3A_434, %dma_start3A_435, %dma_start3A_436] : memref<4x2x128xi32, #tpu.memory_space<vmem>> -> memref<1x1x128xi32, #tpu.memory_space<vmem>>
      %dma_start3A_438 = tpu.memref_squeeze %dma_start3A_437 : memref<1x1x128xi32, #tpu.memory_space<vmem>> -> memref<128xi32, #tpu.memory_space<vmem>>
      %dma_start3A_439 = arith.constant 0 : i32
      %dma_start3A_440 = arith.constant 0 : i32
      %dma_start3A_441 = tpu.memref_slice %arg4[%dma_start3A_439, %dma_start3A_440] : memref<10240x128xf32, #tpu.memory_space<hbm>> -> memref<10240x128xf32, #tpu.memory_space<hbm>>
      tpu.enqueue_indirect_dma source(%dma_start3A_441 : memref<10240x128xf32, #tpu.memory_space<hbm>>) target(%arg10 : memref<128x128xf32, #tpu.memory_space<vmem>>) offsets(%dma_start3A_438 : memref<128xi32, #tpu.memory_space<vmem>>) semaphore(%arg13 : memref<!tpu.dma_semaphore, #tpu.memory_space<semaphore_mem>>)
      %dma_wait3A_442 = arith.constant 0 : i32
      %dma_wait3A_443 = arith.constant 0 : i32
      %dma_wait3A_444 = tpu.memref_slice %arg4[%dma_wait3A_442, %dma_wait3A_443] : memref<10240x128xf32, #tpu.memory_space<hbm>> -> memref<128x128xf32, #tpu.memory_space<hbm>>
      %dma_wait3A_445 = arith.constant 0 : i32
      %dma_wait3A_446 = arith.constant 0 : i32
      %dma_wait3A_447 = tpu.memref_slice %arg4[%dma_wait3A_445, %dma_wait3A_446] : memref<10240x128xf32, #tpu.memory_space<hbm>> -> memref<128x128xf32, #tpu.memory_space<hbm>>
      tpu.wait_dma2 semaphore(%arg12 : memref<!tpu.dma_semaphore, #tpu.memory_space<semaphore_mem>>) src(%dma_wait3A_447 : memref<128x128xf32, #tpu.memory_space<hbm>>) dst(%arg9 : memref<128x128xf32, #tpu.memory_space<vmem>>)
      %get3A = arith.constant 0 : i32
      %get3A_448 = arith.constant 1 : i32
      %get3A_449 = arith.index_cast %get3A : i32 to index
      %get3A_450 = arith.index_cast %get3A_448 : i32 to index
      %get3A_451 = arith.constant 0 : index
      %get3A_452 = tpu.vector_load %arg6[%get3A_449, %get3A_450, %get3A_451] {strides = array<i32>} : memref<4x2x128xi32, #tpu.memory_space<vmem>>, vector<16xi32>,
      %swap3A = arith.constant 0 : i32
      %swap3A_453 = arith.index_cast %swap3A : i32 to index
      %swap3A_454 = arith.constant 0 : index
      %swap3A_455 = tpu.vector_load %arg8[%swap3A_453, %swap3A_454] {strides = array<i32>} : memref<2x128xi32, #tpu.memory_space<vmem>>, vector<16xi32>,
      tpu.vector_store %arg8[%swap3A_453, %swap3A_454], %get3A_452 {strides = array<i32>} : memref<2x128xi32, #tpu.memory_space<vmem>>, vector<16xi32>,
      %get3A_456 = arith.constant 0 : i32
      %get3A_457 = arith.constant 1 : i32
      %get3A_458 = arith.index_cast %get3A_456 : i32 to index
      %get3A_459 = arith.index_cast %get3A_457 : i32 to index
      %get3A_460 = arith.constant 16 : index
      %get3A_461 = tpu.vector_load %arg6[%get3A_458, %get3A_459, %get3A_460] {strides = array<i32>} : memref<4x2x128xi32, #tpu.memory_space<vmem>>, vector<16xi32>,
      %swap3A_462 = arith.constant 0 : i32
      %swap3A_463 = arith.index_cast %swap3A_462 : i32 to index
      %swap3A_464 = arith.constant 16 : index
      %swap3A_465 = tpu.vector_load %arg8[%swap3A_463, %swap3A_464] {strides = array<i32>} : memref<2x128xi32, #tpu.memory_space<vmem>>, vector<16xi32>,
      tpu.vector_store %arg8[%swap3A_463, %swap3A_464], %get3A_461 {strides = array<i32>} : memref<2x128xi32, #tpu.memory_space<vmem>>, vector<16xi32>,
      %get3A_466 = arith.constant 0 : i32
      %get3A_467 = arith.constant 1 : i32
      %get3A_468 = arith.index_cast %get3A_466 : i32 to index
      %get3A_469 = arith.index_cast %get3A_467 : i32 to index
      %get3A_470 = arith.constant 32 : index
      %get3A_471 = tpu.vector_load %arg6[%get3A_468, %get3A_469, %get3A_470] {strides = array<i32>} : memref<4x2x128xi32, #tpu.memory_space<vmem>>, vector<16xi32>,
      %swap3A_472 = arith.constant 0 : i32
      %swap3A_473 = arith.index_cast %swap3A_472 : i32 to index
      %swap3A_474 = arith.constant 32 : index
      %swap3A_475 = tpu.vector_load %arg8[%swap3A_473, %swap3A_474] {strides = array<i32>} : memref<2x128xi32, #tpu.memory_space<vmem>>, vector<16xi32>,
      tpu.vector_store %arg8[%swap3A_473, %swap3A_474], %get3A_471 {strides = array<i32>} : memref<2x128xi32, #tpu.memory_space<vmem>>, vector<16xi32>,
      %get3A_476 = arith.constant 0 : i32
      %get3A_477 = arith.constant 1 : i32
      %get3A_478 = arith.index_cast %get3A_476 : i32 to index
      %get3A_479 = arith.index_cast %get3A_477 : i32 to index
      %get3A_480 = arith.constant 48 : index
      %get3A_481 = tpu.vector_load %arg6[%get3A_478, %get3A_479, %get3A_480] {strides = array<i32>} : memref<4x2x128xi32, #tpu.memory_space<vmem>>, vector<16xi32>,
      %swap3A_482 = arith.constant 0 : i32
      %swap3A_483 = arith.index_cast %swap3A_482 : i32 to index
      %swap3A_484 = arith.constant 48 : index
      %swap3A_485 = tpu.vector_load %arg8[%swap3A_483, %swap3A_484] {strides = array<i32>} : memref<2x128xi32, #tpu.memory_space<vmem>>, vector<16xi32>,
      tpu.vector_store %arg8[%swap3A_483, %swap3A_484], %get3A_481 {strides = array<i32>} : memref<2x128xi32, #tpu.memory_space<vmem>>, vector<16xi32>,
      %get3A_486 = arith.constant 0 : i32
      %get3A_487 = arith.constant 1 : i32
      %get3A_488 = arith.index_cast %get3A_486 : i32 to index
      %get3A_489 = arith.index_cast %get3A_487 : i32 to index
      %get3A_490 = arith.constant 64 : index
      %get3A_491 = tpu.vector_load %arg6[%get3A_488, %get3A_489, %get3A_490] {strides = array<i32>} : memref<4x2x128xi32, #tpu.memory_space<vmem>>, vector<16xi32>,
      %swap3A_492 = arith.constant 0 : i32
      %swap3A_493 = arith.index_cast %swap3A_492 : i32 to index
      %swap3A_494 = arith.constant 64 : index
      %swap3A_495 = tpu.vector_load %arg8[%swap3A_493, %swap3A_494] {strides = array<i32>} : memref<2x128xi32, #tpu.memory_space<vmem>>, vector<16xi32>,
      tpu.vector_store %arg8[%swap3A_493, %swap3A_494], %get3A_491 {strides = array<i32>} : memref<2x128xi32, #tpu.memory_space<vmem>>, vector<16xi32>,
      %get3A_496 = arith.constant 0 : i32
      %get3A_497 = arith.constant 1 : i32
      %get3A_498 = arith.index_cast %get3A_496 : i32 to index
      %get3A_499 = arith.index_cast %get3A_497 : i32 to index
      %get3A_500 = arith.constant 80 : index
      %get3A_501 = tpu.vector_load %arg6[%get3A_498, %get3A_499, %get3A_500] {strides = array<i32>} : memref<4x2x128xi32, #tpu.memory_space<vmem>>, vector<16xi32>,
      %swap3A_502 = arith.constant 0 : i32
      %swap3A_503 = arith.index_cast %swap3A_502 : i32 to index
      %swap3A_504 = arith.constant 80 : index
      %swap3A_505 = tpu.vector_load %arg8[%swap3A_503, %swap3A_504] {strides = array<i32>} : memref<2x128xi32, #tpu.memory_space<vmem>>, vector<16xi32>,
      tpu.vector_store %arg8[%swap3A_503, %swap3A_504], %get3A_501 {strides = array<i32>} : memref<2x128xi32, #tpu.memory_space<vmem>>, vector<16xi32>,
      %get3A_506 = arith.constant 0 : i32
      %get3A_507 = arith.constant 1 : i32
      %get3A_508 = arith.index_cast %get3A_506 : i32 to index
      %get3A_509 = arith.index_cast %get3A_507 : i32 to index
      %get3A_510 = arith.constant 96 : index
      %get3A_511 = tpu.vector_load %arg6[%get3A_508, %get3A_509, %get3A_510] {strides = array<i32>} : memref<4x2x128xi32, #tpu.memory_space<vmem>>, vector<16xi32>,
      %swap3A_512 = arith.constant 0 : i32
      %swap3A_513 = arith.index_cast %swap3A_512 : i32 to index
      %swap3A_514 = arith.constant 96 : index
      %swap3A_515 = tpu.vector_load %arg8[%swap3A_513, %swap3A_514] {strides = array<i32>} : memref<2x128xi32, #tpu.memory_space<vmem>>, vector<16xi32>,
      tpu.vector_store %arg8[%swap3A_513, %swap3A_514], %get3A_511 {strides = array<i32>} : memref<2x128xi32, #tpu.memory_space<vmem>>, vector<16xi32>,
      %get3A_516 = arith.constant 0 : i32
      %get3A_517 = arith.constant 1 : i32
      %get3A_518 = arith.index_cast %get3A_516 : i32 to index
      %get3A_519 = arith.index_cast %get3A_517 : i32 to index
      %get3A_520 = arith.constant 112 : index
      %get3A_521 = tpu.vector_load %arg6[%get3A_518, %get3A_519, %get3A_520] {strides = array<i32>} : memref<4x2x128xi32, #tpu.memory_space<vmem>>, vector<16xi32>,
      %swap3A_522 = arith.constant 0 : i32
      %swap3A_523 = arith.index_cast %swap3A_522 : i32 to index
      %swap3A_524 = arith.constant 112 : index
      %swap3A_525 = tpu.vector_load %arg8[%swap3A_523, %swap3A_524] {strides = array<i32>} : memref<2x128xi32, #tpu.memory_space<vmem>>, vector<16xi32>,
      tpu.vector_store %arg8[%swap3A_523, %swap3A_524], %get3A_521 {strides = array<i32>} : memref<2x128xi32, #tpu.memory_space<vmem>>, vector<16xi32>,
      %add3A_526 = arith.constant 4 : i32
      %add3A_527 = arith.addi %add3A_399, %add3A_526 : i32
      %mul3A_528 = arith.constant 80 : i32
      %mul3A_529 = arith.muli %add3A, %mul3A_528 : i32
      %add3A_530 = arith.addi %mul3A_529, %add3A_527 : i32
      %dma_start3A_531 = arith.constant 0 : i32
      %dma_start3A_532 = arith.constant 0 : i32
      %dma_start3A_533 = arith.constant 0 : i32
      %dma_start3A_534 = arith.constant 0 : i32
      %dma_start3A_535 = tpu.memref_slice %arg6[%dma_start3A_532, %dma_start3A_533, %dma_start3A_534] : memref<4x2x128xi32, #tpu.memory_space<vmem>> -> memref<1x1x128xi32, #tpu.memory_space<vmem>>
      %dma_start3A_536 = tpu.memref_squeeze %dma_start3A_535 : memref<1x1x128xi32, #tpu.memory_space<vmem>> -> memref<128xi32, #tpu.memory_space<vmem>>
      %dma_start3A_537 = arith.constant 0 : i32
      %dma_start3A_538 = tpu.memref_slice %arg2[%dma_start3A_531, %add3A_530, %dma_start3A_537] : memref<2x2564x128xi32, #tpu.memory_space<hbm>> -> memref<1x1x128xi32, #tpu.memory_space<hbm>>
      %dma_start3A_539 = tpu.memref_squeeze %dma_start3A_538 : memref<1x1x128xi32, #tpu.memory_space<hbm>> -> memref<128xi32, #tpu.memory_space<hbm>>
      %dma_start3A_540 = arith.constant 0 : i32
      %dma_start3A_541 = tpu.memref_slice %arg6[%dma_start3A_532, %dma_start3A_533, %dma_start3A_540] : memref<4x2x128xi32, #tpu.memory_space<vmem>> -> memref<1x1x128xi32, #tpu.memory_space<vmem>>
      %dma_start3A_542 = tpu.memref_squeeze %dma_start3A_541 : memref<1x1x128xi32, #tpu.memory_space<vmem>> -> memref<128xi32, #tpu.memory_space<vmem>>
      %dma_start3A_543 = arith.constant 0 : i32
      %dma_start3A_544 = tpu.memref_slice %arg2[%dma_start3A_531, %add3A_530, %dma_start3A_543] : memref<2x2564x128xi32, #tpu.memory_space<hbm>> -> memref<1x1x128xi32, #tpu.memory_space<hbm>>
      %dma_start3A_545 = tpu.memref_squeeze %dma_start3A_544 : memref<1x1x128xi32, #tpu.memory_space<hbm>> -> memref<128xi32, #tpu.memory_space<hbm>>
      tpu.enqueue_dma source(%dma_start3A_545 : memref<128xi32, #tpu.memory_space<hbm>>) target(%dma_start3A_542 : memref<128xi32, #tpu.memory_space<vmem>>) target_semaphore(%arg16 : memref<!tpu.dma_semaphore, #tpu.memory_space<semaphore_mem>>)
      %dma_start3A_546 = arith.constant 1 : i32
      %dma_start3A_547 = arith.constant 0 : i32
      %dma_start3A_548 = arith.constant 1 : i32
      %dma_start3A_549 = arith.constant 0 : i32
      %dma_start3A_550 = tpu.memref_slice %arg6[%dma_start3A_547, %dma_start3A_548, %dma_start3A_549] : memref<4x2x128xi32, #tpu.memory_space<vmem>> -> memref<1x1x128xi32, #tpu.memory_space<vmem>>
      %dma_start3A_551 = tpu.memref_squeeze %dma_start3A_550 : memref<1x1x128xi32, #tpu.memory_space<vmem>> -> memref<128xi32, #tpu.memory_space<vmem>>
      %dma_start3A_552 = arith.constant 0 : i32
      %dma_start3A_553 = tpu.memref_slice %arg2[%dma_start3A_546, %add3A_530, %dma_start3A_552] : memref<2x2564x128xi32, #tpu.memory_space<hbm>> -> memref<1x1x128xi32, #tpu.memory_space<hbm>>
      %dma_start3A_554 = tpu.memref_squeeze %dma_start3A_553 : memref<1x1x128xi32, #tpu.memory_space<hbm>> -> memref<128xi32, #tpu.memory_space<hbm>>
      %dma_start3A_555 = arith.constant 0 : i32
      %dma_start3A_556 = tpu.memref_slice %arg6[%dma_start3A_547, %dma_start3A_548, %dma_start3A_555] : memref<4x2x128xi32, #tpu.memory_space<vmem>> -> memref<1x1x128xi32, #tpu.memory_space<vmem>>
      %dma_start3A_557 = tpu.memref_squeeze %dma_start3A_556 : memref<1x1x128xi32, #tpu.memory_space<vmem>> -> memref<128xi32, #tpu.memory_space<vmem>>
      %dma_start3A_558 = arith.constant 0 : i32
      %dma_start3A_559 = tpu.memref_slice %arg2[%dma_start3A_546, %add3A_530, %dma_start3A_558] : memref<2x2564x128xi32, #tpu.memory_space<hbm>> -> memref<1x1x128xi32, #tpu.memory_space<hbm>>
      %dma_start3A_560 = tpu.memref_squeeze %dma_start3A_559 : memref<1x1x128xi32, #tpu.memory_space<hbm>> -> memref<128xi32, #tpu.memory_space<hbm>>
      tpu.enqueue_dma source(%dma_start3A_560 : memref<128xi32, #tpu.memory_space<hbm>>) target(%dma_start3A_557 : memref<128xi32, #tpu.memory_space<vmem>>) target_semaphore(%arg16 : memref<!tpu.dma_semaphore, #tpu.memory_space<semaphore_mem>>)
      %mul3A_561 = arith.constant 128 : i32
      %mul3A_562 = arith.muli %add3A_399, %mul3A_561 : i32
      %parallel_loop3A = arith.constant 0 : i32
      %parallel_loop3A_563 = arith.constant 128 : i32
      %parallel_loop3A_564 = arith.constant 1 : i32
      scf.for %parallel_loop3A_1121 = %parallel_loop3A to %parallel_loop3A_563 step %parallel_loop3A_564  : i32 {
        %parallel_loop3A_1122 = arith.addi %mul3A_562, %parallel_loop3A_1121 : i32
        %parallel_loop3A_1123 = vector.broadcast %parallel_loop3A_1122 : i32 to vector<16xi32>
        %parallel_loop3A_1124 = tpu.vector_load_idx %arg7[%parallel_loop3A_1123] : memref<10752xf32, #tpu.memory_space<vmem>>[vector<16xi32>], vector<16xf32>,
        %parallel_loop3A_1125 = arith.index_cast %parallel_loop3A_1121 : i32 to index
        %parallel_loop3A_1126 = arith.constant 0 : index
        %parallel_loop3A_1127 = tpu.vector_load %arg9[%parallel_loop3A_1125, %parallel_loop3A_1126] {strides = array<i32>} : memref<128x128xf32, #tpu.memory_space<vmem>>, vector<16xf32>,
        %parallel_loop3A_1128 = arith.mulf %parallel_loop3A_1127, %parallel_loop3A_1124 : vector<16xf32>
        %parallel_loop3A_1129 = arith.index_cast %parallel_loop3A_1121 : i32 to index
        %parallel_loop3A_1130 = arith.constant 0 : index
        %parallel_loop3A_1131 = tpu.vector_load %arg9[%parallel_loop3A_1129, %parallel_loop3A_1130] {strides = array<i32>} : memref<128x128xf32, #tpu.memory_space<vmem>>, vector<16xf32>,
        tpu.vector_store %arg9[%parallel_loop3A_1129, %parallel_loop3A_1130], %parallel_loop3A_1128 {strides = array<i32>} : memref<128x128xf32, #tpu.memory_space<vmem>>, vector<16xf32>,
        %parallel_loop3A_1132 = arith.index_cast %parallel_loop3A_1121 : i32 to index
        %parallel_loop3A_1133 = arith.constant 16 : index
        %parallel_loop3A_1134 = tpu.vector_load %arg9[%parallel_loop3A_1132, %parallel_loop3A_1133] {strides = array<i32>} : memref<128x128xf32, #tpu.memory_space<vmem>>, vector<16xf32>,
        %parallel_loop3A_1135 = arith.mulf %parallel_loop3A_1134, %parallel_loop3A_1124 : vector<16xf32>
        %parallel_loop3A_1136 = arith.index_cast %parallel_loop3A_1121 : i32 to index
        %parallel_loop3A_1137 = arith.constant 16 : index
        %parallel_loop3A_1138 = tpu.vector_load %arg9[%parallel_loop3A_1136, %parallel_loop3A_1137] {strides = array<i32>} : memref<128x128xf32, #tpu.memory_space<vmem>>, vector<16xf32>,
        tpu.vector_store %arg9[%parallel_loop3A_1136, %parallel_loop3A_1137], %parallel_loop3A_1135 {strides = array<i32>} : memref<128x128xf32, #tpu.memory_space<vmem>>, vector<16xf32>,
        %parallel_loop3A_1139 = arith.index_cast %parallel_loop3A_1121 : i32 to index
        %parallel_loop3A_1140 = arith.constant 32 : index
        %parallel_loop3A_1141 = tpu.vector_load %arg9[%parallel_loop3A_1139, %parallel_loop3A_1140] {strides = array<i32>} : memref<128x128xf32, #tpu.memory_space<vmem>>, vector<16xf32>,
        %parallel_loop3A_1142 = arith.mulf %parallel_loop3A_1141, %parallel_loop3A_1124 : vector<16xf32>
        %parallel_loop3A_1143 = arith.index_cast %parallel_loop3A_1121 : i32 to index
        %parallel_loop3A_1144 = arith.constant 32 : index
        %parallel_loop3A_1145 = tpu.vector_load %arg9[%parallel_loop3A_1143, %parallel_loop3A_1144] {strides = array<i32>} : memref<128x128xf32, #tpu.memory_space<vmem>>, vector<16xf32>,
        tpu.vector_store %arg9[%parallel_loop3A_1143, %parallel_loop3A_1144], %parallel_loop3A_1142 {strides = array<i32>} : memref<128x128xf32, #tpu.memory_space<vmem>>, vector<16xf32>,
        %parallel_loop3A_1146 = arith.index_cast %parallel_loop3A_1121 : i32 to index
        %parallel_loop3A_1147 = arith.constant 48 : index
        %parallel_loop3A_1148 = tpu.vector_load %arg9[%parallel_loop3A_1146, %parallel_loop3A_1147] {strides = array<i32>} : memref<128x128xf32, #tpu.memory_space<vmem>>, vector<16xf32>,
        %parallel_loop3A_1149 = arith.mulf %parallel_loop3A_1148, %parallel_loop3A_1124 : vector<16xf32>
        %parallel_loop3A_1150 = arith.index_cast %parallel_loop3A_1121 : i32 to index
        %parallel_loop3A_1151 = arith.constant 48 : index
        %parallel_loop3A_1152 = tpu.vector_load %arg9[%parallel_loop3A_1150, %parallel_loop3A_1151] {strides = array<i32>} : memref<128x128xf32, #tpu.memory_space<vmem>>, vector<16xf32>,
        tpu.vector_store %arg9[%parallel_loop3A_1150, %parallel_loop3A_1151], %parallel_loop3A_1149 {strides = array<i32>} : memref<128x128xf32, #tpu.memory_space<vmem>>, vector<16xf32>,
        %parallel_loop3A_1153 = arith.index_cast %parallel_loop3A_1121 : i32 to index
        %parallel_loop3A_1154 = arith.constant 64 : index
        %parallel_loop3A_1155 = tpu.vector_load %arg9[%parallel_loop3A_1153, %parallel_loop3A_1154] {strides = array<i32>} : memref<128x128xf32, #tpu.memory_space<vmem>>, vector<16xf32>,
        %parallel_loop3A_1156 = arith.mulf %parallel_loop3A_1155, %parallel_loop3A_1124 : vector<16xf32>
        %parallel_loop3A_1157 = arith.index_cast %parallel_loop3A_1121 : i32 to index
        %parallel_loop3A_1158 = arith.constant 64 : index
        %parallel_loop3A_1159 = tpu.vector_load %arg9[%parallel_loop3A_1157, %parallel_loop3A_1158] {strides = array<i32>} : memref<128x128xf32, #tpu.memory_space<vmem>>, vector<16xf32>,
        tpu.vector_store %arg9[%parallel_loop3A_1157, %parallel_loop3A_1158], %parallel_loop3A_1156 {strides = array<i32>} : memref<128x128xf32, #tpu.memory_space<vmem>>, vector<16xf32>,
        %parallel_loop3A_1160 = arith.index_cast %parallel_loop3A_1121 : i32 to index
        %parallel_loop3A_1161 = arith.constant 80 : index
        %parallel_loop3A_1162 = tpu.vector_load %arg9[%parallel_loop3A_1160, %parallel_loop3A_1161] {strides = array<i32>} : memref<128x128xf32, #tpu.memory_space<vmem>>, vector<16xf32>,
        %parallel_loop3A_1163 = arith.mulf %parallel_loop3A_1162, %parallel_loop3A_1124 : vector<16xf32>
        %parallel_loop3A_1164 = arith.index_cast %parallel_loop3A_1121 : i32 to index
        %parallel_loop3A_1165 = arith.constant 80 : index
        %parallel_loop3A_1166 = tpu.vector_load %arg9[%parallel_loop3A_1164, %parallel_loop3A_1165] {strides = array<i32>} : memref<128x128xf32, #tpu.memory_space<vmem>>, vector<16xf32>,
        tpu.vector_store %arg9[%parallel_loop3A_1164, %parallel_loop3A_1165], %parallel_loop3A_1163 {strides = array<i32>} : memref<128x128xf32, #tpu.memory_space<vmem>>, vector<16xf32>,
        %parallel_loop3A_1167 = arith.index_cast %parallel_loop3A_1121 : i32 to index
        %parallel_loop3A_1168 = arith.constant 96 : index
        %parallel_loop3A_1169 = tpu.vector_load %arg9[%parallel_loop3A_1167, %parallel_loop3A_1168] {strides = array<i32>} : memref<128x128xf32, #tpu.memory_space<vmem>>, vector<16xf32>,
        %parallel_loop3A_1170 = arith.mulf %parallel_loop3A_1169, %parallel_loop3A_1124 : vector<16xf32>
        %parallel_loop3A_1171 = arith.index_cast %parallel_loop3A_1121 : i32 to index
        %parallel_loop3A_1172 = arith.constant 96 : index
        %parallel_loop3A_1173 = tpu.vector_load %arg9[%parallel_loop3A_1171, %parallel_loop3A_1172] {strides = array<i32>} : memref<128x128xf32, #tpu.memory_space<vmem>>, vector<16xf32>,
        tpu.vector_store %arg9[%parallel_loop3A_1171, %parallel_loop3A_1172], %parallel_loop3A_1170 {strides = array<i32>} : memref<128x128xf32, #tpu.memory_space<vmem>>, vector<16xf32>,
        %parallel_loop3A_1174 = arith.index_cast %parallel_loop3A_1121 : i32 to index
        %parallel_loop3A_1175 = arith.constant 112 : index
        %parallel_loop3A_1176 = tpu.vector_load %arg9[%parallel_loop3A_1174, %parallel_loop3A_1175] {strides = array<i32>} : memref<128x128xf32, #tpu.memory_space<vmem>>, vector<16xf32>,
        %parallel_loop3A_1177 = arith.mulf %parallel_loop3A_1176, %parallel_loop3A_1124 : vector<16xf32>
        %parallel_loop3A_1178 = arith.index_cast %parallel_loop3A_1121 : i32 to index
        %parallel_loop3A_1179 = arith.constant 112 : index
        %parallel_loop3A_1180 = tpu.vector_load %arg9[%parallel_loop3A_1178, %parallel_loop3A_1179] {strides = array<i32>} : memref<128x128xf32, #tpu.memory_space<vmem>>, vector<16xf32>,
        tpu.vector_store %arg9[%parallel_loop3A_1178, %parallel_loop3A_1179], %parallel_loop3A_1177 {strides = array<i32>} : memref<128x128xf32, #tpu.memory_space<vmem>>, vector<16xf32>,
      } {sc.loop_unroll_factor = 4 : i64, sc.parallel_access}
      %dma_start3A_565 = arith.constant 0 : i32
      %dma_start3A_566 = arith.constant 0 : i32
      %dma_start3A_567 = tpu.memref_slice %arg8[%dma_start3A_565, %dma_start3A_566] : memref<2x128xi32, #tpu.memory_space<vmem>> -> memref<1x128xi32, #tpu.memory_space<vmem>>
      %dma_start3A_568 = tpu.memref_squeeze %dma_start3A_567 : memref<1x128xi32, #tpu.memory_space<vmem>> -> memref<128xi32, #tpu.memory_space<vmem>>
      %dma_start3A_569 = arith.constant 0 : i32
      %dma_start3A_570 = arith.constant 0 : i32
      %dma_start3A_571 = tpu.memref_slice %arg11[%dma_start3A_569, %dma_start3A_570] : memref<10240x128xf32, #tpu.memory_space<vmem_shared>> -> memref<10240x128xf32, #tpu.memory_space<vmem_shared>>
      tpu.enqueue_indirect_dma source(%arg9 : memref<128x128xf32, #tpu.memory_space<vmem>>) target(%dma_start3A_571 : memref<10240x128xf32, #tpu.memory_space<vmem_shared>>) offsets(%dma_start3A_568 : memref<128xi32, #tpu.memory_space<vmem>>) semaphore(%arg14 : memref<!tpu.dma_semaphore, #tpu.memory_space<semaphore_mem>>) {add = true}
      %mul3A_572 = arith.constant 4 : i32
      %mul3A_573 = arith.muli %mul3A_572, %scan3A_395 : i32
      %add3A_574 = arith.constant 1 : i32
      %add3A_575 = arith.addi %mul3A_573, %add3A_574 : i32
      %dma_wait3A_576 = arith.constant 0 : i32
      %dma_wait3A_577 = arith.constant 0 : i32
      %dma_wait3A_578 = tpu.memref_slice %arg11[%dma_wait3A_576, %dma_wait3A_577] : memref<10240x128xf32, #tpu.memory_space<vmem_shared>> -> memref<128x128xf32, #tpu.memory_space<vmem_shared>>
      %dma_wait3A_579 = arith.constant 0 : i32
      %dma_wait3A_580 = arith.constant 0 : i32
      %dma_wait3A_581 = tpu.memref_slice %arg11[%dma_wait3A_579, %dma_wait3A_580] : memref<10240x128xf32, #tpu.memory_space<vmem_shared>> -> memref<128x128xf32, #tpu.memory_space<vmem_shared>>
      tpu.wait_dma2 semaphore(%arg14 : memref<!tpu.dma_semaphore, #tpu.memory_space<semaphore_mem>>) src(%arg9 : memref<128x128xf32, #tpu.memory_space<vmem>>) dst(%dma_wait3A_581 : memref<128x128xf32, #tpu.memory_space<vmem_shared>>)
      %dma_wait3A_582 = arith.constant 0 : i32
      %dma_wait3A_583 = arith.constant 0 : i32
      %dma_wait3A_584 = arith.constant 2 : i32
      %dma_wait3A_585 = arith.constant 0 : i32
      %dma_wait3A_586 = arith.constant 0 : i32
      %dma_wait3A_587 = tpu.memref_slice %arg6[%dma_wait3A_584, %dma_wait3A_585, %dma_wait3A_586] : memref<4x2x128xi32, #tpu.memory_space<vmem>> -> memref<1x1x128xi32, #tpu.memory_space<vmem>>
      %dma_wait3A_588 = tpu.memref_squeeze %dma_wait3A_587 : memref<1x1x128xi32, #tpu.memory_space<vmem>> -> memref<128xi32, #tpu.memory_space<vmem>>
      %dma_wait3A_589 = arith.constant 0 : i32
      %dma_wait3A_590 = tpu.memref_slice %arg2[%dma_wait3A_582, %dma_wait3A_583, %dma_wait3A_589] : memref<2x2564x128xi32, #tpu.memory_space<hbm>> -> memref<1x1x128xi32, #tpu.memory_space<hbm>>
      %dma_wait3A_591 = tpu.memref_squeeze %dma_wait3A_590 : memref<1x1x128xi32, #tpu.memory_space<hbm>> -> memref<128xi32, #tpu.memory_space<hbm>>
      %dma_wait3A_592 = arith.constant 0 : i32
      %dma_wait3A_593 = tpu.memref_slice %arg6[%dma_wait3A_584, %dma_wait3A_585, %dma_wait3A_592] : memref<4x2x128xi32, #tpu.memory_space<vmem>> -> memref<1x1x128xi32, #tpu.memory_space<vmem>>
      %dma_wait3A_594 = tpu.memref_squeeze %dma_wait3A_593 : memref<1x1x128xi32, #tpu.memory_space<vmem>> -> memref<128xi32, #tpu.memory_space<vmem>>
      %dma_wait3A_595 = arith.constant 0 : i32
      %dma_wait3A_596 = tpu.memref_slice %arg2[%dma_wait3A_582, %dma_wait3A_583, %dma_wait3A_595] : memref<2x2564x128xi32, #tpu.memory_space<hbm>> -> memref<1x1x128xi32, #tpu.memory_space<hbm>>
      %dma_wait3A_597 = tpu.memref_squeeze %dma_wait3A_596 : memref<1x1x128xi32, #tpu.memory_space<hbm>> -> memref<128xi32, #tpu.memory_space<hbm>>
      tpu.wait_dma2 semaphore(%arg18 : memref<!tpu.dma_semaphore, #tpu.memory_space<semaphore_mem>>) src(%dma_wait3A_597 : memref<128xi32, #tpu.memory_space<hbm>>) dst(%dma_wait3A_594 : memref<128xi32, #tpu.memory_space<vmem>>)
      %dma_wait3A_598 = arith.constant 0 : i32
      %dma_wait3A_599 = arith.constant 0 : i32
      %dma_wait3A_600 = arith.constant 2 : i32
      %dma_wait3A_601 = arith.constant 1 : i32
      %dma_wait3A_602 = arith.constant 0 : i32
      %dma_wait3A_603 = tpu.memref_slice %arg6[%dma_wait3A_600, %dma_wait3A_601, %dma_wait3A_602] : memref<4x2x128xi32, #tpu.memory_space<vmem>> -> memref<1x1x128xi32, #tpu.memory_space<vmem>>
      %dma_wait3A_604 = tpu.memref_squeeze %dma_wait3A_603 : memref<1x1x128xi32, #tpu.memory_space<vmem>> -> memref<128xi32, #tpu.memory_space<vmem>>
      %dma_wait3A_605 = arith.constant 0 : i32
      %dma_wait3A_606 = tpu.memref_slice %arg2[%dma_wait3A_598, %dma_wait3A_599, %dma_wait3A_605] : memref<2x2564x128xi32, #tpu.memory_space<hbm>> -> memref<1x1x128xi32, #tpu.memory_space<hbm>>
      %dma_wait3A_607 = tpu.memref_squeeze %dma_wait3A_606 : memref<1x1x128xi32, #tpu.memory_space<hbm>> -> memref<128xi32, #tpu.memory_space<hbm>>
      %dma_wait3A_608 = arith.constant 0 : i32
      %dma_wait3A_609 = tpu.memref_slice %arg6[%dma_wait3A_600, %dma_wait3A_601, %dma_wait3A_608] : memref<4x2x128xi32, #tpu.memory_space<vmem>> -> memref<1x1x128xi32, #tpu.memory_space<vmem>>
      %dma_wait3A_610 = tpu.memref_squeeze %dma_wait3A_609 : memref<1x1x128xi32, #tpu.memory_space<vmem>> -> memref<128xi32, #tpu.memory_space<vmem>>
      %dma_wait3A_611 = arith.constant 0 : i32
      %dma_wait3A_612 = tpu.memref_slice %arg2[%dma_wait3A_598, %dma_wait3A_599, %dma_wait3A_611] : memref<2x2564x128xi32, #tpu.memory_space<hbm>> -> memref<1x1x128xi32, #tpu.memory_space<hbm>>
      %dma_wait3A_613 = tpu.memref_squeeze %dma_wait3A_612 : memref<1x1x128xi32, #tpu.memory_space<hbm>> -> memref<128xi32, #tpu.memory_space<hbm>>
      tpu.wait_dma2 semaphore(%arg18 : memref<!tpu.dma_semaphore, #tpu.memory_space<semaphore_mem>>) src(%dma_wait3A_613 : memref<128xi32, #tpu.memory_space<hbm>>) dst(%dma_wait3A_610 : memref<128xi32, #tpu.memory_space<vmem>>)
      %dma_start3A_614 = arith.constant 2 : i32
      %dma_start3A_615 = arith.constant 0 : i32
      %dma_start3A_616 = arith.constant 0 : i32
      %dma_start3A_617 = tpu.memref_slice %arg6[%dma_start3A_614, %dma_start3A_615, %dma_start3A_616] : memref<4x2x128xi32, #tpu.memory_space<vmem>> -> memref<1x1x128xi32, #tpu.memory_space<vmem>>
      %dma_start3A_618 = tpu.memref_squeeze %dma_start3A_617 : memref<1x1x128xi32, #tpu.memory_space<vmem>> -> memref<128xi32, #tpu.memory_space<vmem>>
      %dma_start3A_619 = arith.constant 0 : i32
      %dma_start3A_620 = arith.constant 0 : i32
      %dma_start3A_621 = tpu.memref_slice %arg4[%dma_start3A_619, %dma_start3A_620] : memref<10240x128xf32, #tpu.memory_space<hbm>> -> memref<10240x128xf32, #tpu.memory_space<hbm>>
      tpu.enqueue_indirect_dma source(%dma_start3A_621 : memref<10240x128xf32, #tpu.memory_space<hbm>>) target(%arg9 : memref<128x128xf32, #tpu.memory_space<vmem>>) offsets(%dma_start3A_618 : memref<128xi32, #tpu.memory_space<vmem>>) semaphore(%arg12 : memref<!tpu.dma_semaphore, #tpu.memory_space<semaphore_mem>>)
      %dma_wait3A_622 = arith.constant 0 : i32
      %dma_wait3A_623 = arith.constant 0 : i32
      %dma_wait3A_624 = tpu.memref_slice %arg4[%dma_wait3A_622, %dma_wait3A_623] : memref<10240x128xf32, #tpu.memory_space<hbm>> -> memref<128x128xf32, #tpu.memory_space<hbm>>
      %dma_wait3A_625 = arith.constant 0 : i32
      %dma_wait3A_626 = arith.constant 0 : i32
      %dma_wait3A_627 = tpu.memref_slice %arg4[%dma_wait3A_625, %dma_wait3A_626] : memref<10240x128xf32, #tpu.memory_space<hbm>> -> memref<128x128xf32, #tpu.memory_space<hbm>>
      tpu.wait_dma2 semaphore(%arg13 : memref<!tpu.dma_semaphore, #tpu.memory_space<semaphore_mem>>) src(%dma_wait3A_627 : memref<128x128xf32, #tpu.memory_space<hbm>>) dst(%arg10 : memref<128x128xf32, #tpu.memory_space<vmem>>)
      %get3A_628 = arith.constant 1 : i32
      %get3A_629 = arith.constant 1 : i32
      %get3A_630 = arith.index_cast %get3A_628 : i32 to index
      %get3A_631 = arith.index_cast %get3A_629 : i32 to index
      %get3A_632 = arith.constant 0 : index
      %get3A_633 = tpu.vector_load %arg6[%get3A_630, %get3A_631, %get3A_632] {strides = array<i32>} : memref<4x2x128xi32, #tpu.memory_space<vmem>>, vector<16xi32>,
      %swap3A_634 = arith.constant 1 : i32
      %swap3A_635 = arith.index_cast %swap3A_634 : i32 to index
      %swap3A_636 = arith.constant 0 : index
      %swap3A_637 = tpu.vector_load %arg8[%swap3A_635, %swap3A_636] {strides = array<i32>} : memref<2x128xi32, #tpu.memory_space<vmem>>, vector<16xi32>,
      tpu.vector_store %arg8[%swap3A_635, %swap3A_636], %get3A_633 {strides = array<i32>} : memref<2x128xi32, #tpu.memory_space<vmem>>, vector<16xi32>,
      %get3A_638 = arith.constant 1 : i32
      %get3A_639 = arith.constant 1 : i32
      %get3A_640 = arith.index_cast %get3A_638 : i32 to index
      %get3A_641 = arith.index_cast %get3A_639 : i32 to index
      %get3A_642 = arith.constant 16 : index
      %get3A_643 = tpu.vector_load %arg6[%get3A_640, %get3A_641, %get3A_642] {strides = array<i32>} : memref<4x2x128xi32, #tpu.memory_space<vmem>>, vector<16xi32>,
      %swap3A_644 = arith.constant 1 : i32
      %swap3A_645 = arith.index_cast %swap3A_644 : i32 to index
      %swap3A_646 = arith.constant 16 : index
      %swap3A_647 = tpu.vector_load %arg8[%swap3A_645, %swap3A_646] {strides = array<i32>} : memref<2x128xi32, #tpu.memory_space<vmem>>, vector<16xi32>,
      tpu.vector_store %arg8[%swap3A_645, %swap3A_646], %get3A_643 {strides = array<i32>} : memref<2x128xi32, #tpu.memory_space<vmem>>, vector<16xi32>,
      %get3A_648 = arith.constant 1 : i32
      %get3A_649 = arith.constant 1 : i32
      %get3A_650 = arith.index_cast %get3A_648 : i32 to index
      %get3A_651 = arith.index_cast %get3A_649 : i32 to index
      %get3A_652 = arith.constant 32 : index
      %get3A_653 = tpu.vector_load %arg6[%get3A_650, %get3A_651, %get3A_652] {strides = array<i32>} : memref<4x2x128xi32, #tpu.memory_space<vmem>>, vector<16xi32>,
      %swap3A_654 = arith.constant 1 : i32
      %swap3A_655 = arith.index_cast %swap3A_654 : i32 to index
      %swap3A_656 = arith.constant 32 : index
      %swap3A_657 = tpu.vector_load %arg8[%swap3A_655, %swap3A_656] {strides = array<i32>} : memref<2x128xi32, #tpu.memory_space<vmem>>, vector<16xi32>,
      tpu.vector_store %arg8[%swap3A_655, %swap3A_656], %get3A_653 {strides = array<i32>} : memref<2x128xi32, #tpu.memory_space<vmem>>, vector<16xi32>,
      %get3A_658 = arith.constant 1 : i32
      %get3A_659 = arith.constant 1 : i32
      %get3A_660 = arith.index_cast %get3A_658 : i32 to index
      %get3A_661 = arith.index_cast %get3A_659 : i32 to index
      %get3A_662 = arith.constant 48 : index
      %get3A_663 = tpu.vector_load %arg6[%get3A_660, %get3A_661, %get3A_662] {strides = array<i32>} : memref<4x2x128xi32, #tpu.memory_space<vmem>>, vector<16xi32>,
      %swap3A_664 = arith.constant 1 : i32
      %swap3A_665 = arith.index_cast %swap3A_664 : i32 to index
      %swap3A_666 = arith.constant 48 : index
      %swap3A_667 = tpu.vector_load %arg8[%swap3A_665, %swap3A_666] {strides = array<i32>} : memref<2x128xi32, #tpu.memory_space<vmem>>, vector<16xi32>,
      tpu.vector_store %arg8[%swap3A_665, %swap3A_666], %get3A_663 {strides = array<i32>} : memref<2x128xi32, #tpu.memory_space<vmem>>, vector<16xi32>,
      %get3A_668 = arith.constant 1 : i32
      %get3A_669 = arith.constant 1 : i32
      %get3A_670 = arith.index_cast %get3A_668 : i32 to index
      %get3A_671 = arith.index_cast %get3A_669 : i32 to index
      %get3A_672 = arith.constant 64 : index
      %get3A_673 = tpu.vector_load %arg6[%get3A_670, %get3A_671, %get3A_672] {strides = array<i32>} : memref<4x2x128xi32, #tpu.memory_space<vmem>>, vector<16xi32>,
      %swap3A_674 = arith.constant 1 : i32
      %swap3A_675 = arith.index_cast %swap3A_674 : i32 to index
      %swap3A_676 = arith.constant 64 : index
      %swap3A_677 = tpu.vector_load %arg8[%swap3A_675, %swap3A_676] {strides = array<i32>} : memref<2x128xi32, #tpu.memory_space<vmem>>, vector<16xi32>,
      tpu.vector_store %arg8[%swap3A_675, %swap3A_676], %get3A_673 {strides = array<i32>} : memref<2x128xi32, #tpu.memory_space<vmem>>, vector<16xi32>,
      %get3A_678 = arith.constant 1 : i32
      %get3A_679 = arith.constant 1 : i32
      %get3A_680 = arith.index_cast %get3A_678 : i32 to index
      %get3A_681 = arith.index_cast %get3A_679 : i32 to index
      %get3A_682 = arith.constant 80 : index
      %get3A_683 = tpu.vector_load %arg6[%get3A_680, %get3A_681, %get3A_682] {strides = array<i32>} : memref<4x2x128xi32, #tpu.memory_space<vmem>>, vector<16xi32>,
      %swap3A_684 = arith.constant 1 : i32
      %swap3A_685 = arith.index_cast %swap3A_684 : i32 to index
      %swap3A_686 = arith.constant 80 : index
      %swap3A_687 = tpu.vector_load %arg8[%swap3A_685, %swap3A_686] {strides = array<i32>} : memref<2x128xi32, #tpu.memory_space<vmem>>, vector<16xi32>,
      tpu.vector_store %arg8[%swap3A_685, %swap3A_686], %get3A_683 {strides = array<i32>} : memref<2x128xi32, #tpu.memory_space<vmem>>, vector<16xi32>,
      %get3A_688 = arith.constant 1 : i32
      %get3A_689 = arith.constant 1 : i32
      %get3A_690 = arith.index_cast %get3A_688 : i32 to index
      %get3A_691 = arith.index_cast %get3A_689 : i32 to index
      %get3A_692 = arith.constant 96 : index
      %get3A_693 = tpu.vector_load %arg6[%get3A_690, %get3A_691, %get3A_692] {strides = array<i32>} : memref<4x2x128xi32, #tpu.memory_space<vmem>>, vector<16xi32>,
      %swap3A_694 = arith.constant 1 : i32
      %swap3A_695 = arith.index_cast %swap3A_694 : i32 to index
      %swap3A_696 = arith.constant 96 : index
      %swap3A_697 = tpu.vector_load %arg8[%swap3A_695, %swap3A_696] {strides = array<i32>} : memref<2x128xi32, #tpu.memory_space<vmem>>, vector<16xi32>,
      tpu.vector_store %arg8[%swap3A_695, %swap3A_696], %get3A_693 {strides = array<i32>} : memref<2x128xi32, #tpu.memory_space<vmem>>, vector<16xi32>,
      %get3A_698 = arith.constant 1 : i32
      %get3A_699 = arith.constant 1 : i32
      %get3A_700 = arith.index_cast %get3A_698 : i32 to index
      %get3A_701 = arith.index_cast %get3A_699 : i32 to index
      %get3A_702 = arith.constant 112 : index
      %get3A_703 = tpu.vector_load %arg6[%get3A_700, %get3A_701, %get3A_702] {strides = array<i32>} : memref<4x2x128xi32, #tpu.memory_space<vmem>>, vector<16xi32>,
      %swap3A_704 = arith.constant 1 : i32
      %swap3A_705 = arith.index_cast %swap3A_704 : i32 to index
      %swap3A_706 = arith.constant 112 : index
      %swap3A_707 = tpu.vector_load %arg8[%swap3A_705, %swap3A_706] {strides = array<i32>} : memref<2x128xi32, #tpu.memory_space<vmem>>, vector<16xi32>,
      tpu.vector_store %arg8[%swap3A_705, %swap3A_706], %get3A_703 {strides = array<i32>} : memref<2x128xi32, #tpu.memory_space<vmem>>, vector<16xi32>,
      %add3A_708 = arith.constant 4 : i32
      %add3A_709 = arith.addi %add3A_575, %add3A_708 : i32
      %mul3A_710 = arith.constant 80 : i32
      %mul3A_711 = arith.muli %add3A, %mul3A_710 : i32
      %add3A_712 = arith.addi %mul3A_711, %add3A_709 : i32
      %dma_start3A_713 = arith.constant 0 : i32
      %dma_start3A_714 = arith.constant 1 : i32
      %dma_start3A_715 = arith.constant 0 : i32
      %dma_start3A_716 = arith.constant 0 : i32
      %dma_start3A_717 = tpu.memref_slice %arg6[%dma_start3A_714, %dma_start3A_715, %dma_start3A_716] : memref<4x2x128xi32, #tpu.memory_space<vmem>> -> memref<1x1x128xi32, #tpu.memory_space<vmem>>
      %dma_start3A_718 = tpu.memref_squeeze %dma_start3A_717 : memref<1x1x128xi32, #tpu.memory_space<vmem>> -> memref<128xi32, #tpu.memory_space<vmem>>
      %dma_start3A_719 = arith.constant 0 : i32
      %dma_start3A_720 = tpu.memref_slice %arg2[%dma_start3A_713, %add3A_712, %dma_start3A_719] : memref<2x2564x128xi32, #tpu.memory_space<hbm>> -> memref<1x1x128xi32, #tpu.memory_space<hbm>>
      %dma_start3A_721 = tpu.memref_squeeze %dma_start3A_720 : memref<1x1x128xi32, #tpu.memory_space<hbm>> -> memref<128xi32, #tpu.memory_space<hbm>>
      %dma_start3A_722 = arith.constant 0 : i32
      %dma_start3A_723 = tpu.memref_slice %arg6[%dma_start3A_714, %dma_start3A_715, %dma_start3A_722] : memref<4x2x128xi32, #tpu.memory_space<vmem>> -> memref<1x1x128xi32, #tpu.memory_space<vmem>>
      %dma_start3A_724 = tpu.memref_squeeze %dma_start3A_723 : memref<1x1x128xi32, #tpu.memory_space<vmem>> -> memref<128xi32, #tpu.memory_space<vmem>>
      %dma_start3A_725 = arith.constant 0 : i32
      %dma_start3A_726 = tpu.memref_slice %arg2[%dma_start3A_713, %add3A_712, %dma_start3A_725] : memref<2x2564x128xi32, #tpu.memory_space<hbm>> -> memref<1x1x128xi32, #tpu.memory_space<hbm>>
      %dma_start3A_727 = tpu.memref_squeeze %dma_start3A_726 : memref<1x1x128xi32, #tpu.memory_space<hbm>> -> memref<128xi32, #tpu.memory_space<hbm>>
      tpu.enqueue_dma source(%dma_start3A_727 : memref<128xi32, #tpu.memory_space<hbm>>) target(%dma_start3A_724 : memref<128xi32, #tpu.memory_space<vmem>>) target_semaphore(%arg17 : memref<!tpu.dma_semaphore, #tpu.memory_space<semaphore_mem>>)
      %dma_start3A_728 = arith.constant 1 : i32
      %dma_start3A_729 = arith.constant 1 : i32
      %dma_start3A_730 = arith.constant 1 : i32
      %dma_start3A_731 = arith.constant 0 : i32
      %dma_start3A_732 = tpu.memref_slice %arg6[%dma_start3A_729, %dma_start3A_730, %dma_start3A_731] : memref<4x2x128xi32, #tpu.memory_space<vmem>> -> memref<1x1x128xi32, #tpu.memory_space<vmem>>
      %dma_start3A_733 = tpu.memref_squeeze %dma_start3A_732 : memref<1x1x128xi32, #tpu.memory_space<vmem>> -> memref<128xi32, #tpu.memory_space<vmem>>
      %dma_start3A_734 = arith.constant 0 : i32
      %dma_start3A_735 = tpu.memref_slice %arg2[%dma_start3A_728, %add3A_712, %dma_start3A_734] : memref<2x2564x128xi32, #tpu.memory_space<hbm>> -> memref<1x1x128xi32, #tpu.memory_space<hbm>>
      %dma_start3A_736 = tpu.memref_squeeze %dma_start3A_735 : memref<1x1x128xi32, #tpu.memory_space<hbm>> -> memref<128xi32, #tpu.memory_space<hbm>>
      %dma_start3A_737 = arith.constant 0 : i32
      %dma_start3A_738 = tpu.memref_slice %arg6[%dma_start3A_729, %dma_start3A_730, %dma_start3A_737] : memref<4x2x128xi32, #tpu.memory_space<vmem>> -> memref<1x1x128xi32, #tpu.memory_space<vmem>>
      %dma_start3A_739 = tpu.memref_squeeze %dma_start3A_738 : memref<1x1x128xi32, #tpu.memory_space<vmem>> -> memref<128xi32, #tpu.memory_space<vmem>>
      %dma_start3A_740 = arith.constant 0 : i32
      %dma_start3A_741 = tpu.memref_slice %arg2[%dma_start3A_728, %add3A_712, %dma_start3A_740] : memref<2x2564x128xi32, #tpu.memory_space<hbm>> -> memref<1x1x128xi32, #tpu.memory_space<hbm>>
      %dma_start3A_742 = tpu.memref_squeeze %dma_start3A_741 : memref<1x1x128xi32, #tpu.memory_space<hbm>> -> memref<128xi32, #tpu.memory_space<hbm>>
      tpu.enqueue_dma source(%dma_start3A_742 : memref<128xi32, #tpu.memory_space<hbm>>) target(%dma_start3A_739 : memref<128xi32, #tpu.memory_space<vmem>>) target_semaphore(%arg17 : memref<!tpu.dma_semaphore, #tpu.memory_space<semaphore_mem>>)
      %mul3A_743 = arith.constant 128 : i32
      %mul3A_744 = arith.muli %add3A_575, %mul3A_743 : i32
      %parallel_loop3A_745 = arith.constant 0 : i32
      %parallel_loop3A_746 = arith.constant 128 : i32
      %parallel_loop3A_747 = arith.constant 1 : i32
      scf.for %parallel_loop3A_1121 = %parallel_loop3A_745 to %parallel_loop3A_746 step %parallel_loop3A_747  : i32 {
        %parallel_loop3A_1122 = arith.addi %mul3A_744, %parallel_loop3A_1121 : i32
        %parallel_loop3A_1123 = vector.broadcast %parallel_loop3A_1122 : i32 to vector<16xi32>
        %parallel_loop3A_1124 = tpu.vector_load_idx %arg7[%parallel_loop3A_1123] : memref<10752xf32, #tpu.memory_space<vmem>>[vector<16xi32>], vector<16xf32>,
        %parallel_loop3A_1125 = arith.index_cast %parallel_loop3A_1121 : i32 to index
        %parallel_loop3A_1126 = arith.constant 0 : index
        %parallel_loop3A_1127 = tpu.vector_load %arg10[%parallel_loop3A_1125, %parallel_loop3A_1126] {strides = array<i32>} : memref<128x128xf32, #tpu.memory_space<vmem>>, vector<16xf32>,
        %parallel_loop3A_1128 = arith.mulf %parallel_loop3A_1127, %parallel_loop3A_1124 : vector<16xf32>
        %parallel_loop3A_1129 = arith.index_cast %parallel_loop3A_1121 : i32 to index
        %parallel_loop3A_1130 = arith.constant 0 : index
        %parallel_loop3A_1131 = tpu.vector_load %arg10[%parallel_loop3A_1129, %parallel_loop3A_1130] {strides = array<i32>} : memref<128x128xf32, #tpu.memory_space<vmem>>, vector<16xf32>,
        tpu.vector_store %arg10[%parallel_loop3A_1129, %parallel_loop3A_1130], %parallel_loop3A_1128 {strides = array<i32>} : memref<128x128xf32, #tpu.memory_space<vmem>>, vector<16xf32>,
        %parallel_loop3A_1132 = arith.index_cast %parallel_loop3A_1121 : i32 to index
        %parallel_loop3A_1133 = arith.constant 16 : index
        %parallel_loop3A_1134 = tpu.vector_load %arg10[%parallel_loop3A_1132, %parallel_loop3A_1133] {strides = array<i32>} : memref<128x128xf32, #tpu.memory_space<vmem>>, vector<16xf32>,
        %parallel_loop3A_1135 = arith.mulf %parallel_loop3A_1134, %parallel_loop3A_1124 : vector<16xf32>
        %parallel_loop3A_1136 = arith.index_cast %parallel_loop3A_1121 : i32 to index
        %parallel_loop3A_1137 = arith.constant 16 : index
        %parallel_loop3A_1138 = tpu.vector_load %arg10[%parallel_loop3A_1136, %parallel_loop3A_1137] {strides = array<i32>} : memref<128x128xf32, #tpu.memory_space<vmem>>, vector<16xf32>,
        tpu.vector_store %arg10[%parallel_loop3A_1136, %parallel_loop3A_1137], %parallel_loop3A_1135 {strides = array<i32>} : memref<128x128xf32, #tpu.memory_space<vmem>>, vector<16xf32>,
        %parallel_loop3A_1139 = arith.index_cast %parallel_loop3A_1121 : i32 to index
        %parallel_loop3A_1140 = arith.constant 32 : index
        %parallel_loop3A_1141 = tpu.vector_load %arg10[%parallel_loop3A_1139, %parallel_loop3A_1140] {strides = array<i32>} : memref<128x128xf32, #tpu.memory_space<vmem>>, vector<16xf32>,
        %parallel_loop3A_1142 = arith.mulf %parallel_loop3A_1141, %parallel_loop3A_1124 : vector<16xf32>
        %parallel_loop3A_1143 = arith.index_cast %parallel_loop3A_1121 : i32 to index
        %parallel_loop3A_1144 = arith.constant 32 : index
        %parallel_loop3A_1145 = tpu.vector_load %arg10[%parallel_loop3A_1143, %parallel_loop3A_1144] {strides = array<i32>} : memref<128x128xf32, #tpu.memory_space<vmem>>, vector<16xf32>,
        tpu.vector_store %arg10[%parallel_loop3A_1143, %parallel_loop3A_1144], %parallel_loop3A_1142 {strides = array<i32>} : memref<128x128xf32, #tpu.memory_space<vmem>>, vector<16xf32>,
        %parallel_loop3A_1146 = arith.index_cast %parallel_loop3A_1121 : i32 to index
        %parallel_loop3A_1147 = arith.constant 48 : index
        %parallel_loop3A_1148 = tpu.vector_load %arg10[%parallel_loop3A_1146, %parallel_loop3A_1147] {strides = array<i32>} : memref<128x128xf32, #tpu.memory_space<vmem>>, vector<16xf32>,
        %parallel_loop3A_1149 = arith.mulf %parallel_loop3A_1148, %parallel_loop3A_1124 : vector<16xf32>
        %parallel_loop3A_1150 = arith.index_cast %parallel_loop3A_1121 : i32 to index
        %parallel_loop3A_1151 = arith.constant 48 : index
        %parallel_loop3A_1152 = tpu.vector_load %arg10[%parallel_loop3A_1150, %parallel_loop3A_1151] {strides = array<i32>} : memref<128x128xf32, #tpu.memory_space<vmem>>, vector<16xf32>,
        tpu.vector_store %arg10[%parallel_loop3A_1150, %parallel_loop3A_1151], %parallel_loop3A_1149 {strides = array<i32>} : memref<128x128xf32, #tpu.memory_space<vmem>>, vector<16xf32>,
        %parallel_loop3A_1153 = arith.index_cast %parallel_loop3A_1121 : i32 to index
        %parallel_loop3A_1154 = arith.constant 64 : index
        %parallel_loop3A_1155 = tpu.vector_load %arg10[%parallel_loop3A_1153, %parallel_loop3A_1154] {strides = array<i32>} : memref<128x128xf32, #tpu.memory_space<vmem>>, vector<16xf32>,
        %parallel_loop3A_1156 = arith.mulf %parallel_loop3A_1155, %parallel_loop3A_1124 : vector<16xf32>
        %parallel_loop3A_1157 = arith.index_cast %parallel_loop3A_1121 : i32 to index
        %parallel_loop3A_1158 = arith.constant 64 : index
        %parallel_loop3A_1159 = tpu.vector_load %arg10[%parallel_loop3A_1157, %parallel_loop3A_1158] {strides = array<i32>} : memref<128x128xf32, #tpu.memory_space<vmem>>, vector<16xf32>,
        tpu.vector_store %arg10[%parallel_loop3A_1157, %parallel_loop3A_1158], %parallel_loop3A_1156 {strides = array<i32>} : memref<128x128xf32, #tpu.memory_space<vmem>>, vector<16xf32>,
        %parallel_loop3A_1160 = arith.index_cast %parallel_loop3A_1121 : i32 to index
        %parallel_loop3A_1161 = arith.constant 80 : index
        %parallel_loop3A_1162 = tpu.vector_load %arg10[%parallel_loop3A_1160, %parallel_loop3A_1161] {strides = array<i32>} : memref<128x128xf32, #tpu.memory_space<vmem>>, vector<16xf32>,
        %parallel_loop3A_1163 = arith.mulf %parallel_loop3A_1162, %parallel_loop3A_1124 : vector<16xf32>
        %parallel_loop3A_1164 = arith.index_cast %parallel_loop3A_1121 : i32 to index
        %parallel_loop3A_1165 = arith.constant 80 : index
        %parallel_loop3A_1166 = tpu.vector_load %arg10[%parallel_loop3A_1164, %parallel_loop3A_1165] {strides = array<i32>} : memref<128x128xf32, #tpu.memory_space<vmem>>, vector<16xf32>,
        tpu.vector_store %arg10[%parallel_loop3A_1164, %parallel_loop3A_1165], %parallel_loop3A_1163 {strides = array<i32>} : memref<128x128xf32, #tpu.memory_space<vmem>>, vector<16xf32>,
        %parallel_loop3A_1167 = arith.index_cast %parallel_loop3A_1121 : i32 to index
        %parallel_loop3A_1168 = arith.constant 96 : index
        %parallel_loop3A_1169 = tpu.vector_load %arg10[%parallel_loop3A_1167, %parallel_loop3A_1168] {strides = array<i32>} : memref<128x128xf32, #tpu.memory_space<vmem>>, vector<16xf32>,
        %parallel_loop3A_1170 = arith.mulf %parallel_loop3A_1169, %parallel_loop3A_1124 : vector<16xf32>
        %parallel_loop3A_1171 = arith.index_cast %parallel_loop3A_1121 : i32 to index
        %parallel_loop3A_1172 = arith.constant 96 : index
        %parallel_loop3A_1173 = tpu.vector_load %arg10[%parallel_loop3A_1171, %parallel_loop3A_1172] {strides = array<i32>} : memref<128x128xf32, #tpu.memory_space<vmem>>, vector<16xf32>,
        tpu.vector_store %arg10[%parallel_loop3A_1171, %parallel_loop3A_1172], %parallel_loop3A_1170 {strides = array<i32>} : memref<128x128xf32, #tpu.memory_space<vmem>>, vector<16xf32>,
        %parallel_loop3A_1174 = arith.index_cast %parallel_loop3A_1121 : i32 to index
        %parallel_loop3A_1175 = arith.constant 112 : index
        %parallel_loop3A_1176 = tpu.vector_load %arg10[%parallel_loop3A_1174, %parallel_loop3A_1175] {strides = array<i32>} : memref<128x128xf32, #tpu.memory_space<vmem>>, vector<16xf32>,
        %parallel_loop3A_1177 = arith.mulf %parallel_loop3A_1176, %parallel_loop3A_1124 : vector<16xf32>
        %parallel_loop3A_1178 = arith.index_cast %parallel_loop3A_1121 : i32 to index
        %parallel_loop3A_1179 = arith.constant 112 : index
        %parallel_loop3A_1180 = tpu.vector_load %arg10[%parallel_loop3A_1178, %parallel_loop3A_1179] {strides = array<i32>} : memref<128x128xf32, #tpu.memory_space<vmem>>, vector<16xf32>,
        tpu.vector_store %arg10[%parallel_loop3A_1178, %parallel_loop3A_1179], %parallel_loop3A_1177 {strides = array<i32>} : memref<128x128xf32, #tpu.memory_space<vmem>>, vector<16xf32>,
      } {sc.loop_unroll_factor = 4 : i64, sc.parallel_access}
      %dma_start3A_748 = arith.constant 1 : i32
      %dma_start3A_749 = arith.constant 0 : i32
      %dma_start3A_750 = tpu.memref_slice %arg8[%dma_start3A_748, %dma_start3A_749] : memref<2x128xi32, #tpu.memory_space<vmem>> -> memref<1x128xi32, #tpu.memory_space<vmem>>
      %dma_start3A_751 = tpu.memref_squeeze %dma_start3A_750 : memref<1x128xi32, #tpu.memory_space<vmem>> -> memref<128xi32, #tpu.memory_space<vmem>>
      %dma_start3A_752 = arith.constant 0 : i32
      %dma_start3A_753 = arith.constant 0 : i32
      %dma_start3A_754 = tpu.memref_slice %arg11[%dma_start3A_752, %dma_start3A_753] : memref<10240x128xf32, #tpu.memory_space<vmem_shared>> -> memref<10240x128xf32, #tpu.memory_space<vmem_shared>>
      tpu.enqueue_indirect_dma source(%arg10 : memref<128x128xf32, #tpu.memory_space<vmem>>) target(%dma_start3A_754 : memref<10240x128xf32, #tpu.memory_space<vmem_shared>>) offsets(%dma_start3A_751 : memref<128xi32, #tpu.memory_space<vmem>>) semaphore(%arg15 : memref<!tpu.dma_semaphore, #tpu.memory_space<semaphore_mem>>) {add = true}
      %mul3A_755 = arith.constant 4 : i32
      %mul3A_756 = arith.muli %mul3A_755, %scan3A_395 : i32
      %add3A_757 = arith.constant 2 : i32
      %add3A_758 = arith.addi %mul3A_756, %add3A_757 : i32
      %dma_wait3A_759 = arith.constant 0 : i32
      %dma_wait3A_760 = arith.constant 0 : i32
      %dma_wait3A_761 = tpu.memref_slice %arg11[%dma_wait3A_759, %dma_wait3A_760] : memref<10240x128xf32, #tpu.memory_space<vmem_shared>> -> memref<128x128xf32, #tpu.memory_space<vmem_shared>>
      %dma_wait3A_762 = arith.constant 0 : i32
      %dma_wait3A_763 = arith.constant 0 : i32
      %dma_wait3A_764 = tpu.memref_slice %arg11[%dma_wait3A_762, %dma_wait3A_763] : memref<10240x128xf32, #tpu.memory_space<vmem_shared>> -> memref<128x128xf32, #tpu.memory_space<vmem_shared>>
      tpu.wait_dma2 semaphore(%arg15 : memref<!tpu.dma_semaphore, #tpu.memory_space<semaphore_mem>>) src(%arg10 : memref<128x128xf32, #tpu.memory_space<vmem>>) dst(%dma_wait3A_764 : memref<128x128xf32, #tpu.memory_space<vmem_shared>>)
      %dma_wait3A_765 = arith.constant 0 : i32
      %dma_wait3A_766 = arith.constant 0 : i32
      %dma_wait3A_767 = arith.constant 3 : i32
      %dma_wait3A_768 = arith.constant 0 : i32
      %dma_wait3A_769 = arith.constant 0 : i32
      %dma_wait3A_770 = tpu.memref_slice %arg6[%dma_wait3A_767, %dma_wait3A_768, %dma_wait3A_769] : memref<4x2x128xi32, #tpu.memory_space<vmem>> -> memref<1x1x128xi32, #tpu.memory_space<vmem>>
      %dma_wait3A_771 = tpu.memref_squeeze %dma_wait3A_770 : memref<1x1x128xi32, #tpu.memory_space<vmem>> -> memref<128xi32, #tpu.memory_space<vmem>>
      %dma_wait3A_772 = arith.constant 0 : i32
      %dma_wait3A_773 = tpu.memref_slice %arg2[%dma_wait3A_765, %dma_wait3A_766, %dma_wait3A_772] : memref<2x2564x128xi32, #tpu.memory_space<hbm>> -> memref<1x1x128xi32, #tpu.memory_space<hbm>>
      %dma_wait3A_774 = tpu.memref_squeeze %dma_wait3A_773 : memref<1x1x128xi32, #tpu.memory_space<hbm>> -> memref<128xi32, #tpu.memory_space<hbm>>
      %dma_wait3A_775 = arith.constant 0 : i32
      %dma_wait3A_776 = tpu.memref_slice %arg6[%dma_wait3A_767, %dma_wait3A_768, %dma_wait3A_775] : memref<4x2x128xi32, #tpu.memory_space<vmem>> -> memref<1x1x128xi32, #tpu.memory_space<vmem>>
      %dma_wait3A_777 = tpu.memref_squeeze %dma_wait3A_776 : memref<1x1x128xi32, #tpu.memory_space<vmem>> -> memref<128xi32, #tpu.memory_space<vmem>>
      %dma_wait3A_778 = arith.constant 0 : i32
      %dma_wait3A_779 = tpu.memref_slice %arg2[%dma_wait3A_765, %dma_wait3A_766, %dma_wait3A_778] : memref<2x2564x128xi32, #tpu.memory_space<hbm>> -> memref<1x1x128xi32, #tpu.memory_space<hbm>>
      %dma_wait3A_780 = tpu.memref_squeeze %dma_wait3A_779 : memref<1x1x128xi32, #tpu.memory_space<hbm>> -> memref<128xi32, #tpu.memory_space<hbm>>
      tpu.wait_dma2 semaphore(%arg19 : memref<!tpu.dma_semaphore, #tpu.memory_space<semaphore_mem>>) src(%dma_wait3A_780 : memref<128xi32, #tpu.memory_space<hbm>>) dst(%dma_wait3A_777 : memref<128xi32, #tpu.memory_space<vmem>>)
      %dma_wait3A_781 = arith.constant 0 : i32
      %dma_wait3A_782 = arith.constant 0 : i32
      %dma_wait3A_783 = arith.constant 3 : i32
      %dma_wait3A_784 = arith.constant 1 : i32
      %dma_wait3A_785 = arith.constant 0 : i32
      %dma_wait3A_786 = tpu.memref_slice %arg6[%dma_wait3A_783, %dma_wait3A_784, %dma_wait3A_785] : memref<4x2x128xi32, #tpu.memory_space<vmem>> -> memref<1x1x128xi32, #tpu.memory_space<vmem>>
      %dma_wait3A_787 = tpu.memref_squeeze %dma_wait3A_786 : memref<1x1x128xi32, #tpu.memory_space<vmem>> -> memref<128xi32, #tpu.memory_space<vmem>>
      %dma_wait3A_788 = arith.constant 0 : i32
      %dma_wait3A_789 = tpu.memref_slice %arg2[%dma_wait3A_781, %dma_wait3A_782, %dma_wait3A_788] : memref<2x2564x128xi32, #tpu.memory_space<hbm>> -> memref<1x1x128xi32, #tpu.memory_space<hbm>>
      %dma_wait3A_790 = tpu.memref_squeeze %dma_wait3A_789 : memref<1x1x128xi32, #tpu.memory_space<hbm>> -> memref<128xi32, #tpu.memory_space<hbm>>
      %dma_wait3A_791 = arith.constant 0 : i32
      %dma_wait3A_792 = tpu.memref_slice %arg6[%dma_wait3A_783, %dma_wait3A_784, %dma_wait3A_791] : memref<4x2x128xi32, #tpu.memory_space<vmem>> -> memref<1x1x128xi32, #tpu.memory_space<vmem>>
      %dma_wait3A_793 = tpu.memref_squeeze %dma_wait3A_792 : memref<1x1x128xi32, #tpu.memory_space<vmem>> -> memref<128xi32, #tpu.memory_space<vmem>>
      %dma_wait3A_794 = arith.constant 0 : i32
      %dma_wait3A_795 = tpu.memref_slice %arg2[%dma_wait3A_781, %dma_wait3A_782, %dma_wait3A_794] : memref<2x2564x128xi32, #tpu.memory_space<hbm>> -> memref<1x1x128xi32, #tpu.memory_space<hbm>>
      %dma_wait3A_796 = tpu.memref_squeeze %dma_wait3A_795 : memref<1x1x128xi32, #tpu.memory_space<hbm>> -> memref<128xi32, #tpu.memory_space<hbm>>
      tpu.wait_dma2 semaphore(%arg19 : memref<!tpu.dma_semaphore, #tpu.memory_space<semaphore_mem>>) src(%dma_wait3A_796 : memref<128xi32, #tpu.memory_space<hbm>>) dst(%dma_wait3A_793 : memref<128xi32, #tpu.memory_space<vmem>>)
      %dma_start3A_797 = arith.constant 3 : i32
      %dma_start3A_798 = arith.constant 0 : i32
      %dma_start3A_799 = arith.constant 0 : i32
      %dma_start3A_800 = tpu.memref_slice %arg6[%dma_start3A_797, %dma_start3A_798, %dma_start3A_799] : memref<4x2x128xi32, #tpu.memory_space<vmem>> -> memref<1x1x128xi32, #tpu.memory_space<vmem>>
      %dma_start3A_801 = tpu.memref_squeeze %dma_start3A_800 : memref<1x1x128xi32, #tpu.memory_space<vmem>> -> memref<128xi32, #tpu.memory_space<vmem>>
      %dma_start3A_802 = arith.constant 0 : i32
      %dma_start3A_803 = arith.constant 0 : i32
      %dma_start3A_804 = tpu.memref_slice %arg4[%dma_start3A_802, %dma_start3A_803] : memref<10240x128xf32, #tpu.memory_space<hbm>> -> memref<10240x128xf32, #tpu.memory_space<hbm>>
      tpu.enqueue_indirect_dma source(%dma_start3A_804 : memref<10240x128xf32, #tpu.memory_space<hbm>>) target(%arg10 : memref<128x128xf32, #tpu.memory_space<vmem>>) offsets(%dma_start3A_801 : memref<128xi32, #tpu.memory_space<vmem>>) semaphore(%arg13 : memref<!tpu.dma_semaphore, #tpu.memory_space<semaphore_mem>>)
      %dma_wait3A_805 = arith.constant 0 : i32
      %dma_wait3A_806 = arith.constant 0 : i32
      %dma_wait3A_807 = tpu.memref_slice %arg4[%dma_wait3A_805, %dma_wait3A_806] : memref<10240x128xf32, #tpu.memory_space<hbm>> -> memref<128x128xf32, #tpu.memory_space<hbm>>
      %dma_wait3A_808 = arith.constant 0 : i32
      %dma_wait3A_809 = arith.constant 0 : i32
      %dma_wait3A_810 = tpu.memref_slice %arg4[%dma_wait3A_808, %dma_wait3A_809] : memref<10240x128xf32, #tpu.memory_space<hbm>> -> memref<128x128xf32, #tpu.memory_space<hbm>>
      tpu.wait_dma2 semaphore(%arg12 : memref<!tpu.dma_semaphore, #tpu.memory_space<semaphore_mem>>) src(%dma_wait3A_810 : memref<128x128xf32, #tpu.memory_space<hbm>>) dst(%arg9 : memref<128x128xf32, #tpu.memory_space<vmem>>)
      %get3A_811 = arith.constant 2 : i32
      %get3A_812 = arith.constant 1 : i32
      %get3A_813 = arith.index_cast %get3A_811 : i32 to index
      %get3A_814 = arith.index_cast %get3A_812 : i32 to index
      %get3A_815 = arith.constant 0 : index
      %get3A_816 = tpu.vector_load %arg6[%get3A_813, %get3A_814, %get3A_815] {strides = array<i32>} : memref<4x2x128xi32, #tpu.memory_space<vmem>>, vector<16xi32>,
      %swap3A_817 = arith.constant 0 : i32
      %swap3A_818 = arith.index_cast %swap3A_817 : i32 to index
      %swap3A_819 = arith.constant 0 : index
      %swap3A_820 = tpu.vector_load %arg8[%swap3A_818, %swap3A_819] {strides = array<i32>} : memref<2x128xi32, #tpu.memory_space<vmem>>, vector<16xi32>,
      tpu.vector_store %arg8[%swap3A_818, %swap3A_819], %get3A_816 {strides = array<i32>} : memref<2x128xi32, #tpu.memory_space<vmem>>, vector<16xi32>,
      %get3A_821 = arith.constant 2 : i32
      %get3A_822 = arith.constant 1 : i32
      %get3A_823 = arith.index_cast %get3A_821 : i32 to index
      %get3A_824 = arith.index_cast %get3A_822 : i32 to index
      %get3A_825 = arith.constant 16 : index
      %get3A_826 = tpu.vector_load %arg6[%get3A_823, %get3A_824, %get3A_825] {strides = array<i32>} : memref<4x2x128xi32, #tpu.memory_space<vmem>>, vector<16xi32>,
      %swap3A_827 = arith.constant 0 : i32
      %swap3A_828 = arith.index_cast %swap3A_827 : i32 to index
      %swap3A_829 = arith.constant 16 : index
      %swap3A_830 = tpu.vector_load %arg8[%swap3A_828, %swap3A_829] {strides = array<i32>} : memref<2x128xi32, #tpu.memory_space<vmem>>, vector<16xi32>,
      tpu.vector_store %arg8[%swap3A_828, %swap3A_829], %get3A_826 {strides = array<i32>} : memref<2x128xi32, #tpu.memory_space<vmem>>, vector<16xi32>,
      %get3A_831 = arith.constant 2 : i32
      %get3A_832 = arith.constant 1 : i32
      %get3A_833 = arith.index_cast %get3A_831 : i32 to index
      %get3A_834 = arith.index_cast %get3A_832 : i32 to index
      %get3A_835 = arith.constant 32 : index
      %get3A_836 = tpu.vector_load %arg6[%get3A_833, %get3A_834, %get3A_835] {strides = array<i32>} : memref<4x2x128xi32, #tpu.memory_space<vmem>>, vector<16xi32>,
      %swap3A_837 = arith.constant 0 : i32
      %swap3A_838 = arith.index_cast %swap3A_837 : i32 to index
      %swap3A_839 = arith.constant 32 : index
      %swap3A_840 = tpu.vector_load %arg8[%swap3A_838, %swap3A_839] {strides = array<i32>} : memref<2x128xi32, #tpu.memory_space<vmem>>, vector<16xi32>,
      tpu.vector_store %arg8[%swap3A_838, %swap3A_839], %get3A_836 {strides = array<i32>} : memref<2x128xi32, #tpu.memory_space<vmem>>, vector<16xi32>,
      %get3A_841 = arith.constant 2 : i32
      %get3A_842 = arith.constant 1 : i32
      %get3A_843 = arith.index_cast %get3A_841 : i32 to index
      %get3A_844 = arith.index_cast %get3A_842 : i32 to index
      %get3A_845 = arith.constant 48 : index
      %get3A_846 = tpu.vector_load %arg6[%get3A_843, %get3A_844, %get3A_845] {strides = array<i32>} : memref<4x2x128xi32, #tpu.memory_space<vmem>>, vector<16xi32>,
      %swap3A_847 = arith.constant 0 : i32
      %swap3A_848 = arith.index_cast %swap3A_847 : i32 to index
      %swap3A_849 = arith.constant 48 : index
      %swap3A_850 = tpu.vector_load %arg8[%swap3A_848, %swap3A_849] {strides = array<i32>} : memref<2x128xi32, #tpu.memory_space<vmem>>, vector<16xi32>,
      tpu.vector_store %arg8[%swap3A_848, %swap3A_849], %get3A_846 {strides = array<i32>} : memref<2x128xi32, #tpu.memory_space<vmem>>, vector<16xi32>,
      %get3A_851 = arith.constant 2 : i32
      %get3A_852 = arith.constant 1 : i32
      %get3A_853 = arith.index_cast %get3A_851 : i32 to index
      %get3A_854 = arith.index_cast %get3A_852 : i32 to index
      %get3A_855 = arith.constant 64 : index
      %get3A_856 = tpu.vector_load %arg6[%get3A_853, %get3A_854, %get3A_855] {strides = array<i32>} : memref<4x2x128xi32, #tpu.memory_space<vmem>>, vector<16xi32>,
      %swap3A_857 = arith.constant 0 : i32
      %swap3A_858 = arith.index_cast %swap3A_857 : i32 to index
      %swap3A_859 = arith.constant 64 : index
      %swap3A_860 = tpu.vector_load %arg8[%swap3A_858, %swap3A_859] {strides = array<i32>} : memref<2x128xi32, #tpu.memory_space<vmem>>, vector<16xi32>,
      tpu.vector_store %arg8[%swap3A_858, %swap3A_859], %get3A_856 {strides = array<i32>} : memref<2x128xi32, #tpu.memory_space<vmem>>, vector<16xi32>,
      %get3A_861 = arith.constant 2 : i32
      %get3A_862 = arith.constant 1 : i32
      %get3A_863 = arith.index_cast %get3A_861 : i32 to index
      %get3A_864 = arith.index_cast %get3A_862 : i32 to index
      %get3A_865 = arith.constant 80 : index
      %get3A_866 = tpu.vector_load %arg6[%get3A_863, %get3A_864, %get3A_865] {strides = array<i32>} : memref<4x2x128xi32, #tpu.memory_space<vmem>>, vector<16xi32>,
      %swap3A_867 = arith.constant 0 : i32
      %swap3A_868 = arith.index_cast %swap3A_867 : i32 to index
      %swap3A_869 = arith.constant 80 : index
      %swap3A_870 = tpu.vector_load %arg8[%swap3A_868, %swap3A_869] {strides = array<i32>} : memref<2x128xi32, #tpu.memory_space<vmem>>, vector<16xi32>,
      tpu.vector_store %arg8[%swap3A_868, %swap3A_869], %get3A_866 {strides = array<i32>} : memref<2x128xi32, #tpu.memory_space<vmem>>, vector<16xi32>,
      %get3A_871 = arith.constant 2 : i32
      %get3A_872 = arith.constant 1 : i32
      %get3A_873 = arith.index_cast %get3A_871 : i32 to index
      %get3A_874 = arith.index_cast %get3A_872 : i32 to index
      %get3A_875 = arith.constant 96 : index
      %get3A_876 = tpu.vector_load %arg6[%get3A_873, %get3A_874, %get3A_875] {strides = array<i32>} : memref<4x2x128xi32, #tpu.memory_space<vmem>>, vector<16xi32>,
      %swap3A_877 = arith.constant 0 : i32
      %swap3A_878 = arith.index_cast %swap3A_877 : i32 to index
      %swap3A_879 = arith.constant 96 : index
      %swap3A_880 = tpu.vector_load %arg8[%swap3A_878, %swap3A_879] {strides = array<i32>} : memref<2x128xi32, #tpu.memory_space<vmem>>, vector<16xi32>,
      tpu.vector_store %arg8[%swap3A_878, %swap3A_879], %get3A_876 {strides = array<i32>} : memref<2x128xi32, #tpu.memory_space<vmem>>, vector<16xi32>,
      %get3A_881 = arith.constant 2 : i32
      %get3A_882 = arith.constant 1 : i32
      %get3A_883 = arith.index_cast %get3A_881 : i32 to index
      %get3A_884 = arith.index_cast %get3A_882 : i32 to index
      %get3A_885 = arith.constant 112 : index
      %get3A_886 = tpu.vector_load %arg6[%get3A_883, %get3A_884, %get3A_885] {strides = array<i32>} : memref<4x2x128xi32, #tpu.memory_space<vmem>>, vector<16xi32>,
      %swap3A_887 = arith.constant 0 : i32
      %swap3A_888 = arith.index_cast %swap3A_887 : i32 to index
      %swap3A_889 = arith.constant 112 : index
      %swap3A_890 = tpu.vector_load %arg8[%swap3A_888, %swap3A_889] {strides = array<i32>} : memref<2x128xi32, #tpu.memory_space<vmem>>, vector<16xi32>,
      tpu.vector_store %arg8[%swap3A_888, %swap3A_889], %get3A_886 {strides = array<i32>} : memref<2x128xi32, #tpu.memory_space<vmem>>, vector<16xi32>,
      %add3A_891 = arith.constant 4 : i32
      %add3A_892 = arith.addi %add3A_758, %add3A_891 : i32
      %mul3A_893 = arith.constant 80 : i32
      %mul3A_894 = arith.muli %add3A, %mul3A_893 : i32
      %add3A_895 = arith.addi %mul3A_894, %add3A_892 : i32
      %dma_start3A_896 = arith.constant 0 : i32
      %dma_start3A_897 = arith.constant 2 : i32
      %dma_start3A_898 = arith.constant 0 : i32
      %dma_start3A_899 = arith.constant 0 : i32
      %dma_start3A_900 = tpu.memref_slice %arg6[%dma_start3A_897, %dma_start3A_898, %dma_start3A_899] : memref<4x2x128xi32, #tpu.memory_space<vmem>> -> memref<1x1x128xi32, #tpu.memory_space<vmem>>
      %dma_start3A_901 = tpu.memref_squeeze %dma_start3A_900 : memref<1x1x128xi32, #tpu.memory_space<vmem>> -> memref<128xi32, #tpu.memory_space<vmem>>
      %dma_start3A_902 = arith.constant 0 : i32
      %dma_start3A_903 = tpu.memref_slice %arg2[%dma_start3A_896, %add3A_895, %dma_start3A_902] : memref<2x2564x128xi32, #tpu.memory_space<hbm>> -> memref<1x1x128xi32, #tpu.memory_space<hbm>>
      %dma_start3A_904 = tpu.memref_squeeze %dma_start3A_903 : memref<1x1x128xi32, #tpu.memory_space<hbm>> -> memref<128xi32, #tpu.memory_space<hbm>>
      %dma_start3A_905 = arith.constant 0 : i32
      %dma_start3A_906 = tpu.memref_slice %arg6[%dma_start3A_897, %dma_start3A_898, %dma_start3A_905] : memref<4x2x128xi32, #tpu.memory_space<vmem>> -> memref<1x1x128xi32, #tpu.memory_space<vmem>>
      %dma_start3A_907 = tpu.memref_squeeze %dma_start3A_906 : memref<1x1x128xi32, #tpu.memory_space<vmem>> -> memref<128xi32, #tpu.memory_space<vmem>>
      %dma_start3A_908 = arith.constant 0 : i32
      %dma_start3A_909 = tpu.memref_slice %arg2[%dma_start3A_896, %add3A_895, %dma_start3A_908] : memref<2x2564x128xi32, #tpu.memory_space<hbm>> -> memref<1x1x128xi32, #tpu.memory_space<hbm>>
      %dma_start3A_910 = tpu.memref_squeeze %dma_start3A_909 : memref<1x1x128xi32, #tpu.memory_space<hbm>> -> memref<128xi32, #tpu.memory_space<hbm>>
      tpu.enqueue_dma source(%dma_start3A_910 : memref<128xi32, #tpu.memory_space<hbm>>) target(%dma_start3A_907 : memref<128xi32, #tpu.memory_space<vmem>>) target_semaphore(%arg18 : memref<!tpu.dma_semaphore, #tpu.memory_space<semaphore_mem>>)
      %dma_start3A_911 = arith.constant 1 : i32
      %dma_start3A_912 = arith.constant 2 : i32
      %dma_start3A_913 = arith.constant 1 : i32
      %dma_start3A_914 = arith.constant 0 : i32
      %dma_start3A_915 = tpu.memref_slice %arg6[%dma_start3A_912, %dma_start3A_913, %dma_start3A_914] : memref<4x2x128xi32, #tpu.memory_space<vmem>> -> memref<1x1x128xi32, #tpu.memory_space<vmem>>
      %dma_start3A_916 = tpu.memref_squeeze %dma_start3A_915 : memref<1x1x128xi32, #tpu.memory_space<vmem>> -> memref<128xi32, #tpu.memory_space<vmem>>
      %dma_start3A_917 = arith.constant 0 : i32
      %dma_start3A_918 = tpu.memref_slice %arg2[%dma_start3A_911, %add3A_895, %dma_start3A_917] : memref<2x2564x128xi32, #tpu.memory_space<hbm>> -> memref<1x1x128xi32, #tpu.memory_space<hbm>>
      %dma_start3A_919 = tpu.memref_squeeze %dma_start3A_918 : memref<1x1x128xi32, #tpu.memory_space<hbm>> -> memref<128xi32, #tpu.memory_space<hbm>>
      %dma_start3A_920 = arith.constant 0 : i32
      %dma_start3A_921 = tpu.memref_slice %arg6[%dma_start3A_912, %dma_start3A_913, %dma_start3A_920] : memref<4x2x128xi32, #tpu.memory_space<vmem>> -> memref<1x1x128xi32, #tpu.memory_space<vmem>>
      %dma_start3A_922 = tpu.memref_squeeze %dma_start3A_921 : memref<1x1x128xi32, #tpu.memory_space<vmem>> -> memref<128xi32, #tpu.memory_space<vmem>>
      %dma_start3A_923 = arith.constant 0 : i32
      %dma_start3A_924 = tpu.memref_slice %arg2[%dma_start3A_911, %add3A_895, %dma_start3A_923] : memref<2x2564x128xi32, #tpu.memory_space<hbm>> -> memref<1x1x128xi32, #tpu.memory_space<hbm>>
      %dma_start3A_925 = tpu.memref_squeeze %dma_start3A_924 : memref<1x1x128xi32, #tpu.memory_space<hbm>> -> memref<128xi32, #tpu.memory_space<hbm>>
      tpu.enqueue_dma source(%dma_start3A_925 : memref<128xi32, #tpu.memory_space<hbm>>) target(%dma_start3A_922 : memref<128xi32, #tpu.memory_space<vmem>>) target_semaphore(%arg18 : memref<!tpu.dma_semaphore, #tpu.memory_space<semaphore_mem>>)
      %mul3A_926 = arith.constant 128 : i32
      %mul3A_927 = arith.muli %add3A_758, %mul3A_926 : i32
      %parallel_loop3A_928 = arith.constant 0 : i32
      %parallel_loop3A_929 = arith.constant 128 : i32
      %parallel_loop3A_930 = arith.constant 1 : i32
      scf.for %parallel_loop3A_1121 = %parallel_loop3A_928 to %parallel_loop3A_929 step %parallel_loop3A_930  : i32 {
        %parallel_loop3A_1122 = arith.addi %mul3A_927, %parallel_loop3A_1121 : i32
        %parallel_loop3A_1123 = vector.broadcast %parallel_loop3A_1122 : i32 to vector<16xi32>
        %parallel_loop3A_1124 = tpu.vector_load_idx %arg7[%parallel_loop3A_1123] : memref<10752xf32, #tpu.memory_space<vmem>>[vector<16xi32>], vector<16xf32>,
        %parallel_loop3A_1125 = arith.index_cast %parallel_loop3A_1121 : i32 to index
        %parallel_loop3A_1126 = arith.constant 0 : index
        %parallel_loop3A_1127 = tpu.vector_load %arg9[%parallel_loop3A_1125, %parallel_loop3A_1126] {strides = array<i32>} : memref<128x128xf32, #tpu.memory_space<vmem>>, vector<16xf32>,
        %parallel_loop3A_1128 = arith.mulf %parallel_loop3A_1127, %parallel_loop3A_1124 : vector<16xf32>
        %parallel_loop3A_1129 = arith.index_cast %parallel_loop3A_1121 : i32 to index
        %parallel_loop3A_1130 = arith.constant 0 : index
        %parallel_loop3A_1131 = tpu.vector_load %arg9[%parallel_loop3A_1129, %parallel_loop3A_1130] {strides = array<i32>} : memref<128x128xf32, #tpu.memory_space<vmem>>, vector<16xf32>,
        tpu.vector_store %arg9[%parallel_loop3A_1129, %parallel_loop3A_1130], %parallel_loop3A_1128 {strides = array<i32>} : memref<128x128xf32, #tpu.memory_space<vmem>>, vector<16xf32>,
        %parallel_loop3A_1132 = arith.index_cast %parallel_loop3A_1121 : i32 to index
        %parallel_loop3A_1133 = arith.constant 16 : index
        %parallel_loop3A_1134 = tpu.vector_load %arg9[%parallel_loop3A_1132, %parallel_loop3A_1133] {strides = array<i32>} : memref<128x128xf32, #tpu.memory_space<vmem>>, vector<16xf32>,
        %parallel_loop3A_1135 = arith.mulf %parallel_loop3A_1134, %parallel_loop3A_1124 : vector<16xf32>
        %parallel_loop3A_1136 = arith.index_cast %parallel_loop3A_1121 : i32 to index
        %parallel_loop3A_1137 = arith.constant 16 : index
        %parallel_loop3A_1138 = tpu.vector_load %arg9[%parallel_loop3A_1136, %parallel_loop3A_1137] {strides = array<i32>} : memref<128x128xf32, #tpu.memory_space<vmem>>, vector<16xf32>,
        tpu.vector_store %arg9[%parallel_loop3A_1136, %parallel_loop3A_1137], %parallel_loop3A_1135 {strides = array<i32>} : memref<128x128xf32, #tpu.memory_space<vmem>>, vector<16xf32>,
        %parallel_loop3A_1139 = arith.index_cast %parallel_loop3A_1121 : i32 to index
        %parallel_loop3A_1140 = arith.constant 32 : index
        %parallel_loop3A_1141 = tpu.vector_load %arg9[%parallel_loop3A_1139, %parallel_loop3A_1140] {strides = array<i32>} : memref<128x128xf32, #tpu.memory_space<vmem>>, vector<16xf32>,
        %parallel_loop3A_1142 = arith.mulf %parallel_loop3A_1141, %parallel_loop3A_1124 : vector<16xf32>
        %parallel_loop3A_1143 = arith.index_cast %parallel_loop3A_1121 : i32 to index
        %parallel_loop3A_1144 = arith.constant 32 : index
        %parallel_loop3A_1145 = tpu.vector_load %arg9[%parallel_loop3A_1143, %parallel_loop3A_1144] {strides = array<i32>} : memref<128x128xf32, #tpu.memory_space<vmem>>, vector<16xf32>,
        tpu.vector_store %arg9[%parallel_loop3A_1143, %parallel_loop3A_1144], %parallel_loop3A_1142 {strides = array<i32>} : memref<128x128xf32, #tpu.memory_space<vmem>>, vector<16xf32>,
        %parallel_loop3A_1146 = arith.index_cast %parallel_loop3A_1121 : i32 to index
        %parallel_loop3A_1147 = arith.constant 48 : index
        %parallel_loop3A_1148 = tpu.vector_load %arg9[%parallel_loop3A_1146, %parallel_loop3A_1147] {strides = array<i32>} : memref<128x128xf32, #tpu.memory_space<vmem>>, vector<16xf32>,
        %parallel_loop3A_1149 = arith.mulf %parallel_loop3A_1148, %parallel_loop3A_1124 : vector<16xf32>
        %parallel_loop3A_1150 = arith.index_cast %parallel_loop3A_1121 : i32 to index
        %parallel_loop3A_1151 = arith.constant 48 : index
        %parallel_loop3A_1152 = tpu.vector_load %arg9[%parallel_loop3A_1150, %parallel_loop3A_1151] {strides = array<i32>} : memref<128x128xf32, #tpu.memory_space<vmem>>, vector<16xf32>,
        tpu.vector_store %arg9[%parallel_loop3A_1150, %parallel_loop3A_1151], %parallel_loop3A_1149 {strides = array<i32>} : memref<128x128xf32, #tpu.memory_space<vmem>>, vector<16xf32>,
        %parallel_loop3A_1153 = arith.index_cast %parallel_loop3A_1121 : i32 to index
        %parallel_loop3A_1154 = arith.constant 64 : index
        %parallel_loop3A_1155 = tpu.vector_load %arg9[%parallel_loop3A_1153, %parallel_loop3A_1154] {strides = array<i32>} : memref<128x128xf32, #tpu.memory_space<vmem>>, vector<16xf32>,
        %parallel_loop3A_1156 = arith.mulf %parallel_loop3A_1155, %parallel_loop3A_1124 : vector<16xf32>
        %parallel_loop3A_1157 = arith.index_cast %parallel_loop3A_1121 : i32 to index
        %parallel_loop3A_1158 = arith.constant 64 : index
        %parallel_loop3A_1159 = tpu.vector_load %arg9[%parallel_loop3A_1157, %parallel_loop3A_1158] {strides = array<i32>} : memref<128x128xf32, #tpu.memory_space<vmem>>, vector<16xf32>,
        tpu.vector_store %arg9[%parallel_loop3A_1157, %parallel_loop3A_1158], %parallel_loop3A_1156 {strides = array<i32>} : memref<128x128xf32, #tpu.memory_space<vmem>>, vector<16xf32>,
        %parallel_loop3A_1160 = arith.index_cast %parallel_loop3A_1121 : i32 to index
        %parallel_loop3A_1161 = arith.constant 80 : index
        %parallel_loop3A_1162 = tpu.vector_load %arg9[%parallel_loop3A_1160, %parallel_loop3A_1161] {strides = array<i32>} : memref<128x128xf32, #tpu.memory_space<vmem>>, vector<16xf32>,
        %parallel_loop3A_1163 = arith.mulf %parallel_loop3A_1162, %parallel_loop3A_1124 : vector<16xf32>
        %parallel_loop3A_1164 = arith.index_cast %parallel_loop3A_1121 : i32 to index
        %parallel_loop3A_1165 = arith.constant 80 : index
        %parallel_loop3A_1166 = tpu.vector_load %arg9[%parallel_loop3A_1164, %parallel_loop3A_1165] {strides = array<i32>} : memref<128x128xf32, #tpu.memory_space<vmem>>, vector<16xf32>,
        tpu.vector_store %arg9[%parallel_loop3A_1164, %parallel_loop3A_1165], %parallel_loop3A_1163 {strides = array<i32>} : memref<128x128xf32, #tpu.memory_space<vmem>>, vector<16xf32>,
        %parallel_loop3A_1167 = arith.index_cast %parallel_loop3A_1121 : i32 to index
        %parallel_loop3A_1168 = arith.constant 96 : index
        %parallel_loop3A_1169 = tpu.vector_load %arg9[%parallel_loop3A_1167, %parallel_loop3A_1168] {strides = array<i32>} : memref<128x128xf32, #tpu.memory_space<vmem>>, vector<16xf32>,
        %parallel_loop3A_1170 = arith.mulf %parallel_loop3A_1169, %parallel_loop3A_1124 : vector<16xf32>
        %parallel_loop3A_1171 = arith.index_cast %parallel_loop3A_1121 : i32 to index
        %parallel_loop3A_1172 = arith.constant 96 : index
        %parallel_loop3A_1173 = tpu.vector_load %arg9[%parallel_loop3A_1171, %parallel_loop3A_1172] {strides = array<i32>} : memref<128x128xf32, #tpu.memory_space<vmem>>, vector<16xf32>,
        tpu.vector_store %arg9[%parallel_loop3A_1171, %parallel_loop3A_1172], %parallel_loop3A_1170 {strides = array<i32>} : memref<128x128xf32, #tpu.memory_space<vmem>>, vector<16xf32>,
        %parallel_loop3A_1174 = arith.index_cast %parallel_loop3A_1121 : i32 to index
        %parallel_loop3A_1175 = arith.constant 112 : index
        %parallel_loop3A_1176 = tpu.vector_load %arg9[%parallel_loop3A_1174, %parallel_loop3A_1175] {strides = array<i32>} : memref<128x128xf32, #tpu.memory_space<vmem>>, vector<16xf32>,
        %parallel_loop3A_1177 = arith.mulf %parallel_loop3A_1176, %parallel_loop3A_1124 : vector<16xf32>
        %parallel_loop3A_1178 = arith.index_cast %parallel_loop3A_1121 : i32 to index
        %parallel_loop3A_1179 = arith.constant 112 : index
        %parallel_loop3A_1180 = tpu.vector_load %arg9[%parallel_loop3A_1178, %parallel_loop3A_1179] {strides = array<i32>} : memref<128x128xf32, #tpu.memory_space<vmem>>, vector<16xf32>,
        tpu.vector_store %arg9[%parallel_loop3A_1178, %parallel_loop3A_1179], %parallel_loop3A_1177 {strides = array<i32>} : memref<128x128xf32, #tpu.memory_space<vmem>>, vector<16xf32>,
      } {sc.loop_unroll_factor = 4 : i64, sc.parallel_access}
      %dma_start3A_931 = arith.constant 0 : i32
      %dma_start3A_932 = arith.constant 0 : i32
      %dma_start3A_933 = tpu.memref_slice %arg8[%dma_start3A_931, %dma_start3A_932] : memref<2x128xi32, #tpu.memory_space<vmem>> -> memref<1x128xi32, #tpu.memory_space<vmem>>
      %dma_start3A_934 = tpu.memref_squeeze %dma_start3A_933 : memref<1x128xi32, #tpu.memory_space<vmem>> -> memref<128xi32, #tpu.memory_space<vmem>>
      %dma_start3A_935 = arith.constant 0 : i32
      %dma_start3A_936 = arith.constant 0 : i32
      %dma_start3A_937 = tpu.memref_slice %arg11[%dma_start3A_935, %dma_start3A_936] : memref<10240x128xf32, #tpu.memory_space<vmem_shared>> -> memref<10240x128xf32, #tpu.memory_space<vmem_shared>>
      tpu.enqueue_indirect_dma source(%arg9 : memref<128x128xf32, #tpu.memory_space<vmem>>) target(%dma_start3A_937 : memref<10240x128xf32, #tpu.memory_space<vmem_shared>>) offsets(%dma_start3A_934 : memref<128xi32, #tpu.memory_space<vmem>>) semaphore(%arg14 : memref<!tpu.dma_semaphore, #tpu.memory_space<semaphore_mem>>) {add = true}
      %mul3A_938 = arith.constant 4 : i32
      %mul3A_939 = arith.muli %mul3A_938, %scan3A_395 : i32
      %add3A_940 = arith.constant 3 : i32
      %add3A_941 = arith.addi %mul3A_939, %add3A_940 : i32
      %dma_wait3A_942 = arith.constant 0 : i32
      %dma_wait3A_943 = arith.constant 0 : i32
      %dma_wait3A_944 = tpu.memref_slice %arg11[%dma_wait3A_942, %dma_wait3A_943] : memref<10240x128xf32, #tpu.memory_space<vmem_shared>> -> memref<128x128xf32, #tpu.memory_space<vmem_shared>>
      %dma_wait3A_945 = arith.constant 0 : i32
      %dma_wait3A_946 = arith.constant 0 : i32
      %dma_wait3A_947 = tpu.memref_slice %arg11[%dma_wait3A_945, %dma_wait3A_946] : memref<10240x128xf32, #tpu.memory_space<vmem_shared>> -> memref<128x128xf32, #tpu.memory_space<vmem_shared>>
      tpu.wait_dma2 semaphore(%arg14 : memref<!tpu.dma_semaphore, #tpu.memory_space<semaphore_mem>>) src(%arg9 : memref<128x128xf32, #tpu.memory_space<vmem>>) dst(%dma_wait3A_947 : memref<128x128xf32, #tpu.memory_space<vmem_shared>>)
      %dma_wait3A_948 = arith.constant 0 : i32
      %dma_wait3A_949 = arith.constant 0 : i32
      %dma_wait3A_950 = arith.constant 0 : i32
      %dma_wait3A_951 = arith.constant 0 : i32
      %dma_wait3A_952 = arith.constant 0 : i32
      %dma_wait3A_953 = tpu.memref_slice %arg6[%dma_wait3A_950, %dma_wait3A_951, %dma_wait3A_952] : memref<4x2x128xi32, #tpu.memory_space<vmem>> -> memref<1x1x128xi32, #tpu.memory_space<vmem>>
      %dma_wait3A_954 = tpu.memref_squeeze %dma_wait3A_953 : memref<1x1x128xi32, #tpu.memory_space<vmem>> -> memref<128xi32, #tpu.memory_space<vmem>>
      %dma_wait3A_955 = arith.constant 0 : i32
      %dma_wait3A_956 = tpu.memref_slice %arg2[%dma_wait3A_948, %dma_wait3A_949, %dma_wait3A_955] : memref<2x2564x128xi32, #tpu.memory_space<hbm>> -> memref<1x1x128xi32, #tpu.memory_space<hbm>>
      %dma_wait3A_957 = tpu.memref_squeeze %dma_wait3A_956 : memref<1x1x128xi32, #tpu.memory_space<hbm>> -> memref<128xi32, #tpu.memory_space<hbm>>
      %dma_wait3A_958 = arith.constant 0 : i32
      %dma_wait3A_959 = tpu.memref_slice %arg6[%dma_wait3A_950, %dma_wait3A_951, %dma_wait3A_958] : memref<4x2x128xi32, #tpu.memory_space<vmem>> -> memref<1x1x128xi32, #tpu.memory_space<vmem>>
      %dma_wait3A_960 = tpu.memref_squeeze %dma_wait3A_959 : memref<1x1x128xi32, #tpu.memory_space<vmem>> -> memref<128xi32, #tpu.memory_space<vmem>>
      %dma_wait3A_961 = arith.constant 0 : i32
      %dma_wait3A_962 = tpu.memref_slice %arg2[%dma_wait3A_948, %dma_wait3A_949, %dma_wait3A_961] : memref<2x2564x128xi32, #tpu.memory_space<hbm>> -> memref<1x1x128xi32, #tpu.memory_space<hbm>>
      %dma_wait3A_963 = tpu.memref_squeeze %dma_wait3A_962 : memref<1x1x128xi32, #tpu.memory_space<hbm>> -> memref<128xi32, #tpu.memory_space<hbm>>
      tpu.wait_dma2 semaphore(%arg16 : memref<!tpu.dma_semaphore, #tpu.memory_space<semaphore_mem>>) src(%dma_wait3A_963 : memref<128xi32, #tpu.memory_space<hbm>>) dst(%dma_wait3A_960 : memref<128xi32, #tpu.memory_space<vmem>>)
      %dma_wait3A_964 = arith.constant 0 : i32
      %dma_wait3A_965 = arith.constant 0 : i32
      %dma_wait3A_966 = arith.constant 0 : i32
      %dma_wait3A_967 = arith.constant 1 : i32
      %dma_wait3A_968 = arith.constant 0 : i32
      %dma_wait3A_969 = tpu.memref_slice %arg6[%dma_wait3A_966, %dma_wait3A_967, %dma_wait3A_968] : memref<4x2x128xi32, #tpu.memory_space<vmem>> -> memref<1x1x128xi32, #tpu.memory_space<vmem>>
      %dma_wait3A_970 = tpu.memref_squeeze %dma_wait3A_969 : memref<1x1x128xi32, #tpu.memory_space<vmem>> -> memref<128xi32, #tpu.memory_space<vmem>>
      %dma_wait3A_971 = arith.constant 0 : i32
      %dma_wait3A_972 = tpu.memref_slice %arg2[%dma_wait3A_964, %dma_wait3A_965, %dma_wait3A_971] : memref<2x2564x128xi32, #tpu.memory_space<hbm>> -> memref<1x1x128xi32, #tpu.memory_space<hbm>>
      %dma_wait3A_973 = tpu.memref_squeeze %dma_wait3A_972 : memref<1x1x128xi32, #tpu.memory_space<hbm>> -> memref<128xi32, #tpu.memory_space<hbm>>
      %dma_wait3A_974 = arith.constant 0 : i32
      %dma_wait3A_975 = tpu.memref_slice %arg6[%dma_wait3A_966, %dma_wait3A_967, %dma_wait3A_974] : memref<4x2x128xi32, #tpu.memory_space<vmem>> -> memref<1x1x128xi32, #tpu.memory_space<vmem>>
      %dma_wait3A_976 = tpu.memref_squeeze %dma_wait3A_975 : memref<1x1x128xi32, #tpu.memory_space<vmem>> -> memref<128xi32, #tpu.memory_space<vmem>>
      %dma_wait3A_977 = arith.constant 0 : i32
      %dma_wait3A_978 = tpu.memref_slice %arg2[%dma_wait3A_964, %dma_wait3A_965, %dma_wait3A_977] : memref<2x2564x128xi32, #tpu.memory_space<hbm>> -> memref<1x1x128xi32, #tpu.memory_space<hbm>>
      %dma_wait3A_979 = tpu.memref_squeeze %dma_wait3A_978 : memref<1x1x128xi32, #tpu.memory_space<hbm>> -> memref<128xi32, #tpu.memory_space<hbm>>
      tpu.wait_dma2 semaphore(%arg16 : memref<!tpu.dma_semaphore, #tpu.memory_space<semaphore_mem>>) src(%dma_wait3A_979 : memref<128xi32, #tpu.memory_space<hbm>>) dst(%dma_wait3A_976 : memref<128xi32, #tpu.memory_space<vmem>>)
      %dma_start3A_980 = arith.constant 0 : i32
      %dma_start3A_981 = arith.constant 0 : i32
      %dma_start3A_982 = arith.constant 0 : i32
      %dma_start3A_983 = tpu.memref_slice %arg6[%dma_start3A_980, %dma_start3A_981, %dma_start3A_982] : memref<4x2x128xi32, #tpu.memory_space<vmem>> -> memref<1x1x128xi32, #tpu.memory_space<vmem>>
      %dma_start3A_984 = tpu.memref_squeeze %dma_start3A_983 : memref<1x1x128xi32, #tpu.memory_space<vmem>> -> memref<128xi32, #tpu.memory_space<vmem>>
      %dma_start3A_985 = arith.constant 0 : i32
      %dma_start3A_986 = arith.constant 0 : i32
      %dma_start3A_987 = tpu.memref_slice %arg4[%dma_start3A_985, %dma_start3A_986] : memref<10240x128xf32, #tpu.memory_space<hbm>> -> memref<10240x128xf32, #tpu.memory_space<hbm>>
      tpu.enqueue_indirect_dma source(%dma_start3A_987 : memref<10240x128xf32, #tpu.memory_space<hbm>>) target(%arg9 : memref<128x128xf32, #tpu.memory_space<vmem>>) offsets(%dma_start3A_984 : memref<128xi32, #tpu.memory_space<vmem>>) semaphore(%arg12 : memref<!tpu.dma_semaphore, #tpu.memory_space<semaphore_mem>>)
      %dma_wait3A_988 = arith.constant 0 : i32
      %dma_wait3A_989 = arith.constant 0 : i32
      %dma_wait3A_990 = tpu.memref_slice %arg4[%dma_wait3A_988, %dma_wait3A_989] : memref<10240x128xf32, #tpu.memory_space<hbm>> -> memref<128x128xf32, #tpu.memory_space<hbm>>
      %dma_wait3A_991 = arith.constant 0 : i32
      %dma_wait3A_992 = arith.constant 0 : i32
      %dma_wait3A_993 = tpu.memref_slice %arg4[%dma_wait3A_991, %dma_wait3A_992] : memref<10240x128xf32, #tpu.memory_space<hbm>> -> memref<128x128xf32, #tpu.memory_space<hbm>>
      tpu.wait_dma2 semaphore(%arg13 : memref<!tpu.dma_semaphore, #tpu.memory_space<semaphore_mem>>) src(%dma_wait3A_993 : memref<128x128xf32, #tpu.memory_space<hbm>>) dst(%arg10 : memref<128x128xf32, #tpu.memory_space<vmem>>)
      %get3A_994 = arith.constant 3 : i32
      %get3A_995 = arith.constant 1 : i32
      %get3A_996 = arith.index_cast %get3A_994 : i32 to index
      %get3A_997 = arith.index_cast %get3A_995 : i32 to index
      %get3A_998 = arith.constant 0 : index
      %get3A_999 = tpu.vector_load %arg6[%get3A_996, %get3A_997, %get3A_998] {strides = array<i32>} : memref<4x2x128xi32, #tpu.memory_space<vmem>>, vector<16xi32>,
      %swap3A_1000 = arith.constant 1 : i32
      %swap3A_1001 = arith.index_cast %swap3A_1000 : i32 to index
      %swap3A_1002 = arith.constant 0 : index
      %swap3A_1003 = tpu.vector_load %arg8[%swap3A_1001, %swap3A_1002] {strides = array<i32>} : memref<2x128xi32, #tpu.memory_space<vmem>>, vector<16xi32>,
      tpu.vector_store %arg8[%swap3A_1001, %swap3A_1002], %get3A_999 {strides = array<i32>} : memref<2x128xi32, #tpu.memory_space<vmem>>, vector<16xi32>,
      %get3A_1004 = arith.constant 3 : i32
      %get3A_1005 = arith.constant 1 : i32
      %get3A_1006 = arith.index_cast %get3A_1004 : i32 to index
      %get3A_1007 = arith.index_cast %get3A_1005 : i32 to index
      %get3A_1008 = arith.constant 16 : index
      %get3A_1009 = tpu.vector_load %arg6[%get3A_1006, %get3A_1007, %get3A_1008] {strides = array<i32>} : memref<4x2x128xi32, #tpu.memory_space<vmem>>, vector<16xi32>,
      %swap3A_1010 = arith.constant 1 : i32
      %swap3A_1011 = arith.index_cast %swap3A_1010 : i32 to index
      %swap3A_1012 = arith.constant 16 : index
      %swap3A_1013 = tpu.vector_load %arg8[%swap3A_1011, %swap3A_1012] {strides = array<i32>} : memref<2x128xi32, #tpu.memory_space<vmem>>, vector<16xi32>,
      tpu.vector_store %arg8[%swap3A_1011, %swap3A_1012], %get3A_1009 {strides = array<i32>} : memref<2x128xi32, #tpu.memory_space<vmem>>, vector<16xi32>,
      %get3A_1014 = arith.constant 3 : i32
      %get3A_1015 = arith.constant 1 : i32
      %get3A_1016 = arith.index_cast %get3A_1014 : i32 to index
      %get3A_1017 = arith.index_cast %get3A_1015 : i32 to index
      %get3A_1018 = arith.constant 32 : index
      %get3A_1019 = tpu.vector_load %arg6[%get3A_1016, %get3A_1017, %get3A_1018] {strides = array<i32>} : memref<4x2x128xi32, #tpu.memory_space<vmem>>, vector<16xi32>,
      %swap3A_1020 = arith.constant 1 : i32
      %swap3A_1021 = arith.index_cast %swap3A_1020 : i32 to index
      %swap3A_1022 = arith.constant 32 : index
      %swap3A_1023 = tpu.vector_load %arg8[%swap3A_1021, %swap3A_1022] {strides = array<i32>} : memref<2x128xi32, #tpu.memory_space<vmem>>, vector<16xi32>,
      tpu.vector_store %arg8[%swap3A_1021, %swap3A_1022], %get3A_1019 {strides = array<i32>} : memref<2x128xi32, #tpu.memory_space<vmem>>, vector<16xi32>,
      %get3A_1024 = arith.constant 3 : i32
      %get3A_1025 = arith.constant 1 : i32
      %get3A_1026 = arith.index_cast %get3A_1024 : i32 to index
      %get3A_1027 = arith.index_cast %get3A_1025 : i32 to index
      %get3A_1028 = arith.constant 48 : index
      %get3A_1029 = tpu.vector_load %arg6[%get3A_1026, %get3A_1027, %get3A_1028] {strides = array<i32>} : memref<4x2x128xi32, #tpu.memory_space<vmem>>, vector<16xi32>,
      %swap3A_1030 = arith.constant 1 : i32
      %swap3A_1031 = arith.index_cast %swap3A_1030 : i32 to index
      %swap3A_1032 = arith.constant 48 : index
      %swap3A_1033 = tpu.vector_load %arg8[%swap3A_1031, %swap3A_1032] {strides = array<i32>} : memref<2x128xi32, #tpu.memory_space<vmem>>, vector<16xi32>,
      tpu.vector_store %arg8[%swap3A_1031, %swap3A_1032], %get3A_1029 {strides = array<i32>} : memref<2x128xi32, #tpu.memory_space<vmem>>, vector<16xi32>,
      %get3A_1034 = arith.constant 3 : i32
      %get3A_1035 = arith.constant 1 : i32
      %get3A_1036 = arith.index_cast %get3A_1034 : i32 to index
      %get3A_1037 = arith.index_cast %get3A_1035 : i32 to index
      %get3A_1038 = arith.constant 64 : index
      %get3A_1039 = tpu.vector_load %arg6[%get3A_1036, %get3A_1037, %get3A_1038] {strides = array<i32>} : memref<4x2x128xi32, #tpu.memory_space<vmem>>, vector<16xi32>,
      %swap3A_1040 = arith.constant 1 : i32
      %swap3A_1041 = arith.index_cast %swap3A_1040 : i32 to index
      %swap3A_1042 = arith.constant 64 : index
      %swap3A_1043 = tpu.vector_load %arg8[%swap3A_1041, %swap3A_1042] {strides = array<i32>} : memref<2x128xi32, #tpu.memory_space<vmem>>, vector<16xi32>,
      tpu.vector_store %arg8[%swap3A_1041, %swap3A_1042], %get3A_1039 {strides = array<i32>} : memref<2x128xi32, #tpu.memory_space<vmem>>, vector<16xi32>,
      %get3A_1044 = arith.constant 3 : i32
      %get3A_1045 = arith.constant 1 : i32
      %get3A_1046 = arith.index_cast %get3A_1044 : i32 to index
      %get3A_1047 = arith.index_cast %get3A_1045 : i32 to index
      %get3A_1048 = arith.constant 80 : index
      %get3A_1049 = tpu.vector_load %arg6[%get3A_1046, %get3A_1047, %get3A_1048] {strides = array<i32>} : memref<4x2x128xi32, #tpu.memory_space<vmem>>, vector<16xi32>,
      %swap3A_1050 = arith.constant 1 : i32
      %swap3A_1051 = arith.index_cast %swap3A_1050 : i32 to index
      %swap3A_1052 = arith.constant 80 : index
      %swap3A_1053 = tpu.vector_load %arg8[%swap3A_1051, %swap3A_1052] {strides = array<i32>} : memref<2x128xi32, #tpu.memory_space<vmem>>, vector<16xi32>,
      tpu.vector_store %arg8[%swap3A_1051, %swap3A_1052], %get3A_1049 {strides = array<i32>} : memref<2x128xi32, #tpu.memory_space<vmem>>, vector<16xi32>,
      %get3A_1054 = arith.constant 3 : i32
      %get3A_1055 = arith.constant 1 : i32
      %get3A_1056 = arith.index_cast %get3A_1054 : i32 to index
      %get3A_1057 = arith.index_cast %get3A_1055 : i32 to index
      %get3A_1058 = arith.constant 96 : index
      %get3A_1059 = tpu.vector_load %arg6[%get3A_1056, %get3A_1057, %get3A_1058] {strides = array<i32>} : memref<4x2x128xi32, #tpu.memory_space<vmem>>, vector<16xi32>,
      %swap3A_1060 = arith.constant 1 : i32
      %swap3A_1061 = arith.index_cast %swap3A_1060 : i32 to index
      %swap3A_1062 = arith.constant 96 : index
      %swap3A_1063 = tpu.vector_load %arg8[%swap3A_1061, %swap3A_1062] {strides = array<i32>} : memref<2x128xi32, #tpu.memory_space<vmem>>, vector<16xi32>,
      tpu.vector_store %arg8[%swap3A_1061, %swap3A_1062], %get3A_1059 {strides = array<i32>} : memref<2x128xi32, #tpu.memory_space<vmem>>, vector<16xi32>,
      %get3A_1064 = arith.constant 3 : i32
      %get3A_1065 = arith.constant 1 : i32
      %get3A_1066 = arith.index_cast %get3A_1064 : i32 to index
      %get3A_1067 = arith.index_cast %get3A_1065 : i32 to index
      %get3A_1068 = arith.constant 112 : index
      %get3A_1069 = tpu.vector_load %arg6[%get3A_1066, %get3A_1067, %get3A_1068] {strides = array<i32>} : memref<4x2x128xi32, #tpu.memory_space<vmem>>, vector<16xi32>,
      %swap3A_1070 = arith.constant 1 : i32
      %swap3A_1071 = arith.index_cast %swap3A_1070 : i32 to index
      %swap3A_1072 = arith.constant 112 : index
      %swap3A_1073 = tpu.vector_load %arg8[%swap3A_1071, %swap3A_1072] {strides = array<i32>} : memref<2x128xi32, #tpu.memory_space<vmem>>, vector<16xi32>,
      tpu.vector_store %arg8[%swap3A_1071, %swap3A_1072], %get3A_1069 {strides = array<i32>} : memref<2x128xi32, #tpu.memory_space<vmem>>, vector<16xi32>,
      %add3A_1074 = arith.constant 4 : i32
      %add3A_1075 = arith.addi %add3A_941, %add3A_1074 : i32
      %mul3A_1076 = arith.constant 80 : i32
      %mul3A_1077 = arith.muli %add3A, %mul3A_1076 : i32
      %add3A_1078 = arith.addi %mul3A_1077, %add3A_1075 : i32
      %dma_start3A_1079 = arith.constant 0 : i32
      %dma_start3A_1080 = arith.constant 3 : i32
      %dma_start3A_1081 = arith.constant 0 : i32
      %dma_start3A_1082 = arith.constant 0 : i32
      %dma_start3A_1083 = tpu.memref_slice %arg6[%dma_start3A_1080, %dma_start3A_1081, %dma_start3A_1082] : memref<4x2x128xi32, #tpu.memory_space<vmem>> -> memref<1x1x128xi32, #tpu.memory_space<vmem>>
      %dma_start3A_1084 = tpu.memref_squeeze %dma_start3A_1083 : memref<1x1x128xi32, #tpu.memory_space<vmem>> -> memref<128xi32, #tpu.memory_space<vmem>>
      %dma_start3A_1085 = arith.constant 0 : i32
      %dma_start3A_1086 = tpu.memref_slice %arg2[%dma_start3A_1079, %add3A_1078, %dma_start3A_1085] : memref<2x2564x128xi32, #tpu.memory_space<hbm>> -> memref<1x1x128xi32, #tpu.memory_space<hbm>>
      %dma_start3A_1087 = tpu.memref_squeeze %dma_start3A_1086 : memref<1x1x128xi32, #tpu.memory_space<hbm>> -> memref<128xi32, #tpu.memory_space<hbm>>
      %dma_start3A_1088 = arith.constant 0 : i32
      %dma_start3A_1089 = tpu.memref_slice %arg6[%dma_start3A_1080, %dma_start3A_1081, %dma_start3A_1088] : memref<4x2x128xi32, #tpu.memory_space<vmem>> -> memref<1x1x128xi32, #tpu.memory_space<vmem>>
      %dma_start3A_1090 = tpu.memref_squeeze %dma_start3A_1089 : memref<1x1x128xi32, #tpu.memory_space<vmem>> -> memref<128xi32, #tpu.memory_space<vmem>>
      %dma_start3A_1091 = arith.constant 0 : i32
      %dma_start3A_1092 = tpu.memref_slice %arg2[%dma_start3A_1079, %add3A_1078, %dma_start3A_1091] : memref<2x2564x128xi32, #tpu.memory_space<hbm>> -> memref<1x1x128xi32, #tpu.memory_space<hbm>>
      %dma_start3A_1093 = tpu.memref_squeeze %dma_start3A_1092 : memref<1x1x128xi32, #tpu.memory_space<hbm>> -> memref<128xi32, #tpu.memory_space<hbm>>
      tpu.enqueue_dma source(%dma_start3A_1093 : memref<128xi32, #tpu.memory_space<hbm>>) target(%dma_start3A_1090 : memref<128xi32, #tpu.memory_space<vmem>>) target_semaphore(%arg19 : memref<!tpu.dma_semaphore, #tpu.memory_space<semaphore_mem>>)
      %dma_start3A_1094 = arith.constant 1 : i32
      %dma_start3A_1095 = arith.constant 3 : i32
      %dma_start3A_1096 = arith.constant 1 : i32
      %dma_start3A_1097 = arith.constant 0 : i32
      %dma_start3A_1098 = tpu.memref_slice %arg6[%dma_start3A_1095, %dma_start3A_1096, %dma_start3A_1097] : memref<4x2x128xi32, #tpu.memory_space<vmem>> -> memref<1x1x128xi32, #tpu.memory_space<vmem>>
      %dma_start3A_1099 = tpu.memref_squeeze %dma_start3A_1098 : memref<1x1x128xi32, #tpu.memory_space<vmem>> -> memref<128xi32, #tpu.memory_space<vmem>>
      %dma_start3A_1100 = arith.constant 0 : i32
      %dma_start3A_1101 = tpu.memref_slice %arg2[%dma_start3A_1094, %add3A_1078, %dma_start3A_1100] : memref<2x2564x128xi32, #tpu.memory_space<hbm>> -> memref<1x1x128xi32, #tpu.memory_space<hbm>>
      %dma_start3A_1102 = tpu.memref_squeeze %dma_start3A_1101 : memref<1x1x128xi32, #tpu.memory_space<hbm>> -> memref<128xi32, #tpu.memory_space<hbm>>
      %dma_start3A_1103 = arith.constant 0 : i32
      %dma_start3A_1104 = tpu.memref_slice %arg6[%dma_start3A_1095, %dma_start3A_1096, %dma_start3A_1103] : memref<4x2x128xi32, #tpu.memory_space<vmem>> -> memref<1x1x128xi32, #tpu.memory_space<vmem>>
      %dma_start3A_1105 = tpu.memref_squeeze %dma_start3A_1104 : memref<1x1x128xi32, #tpu.memory_space<vmem>> -> memref<128xi32, #tpu.memory_space<vmem>>
      %dma_start3A_1106 = arith.constant 0 : i32
      %dma_start3A_1107 = tpu.memref_slice %arg2[%dma_start3A_1094, %add3A_1078, %dma_start3A_1106] : memref<2x2564x128xi32, #tpu.memory_space<hbm>> -> memref<1x1x128xi32, #tpu.memory_space<hbm>>
      %dma_start3A_1108 = tpu.memref_squeeze %dma_start3A_1107 : memref<1x1x128xi32, #tpu.memory_space<hbm>> -> memref<128xi32, #tpu.memory_space<hbm>>
      tpu.enqueue_dma source(%dma_start3A_1108 : memref<128xi32, #tpu.memory_space<hbm>>) target(%dma_start3A_1105 : memref<128xi32, #tpu.memory_space<vmem>>) target_semaphore(%arg19 : memref<!tpu.dma_semaphore, #tpu.memory_space<semaphore_mem>>)
      %mul3A_1109 = arith.constant 128 : i32
      %mul3A_1110 = arith.muli %add3A_941, %mul3A_1109 : i32
      %parallel_loop3A_1111 = arith.constant 0 : i32
      %parallel_loop3A_1112 = arith.constant 128 : i32
      %parallel_loop3A_1113 = arith.constant 1 : i32
      scf.for %parallel_loop3A_1121 = %parallel_loop3A_1111 to %parallel_loop3A_1112 step %parallel_loop3A_1113  : i32 {
        %parallel_loop3A_1122 = arith.addi %mul3A_1110, %parallel_loop3A_1121 : i32
        %parallel_loop3A_1123 = vector.broadcast %parallel_loop3A_1122 : i32 to vector<16xi32>
        %parallel_loop3A_1124 = tpu.vector_load_idx %arg7[%parallel_loop3A_1123] : memref<10752xf32, #tpu.memory_space<vmem>>[vector<16xi32>], vector<16xf32>,
        %parallel_loop3A_1125 = arith.index_cast %parallel_loop3A_1121 : i32 to index
        %parallel_loop3A_1126 = arith.constant 0 : index
        %parallel_loop3A_1127 = tpu.vector_load %arg10[%parallel_loop3A_1125, %parallel_loop3A_1126] {strides = array<i32>} : memref<128x128xf32, #tpu.memory_space<vmem>>, vector<16xf32>,
        %parallel_loop3A_1128 = arith.mulf %parallel_loop3A_1127, %parallel_loop3A_1124 : vector<16xf32>
        %parallel_loop3A_1129 = arith.index_cast %parallel_loop3A_1121 : i32 to index
        %parallel_loop3A_1130 = arith.constant 0 : index
        %parallel_loop3A_1131 = tpu.vector_load %arg10[%parallel_loop3A_1129, %parallel_loop3A_1130] {strides = array<i32>} : memref<128x128xf32, #tpu.memory_space<vmem>>, vector<16xf32>,
        tpu.vector_store %arg10[%parallel_loop3A_1129, %parallel_loop3A_1130], %parallel_loop3A_1128 {strides = array<i32>} : memref<128x128xf32, #tpu.memory_space<vmem>>, vector<16xf32>,
        %parallel_loop3A_1132 = arith.index_cast %parallel_loop3A_1121 : i32 to index
        %parallel_loop3A_1133 = arith.constant 16 : index
        %parallel_loop3A_1134 = tpu.vector_load %arg10[%parallel_loop3A_1132, %parallel_loop3A_1133] {strides = array<i32>} : memref<128x128xf32, #tpu.memory_space<vmem>>, vector<16xf32>,
        %parallel_loop3A_1135 = arith.mulf %parallel_loop3A_1134, %parallel_loop3A_1124 : vector<16xf32>
        %parallel_loop3A_1136 = arith.index_cast %parallel_loop3A_1121 : i32 to index
        %parallel_loop3A_1137 = arith.constant 16 : index
        %parallel_loop3A_1138 = tpu.vector_load %arg10[%parallel_loop3A_1136, %parallel_loop3A_1137] {strides = array<i32>} : memref<128x128xf32, #tpu.memory_space<vmem>>, vector<16xf32>,
        tpu.vector_store %arg10[%parallel_loop3A_1136, %parallel_loop3A_1137], %parallel_loop3A_1135 {strides = array<i32>} : memref<128x128xf32, #tpu.memory_space<vmem>>, vector<16xf32>,
        %parallel_loop3A_1139 = arith.index_cast %parallel_loop3A_1121 : i32 to index
        %parallel_loop3A_1140 = arith.constant 32 : index
        %parallel_loop3A_1141 = tpu.vector_load %arg10[%parallel_loop3A_1139, %parallel_loop3A_1140] {strides = array<i32>} : memref<128x128xf32, #tpu.memory_space<vmem>>, vector<16xf32>,
        %parallel_loop3A_1142 = arith.mulf %parallel_loop3A_1141, %parallel_loop3A_1124 : vector<16xf32>
        %parallel_loop3A_1143 = arith.index_cast %parallel_loop3A_1121 : i32 to index
        %parallel_loop3A_1144 = arith.constant 32 : index
        %parallel_loop3A_1145 = tpu.vector_load %arg10[%parallel_loop3A_1143, %parallel_loop3A_1144] {strides = array<i32>} : memref<128x128xf32, #tpu.memory_space<vmem>>, vector<16xf32>,
        tpu.vector_store %arg10[%parallel_loop3A_1143, %parallel_loop3A_1144], %parallel_loop3A_1142 {strides = array<i32>} : memref<128x128xf32, #tpu.memory_space<vmem>>, vector<16xf32>,
        %parallel_loop3A_1146 = arith.index_cast %parallel_loop3A_1121 : i32 to index
        %parallel_loop3A_1147 = arith.constant 48 : index
        %parallel_loop3A_1148 = tpu.vector_load %arg10[%parallel_loop3A_1146, %parallel_loop3A_1147] {strides = array<i32>} : memref<128x128xf32, #tpu.memory_space<vmem>>, vector<16xf32>,
        %parallel_loop3A_1149 = arith.mulf %parallel_loop3A_1148, %parallel_loop3A_1124 : vector<16xf32>
        %parallel_loop3A_1150 = arith.index_cast %parallel_loop3A_1121 : i32 to index
        %parallel_loop3A_1151 = arith.constant 48 : index
        %parallel_loop3A_1152 = tpu.vector_load %arg10[%parallel_loop3A_1150, %parallel_loop3A_1151] {strides = array<i32>} : memref<128x128xf32, #tpu.memory_space<vmem>>, vector<16xf32>,
        tpu.vector_store %arg10[%parallel_loop3A_1150, %parallel_loop3A_1151], %parallel_loop3A_1149 {strides = array<i32>} : memref<128x128xf32, #tpu.memory_space<vmem>>, vector<16xf32>,
        %parallel_loop3A_1153 = arith.index_cast %parallel_loop3A_1121 : i32 to index
        %parallel_loop3A_1154 = arith.constant 64 : index
        %parallel_loop3A_1155 = tpu.vector_load %arg10[%parallel_loop3A_1153, %parallel_loop3A_1154] {strides = array<i32>} : memref<128x128xf32, #tpu.memory_space<vmem>>, vector<16xf32>,
        %parallel_loop3A_1156 = arith.mulf %parallel_loop3A_1155, %parallel_loop3A_1124 : vector<16xf32>
        %parallel_loop3A_1157 = arith.index_cast %parallel_loop3A_1121 : i32 to index
        %parallel_loop3A_1158 = arith.constant 64 : index
        %parallel_loop3A_1159 = tpu.vector_load %arg10[%parallel_loop3A_1157, %parallel_loop3A_1158] {strides = array<i32>} : memref<128x128xf32, #tpu.memory_space<vmem>>, vector<16xf32>,
        tpu.vector_store %arg10[%parallel_loop3A_1157, %parallel_loop3A_1158], %parallel_loop3A_1156 {strides = array<i32>} : memref<128x128xf32, #tpu.memory_space<vmem>>, vector<16xf32>,
        %parallel_loop3A_1160 = arith.index_cast %parallel_loop3A_1121 : i32 to index
        %parallel_loop3A_1161 = arith.constant 80 : index
        %parallel_loop3A_1162 = tpu.vector_load %arg10[%parallel_loop3A_1160, %parallel_loop3A_1161] {strides = array<i32>} : memref<128x128xf32, #tpu.memory_space<vmem>>, vector<16xf32>,
        %parallel_loop3A_1163 = arith.mulf %parallel_loop3A_1162, %parallel_loop3A_1124 : vector<16xf32>
        %parallel_loop3A_1164 = arith.index_cast %parallel_loop3A_1121 : i32 to index
        %parallel_loop3A_1165 = arith.constant 80 : index
        %parallel_loop3A_1166 = tpu.vector_load %arg10[%parallel_loop3A_1164, %parallel_loop3A_1165] {strides = array<i32>} : memref<128x128xf32, #tpu.memory_space<vmem>>, vector<16xf32>,
        tpu.vector_store %arg10[%parallel_loop3A_1164, %parallel_loop3A_1165], %parallel_loop3A_1163 {strides = array<i32>} : memref<128x128xf32, #tpu.memory_space<vmem>>, vector<16xf32>,
        %parallel_loop3A_1167 = arith.index_cast %parallel_loop3A_1121 : i32 to index
        %parallel_loop3A_1168 = arith.constant 96 : index
        %parallel_loop3A_1169 = tpu.vector_load %arg10[%parallel_loop3A_1167, %parallel_loop3A_1168] {strides = array<i32>} : memref<128x128xf32, #tpu.memory_space<vmem>>, vector<16xf32>,
        %parallel_loop3A_1170 = arith.mulf %parallel_loop3A_1169, %parallel_loop3A_1124 : vector<16xf32>
        %parallel_loop3A_1171 = arith.index_cast %parallel_loop3A_1121 : i32 to index
        %parallel_loop3A_1172 = arith.constant 96 : index
        %parallel_loop3A_1173 = tpu.vector_load %arg10[%parallel_loop3A_1171, %parallel_loop3A_1172] {strides = array<i32>} : memref<128x128xf32, #tpu.memory_space<vmem>>, vector<16xf32>,
        tpu.vector_store %arg10[%parallel_loop3A_1171, %parallel_loop3A_1172], %parallel_loop3A_1170 {strides = array<i32>} : memref<128x128xf32, #tpu.memory_space<vmem>>, vector<16xf32>,
        %parallel_loop3A_1174 = arith.index_cast %parallel_loop3A_1121 : i32 to index
        %parallel_loop3A_1175 = arith.constant 112 : index
        %parallel_loop3A_1176 = tpu.vector_load %arg10[%parallel_loop3A_1174, %parallel_loop3A_1175] {strides = array<i32>} : memref<128x128xf32, #tpu.memory_space<vmem>>, vector<16xf32>,
        %parallel_loop3A_1177 = arith.mulf %parallel_loop3A_1176, %parallel_loop3A_1124 : vector<16xf32>
        %parallel_loop3A_1178 = arith.index_cast %parallel_loop3A_1121 : i32 to index
        %parallel_loop3A_1179 = arith.constant 112 : index
        %parallel_loop3A_1180 = tpu.vector_load %arg10[%parallel_loop3A_1178, %parallel_loop3A_1179] {strides = array<i32>} : memref<128x128xf32, #tpu.memory_space<vmem>>, vector<16xf32>,
        tpu.vector_store %arg10[%parallel_loop3A_1178, %parallel_loop3A_1179], %parallel_loop3A_1177 {strides = array<i32>} : memref<128x128xf32, #tpu.memory_space<vmem>>, vector<16xf32>,
      } {sc.loop_unroll_factor = 4 : i64, sc.parallel_access}
      %dma_start3A_1114 = arith.constant 1 : i32
      %dma_start3A_1115 = arith.constant 0 : i32
      %dma_start3A_1116 = tpu.memref_slice %arg8[%dma_start3A_1114, %dma_start3A_1115] : memref<2x128xi32, #tpu.memory_space<vmem>> -> memref<1x128xi32, #tpu.memory_space<vmem>>
      %dma_start3A_1117 = tpu.memref_squeeze %dma_start3A_1116 : memref<1x128xi32, #tpu.memory_space<vmem>> -> memref<128xi32, #tpu.memory_space<vmem>>
      %dma_start3A_1118 = arith.constant 0 : i32
      %dma_start3A_1119 = arith.constant 0 : i32
      %dma_start3A_1120 = tpu.memref_slice %arg11[%dma_start3A_1118, %dma_start3A_1119] : memref<10240x128xf32, #tpu.memory_space<vmem_shared>> -> memref<10240x128xf32, #tpu.memory_space<vmem_shared>>
      tpu.enqueue_indirect_dma source(%arg10 : memref<128x128xf32, #tpu.memory_space<vmem>>) target(%dma_start3A_1120 : memref<10240x128xf32, #tpu.memory_space<vmem_shared>>) offsets(%dma_start3A_1117 : memref<128xi32, #tpu.memory_space<vmem>>) semaphore(%arg15 : memref<!tpu.dma_semaphore, #tpu.memory_space<semaphore_mem>>) {add = true}
    }
    %scan3A_210 = arith.constant 20 : i32
    %dma_wait3A_211 = arith.constant 0 : i32
    %dma_wait3A_212 = arith.constant 0 : i32
    %dma_wait3A_213 = tpu.memref_slice %arg4[%dma_wait3A_211, %dma_wait3A_212] : memref<10240x128xf32, #tpu.memory_space<hbm>> -> memref<128x128xf32, #tpu.memory_space<hbm>>
    %dma_wait3A_214 = arith.constant 0 : i32
    %dma_wait3A_215 = arith.constant 0 : i32
    %dma_wait3A_216 = tpu.memref_slice %arg4[%dma_wait3A_214, %dma_wait3A_215] : memref<10240x128xf32, #tpu.memory_space<hbm>> -> memref<128x128xf32, #tpu.memory_space<hbm>>
    tpu.wait_dma2 semaphore(%arg12 : memref<!tpu.dma_semaphore, #tpu.memory_space<semaphore_mem>>) src(%dma_wait3A_216 : memref<128x128xf32, #tpu.memory_space<hbm>>) dst(%arg9 : memref<128x128xf32, #tpu.memory_space<vmem>>)
    %dma_wait3A_217 = arith.constant 0 : i32
    %dma_wait3A_218 = arith.constant 0 : i32
    %dma_wait3A_219 = tpu.memref_slice %arg11[%dma_wait3A_217, %dma_wait3A_218] : memref<10240x128xf32, #tpu.memory_space<vmem_shared>> -> memref<128x128xf32, #tpu.memory_space<vmem_shared>>
    %dma_wait3A_220 = arith.constant 0 : i32
    %dma_wait3A_221 = arith.constant 0 : i32
    %dma_wait3A_222 = tpu.memref_slice %arg11[%dma_wait3A_220, %dma_wait3A_221] : memref<10240x128xf32, #tpu.memory_space<vmem_shared>> -> memref<128x128xf32, #tpu.memory_space<vmem_shared>>
    tpu.wait_dma2 semaphore(%arg15 : memref<!tpu.dma_semaphore, #tpu.memory_space<semaphore_mem>>) src(%arg10 : memref<128x128xf32, #tpu.memory_space<vmem>>) dst(%dma_wait3A_222 : memref<128x128xf32, #tpu.memory_space<vmem_shared>>)
    %dma_wait3A_223 = arith.constant 0 : i32
    %dma_wait3A_224 = arith.constant 0 : i32
    %dma_wait3A_225 = arith.constant 1 : i32
    %dma_wait3A_226 = arith.constant 0 : i32
    %dma_wait3A_227 = arith.constant 0 : i32
    %dma_wait3A_228 = tpu.memref_slice %arg6[%dma_wait3A_225, %dma_wait3A_226, %dma_wait3A_227] : memref<4x2x128xi32, #tpu.memory_space<vmem>> -> memref<1x1x128xi32, #tpu.memory_space<vmem>>
    %dma_wait3A_229 = tpu.memref_squeeze %dma_wait3A_228 : memref<1x1x128xi32, #tpu.memory_space<vmem>> -> memref<128xi32, #tpu.memory_space<vmem>>
    %dma_wait3A_230 = arith.constant 0 : i32
    %dma_wait3A_231 = tpu.memref_slice %arg2[%dma_wait3A_223, %dma_wait3A_224, %dma_wait3A_230] : memref<2x2564x128xi32, #tpu.memory_space<hbm>> -> memref<1x1x128xi32, #tpu.memory_space<hbm>>
    %dma_wait3A_232 = tpu.memref_squeeze %dma_wait3A_231 : memref<1x1x128xi32, #tpu.memory_space<hbm>> -> memref<128xi32, #tpu.memory_space<hbm>>
    %dma_wait3A_233 = arith.constant 0 : i32
    %dma_wait3A_234 = tpu.memref_slice %arg6[%dma_wait3A_225, %dma_wait3A_226, %dma_wait3A_233] : memref<4x2x128xi32, #tpu.memory_space<vmem>> -> memref<1x1x128xi32, #tpu.memory_space<vmem>>
    %dma_wait3A_235 = tpu.memref_squeeze %dma_wait3A_234 : memref<1x1x128xi32, #tpu.memory_space<vmem>> -> memref<128xi32, #tpu.memory_space<vmem>>
    %dma_wait3A_236 = arith.constant 0 : i32
    %dma_wait3A_237 = tpu.memref_slice %arg2[%dma_wait3A_223, %dma_wait3A_224, %dma_wait3A_236] : memref<2x2564x128xi32, #tpu.memory_space<hbm>> -> memref<1x1x128xi32, #tpu.memory_space<hbm>>
    %dma_wait3A_238 = tpu.memref_squeeze %dma_wait3A_237 : memref<1x1x128xi32, #tpu.memory_space<hbm>> -> memref<128xi32, #tpu.memory_space<hbm>>
    tpu.wait_dma2 semaphore(%arg17 : memref<!tpu.dma_semaphore, #tpu.memory_space<semaphore_mem>>) src(%dma_wait3A_238 : memref<128xi32, #tpu.memory_space<hbm>>) dst(%dma_wait3A_235 : memref<128xi32, #tpu.memory_space<vmem>>)
    %dma_wait3A_239 = arith.constant 0 : i32
    %dma_wait3A_240 = arith.constant 0 : i32
    %dma_wait3A_241 = arith.constant 1 : i32
    %dma_wait3A_242 = arith.constant 1 : i32
    %dma_wait3A_243 = arith.constant 0 : i32
    %dma_wait3A_244 = tpu.memref_slice %arg6[%dma_wait3A_241, %dma_wait3A_242, %dma_wait3A_243] : memref<4x2x128xi32, #tpu.memory_space<vmem>> -> memref<1x1x128xi32, #tpu.memory_space<vmem>>
    %dma_wait3A_245 = tpu.memref_squeeze %dma_wait3A_244 : memref<1x1x128xi32, #tpu.memory_space<vmem>> -> memref<128xi32, #tpu.memory_space<vmem>>
    %dma_wait3A_246 = arith.constant 0 : i32
    %dma_wait3A_247 = tpu.memref_slice %arg2[%dma_wait3A_239, %dma_wait3A_240, %dma_wait3A_246] : memref<2x2564x128xi32, #tpu.memory_space<hbm>> -> memref<1x1x128xi32, #tpu.memory_space<hbm>>
    %dma_wait3A_248 = tpu.memref_squeeze %dma_wait3A_247 : memref<1x1x128xi32, #tpu.memory_space<hbm>> -> memref<128xi32, #tpu.memory_space<hbm>>
    %dma_wait3A_249 = arith.constant 0 : i32
    %dma_wait3A_250 = tpu.memref_slice %arg6[%dma_wait3A_241, %dma_wait3A_242, %dma_wait3A_249] : memref<4x2x128xi32, #tpu.memory_space<vmem>> -> memref<1x1x128xi32, #tpu.memory_space<vmem>>
    %dma_wait3A_251 = tpu.memref_squeeze %dma_wait3A_250 : memref<1x1x128xi32, #tpu.memory_space<vmem>> -> memref<128xi32, #tpu.memory_space<vmem>>
    %dma_wait3A_252 = arith.constant 0 : i32
    %dma_wait3A_253 = tpu.memref_slice %arg2[%dma_wait3A_239, %dma_wait3A_240, %dma_wait3A_252] : memref<2x2564x128xi32, #tpu.memory_space<hbm>> -> memref<1x1x128xi32, #tpu.memory_space<hbm>>
    %dma_wait3A_254 = tpu.memref_squeeze %dma_wait3A_253 : memref<1x1x128xi32, #tpu.memory_space<hbm>> -> memref<128xi32, #tpu.memory_space<hbm>>
    tpu.wait_dma2 semaphore(%arg17 : memref<!tpu.dma_semaphore, #tpu.memory_space<semaphore_mem>>) src(%dma_wait3A_254 : memref<128xi32, #tpu.memory_space<hbm>>) dst(%dma_wait3A_251 : memref<128xi32, #tpu.memory_space<vmem>>)
    %dma_wait3A_255 = arith.constant 0 : i32
    %dma_wait3A_256 = arith.constant 0 : i32
    %dma_wait3A_257 = arith.constant 2 : i32
    %dma_wait3A_258 = arith.constant 0 : i32
    %dma_wait3A_259 = arith.constant 0 : i32
    %dma_wait3A_260 = tpu.memref_slice %arg6[%dma_wait3A_257, %dma_wait3A_258, %dma_wait3A_259] : memref<4x2x128xi32, #tpu.memory_space<vmem>> -> memref<1x1x128xi32, #tpu.memory_space<vmem>>
    %dma_wait3A_261 = tpu.memref_squeeze %dma_wait3A_260 : memref<1x1x128xi32, #tpu.memory_space<vmem>> -> memref<128xi32, #tpu.memory_space<vmem>>
    %dma_wait3A_262 = arith.constant 0 : i32
    %dma_wait3A_263 = tpu.memref_slice %arg2[%dma_wait3A_255, %dma_wait3A_256, %dma_wait3A_262] : memref<2x2564x128xi32, #tpu.memory_space<hbm>> -> memref<1x1x128xi32, #tpu.memory_space<hbm>>
    %dma_wait3A_264 = tpu.memref_squeeze %dma_wait3A_263 : memref<1x1x128xi32, #tpu.memory_space<hbm>> -> memref<128xi32, #tpu.memory_space<hbm>>
    %dma_wait3A_265 = arith.constant 0 : i32
    %dma_wait3A_266 = tpu.memref_slice %arg6[%dma_wait3A_257, %dma_wait3A_258, %dma_wait3A_265] : memref<4x2x128xi32, #tpu.memory_space<vmem>> -> memref<1x1x128xi32, #tpu.memory_space<vmem>>
    %dma_wait3A_267 = tpu.memref_squeeze %dma_wait3A_266 : memref<1x1x128xi32, #tpu.memory_space<vmem>> -> memref<128xi32, #tpu.memory_space<vmem>>
    %dma_wait3A_268 = arith.constant 0 : i32
    %dma_wait3A_269 = tpu.memref_slice %arg2[%dma_wait3A_255, %dma_wait3A_256, %dma_wait3A_268] : memref<2x2564x128xi32, #tpu.memory_space<hbm>> -> memref<1x1x128xi32, #tpu.memory_space<hbm>>
    %dma_wait3A_270 = tpu.memref_squeeze %dma_wait3A_269 : memref<1x1x128xi32, #tpu.memory_space<hbm>> -> memref<128xi32, #tpu.memory_space<hbm>>
    tpu.wait_dma2 semaphore(%arg18 : memref<!tpu.dma_semaphore, #tpu.memory_space<semaphore_mem>>) src(%dma_wait3A_270 : memref<128xi32, #tpu.memory_space<hbm>>) dst(%dma_wait3A_267 : memref<128xi32, #tpu.memory_space<vmem>>)
    %dma_wait3A_271 = arith.constant 0 : i32
    %dma_wait3A_272 = arith.constant 0 : i32
    %dma_wait3A_273 = arith.constant 2 : i32
    %dma_wait3A_274 = arith.constant 1 : i32
    %dma_wait3A_275 = arith.constant 0 : i32
    %dma_wait3A_276 = tpu.memref_slice %arg6[%dma_wait3A_273, %dma_wait3A_274, %dma_wait3A_275] : memref<4x2x128xi32, #tpu.memory_space<vmem>> -> memref<1x1x128xi32, #tpu.memory_space<vmem>>
    %dma_wait3A_277 = tpu.memref_squeeze %dma_wait3A_276 : memref<1x1x128xi32, #tpu.memory_space<vmem>> -> memref<128xi32, #tpu.memory_space<vmem>>
    %dma_wait3A_278 = arith.constant 0 : i32
    %dma_wait3A_279 = tpu.memref_slice %arg2[%dma_wait3A_271, %dma_wait3A_272, %dma_wait3A_278] : memref<2x2564x128xi32, #tpu.memory_space<hbm>> -> memref<1x1x128xi32, #tpu.memory_space<hbm>>
    %dma_wait3A_280 = tpu.memref_squeeze %dma_wait3A_279 : memref<1x1x128xi32, #tpu.memory_space<hbm>> -> memref<128xi32, #tpu.memory_space<hbm>>
    %dma_wait3A_281 = arith.constant 0 : i32
    %dma_wait3A_282 = tpu.memref_slice %arg6[%dma_wait3A_273, %dma_wait3A_274, %dma_wait3A_281] : memref<4x2x128xi32, #tpu.memory_space<vmem>> -> memref<1x1x128xi32, #tpu.memory_space<vmem>>
    %dma_wait3A_283 = tpu.memref_squeeze %dma_wait3A_282 : memref<1x1x128xi32, #tpu.memory_space<vmem>> -> memref<128xi32, #tpu.memory_space<vmem>>
    %dma_wait3A_284 = arith.constant 0 : i32
    %dma_wait3A_285 = tpu.memref_slice %arg2[%dma_wait3A_271, %dma_wait3A_272, %dma_wait3A_284] : memref<2x2564x128xi32, #tpu.memory_space<hbm>> -> memref<1x1x128xi32, #tpu.memory_space<hbm>>
    %dma_wait3A_286 = tpu.memref_squeeze %dma_wait3A_285 : memref<1x1x128xi32, #tpu.memory_space<hbm>> -> memref<128xi32, #tpu.memory_space<hbm>>
    tpu.wait_dma2 semaphore(%arg18 : memref<!tpu.dma_semaphore, #tpu.memory_space<semaphore_mem>>) src(%dma_wait3A_286 : memref<128xi32, #tpu.memory_space<hbm>>) dst(%dma_wait3A_283 : memref<128xi32, #tpu.memory_space<vmem>>)
    %dma_wait3A_287 = arith.constant 0 : i32
    %dma_wait3A_288 = arith.constant 0 : i32
    %dma_wait3A_289 = arith.constant 3 : i32
    %dma_wait3A_290 = arith.constant 0 : i32
    %dma_wait3A_291 = arith.constant 0 : i32
    %dma_wait3A_292 = tpu.memref_slice %arg6[%dma_wait3A_289, %dma_wait3A_290, %dma_wait3A_291] : memref<4x2x128xi32, #tpu.memory_space<vmem>> -> memref<1x1x128xi32, #tpu.memory_space<vmem>>
    %dma_wait3A_293 = tpu.memref_squeeze %dma_wait3A_292 : memref<1x1x128xi32, #tpu.memory_space<vmem>> -> memref<128xi32, #tpu.memory_space<vmem>>
    %dma_wait3A_294 = arith.constant 0 : i32
    %dma_wait3A_295 = tpu.memref_slice %arg2[%dma_wait3A_287, %dma_wait3A_288, %dma_wait3A_294] : memref<2x2564x128xi32, #tpu.memory_space<hbm>> -> memref<1x1x128xi32, #tpu.memory_space<hbm>>
    %dma_wait3A_296 = tpu.memref_squeeze %dma_wait3A_295 : memref<1x1x128xi32, #tpu.memory_space<hbm>> -> memref<128xi32, #tpu.memory_space<hbm>>
    %dma_wait3A_297 = arith.constant 0 : i32
    %dma_wait3A_298 = tpu.memref_slice %arg6[%dma_wait3A_289, %dma_wait3A_290, %dma_wait3A_297] : memref<4x2x128xi32, #tpu.memory_space<vmem>> -> memref<1x1x128xi32, #tpu.memory_space<vmem>>
    %dma_wait3A_299 = tpu.memref_squeeze %dma_wait3A_298 : memref<1x1x128xi32, #tpu.memory_space<vmem>> -> memref<128xi32, #tpu.memory_space<vmem>>
    %dma_wait3A_300 = arith.constant 0 : i32
    %dma_wait3A_301 = tpu.memref_slice %arg2[%dma_wait3A_287, %dma_wait3A_288, %dma_wait3A_300] : memref<2x2564x128xi32, #tpu.memory_space<hbm>> -> memref<1x1x128xi32, #tpu.memory_space<hbm>>
    %dma_wait3A_302 = tpu.memref_squeeze %dma_wait3A_301 : memref<1x1x128xi32, #tpu.memory_space<hbm>> -> memref<128xi32, #tpu.memory_space<hbm>>
    tpu.wait_dma2 semaphore(%arg19 : memref<!tpu.dma_semaphore, #tpu.memory_space<semaphore_mem>>) src(%dma_wait3A_302 : memref<128xi32, #tpu.memory_space<hbm>>) dst(%dma_wait3A_299 : memref<128xi32, #tpu.memory_space<vmem>>)
    %dma_wait3A_303 = arith.constant 0 : i32
    %dma_wait3A_304 = arith.constant 0 : i32
    %dma_wait3A_305 = arith.constant 3 : i32
    %dma_wait3A_306 = arith.constant 1 : i32
    %dma_wait3A_307 = arith.constant 0 : i32
    %dma_wait3A_308 = tpu.memref_slice %arg6[%dma_wait3A_305, %dma_wait3A_306, %dma_wait3A_307] : memref<4x2x128xi32, #tpu.memory_space<vmem>> -> memref<1x1x128xi32, #tpu.memory_space<vmem>>
    %dma_wait3A_309 = tpu.memref_squeeze %dma_wait3A_308 : memref<1x1x128xi32, #tpu.memory_space<vmem>> -> memref<128xi32, #tpu.memory_space<vmem>>
    %dma_wait3A_310 = arith.constant 0 : i32
    %dma_wait3A_311 = tpu.memref_slice %arg2[%dma_wait3A_303, %dma_wait3A_304, %dma_wait3A_310] : memref<2x2564x128xi32, #tpu.memory_space<hbm>> -> memref<1x1x128xi32, #tpu.memory_space<hbm>>
    %dma_wait3A_312 = tpu.memref_squeeze %dma_wait3A_311 : memref<1x1x128xi32, #tpu.memory_space<hbm>> -> memref<128xi32, #tpu.memory_space<hbm>>
    %dma_wait3A_313 = arith.constant 0 : i32
    %dma_wait3A_314 = tpu.memref_slice %arg6[%dma_wait3A_305, %dma_wait3A_306, %dma_wait3A_313] : memref<4x2x128xi32, #tpu.memory_space<vmem>> -> memref<1x1x128xi32, #tpu.memory_space<vmem>>
    %dma_wait3A_315 = tpu.memref_squeeze %dma_wait3A_314 : memref<1x1x128xi32, #tpu.memory_space<vmem>> -> memref<128xi32, #tpu.memory_space<vmem>>
    %dma_wait3A_316 = arith.constant 0 : i32
    %dma_wait3A_317 = tpu.memref_slice %arg2[%dma_wait3A_303, %dma_wait3A_304, %dma_wait3A_316] : memref<2x2564x128xi32, #tpu.memory_space<hbm>> -> memref<1x1x128xi32, #tpu.memory_space<hbm>>
    %dma_wait3A_318 = tpu.memref_squeeze %dma_wait3A_317 : memref<1x1x128xi32, #tpu.memory_space<hbm>> -> memref<128xi32, #tpu.memory_space<hbm>>
    tpu.wait_dma2 semaphore(%arg19 : memref<!tpu.dma_semaphore, #tpu.memory_space<semaphore_mem>>) src(%dma_wait3A_318 : memref<128xi32, #tpu.memory_space<hbm>>) dst(%dma_wait3A_315 : memref<128xi32, #tpu.memory_space<vmem>>)
    %barrier3A_319 = arith.constant 0 : index
    tpu.barrier barrier_id(%barrier3A_319)
    %mul3A_320 = arith.constant 640 : i32
    %mul3A_321 = arith.muli %arg1, %mul3A_320 : i32
    %add3A_322 = arith.constant 0 : i32
    %add3A_323 = arith.addi %mul3A_321, %add3A_322 : i32
    "tpu.region"() ({
      %run_scoped3A = tpu.sem_alloc : memref<!tpu.dma_semaphore, #tpu.memory_space<semaphore_mem>>
      %dma_start3A_395 = arith.constant 0 : i32
      %dma_start3A_396 = tpu.memref_slice %arg11[%add3A_323, %dma_start3A_395] : memref<10240x128xf32, #tpu.memory_space<vmem_shared>> -> memref<128x128xf32, #tpu.memory_space<vmem_shared>>
      %dma_start3A_397 = arith.constant 0 : i32
      %dma_start3A_398 = tpu.memref_slice %arg11[%add3A_323, %dma_start3A_397] : memref<10240x128xf32, #tpu.memory_space<vmem_shared>> -> memref<128x128xf32, #tpu.memory_space<vmem_shared>>
      tpu.enqueue_dma source(%dma_start3A_398 : memref<128x128xf32, #tpu.memory_space<vmem_shared>>) target(%arg9 : memref<128x128xf32, #tpu.memory_space<vmem>>) target_semaphore(%run_scoped3A : memref<!tpu.dma_semaphore, #tpu.memory_space<semaphore_mem>>)
      %dma_wait3A_399 = arith.constant 0 : i32
      %dma_wait3A_400 = tpu.memref_slice %arg11[%add3A_323, %dma_wait3A_399] : memref<10240x128xf32, #tpu.memory_space<vmem_shared>> -> memref<128x128xf32, #tpu.memory_space<vmem_shared>>
      %dma_wait3A_401 = arith.constant 0 : i32
      %dma_wait3A_402 = tpu.memref_slice %arg11[%add3A_323, %dma_wait3A_401] : memref<10240x128xf32, #tpu.memory_space<vmem_shared>> -> memref<128x128xf32, #tpu.memory_space<vmem_shared>>
      tpu.wait_dma2 semaphore(%run_scoped3A : memref<!tpu.dma_semaphore, #tpu.memory_space<semaphore_mem>>) src(%dma_wait3A_402 : memref<128x128xf32, #tpu.memory_space<vmem_shared>>) dst(%arg9 : memref<128x128xf32, #tpu.memory_space<vmem>>)
      tpu.yield
    }) : () -> ()
    %mul3A_324 = arith.constant 10240 : i32
    %mul3A_325 = arith.muli %arg0, %mul3A_324 : i32
    %add3A_326 = arith.addi %mul3A_325, %add3A_323 : i32
    %dma_start3A_327 = arith.constant 0 : i32
    %dma_start3A_328 = tpu.memref_slice %arg5[%add3A_326, %dma_start3A_327] : memref<20480x128xf32, #tpu.memory_space<hbm>> -> memref<128x128xf32, #tpu.memory_space<hbm>>
    %dma_start3A_329 = arith.constant 0 : i32
    %dma_start3A_330 = tpu.memref_slice %arg5[%add3A_326, %dma_start3A_329] : memref<20480x128xf32, #tpu.memory_space<hbm>> -> memref<128x128xf32, #tpu.memory_space<hbm>>
    tpu.enqueue_dma source(%arg9 : memref<128x128xf32, #tpu.memory_space<vmem>>) target(%dma_start3A_330 : memref<128x128xf32, #tpu.memory_space<hbm>>) target_semaphore(%arg12 : memref<!tpu.dma_semaphore, #tpu.memory_space<semaphore_mem>>)
    %mul3A_331 = arith.constant 640 : i32
    %mul3A_332 = arith.muli %arg1, %mul3A_331 : i32
    %add3A_333 = arith.constant 128 : i32
    %add3A_334 = arith.addi %mul3A_332, %add3A_333 : i32
    "tpu.region"() ({
      %run_scoped3A = tpu.sem_alloc : memref<!tpu.dma_semaphore, #tpu.memory_space<semaphore_mem>>
      %dma_start3A_395 = arith.constant 0 : i32
      %dma_start3A_396 = tpu.memref_slice %arg11[%add3A_334, %dma_start3A_395] : memref<10240x128xf32, #tpu.memory_space<vmem_shared>> -> memref<128x128xf32, #tpu.memory_space<vmem_shared>>
      %dma_start3A_397 = arith.constant 0 : i32
      %dma_start3A_398 = tpu.memref_slice %arg11[%add3A_334, %dma_start3A_397] : memref<10240x128xf32, #tpu.memory_space<vmem_shared>> -> memref<128x128xf32, #tpu.memory_space<vmem_shared>>
      tpu.enqueue_dma source(%dma_start3A_398 : memref<128x128xf32, #tpu.memory_space<vmem_shared>>) target(%arg10 : memref<128x128xf32, #tpu.memory_space<vmem>>) target_semaphore(%run_scoped3A : memref<!tpu.dma_semaphore, #tpu.memory_space<semaphore_mem>>)
      %dma_wait3A_399 = arith.constant 0 : i32
      %dma_wait3A_400 = tpu.memref_slice %arg11[%add3A_334, %dma_wait3A_399] : memref<10240x128xf32, #tpu.memory_space<vmem_shared>> -> memref<128x128xf32, #tpu.memory_space<vmem_shared>>
      %dma_wait3A_401 = arith.constant 0 : i32
      %dma_wait3A_402 = tpu.memref_slice %arg11[%add3A_334, %dma_wait3A_401] : memref<10240x128xf32, #tpu.memory_space<vmem_shared>> -> memref<128x128xf32, #tpu.memory_space<vmem_shared>>
      tpu.wait_dma2 semaphore(%run_scoped3A : memref<!tpu.dma_semaphore, #tpu.memory_space<semaphore_mem>>) src(%dma_wait3A_402 : memref<128x128xf32, #tpu.memory_space<vmem_shared>>) dst(%arg10 : memref<128x128xf32, #tpu.memory_space<vmem>>)
      tpu.yield
    }) : () -> ()
    %mul3A_335 = arith.constant 10240 : i32
    %mul3A_336 = arith.muli %arg0, %mul3A_335 : i32
    %add3A_337 = arith.addi %mul3A_336, %add3A_334 : i32
    %dma_start3A_338 = arith.constant 0 : i32
    %dma_start3A_339 = tpu.memref_slice %arg5[%add3A_337, %dma_start3A_338] : memref<20480x128xf32, #tpu.memory_space<hbm>> -> memref<128x128xf32, #tpu.memory_space<hbm>>
    %dma_start3A_340 = arith.constant 0 : i32
    %dma_start3A_341 = tpu.memref_slice %arg5[%add3A_337, %dma_start3A_340] : memref<20480x128xf32, #tpu.memory_space<hbm>> -> memref<128x128xf32, #tpu.memory_space<hbm>>
    tpu.enqueue_dma source(%arg10 : memref<128x128xf32, #tpu.memory_space<vmem>>) target(%dma_start3A_341 : memref<128x128xf32, #tpu.memory_space<hbm>>) target_semaphore(%arg13 : memref<!tpu.dma_semaphore, #tpu.memory_space<semaphore_mem>>)
    %mul3A_342 = arith.constant 640 : i32
    %mul3A_343 = arith.muli %arg1, %mul3A_342 : i32
    %add3A_344 = arith.constant 256 : i32
    %add3A_345 = arith.addi %mul3A_343, %add3A_344 : i32
    %dma_wait3A_346 = arith.constant 0 : i32
    %dma_wait3A_347 = tpu.memref_slice %arg5[%add3A_326, %dma_wait3A_346] : memref<20480x128xf32, #tpu.memory_space<hbm>> -> memref<128x128xf32, #tpu.memory_space<hbm>>
    %dma_wait3A_348 = arith.constant 0 : i32
    %dma_wait3A_349 = tpu.memref_slice %arg5[%add3A_326, %dma_wait3A_348] : memref<20480x128xf32, #tpu.memory_space<hbm>> -> memref<128x128xf32, #tpu.memory_space<hbm>>
    tpu.wait_dma2 semaphore(%arg12 : memref<!tpu.dma_semaphore, #tpu.memory_space<semaphore_mem>>) src(%arg9 : memref<128x128xf32, #tpu.memory_space<vmem>>) dst(%dma_wait3A_349 : memref<128x128xf32, #tpu.memory_space<hbm>>)
    "tpu.region"() ({
      %run_scoped3A = tpu.sem_alloc : memref<!tpu.dma_semaphore, #tpu.memory_space<semaphore_mem>>
      %dma_start3A_395 = arith.constant 0 : i32
      %dma_start3A_396 = tpu.memref_slice %arg11[%add3A_345, %dma_start3A_395] : memref<10240x128xf32, #tpu.memory_space<vmem_shared>> -> memref<128x128xf32, #tpu.memory_space<vmem_shared>>
      %dma_start3A_397 = arith.constant 0 : i32
      %dma_start3A_398 = tpu.memref_slice %arg11[%add3A_345, %dma_start3A_397] : memref<10240x128xf32, #tpu.memory_space<vmem_shared>> -> memref<128x128xf32, #tpu.memory_space<vmem_shared>>
      tpu.enqueue_dma source(%dma_start3A_398 : memref<128x128xf32, #tpu.memory_space<vmem_shared>>) target(%arg9 : memref<128x128xf32, #tpu.memory_space<vmem>>) target_semaphore(%run_scoped3A : memref<!tpu.dma_semaphore, #tpu.memory_space<semaphore_mem>>)
      %dma_wait3A_399 = arith.constant 0 : i32
      %dma_wait3A_400 = tpu.memref_slice %arg11[%add3A_345, %dma_wait3A_399] : memref<10240x128xf32, #tpu.memory_space<vmem_shared>> -> memref<128x128xf32, #tpu.memory_space<vmem_shared>>
      %dma_wait3A_401 = arith.constant 0 : i32
      %dma_wait3A_402 = tpu.memref_slice %arg11[%add3A_345, %dma_wait3A_401] : memref<10240x128xf32, #tpu.memory_space<vmem_shared>> -> memref<128x128xf32, #tpu.memory_space<vmem_shared>>
      tpu.wait_dma2 semaphore(%run_scoped3A : memref<!tpu.dma_semaphore, #tpu.memory_space<semaphore_mem>>) src(%dma_wait3A_402 : memref<128x128xf32, #tpu.memory_space<vmem_shared>>) dst(%arg9 : memref<128x128xf32, #tpu.memory_space<vmem>>)
      tpu.yield
    }) : () -> ()
    %mul3A_350 = arith.constant 10240 : i32
    %mul3A_351 = arith.muli %arg0, %mul3A_350 : i32
    %add3A_352 = arith.addi %mul3A_351, %add3A_345 : i32
    %dma_start3A_353 = arith.constant 0 : i32
    %dma_start3A_354 = tpu.memref_slice %arg5[%add3A_352, %dma_start3A_353] : memref<20480x128xf32, #tpu.memory_space<hbm>> -> memref<128x128xf32, #tpu.memory_space<hbm>>
    %dma_start3A_355 = arith.constant 0 : i32
    %dma_start3A_356 = tpu.memref_slice %arg5[%add3A_352, %dma_start3A_355] : memref<20480x128xf32, #tpu.memory_space<hbm>> -> memref<128x128xf32, #tpu.memory_space<hbm>>
    tpu.enqueue_dma source(%arg9 : memref<128x128xf32, #tpu.memory_space<vmem>>) target(%dma_start3A_356 : memref<128x128xf32, #tpu.memory_space<hbm>>) target_semaphore(%arg12 : memref<!tpu.dma_semaphore, #tpu.memory_space<semaphore_mem>>)
    %mul3A_357 = arith.constant 640 : i32
    %mul3A_358 = arith.muli %arg1, %mul3A_357 : i32
    %add3A_359 = arith.constant 384 : i32
    %add3A_360 = arith.addi %mul3A_358, %add3A_359 : i32
    %dma_wait3A_361 = arith.constant 0 : i32
    %dma_wait3A_362 = tpu.memref_slice %arg5[%add3A_337, %dma_wait3A_361] : memref<20480x128xf32, #tpu.memory_space<hbm>> -> memref<128x128xf32, #tpu.memory_space<hbm>>
    %dma_wait3A_363 = arith.constant 0 : i32
    %dma_wait3A_364 = tpu.memref_slice %arg5[%add3A_337, %dma_wait3A_363] : memref<20480x128xf32, #tpu.memory_space<hbm>> -> memref<128x128xf32, #tpu.memory_space<hbm>>
    tpu.wait_dma2 semaphore(%arg13 : memref<!tpu.dma_semaphore, #tpu.memory_space<semaphore_mem>>) src(%arg10 : memref<128x128xf32, #tpu.memory_space<vmem>>) dst(%dma_wait3A_364 : memref<128x128xf32, #tpu.memory_space<hbm>>)
    "tpu.region"() ({
      %run_scoped3A = tpu.sem_alloc : memref<!tpu.dma_semaphore, #tpu.memory_space<semaphore_mem>>
      %dma_start3A_395 = arith.constant 0 : i32
      %dma_start3A_396 = tpu.memref_slice %arg11[%add3A_360, %dma_start3A_395] : memref<10240x128xf32, #tpu.memory_space<vmem_shared>> -> memref<128x128xf32, #tpu.memory_space<vmem_shared>>
      %dma_start3A_397 = arith.constant 0 : i32
      %dma_start3A_398 = tpu.memref_slice %arg11[%add3A_360, %dma_start3A_397] : memref<10240x128xf32, #tpu.memory_space<vmem_shared>> -> memref<128x128xf32, #tpu.memory_space<vmem_shared>>
      tpu.enqueue_dma source(%dma_start3A_398 : memref<128x128xf32, #tpu.memory_space<vmem_shared>>) target(%arg10 : memref<128x128xf32, #tpu.memory_space<vmem>>) target_semaphore(%run_scoped3A : memref<!tpu.dma_semaphore, #tpu.memory_space<semaphore_mem>>)
      %dma_wait3A_399 = arith.constant 0 : i32
      %dma_wait3A_400 = tpu.memref_slice %arg11[%add3A_360, %dma_wait3A_399] : memref<10240x128xf32, #tpu.memory_space<vmem_shared>> -> memref<128x128xf32, #tpu.memory_space<vmem_shared>>
      %dma_wait3A_401 = arith.constant 0 : i32
      %dma_wait3A_402 = tpu.memref_slice %arg11[%add3A_360, %dma_wait3A_401] : memref<10240x128xf32, #tpu.memory_space<vmem_shared>> -> memref<128x128xf32, #tpu.memory_space<vmem_shared>>
      tpu.wait_dma2 semaphore(%run_scoped3A : memref<!tpu.dma_semaphore, #tpu.memory_space<semaphore_mem>>) src(%dma_wait3A_402 : memref<128x128xf32, #tpu.memory_space<vmem_shared>>) dst(%arg10 : memref<128x128xf32, #tpu.memory_space<vmem>>)
      tpu.yield
    }) : () -> ()
    %mul3A_365 = arith.constant 10240 : i32
    %mul3A_366 = arith.muli %arg0, %mul3A_365 : i32
    %add3A_367 = arith.addi %mul3A_366, %add3A_360 : i32
    %dma_start3A_368 = arith.constant 0 : i32
    %dma_start3A_369 = tpu.memref_slice %arg5[%add3A_367, %dma_start3A_368] : memref<20480x128xf32, #tpu.memory_space<hbm>> -> memref<128x128xf32, #tpu.memory_space<hbm>>
    %dma_start3A_370 = arith.constant 0 : i32
    %dma_start3A_371 = tpu.memref_slice %arg5[%add3A_367, %dma_start3A_370] : memref<20480x128xf32, #tpu.memory_space<hbm>> -> memref<128x128xf32, #tpu.memory_space<hbm>>
    tpu.enqueue_dma source(%arg10 : memref<128x128xf32, #tpu.memory_space<vmem>>) target(%dma_start3A_371 : memref<128x128xf32, #tpu.memory_space<hbm>>) target_semaphore(%arg13 : memref<!tpu.dma_semaphore, #tpu.memory_space<semaphore_mem>>)
    %mul3A_372 = arith.constant 640 : i32
    %mul3A_373 = arith.muli %arg1, %mul3A_372 : i32
    %add3A_374 = arith.constant 512 : i32
    %add3A_375 = arith.addi %mul3A_373, %add3A_374 : i32
    %dma_wait3A_376 = arith.constant 0 : i32
    %dma_wait3A_377 = tpu.memref_slice %arg5[%add3A_352, %dma_wait3A_376] : memref<20480x128xf32, #tpu.memory_space<hbm>> -> memref<128x128xf32, #tpu.memory_space<hbm>>
    %dma_wait3A_378 = arith.constant 0 : i32
    %dma_wait3A_379 = tpu.memref_slice %arg5[%add3A_352, %dma_wait3A_378] : memref<20480x128xf32, #tpu.memory_space<hbm>> -> memref<128x128xf32, #tpu.memory_space<hbm>>
    tpu.wait_dma2 semaphore(%arg12 : memref<!tpu.dma_semaphore, #tpu.memory_space<semaphore_mem>>) src(%arg9 : memref<128x128xf32, #tpu.memory_space<vmem>>) dst(%dma_wait3A_379 : memref<128x128xf32, #tpu.memory_space<hbm>>)
    "tpu.region"() ({
      %run_scoped3A = tpu.sem_alloc : memref<!tpu.dma_semaphore, #tpu.memory_space<semaphore_mem>>
      %dma_start3A_395 = arith.constant 0 : i32
      %dma_start3A_396 = tpu.memref_slice %arg11[%add3A_375, %dma_start3A_395] : memref<10240x128xf32, #tpu.memory_space<vmem_shared>> -> memref<128x128xf32, #tpu.memory_space<vmem_shared>>
      %dma_start3A_397 = arith.constant 0 : i32
      %dma_start3A_398 = tpu.memref_slice %arg11[%add3A_375, %dma_start3A_397] : memref<10240x128xf32, #tpu.memory_space<vmem_shared>> -> memref<128x128xf32, #tpu.memory_space<vmem_shared>>
      tpu.enqueue_dma source(%dma_start3A_398 : memref<128x128xf32, #tpu.memory_space<vmem_shared>>) target(%arg9 : memref<128x128xf32, #tpu.memory_space<vmem>>) target_semaphore(%run_scoped3A : memref<!tpu.dma_semaphore, #tpu.memory_space<semaphore_mem>>)
      %dma_wait3A_399 = arith.constant 0 : i32
      %dma_wait3A_400 = tpu.memref_slice %arg11[%add3A_375, %dma_wait3A_399] : memref<10240x128xf32, #tpu.memory_space<vmem_shared>> -> memref<128x128xf32, #tpu.memory_space<vmem_shared>>
      %dma_wait3A_401 = arith.constant 0 : i32
      %dma_wait3A_402 = tpu.memref_slice %arg11[%add3A_375, %dma_wait3A_401] : memref<10240x128xf32, #tpu.memory_space<vmem_shared>> -> memref<128x128xf32, #tpu.memory_space<vmem_shared>>
      tpu.wait_dma2 semaphore(%run_scoped3A : memref<!tpu.dma_semaphore, #tpu.memory_space<semaphore_mem>>) src(%dma_wait3A_402 : memref<128x128xf32, #tpu.memory_space<vmem_shared>>) dst(%arg9 : memref<128x128xf32, #tpu.memory_space<vmem>>)
      tpu.yield
    }) : () -> ()
    %mul3A_380 = arith.constant 10240 : i32
    %mul3A_381 = arith.muli %arg0, %mul3A_380 : i32
    %add3A_382 = arith.addi %mul3A_381, %add3A_375 : i32
    %dma_start3A_383 = arith.constant 0 : i32
    %dma_start3A_384 = tpu.memref_slice %arg5[%add3A_382, %dma_start3A_383] : memref<20480x128xf32, #tpu.memory_space<hbm>> -> memref<128x128xf32, #tpu.memory_space<hbm>>
    %dma_start3A_385 = arith.constant 0 : i32
    %dma_start3A_386 = tpu.memref_slice %arg5[%add3A_382, %dma_start3A_385] : memref<20480x128xf32, #tpu.memory_space<hbm>> -> memref<128x128xf32, #tpu.memory_space<hbm>>
    tpu.enqueue_dma source(%arg9 : memref<128x128xf32, #tpu.memory_space<vmem>>) target(%dma_start3A_386 : memref<128x128xf32, #tpu.memory_space<hbm>>) target_semaphore(%arg12 : memref<!tpu.dma_semaphore, #tpu.memory_space<semaphore_mem>>)
    %dma_wait3A_387 = arith.constant 0 : i32
    %dma_wait3A_388 = tpu.memref_slice %arg5[%add3A_367, %dma_wait3A_387] : memref<20480x128xf32, #tpu.memory_space<hbm>> -> memref<128x128xf32, #tpu.memory_space<hbm>>
    %dma_wait3A_389 = arith.constant 0 : i32
    %dma_wait3A_390 = tpu.memref_slice %arg5[%add3A_367, %dma_wait3A_389] : memref<20480x128xf32, #tpu.memory_space<hbm>> -> memref<128x128xf32, #tpu.memory_space<hbm>>
    tpu.wait_dma2 semaphore(%arg13 : memref<!tpu.dma_semaphore, #tpu.memory_space<semaphore_mem>>) src(%arg10 : memref<128x128xf32, #tpu.memory_space<vmem>>) dst(%dma_wait3A_390 : memref<128x128xf32, #tpu.memory_space<hbm>>)
    %dma_wait3A_391 = arith.constant 0 : i32
    %dma_wait3A_392 = tpu.memref_slice %arg5[%add3A_382, %dma_wait3A_391] : memref<20480x128xf32, #tpu.memory_space<hbm>> -> memref<128x128xf32, #tpu.memory_space<hbm>>
    %dma_wait3A_393 = arith.constant 0 : i32
    %dma_wait3A_394 = tpu.memref_slice %arg5[%add3A_382, %dma_wait3A_393] : memref<20480x128xf32, #tpu.memory_space<hbm>> -> memref<128x128xf32, #tpu.memory_space<hbm>>
    tpu.wait_dma2 semaphore(%arg12 : memref<!tpu.dma_semaphore, #tpu.memory_space<semaphore_mem>>) src(%arg9 : memref<128x128xf32, #tpu.memory_space<vmem>>) dst(%dma_wait3A_394 : memref<128x128xf32, #tpu.memory_space<hbm>>)
    return
  }
}

module attributes {stable_mosaic.version = 14 : i64} {
  func.func @_last_body(%arg0: i32, %arg1: memref<1x1x2048xi32, #tpu.memory_space<vmem>>, %arg2: memref<1x256xi32, #tpu.memory_space<vmem>>) attributes {dimension_semantics = [#tpu.dimension_semantics<arbitrary>], iteration_bounds = array<i64: 5>, scalar_prefetch = 0 : i64, scratch_operands = 0 : i64, tpu.core_type = #tpu.core_type<tc>, window_params = [{transform_indices = @transform_0, window_bounds = array<i64: 1, 1, 2048>}, {pipeline_mode = #tpu.pipeline_mode<synchronous>, transform_indices = @transform_1, window_bounds = array<i64: 1, 256>}]} {
    %get3A = arith.constant 0 : index
    %get3A_0 = arith.constant 0 : index
    %get3A_1 = arith.constant 0 : index
    %get3A_2 = vector.load %arg1[%get3A, %get3A_0, %get3A_1] : memref<1x1x2048xi32, #tpu.memory_space<vmem>>, vector<1x1x2048xi32>
    %get3A_3 = vector.shape_cast %get3A_2 : vector<1x1x2048xi32> to vector<2048xi32>
    %mul3A = arith.constant 2048 : i32
    %mul3A_4 = arith.muli %arg0, %mul3A : i32
    %iota3A = tpu.iota {dimensions = array<i32: 1>} : vector<256x2048xi32>
    %add3A = vector.broadcast %mul3A_4 : i32 to vector<256x2048xi32>
    %add3A_5 = arith.addi %add3A, %iota3A : vector<256x2048xi32>
    %broadcast_in_dim3A = vector.shape_cast %get3A_3 : vector<2048xi32> to vector<1x2048xi32>
    %iota3A_6 = tpu.iota {dimensions = array<i32: 0>} : vector<256x2048xi32>
    %eq3A = vector.broadcast %broadcast_in_dim3A : vector<1x2048xi32> to vector<256x2048xi32>
    %eq3A_7 = arith.cmpi eq, %eq3A, %iota3A_6 : vector<256x2048xi32>
    %jit3A = arith.constant -1 : i32
    %broadcast_in_dim3A_8 = vector.broadcast %jit3A : i32 to vector<256x2048xi32>
    %select_n3A = arith.select %eq3A_7, %add3A_5, %broadcast_in_dim3A_8 : vector<256x2048xi1>, vector<256x2048xi32>
    %reduce_max3A = arith.constant dense<-2147483648> : vector<256xi32>
    %reduce_max3A_9 = vector.multi_reduction <maxsi>, %select_n3A, %reduce_max3A [1] : vector<256x2048xi32> to vector<256xi32>
    %broadcast_in_dim3A_10 = vector.shape_cast %reduce_max3A_9 : vector<256xi32> to vector<1x256xi32>
    %eq3A_11 = arith.constant 0 : i32
    %eq3A_12 = arith.cmpi eq, %arg0, %eq3A_11 : i32
    %convert_element_type3A = arith.extui %eq3A_12 : i1 to i32
    %cond3A = arith.constant 0 : i32
    %cond3A_13 = arith.cmpi ne, %convert_element_type3A, %cond3A : i32
    scf.if %cond3A_13 {
      %broadcast_in_dim3A_19 = arith.constant -1 : i32
      %broadcast_in_dim3A_20 = vector.broadcast %broadcast_in_dim3A_19 : i32 to vector<1x256xi32>
      %swap3A_21 = arith.constant 0 : index
      %swap3A_22 = arith.constant 0 : index
      %swap3A_23 = vector.load %arg2[%swap3A_21, %swap3A_22] : memref<1x256xi32, #tpu.memory_space<vmem>>, vector<1x256xi32>
      tpu.vector_store %arg2[%swap3A_21, %swap3A_22], %broadcast_in_dim3A_20 {strides = array<i32>} : memref<1x256xi32, #tpu.memory_space<vmem>>, vector<1x256xi32>,
    } else {
    }
    %get3A_14 = arith.constant 0 : index
    %get3A_15 = arith.constant 0 : index
    %get3A_16 = vector.load %arg2[%get3A_14, %get3A_15] : memref<1x256xi32, #tpu.memory_space<vmem>>, vector<1x256xi32>
    %max3A = arith.maxsi %get3A_16, %broadcast_in_dim3A_10 : vector<1x256xi32>
    %swap3A = arith.constant 0 : index
    %swap3A_17 = arith.constant 0 : index
    %swap3A_18 = vector.load %arg2[%swap3A, %swap3A_17] : memref<1x256xi32, #tpu.memory_space<vmem>>, vector<1x256xi32>
    tpu.vector_store %arg2[%swap3A, %swap3A_17], %max3A {strides = array<i32>} : memref<1x256xi32, #tpu.memory_space<vmem>>, vector<1x256xi32>,
    return
  }
  func.func @transform_0(%arg0: i32) -> (i32, i32, i32) {
    %c0_i32 = arith.constant 0 : i32
    %c0_i32_0 = arith.constant 0 : i32
    %c0_i32_1 = arith.constant 0 : i32
    return %arg0, %c0_i32, %c0_i32_0 : i32, i32, i32
  }
  func.func @transform_1(%arg0: i32) -> (i32, i32) {
    %c0_i32 = arith.constant 0 : i32
    %c0_i32_0 = arith.constant 0 : i32
    %c0_i32_1 = arith.constant 0 : i32
    return %c0_i32, %c0_i32_0 : i32, i32
  }
}

module attributes {stable_mosaic.version = 14 : i64} {
  func.func @_gru_body(%arg0: i32, %arg1: memref<2048x128xf32, #tpu.memory_space<vmem>>, %arg2: memref<2048x128xf32, #tpu.memory_space<vmem>>, %arg3: memref<2048x128xf32, #tpu.memory_space<vmem>>, %arg4: memref<1x256xi32, #tpu.memory_space<vmem>>, %arg5: memref<128x128xf32, #tpu.memory_space<vmem>>, %arg6: memref<384x128xf32, #tpu.memory_space<vmem>>, %arg7: memref<384x128xf32, #tpu.memory_space<vmem>>, %arg8: memref<1x384xf32, #tpu.memory_space<vmem>>, %arg9: memref<1x384xf32, #tpu.memory_space<vmem>>, %arg10: memref<2048x128xf32, #tpu.memory_space<vmem>>, %arg11: memref<256x128xf32, #tpu.memory_space<vmem>>) attributes {dimension_semantics = [#tpu.dimension_semantics<arbitrary>], iteration_bounds = array<i64: 5>, scalar_prefetch = 0 : i64, scratch_operands = 0 : i64, tpu.core_type = #tpu.core_type<tc>, window_params = [{transform_indices = @transform_0, window_bounds = array<i64: 2048, 128>}, {transform_indices = @transform_1, window_bounds = array<i64: 2048, 128>}, {transform_indices = @transform_2, window_bounds = array<i64: 2048, 128>}, {pipeline_mode = #tpu.pipeline_mode<synchronous>, transform_indices = @transform_3, window_bounds = array<i64: 1, 256>}, {pipeline_mode = #tpu.pipeline_mode<synchronous>, transform_indices = @transform_4, window_bounds = array<i64: 128, 128>}, {pipeline_mode = #tpu.pipeline_mode<synchronous>, transform_indices = @transform_5, window_bounds = array<i64: 384, 128>}, {pipeline_mode = #tpu.pipeline_mode<synchronous>, transform_indices = @transform_6, window_bounds = array<i64: 384, 128>}, {pipeline_mode = #tpu.pipeline_mode<synchronous>, transform_indices = @transform_7, window_bounds = array<i64: 1, 384>}, {pipeline_mode = #tpu.pipeline_mode<synchronous>, transform_indices = @transform_8, window_bounds = array<i64: 1, 384>}, {transform_indices = @transform_9, window_bounds = array<i64: 2048, 128>}, {pipeline_mode = #tpu.pipeline_mode<synchronous>, transform_indices = @transform_10, window_bounds = array<i64: 256, 128>}]} {
    %get3A = arith.constant 0 : index
    %get3A_0 = arith.constant 0 : index
    %get3A_1 = vector.load %arg2[%get3A, %get3A_0] : memref<2048x128xf32, #tpu.memory_space<vmem>>, vector<2048x128xf32>
    %get3A_2 = arith.constant 0 : index
    %get3A_3 = arith.constant 0 : index
    %get3A_4 = vector.load %arg3[%get3A_2, %get3A_3] : memref<2048x128xf32, #tpu.memory_space<vmem>>, vector<2048x128xf32>
    %add3A = arith.addf %get3A_1, %get3A_4 : vector<2048x128xf32>
    %get3A_5 = arith.constant 0 : index
    %get3A_6 = arith.constant 0 : index
    %get3A_7 = vector.load %arg5[%get3A_5, %get3A_6] : memref<128x128xf32, #tpu.memory_space<vmem>>, vector<128x128xf32>
    %dot_general3A = arith.constant dense<0.000000e+00> : vector<2048x128xf32>
    %dot_general3A_8 = tpu.matmul %add3A, %get3A_7, %dot_general3A {dimension_numbers = #tpu.dot_dimension_numbers<[1], [0], [0], [1], [0, 0, 1, 1], [], []>, transpose_lhs_hint = false} : vector<2048x128xf32>, vector<128x128xf32>, vector<2048x128xf32> -> vector<2048x128xf32>
    %get3A_9 = arith.constant 0 : index
    %get3A_10 = arith.constant 0 : index
    %get3A_11 = vector.load %arg1[%get3A_9, %get3A_10] : memref<2048x128xf32, #tpu.memory_space<vmem>>, vector<2048x128xf32>
    %get3A_12 = arith.constant 0 : index
    %get3A_13 = arith.constant 0 : index
    %get3A_14 = vector.load %arg6[%get3A_12, %get3A_13] : memref<384x128xf32, #tpu.memory_space<vmem>>, vector<384x128xf32>
    %dot_general3A_15 = arith.constant dense<0.000000e+00> : vector<2048x384xf32>
    %dot_general3A_16 = tpu.matmul %dot_general3A_8, %get3A_14, %dot_general3A_15 {dimension_numbers = #tpu.dot_dimension_numbers<[1], [1], [0], [0], [0, 0, 1, 0], [], []>, transpose_lhs_hint = false} : vector<2048x128xf32>, vector<384x128xf32>, vector<2048x384xf32> -> vector<2048x384xf32>
    %get3A_17 = arith.constant 0 : index
    %get3A_18 = arith.constant 0 : index
    %get3A_19 = vector.load %arg8[%get3A_17, %get3A_18] : memref<1x384xf32, #tpu.memory_space<vmem>>, vector<1x384xf32>
    %add3A_20 = vector.broadcast %get3A_19 : vector<1x384xf32> to vector<2048x384xf32>
    %add3A_21 = arith.addf %dot_general3A_16, %add3A_20 : vector<2048x384xf32>
    %get3A_22 = arith.constant 0 : index
    %get3A_23 = arith.constant 0 : index
    %get3A_24 = vector.load %arg7[%get3A_22, %get3A_23] : memref<384x128xf32, #tpu.memory_space<vmem>>, vector<384x128xf32>
    %dot_general3A_25 = arith.constant dense<0.000000e+00> : vector<2048x384xf32>
    %dot_general3A_26 = tpu.matmul %get3A_11, %get3A_24, %dot_general3A_25 {dimension_numbers = #tpu.dot_dimension_numbers<[1], [1], [0], [0], [0, 0, 1, 0], [], []>, transpose_lhs_hint = false} : vector<2048x128xf32>, vector<384x128xf32>, vector<2048x384xf32> -> vector<2048x384xf32>
    %get3A_27 = arith.constant 0 : index
    %get3A_28 = arith.constant 0 : index
    %get3A_29 = vector.load %arg9[%get3A_27, %get3A_28] : memref<1x384xf32, #tpu.memory_space<vmem>>, vector<1x384xf32>
    %add3A_30 = vector.broadcast %get3A_29 : vector<1x384xf32> to vector<2048x384xf32>
    %add3A_31 = arith.addf %dot_general3A_26, %add3A_30 : vector<2048x384xf32>
    %slice3A = vector.extract_strided_slice %add3A_21 {offsets = [0, 0], sizes = [2048, 128], strides = [1, 1]} : vector<2048x384xf32> to vector<2048x128xf32>
    %slice3A_32 = vector.extract_strided_slice %add3A_31 {offsets = [0, 0], sizes = [2048, 128], strides = [1, 1]} : vector<2048x384xf32> to vector<2048x128xf32>
    %add3A_33 = arith.addf %slice3A, %slice3A_32 : vector<2048x128xf32>
    %logistic3A = arith.negf %add3A_33 : vector<2048x128xf32>
    %logistic3A_34 = math.exp %logistic3A : vector<2048x128xf32>
    %logistic3A_35 = arith.constant 1.000000e+00 : f32
    %logistic3A_36 = vector.broadcast %logistic3A_35 : f32 to vector<2048x128xf32>
    %logistic3A_37 = arith.addf %logistic3A_36, %logistic3A_34 : vector<2048x128xf32>
    %logistic3A_38 = arith.divf %logistic3A_36, %logistic3A_37 : vector<2048x128xf32>
    %slice3A_39 = vector.extract_strided_slice %add3A_21 {offsets = [0, 128], sizes = [2048, 128], strides = [1, 1]} : vector<2048x384xf32> to vector<2048x128xf32>
    %slice3A_40 = vector.extract_strided_slice %add3A_31 {offsets = [0, 128], sizes = [2048, 128], strides = [1, 1]} : vector<2048x384xf32> to vector<2048x128xf32>
    %add3A_41 = arith.addf %slice3A_39, %slice3A_40 : vector<2048x128xf32>
    %logistic3A_42 = arith.negf %add3A_41 : vector<2048x128xf32>
    %logistic3A_43 = math.exp %logistic3A_42 : vector<2048x128xf32>
    %logistic3A_44 = arith.constant 1.000000e+00 : f32
    %logistic3A_45 = vector.broadcast %logistic3A_44 : f32 to vector<2048x128xf32>
    %logistic3A_46 = arith.addf %logistic3A_45, %logistic3A_43 : vector<2048x128xf32>
    %logistic3A_47 = arith.divf %logistic3A_45, %logistic3A_46 : vector<2048x128xf32>
    %slice3A_48 = vector.extract_strided_slice %add3A_21 {offsets = [0, 256], sizes = [2048, 128], strides = [1, 1]} : vector<2048x384xf32> to vector<2048x128xf32>
    %slice3A_49 = vector.extract_strided_slice %add3A_31 {offsets = [0, 256], sizes = [2048, 128], strides = [1, 1]} : vector<2048x384xf32> to vector<2048x128xf32>
    %mul3A = arith.mulf %logistic3A_38, %slice3A_49 : vector<2048x128xf32>
    %add3A_50 = arith.addf %slice3A_48, %mul3A : vector<2048x128xf32>
    %tanh3A = math.tanh %add3A_50 : vector<2048x128xf32>
    %sub3A = arith.constant 1.000000e+00 : f32
    %sub3A_51 = vector.broadcast %sub3A : f32 to vector<2048x128xf32>
    %sub3A_52 = arith.subf %sub3A_51, %logistic3A_47 : vector<2048x128xf32>
    %mul3A_53 = arith.mulf %sub3A_52, %tanh3A : vector<2048x128xf32>
    %mul3A_54 = arith.mulf %logistic3A_47, %get3A_11 : vector<2048x128xf32>
    %add3A_55 = arith.addf %mul3A_53, %mul3A_54 : vector<2048x128xf32>
    %swap3A = arith.constant 0 : index
    %swap3A_56 = arith.constant 0 : index
    %swap3A_57 = vector.load %arg10[%swap3A, %swap3A_56] : memref<2048x128xf32, #tpu.memory_space<vmem>>, vector<2048x128xf32>
    tpu.vector_store %arg10[%swap3A, %swap3A_56], %add3A_55 {strides = array<i32>} : memref<2048x128xf32, #tpu.memory_space<vmem>>, vector<2048x128xf32>,
    %get3A_58 = arith.constant 0 : index
    %get3A_59 = arith.constant 0 : index
    %get3A_60 = vector.load %arg4[%get3A_58, %get3A_59] : memref<1x256xi32, #tpu.memory_space<vmem>>, vector<1x256xi32>
    %get3A_61 = vector.shape_cast %get3A_60 : vector<1x256xi32> to vector<256xi32>
    %max3A = arith.constant 0 : i32
    %max3A_62 = vector.broadcast %max3A : i32 to vector<256xi32>
    %max3A_63 = arith.maxsi %get3A_61, %max3A_62 : vector<256xi32>
    %mul3A_64 = arith.constant 2048 : i32
    %mul3A_65 = arith.muli %arg0, %mul3A_64 : i32
    %iota3A = tpu.iota {dimensions = array<i32: 1>} : vector<256x2048xi32>
    %add3A_66 = vector.broadcast %mul3A_65 : i32 to vector<256x2048xi32>
    %add3A_67 = arith.addi %add3A_66, %iota3A : vector<256x2048xi32>
    %broadcast_in_dim3A = vector.shape_cast %max3A_63 : vector<256xi32> to vector<256x1xi32>
    %eq3A = vector.broadcast %broadcast_in_dim3A : vector<256x1xi32> to vector<256x2048xi32>
    %eq3A_68 = arith.cmpi eq, %eq3A, %add3A_67 : vector<256x2048xi32>
    %convert_element_type3A = arith.extui %eq3A_68 : vector<256x2048xi1> to vector<256x2048xi32>
    %convert_element_type3A_69 = arith.sitofp %convert_element_type3A : vector<256x2048xi32> to vector<256x2048xf32>
    %dot_general3A_70 = arith.constant dense<0.000000e+00> : vector<256x128xf32>
    %dot_general3A_71 = tpu.matmul %convert_element_type3A_69, %add3A_55, %dot_general3A_70 {dimension_numbers = #tpu.dot_dimension_numbers<[1], [0], [0], [1], [0, 0, 1, 1], [], []>, transpose_lhs_hint = false} : vector<256x2048xf32>, vector<2048x128xf32>, vector<256x128xf32> -> vector<256x128xf32>
    %eq3A_72 = arith.constant 0 : i32
    %eq3A_73 = arith.cmpi eq, %arg0, %eq3A_72 : i32
    %convert_element_type3A_74 = arith.extui %eq3A_73 : i1 to i32
    %cond3A = arith.constant 0 : i32
    %cond3A_75 = arith.cmpi ne, %convert_element_type3A_74, %cond3A : i32
    scf.if %cond3A_75 {
      %broadcast_in_dim3A_83 = arith.constant 0.000000e+00 : f32
      %broadcast_in_dim3A_84 = vector.broadcast %broadcast_in_dim3A_83 : f32 to vector<256x128xf32>
      %swap3A_85 = arith.constant 0 : index
      %swap3A_86 = arith.constant 0 : index
      %swap3A_87 = vector.load %arg11[%swap3A_85, %swap3A_86] : memref<256x128xf32, #tpu.memory_space<vmem>>, vector<256x128xf32>
      tpu.vector_store %arg11[%swap3A_85, %swap3A_86], %broadcast_in_dim3A_84 {strides = array<i32>} : memref<256x128xf32, #tpu.memory_space<vmem>>, vector<256x128xf32>,
    } else {
    }
    %get3A_76 = arith.constant 0 : index
    %get3A_77 = arith.constant 0 : index
    %get3A_78 = vector.load %arg11[%get3A_76, %get3A_77] : memref<256x128xf32, #tpu.memory_space<vmem>>, vector<256x128xf32>
    %add3A_79 = arith.addf %get3A_78, %dot_general3A_71 : vector<256x128xf32>
    %swap3A_80 = arith.constant 0 : index
    %swap3A_81 = arith.constant 0 : index
    %swap3A_82 = vector.load %arg11[%swap3A_80, %swap3A_81] : memref<256x128xf32, #tpu.memory_space<vmem>>, vector<256x128xf32>
    tpu.vector_store %arg11[%swap3A_80, %swap3A_81], %add3A_79 {strides = array<i32>} : memref<256x128xf32, #tpu.memory_space<vmem>>, vector<256x128xf32>,
    return
  }
  func.func @transform_0(%arg0: i32) -> (i32, i32) {
    %c0_i32 = arith.constant 0 : i32
    %c0_i32_0 = arith.constant 0 : i32
    return %arg0, %c0_i32 : i32, i32
  }
  func.func @transform_1(%arg0: i32) -> (i32, i32) {
    %c0_i32 = arith.constant 0 : i32
    %c0_i32_0 = arith.constant 0 : i32
    return %arg0, %c0_i32 : i32, i32
  }
  func.func @transform_2(%arg0: i32) -> (i32, i32) {
    %add3A = arith.constant 5 : i32
    %add3A_0 = arith.addi %arg0, %add3A : i32
    %c0_i32 = arith.constant 0 : i32
    %c0_i32_1 = arith.constant 0 : i32
    return %add3A_0, %c0_i32 : i32, i32
  }
  func.func @transform_3(%arg0: i32) -> (i32, i32) {
    %c0_i32 = arith.constant 0 : i32
    %c0_i32_0 = arith.constant 0 : i32
    %c0_i32_1 = arith.constant 0 : i32
    return %c0_i32, %c0_i32_0 : i32, i32
  }
  func.func @transform_4(%arg0: i32) -> (i32, i32) {
    %c0_i32 = arith.constant 0 : i32
    %c0_i32_0 = arith.constant 0 : i32
    %c0_i32_1 = arith.constant 0 : i32
    return %c0_i32, %c0_i32_0 : i32, i32
  }
  func.func @transform_5(%arg0: i32) -> (i32, i32) {
    %c0_i32 = arith.constant 0 : i32
    %c0_i32_0 = arith.constant 0 : i32
    %c0_i32_1 = arith.constant 0 : i32
    return %c0_i32, %c0_i32_0 : i32, i32
  }
  func.func @transform_6(%arg0: i32) -> (i32, i32) {
    %c0_i32 = arith.constant 0 : i32
    %c0_i32_0 = arith.constant 0 : i32
    %c0_i32_1 = arith.constant 0 : i32
    return %c0_i32, %c0_i32_0 : i32, i32
  }
  func.func @transform_7(%arg0: i32) -> (i32, i32) {
    %c0_i32 = arith.constant 0 : i32
    %c0_i32_0 = arith.constant 0 : i32
    %c0_i32_1 = arith.constant 0 : i32
    return %c0_i32, %c0_i32_0 : i32, i32
  }
  func.func @transform_8(%arg0: i32) -> (i32, i32) {
    %c0_i32 = arith.constant 0 : i32
    %c0_i32_0 = arith.constant 0 : i32
    %c0_i32_1 = arith.constant 0 : i32
    return %c0_i32, %c0_i32_0 : i32, i32
  }
  func.func @transform_9(%arg0: i32) -> (i32, i32) {
    %c0_i32 = arith.constant 0 : i32
    %c0_i32_0 = arith.constant 0 : i32
    return %arg0, %c0_i32 : i32, i32
  }
  func.func @transform_10(%arg0: i32) -> (i32, i32) {
    %c0_i32 = arith.constant 0 : i32
    %c0_i32_0 = arith.constant 0 : i32
    %c0_i32_1 = arith.constant 0 : i32
    return %c0_i32, %c0_i32_0 : i32, i32
  }
}

module attributes {stable_mosaic.version = 14 : i64} {
  func.func @_sg_body(%arg0: i32, %arg1: memref<2048x128xf32, #tpu.memory_space<vmem>>, %arg2: memref<1x1x2048xi32, #tpu.memory_space<vmem>>, %arg3: memref<256x128xf32, #tpu.memory_space<vmem>>, %arg4: memref<128x128xf32, #tpu.memory_space<vmem>>, %arg5: memref<128x128xf32, #tpu.memory_space<vmem>>, %arg6: memref<1x128xf32, #tpu.memory_space<vmem>>, %arg7: memref<128x128xf32, #tpu.memory_space<vmem>>, %arg8: memref<1x1xf32, #tpu.memory_space<smem>>, %arg9: memref<128x256xf32, #tpu.memory_space<vmem>>, %arg10: memref<1x128xf32, #tpu.memory_space<vmem>>, %arg11: memref<256x128xf32, #tpu.memory_space<vmem>>, %arg12: memref<256x128xf32, #tpu.memory_space<vmem>>) attributes {dimension_semantics = [#tpu.dimension_semantics<arbitrary>], iteration_bounds = array<i64: 5>, scalar_prefetch = 0 : i64, scratch_operands = 0 : i64, tpu.core_type = #tpu.core_type<tc>, window_params = [{transform_indices = @transform_0, window_bounds = array<i64: 2048, 128>}, {transform_indices = @transform_1, window_bounds = array<i64: 1, 1, 2048>}, {pipeline_mode = #tpu.pipeline_mode<synchronous>, transform_indices = @transform_2, window_bounds = array<i64: 256, 128>}, {pipeline_mode = #tpu.pipeline_mode<synchronous>, transform_indices = @transform_3, window_bounds = array<i64: 128, 128>}, {pipeline_mode = #tpu.pipeline_mode<synchronous>, transform_indices = @transform_4, window_bounds = array<i64: 128, 128>}, {pipeline_mode = #tpu.pipeline_mode<synchronous>, transform_indices = @transform_5, window_bounds = array<i64: 1, 128>}, {pipeline_mode = #tpu.pipeline_mode<synchronous>, transform_indices = @transform_6, window_bounds = array<i64: 128, 128>}, {transform_indices = @transform_7, window_bounds = array<i64: 1, 1>}, {pipeline_mode = #tpu.pipeline_mode<synchronous>, transform_indices = @transform_8, window_bounds = array<i64: 128, 256>}, {pipeline_mode = #tpu.pipeline_mode<synchronous>, transform_indices = @transform_9, window_bounds = array<i64: 1, 128>}, {pipeline_mode = #tpu.pipeline_mode<synchronous>, transform_indices = @transform_10, window_bounds = array<i64: 256, 128>}, {pipeline_mode = #tpu.pipeline_mode<synchronous>, transform_indices = @transform_11, window_bounds = array<i64: 256, 128>}]} {
    %get3A = arith.constant 0 : index
    %get3A_0 = arith.constant 0 : index
    %get3A_1 = arith.constant 0 : index
    %get3A_2 = vector.load %arg2[%get3A, %get3A_0, %get3A_1] : memref<1x1x2048xi32, #tpu.memory_space<vmem>>, vector<1x1x2048xi32>
    %get3A_3 = vector.shape_cast %get3A_2 : vector<1x1x2048xi32> to vector<2048xi32>
    %get3A_4 = arith.constant 0 : index
    %get3A_5 = arith.constant 0 : index
    %get3A_6 = vector.load %arg1[%get3A_4, %get3A_5] : memref<2048x128xf32, #tpu.memory_space<vmem>>, vector<2048x128xf32>
    %broadcast_in_dim3A = vector.shape_cast %get3A_3 : vector<2048xi32> to vector<2048x1xi32>
    %iota3A = tpu.iota {dimensions = array<i32: 1>} : vector<2048x256xi32>
    %eq3A = vector.broadcast %broadcast_in_dim3A : vector<2048x1xi32> to vector<2048x256xi32>
    %eq3A_7 = arith.cmpi eq, %eq3A, %iota3A : vector<2048x256xi32>
    %convert_element_type3A = arith.extui %eq3A_7 : vector<2048x256xi1> to vector<2048x256xi32>
    %convert_element_type3A_8 = arith.sitofp %convert_element_type3A : vector<2048x256xi32> to vector<2048x256xf32>
    %get3A_9 = arith.constant 0 : index
    %get3A_10 = arith.constant 0 : index
    %get3A_11 = vector.load %arg3[%get3A_9, %get3A_10] : memref<256x128xf32, #tpu.memory_space<vmem>>, vector<256x128xf32>
    %dot_general3A = arith.constant dense<0.000000e+00> : vector<2048x128xf32>
    %dot_general3A_12 = tpu.matmul %convert_element_type3A_8, %get3A_11, %dot_general3A {dimension_numbers = #tpu.dot_dimension_numbers<[1], [0], [0], [1], [0, 0, 1, 1], [], []>, transpose_lhs_hint = false} : vector<2048x256xf32>, vector<256x128xf32>, vector<2048x128xf32> -> vector<2048x128xf32>
    %get3A_13 = arith.constant 0 : index
    %get3A_14 = arith.constant 0 : index
    %get3A_15 = vector.load %arg4[%get3A_13, %get3A_14] : memref<128x128xf32, #tpu.memory_space<vmem>>, vector<128x128xf32>
    %dot_general3A_16 = arith.constant dense<0.000000e+00> : vector<2048x128xf32>
    %dot_general3A_17 = tpu.matmul %dot_general3A_12, %get3A_15, %dot_general3A_16 {dimension_numbers = #tpu.dot_dimension_numbers<[1], [1], [0], [0], [0, 0, 1, 0], [], []>, transpose_lhs_hint = false} : vector<2048x128xf32>, vector<128x128xf32>, vector<2048x128xf32> -> vector<2048x128xf32>
    %get3A_18 = arith.constant 0 : index
    %get3A_19 = arith.constant 0 : index
    %get3A_20 = vector.load %arg5[%get3A_18, %get3A_19] : memref<128x128xf32, #tpu.memory_space<vmem>>, vector<128x128xf32>
    %dot_general3A_21 = arith.constant dense<0.000000e+00> : vector<2048x128xf32>
    %dot_general3A_22 = tpu.matmul %get3A_6, %get3A_20, %dot_general3A_21 {dimension_numbers = #tpu.dot_dimension_numbers<[1], [1], [0], [0], [0, 0, 1, 0], [], []>, transpose_lhs_hint = false} : vector<2048x128xf32>, vector<128x128xf32>, vector<2048x128xf32> -> vector<2048x128xf32>
    %add3A = arith.addf %dot_general3A_17, %dot_general3A_22 : vector<2048x128xf32>
    %get3A_23 = arith.constant 0 : index
    %get3A_24 = arith.constant 0 : index
    %get3A_25 = vector.load %arg6[%get3A_23, %get3A_24] : memref<1x128xf32, #tpu.memory_space<vmem>>, vector<1x128xf32>
    %add3A_26 = vector.broadcast %get3A_25 : vector<1x128xf32> to vector<2048x128xf32>
    %add3A_27 = arith.addf %add3A, %add3A_26 : vector<2048x128xf32>
    %logistic3A = arith.negf %add3A_27 : vector<2048x128xf32>
    %logistic3A_28 = math.exp %logistic3A : vector<2048x128xf32>
    %logistic3A_29 = arith.constant 1.000000e+00 : f32
    %logistic3A_30 = vector.broadcast %logistic3A_29 : f32 to vector<2048x128xf32>
    %logistic3A_31 = arith.addf %logistic3A_30, %logistic3A_28 : vector<2048x128xf32>
    %logistic3A_32 = arith.divf %logistic3A_30, %logistic3A_31 : vector<2048x128xf32>
    %get3A_33 = arith.constant 0 : index
    %get3A_34 = arith.constant 0 : index
    %get3A_35 = vector.load %arg7[%get3A_33, %get3A_34] : memref<128x128xf32, #tpu.memory_space<vmem>>, vector<128x128xf32>
    %dot_general3A_36 = arith.constant dense<0.000000e+00> : vector<2048x128xf32>
    %dot_general3A_37 = tpu.matmul %logistic3A_32, %get3A_35, %dot_general3A_36 {dimension_numbers = #tpu.dot_dimension_numbers<[1], [0], [0], [1], [0, 0, 1, 1], [], []>, transpose_lhs_hint = false} : vector<2048x128xf32>, vector<128x128xf32>, vector<2048x128xf32> -> vector<2048x128xf32>
    %get3A_38 = arith.constant 0 : index
    %get3A_39 = arith.constant 0 : index
    %get3A_40 = memref.load %arg8[%get3A_38, %get3A_39] : memref<1x1xf32, #tpu.memory_space<smem>>
    %add3A_41 = vector.broadcast %get3A_40 : f32 to vector<2048x128xf32>
    %add3A_42 = arith.addf %dot_general3A_37, %add3A_41 : vector<2048x128xf32>
    %mul3A = arith.mulf %add3A_42, %get3A_6 : vector<2048x128xf32>
    %dot_general3A_43 = arith.constant dense<0.000000e+00> : vector<256x128xf32>
    %dot_general3A_44 = tpu.matmul %convert_element_type3A_8, %mul3A, %dot_general3A_43 {dimension_numbers = #tpu.dot_dimension_numbers<[0], [0], [1], [1], [0, 1, 1, 1], [], []>, transpose_lhs_hint = false} : vector<2048x256xf32>, vector<2048x128xf32>, vector<256x128xf32> -> vector<256x128xf32>
    %eq3A_45 = arith.constant 0 : i32
    %eq3A_46 = arith.cmpi eq, %arg0, %eq3A_45 : i32
    %convert_element_type3A_47 = arith.extui %eq3A_46 : i1 to i32
    %cond3A = arith.constant 0 : i32
    %cond3A_48 = arith.cmpi ne, %convert_element_type3A_47, %cond3A : i32
    scf.if %cond3A_48 {
      %broadcast_in_dim3A_60 = arith.constant 0.000000e+00 : f32
      %broadcast_in_dim3A_61 = vector.broadcast %broadcast_in_dim3A_60 : f32 to vector<256x128xf32>
      %swap3A_62 = arith.constant 0 : index
      %swap3A_63 = arith.constant 0 : index
      %swap3A_64 = vector.load %arg11[%swap3A_62, %swap3A_63] : memref<256x128xf32, #tpu.memory_space<vmem>>, vector<256x128xf32>
      tpu.vector_store %arg11[%swap3A_62, %swap3A_63], %broadcast_in_dim3A_61 {strides = array<i32>} : memref<256x128xf32, #tpu.memory_space<vmem>>, vector<256x128xf32>,
    } else {
    }
    %get3A_49 = arith.constant 0 : index
    %get3A_50 = arith.constant 0 : index
    %get3A_51 = vector.load %arg11[%get3A_49, %get3A_50] : memref<256x128xf32, #tpu.memory_space<vmem>>, vector<256x128xf32>
    %add3A_52 = arith.addf %get3A_51, %dot_general3A_44 : vector<256x128xf32>
    %swap3A = arith.constant 0 : index
    %swap3A_53 = arith.constant 0 : index
    %swap3A_54 = vector.load %arg11[%swap3A, %swap3A_53] : memref<256x128xf32, #tpu.memory_space<vmem>>, vector<256x128xf32>
    tpu.vector_store %arg11[%swap3A, %swap3A_53], %add3A_52 {strides = array<i32>} : memref<256x128xf32, #tpu.memory_space<vmem>>, vector<256x128xf32>,
    %eq3A_55 = arith.constant 4 : i32
    %eq3A_56 = arith.cmpi eq, %arg0, %eq3A_55 : i32
    %convert_element_type3A_57 = arith.extui %eq3A_56 : i1 to i32
    %cond3A_58 = arith.constant 0 : i32
    %cond3A_59 = arith.cmpi ne, %convert_element_type3A_57, %cond3A_58 : i32
    scf.if %cond3A_59 {
      %get3A_60 = arith.constant 0 : index
      %get3A_61 = arith.constant 0 : index
      %get3A_62 = vector.load %arg3[%get3A_60, %get3A_61] : memref<256x128xf32, #tpu.memory_space<vmem>>, vector<256x128xf32>
      %get3A_63 = arith.constant 0 : index
      %get3A_64 = arith.constant 0 : index
      %get3A_65 = vector.load %arg9[%get3A_63, %get3A_64] : memref<128x256xf32, #tpu.memory_space<vmem>>, vector<128x128xf32>
      %dot_general3A_66 = arith.constant dense<0.000000e+00> : vector<256x128xf32>
      %dot_general3A_67 = tpu.matmul %get3A_62, %get3A_65, %dot_general3A_66 {dimension_numbers = #tpu.dot_dimension_numbers<[1], [1], [0], [0], [0, 0, 1, 0], [], []>, transpose_lhs_hint = false} : vector<256x128xf32>, vector<128x128xf32>, vector<256x128xf32> -> vector<256x128xf32>
      %get3A_68 = arith.constant 0 : index
      %get3A_69 = arith.constant 0 : index
      %get3A_70 = vector.load %arg11[%get3A_68, %get3A_69] : memref<256x128xf32, #tpu.memory_space<vmem>>, vector<256x128xf32>
      %get3A_71 = arith.constant 0 : index
      %get3A_72 = arith.constant 128 : index
      %get3A_73 = vector.load %arg9[%get3A_71, %get3A_72] : memref<128x256xf32, #tpu.memory_space<vmem>>, vector<128x128xf32>
      %dot_general3A_74 = arith.constant dense<0.000000e+00> : vector<256x128xf32>
      %dot_general3A_75 = tpu.matmul %get3A_70, %get3A_73, %dot_general3A_74 {dimension_numbers = #tpu.dot_dimension_numbers<[1], [1], [0], [0], [0, 0, 1, 0], [], []>, transpose_lhs_hint = false} : vector<256x128xf32>, vector<128x128xf32>, vector<256x128xf32> -> vector<256x128xf32>
      %add3A_76 = arith.addf %dot_general3A_67, %dot_general3A_75 : vector<256x128xf32>
      %get3A_77 = arith.constant 0 : index
      %get3A_78 = arith.constant 0 : index
      %get3A_79 = vector.load %arg10[%get3A_77, %get3A_78] : memref<1x128xf32, #tpu.memory_space<vmem>>, vector<1x128xf32>
      %add3A_80 = vector.broadcast %get3A_79 : vector<1x128xf32> to vector<256x128xf32>
      %add3A_81 = arith.addf %add3A_76, %add3A_80 : vector<256x128xf32>
      %swap3A_82 = arith.constant 0 : index
      %swap3A_83 = arith.constant 0 : index
      %swap3A_84 = vector.load %arg12[%swap3A_82, %swap3A_83] : memref<256x128xf32, #tpu.memory_space<vmem>>, vector<256x128xf32>
      tpu.vector_store %arg12[%swap3A_82, %swap3A_83], %add3A_81 {strides = array<i32>} : memref<256x128xf32, #tpu.memory_space<vmem>>, vector<256x128xf32>,
    } else {
    }
    return
  }
  func.func @transform_0(%arg0: i32) -> (i32, i32) {
    %c0_i32 = arith.constant 0 : i32
    %c0_i32_0 = arith.constant 0 : i32
    return %arg0, %c0_i32 : i32, i32
  }
  func.func @transform_1(%arg0: i32) -> (i32, i32, i32) {
    %c0_i32 = arith.constant 0 : i32
    %c0_i32_0 = arith.constant 0 : i32
    %c0_i32_1 = arith.constant 0 : i32
    return %arg0, %c0_i32, %c0_i32_0 : i32, i32, i32
  }
  func.func @transform_2(%arg0: i32) -> (i32, i32) {
    %c0_i32 = arith.constant 0 : i32
    %c0_i32_0 = arith.constant 0 : i32
    %c0_i32_1 = arith.constant 0 : i32
    return %c0_i32, %c0_i32_0 : i32, i32
  }
  func.func @transform_3(%arg0: i32) -> (i32, i32) {
    %c0_i32 = arith.constant 0 : i32
    %c0_i32_0 = arith.constant 0 : i32
    %c0_i32_1 = arith.constant 0 : i32
    return %c0_i32, %c0_i32_0 : i32, i32
  }
  func.func @transform_4(%arg0: i32) -> (i32, i32) {
    %c0_i32 = arith.constant 0 : i32
    %c0_i32_0 = arith.constant 0 : i32
    %c0_i32_1 = arith.constant 0 : i32
    return %c0_i32, %c0_i32_0 : i32, i32
  }
  func.func @transform_5(%arg0: i32) -> (i32, i32) {
    %c0_i32 = arith.constant 0 : i32
    %c0_i32_0 = arith.constant 0 : i32
    %c0_i32_1 = arith.constant 0 : i32
    return %c0_i32, %c0_i32_0 : i32, i32
  }
  func.func @transform_6(%arg0: i32) -> (i32, i32) {
    %c0_i32 = arith.constant 0 : i32
    %c0_i32_0 = arith.constant 0 : i32
    %c0_i32_1 = arith.constant 0 : i32
    return %c0_i32, %c0_i32_0 : i32, i32
  }
  func.func @transform_7(%arg0: i32) -> (i32, i32) {
    %c0_i32 = arith.constant 0 : i32
    %c0_i32_0 = arith.constant 0 : i32
    %c0_i32_1 = arith.constant 0 : i32
    return %c0_i32, %c0_i32_0 : i32, i32
  }
  func.func @transform_8(%arg0: i32) -> (i32, i32) {
    %c0_i32 = arith.constant 0 : i32
    %c0_i32_0 = arith.constant 0 : i32
    %c0_i32_1 = arith.constant 0 : i32
    return %c0_i32, %c0_i32_0 : i32, i32
  }
  func.func @transform_9(%arg0: i32) -> (i32, i32) {
    %c0_i32 = arith.constant 0 : i32
    %c0_i32_0 = arith.constant 0 : i32
    %c0_i32_1 = arith.constant 0 : i32
    return %c0_i32, %c0_i32_0 : i32, i32
  }
  func.func @transform_10(%arg0: i32) -> (i32, i32) {
    %c0_i32 = arith.constant 0 : i32
    %c0_i32_0 = arith.constant 0 : i32
    %c0_i32_1 = arith.constant 0 : i32
    return %c0_i32, %c0_i32_0 : i32, i32
  }
  func.func @transform_11(%arg0: i32) -> (i32, i32) {
    %c0_i32 = arith.constant 0 : i32
    %c0_i32_0 = arith.constant 0 : i32
    %c0_i32_1 = arith.constant 0 : i32
    return %c0_i32, %c0_i32_0 : i32, i32
  }
}

module attributes {stable_mosaic.version = 14 : i64} {
  func.func @_z_body(%arg0: i32, %arg1: memref<256x128xf32, #tpu.memory_space<vmem>>, %arg2: memref<8192x128xf32, #tpu.memory_space<vmem>>, %arg3: memref<8192x256xf32, #tpu.memory_space<vmem>>) attributes {dimension_semantics = [#tpu.dimension_semantics<arbitrary>], iteration_bounds = array<i64: 13>, scalar_prefetch = 0 : i64, scratch_operands = 0 : i64, tpu.core_type = #tpu.core_type<tc>, window_params = [{pipeline_mode = #tpu.pipeline_mode<synchronous>, transform_indices = @transform_0, window_bounds = array<i64: 256, 128>}, {transform_indices = @transform_1, window_bounds = array<i64: 8192, 128>}, {transform_indices = @transform_2, window_bounds = array<i64: 8192, 256>}]} {
    %get3A = arith.constant 0 : index
    %get3A_0 = arith.constant 0 : index
    %get3A_1 = vector.load %arg2[%get3A, %get3A_0] : memref<8192x128xf32, #tpu.memory_space<vmem>>, vector<8192x128xf32>
    %get3A_2 = arith.constant 0 : index
    %get3A_3 = arith.constant 0 : index
    %get3A_4 = vector.load %arg1[%get3A_2, %get3A_3] : memref<256x128xf32, #tpu.memory_space<vmem>>, vector<256x128xf32>
    %dot_general3A = arith.constant dense<0.000000e+00> : vector<8192x256xf32>
    %dot_general3A_5 = tpu.matmul %get3A_1, %get3A_4, %dot_general3A {dimension_numbers = #tpu.dot_dimension_numbers<[1], [1], [0], [0], [0, 0, 1, 0], [], []>, transpose_lhs_hint = false} : vector<8192x128xf32>, vector<256x128xf32>, vector<8192x256xf32> -> vector<8192x256xf32>
    %swap3A = arith.constant 0 : index
    %swap3A_6 = arith.constant 0 : index
    %swap3A_7 = vector.load %arg3[%swap3A, %swap3A_6] : memref<8192x256xf32, #tpu.memory_space<vmem>>, vector<8192x256xf32>
    tpu.vector_store %arg3[%swap3A, %swap3A_6], %dot_general3A_5 {strides = array<i32>} : memref<8192x256xf32, #tpu.memory_space<vmem>>, vector<8192x256xf32>,
    return
  }
  func.func @transform_0(%arg0: i32) -> (i32, i32) {
    %c0_i32 = arith.constant 0 : i32
    %c0_i32_0 = arith.constant 0 : i32
    %c0_i32_1 = arith.constant 0 : i32
    return %c0_i32, %c0_i32_0 : i32, i32
  }
  func.func @transform_1(%arg0: i32) -> (i32, i32) {
    %c0_i32 = arith.constant 0 : i32
    %c0_i32_0 = arith.constant 0 : i32
    return %arg0, %c0_i32 : i32, i32
  }
  func.func @transform_2(%arg0: i32) -> (i32, i32) {
    %c0_i32 = arith.constant 0 : i32
    %c0_i32_0 = arith.constant 0 : i32
    return %arg0, %c0_i32 : i32, i32
  }
}

</mosaic_0001>

<sc_bundles>
// kernel: kernel.11.cloned.1.call-start
scs
__scs_entry_jumppad:
0x0: {  	(pc) =	sbr.rel $0x88, $3  }
0x1: {  	(tag) =	ssettag $0x0;
	lr =	simm.s32 $0x1  }
0x2: {  	[smem:$0x3F8F] =	sst lr;
	_ =	strace $0xD0000000  }
0x3: {  	_ = 	snop  }
0x4: {  	_ = 	snop  }
0x5: {  	_ = 	snop  }
0x6: {  	_ = 	snop  }
0x7: {  	_ = 	snop  }
__scs_overlays_trampoline_lowered:
0x8: {  	[smem:$0x3F9E] =	sst s0  }
0x9: {  	[smem:$0x3F9F] =	sst s1  }
0xa: {  	[smem:$0x3FA0] =	sst s2  }
0xb: {  	[smem:$0x3FA1] =	sst s3  }
0xc: {  	[smem:$0x3FA2] =	sst s4  }
0xd: {  	[smem:$0x3FA3] =	sst s5  }
0xe: {  	[smem:$0x3FA4] =	sst s6  }
0xf: {  	[smem:$0x3FA5] =	sst s7  }
0x10: {  	[smem:$0x3FA6] =	sst s8  }
0x11: {  	[smem:$0x3FA7] =	sst s9;
	s0 =	simm.s32 @!p0 $0x0  }
0x12: {  	s1 =	sld [smem:$0x3F8D];
	s0 =	simm.s32 @p0 $0x1  }
0x13: {  	[smem:$0x3FA8] =	sst s0;
	s0 =	simm.s32 @!p1 $0x0  }
0x14: {  	s2 =	sld [smem:$0x3F8C];
	s0 =	simm.s32 @p1 $0x1  }
0x15: {  	[smem:$0x3FA9] =	sst s0;
	s0 =	simm.s32 @!p2 $0x0  }
0x16: {  	s3 =	sld [smem:$0x3FDB];
	s0 =	simm.s32 @p2 $0x1  }
0x17: {  	s4 =	simm.s32 $0x1BF5;
	[smem:$0x3FAB] =	sst s0  }
0x18: {  	s0 =	sld [smem:$0x3F8E];
	_ =	swait.ge [sflag:s4], $0x0  }
0x19: {  	s7 =	sld [smem:$0x3F8F]  }
0x1a: {  	s8 =	sadd.s32 $0xFFFFE003, lr  }
0x1b: {  	s9 =	sadd.s32 $0xFFFFFEF7, lr;
	s5 =	simm.s32 $0xFFFFFFFF;
	p2 =	slt.u32 s8, $0xFFFFF086  }
0x1c: {  	p1 =	slt.u32 s9, $0xF7A;
	s5 =	simm.s32 @!p2 $0x0  }
0x1d: {  	s5 =	simm.s32 @p1 $0x1;
	p0 =	seq.s32 s7, s2  }
0x1e: {  	s7 =	smul.u32 @!p0 $0xF7A, s2;
	p2 =	seq.s32 @!p0 s5, $0x0  }
0x1f: {  	s9 =	smul.u32 $0xF7A, s1;
	s8 =	simm.s32 @!p0 $0x1BF5;
	p2 =	por !p2, p0  }
0x20: {  	[sflag:s8] =	ssyncset.s32 @!p0 $0xFFFFF086;
	s6 =	sadd.s32 @!p0 s3, s7;
	s7 =	simm.s32 @!p0 $0x108  }
0x21: {  	s3 =	sadd.s32 s3, s9;
	s6 =	sadd.s32 @!p0 $0x88, s6;
	s7 =	simm.s32 @p2 $0x1082  }
0x22: {  	[simem:s7], [sflag:s8] =	dma.local @!p0 [hbm:s6], $0xF7A  }
0x23: {  	s9 =	sor.u32 $0xD0000000, s2;
	s6 =	simm.s32 $0x108;
	_ =	swait.ge @!p0 [sflag:s8], $0x0  }
0x24: {  	s3 =	sadd.s32 $0x88, s3;
	s6 =	simm.s32 @!p1 $0x1082;
	[sflag:s4] =	ssyncset.s32 $0xFFFFF086  }
0x25: {  	[simem:s6], [sflag:s4] =	dma.local [hbm:s3], $0xF7A  }
0x26: {  	[smem:$0x3F8F] =	sst s1;
	(tag) =	ssettag s2;
	_ =	strace s9  }
0x27: {  	s1 =	sld [smem:$0x3F9F]  }
0x28: {  	s2 =	sld [smem:$0x3FA0]  }
0x29: {  	s4 =	sld [smem:$0x3FA2]  }
0x2a: {  	p0 =	seq.s32 s5, $0x0;
	s5 =	sld [smem:$0x3FA3]  }
0x2b: {  	s6 =	sld [smem:$0x3FA4]  }
0x2c: {  	s7 =	sld [smem:$0x3FA5]  }
0x2d: {  	s3 =	simm.s32 $0x108;
	s8 =	sld [smem:$0x3FA6]  }
0x2e: {  	s3 =	simm.s32 @!p0 $0x1082;
	s9 =	sld [smem:$0x3FA7]  }
0x2f: {  	lr =	sadd.s32 s0, s3;
	s0 =	sld [smem:$0x3F9E]  }
0x30: {  	s3 =	sld [smem:$0x3FA1]  }
0x31: {  	[smem:$0x3FAA] =	sst s10  }
0x32: {  	s10 =	sld [smem:$0x3FA8];
	_ =	sdelay $0x3  }
0x33: {  	p0 =	seq.s32 s10, $0x1;
	s10 =	sld [smem:$0x3FAA];
	_ =	sdelay $0x3  }
0x34: {  	[smem:$0x3FAA] =	sst s10  }
0x35: {  	s10 =	sld [smem:$0x3FA9];
	_ =	sdelay $0x3  }
0x36: {  	p1 =	seq.s32 s10, $0x1;
	s10 =	sld [smem:$0x3FAA];
	_ =	sdelay $0x3  }
0x37: {  	[smem:$0x3FAA] =	sst s10  }
0x38: {  	s10 =	sld [smem:$0x3FAB]  }
0x39: {  	_ = 	snop;
	(pc) =	sbr.ind lr, $3  }
0x3a: {  	_ = 	snop  }
0x3b: {  	_ = 	snop  }
0x3c: {  	p2 =	seq.s32 s10, $0x1;
	s10 =	sld [smem:$0x3FAA]  }
0x3d: {  	_ =	shalt  }
0x3e: {  	_ =	shalt  }
0x3f: {  	_ =	shalt  }
0x40: {  	_ =	shalt  }
0x41: {  	_ =	shalt  }
0x42: {  	_ =	shalt  }
0x43: {  	_ =	shalt  }
0x44: {  	_ =	shalt  }
0x45: {  	_ =	shalt  }
0x46: {  	_ =	shalt  }
0x47: {  	_ =	shalt  }
0x48: {  	_ =	shalt  }
0x49: {  	_ =	shalt  }
0x4a: {  	_ =	shalt  }
0x4b: {  	_ =	shalt  }
0x4c: {  	_ =	shalt  }
0x4d: {  	_ =	shalt  }
0x4e: {  	_ =	shalt  }
0x4f: {  	_ =	shalt  }
0x50: {  	_ =	shalt  }
0x51: {  	_ =	shalt  }
0x52: {  	_ =	shalt  }
0x53: {  	_ =	shalt  }
0x54: {  	_ =	shalt  }
0x55: {  	_ =	shalt  }
0x56: {  	_ =	shalt  }
0x57: {  	_ =	shalt  }
0x58: {  	_ =	shalt  }
0x59: {  	_ =	shalt  }
0x5a: {  	_ =	shalt  }
0x5b: {  	_ =	shalt  }
0x5c: {  	_ =	shalt  }
0x5d: {  	_ =	shalt  }
0x5e: {  	_ =	shalt  }
0x5f: {  	_ =	shalt  }
0x60: {  	_ =	shalt  }
0x61: {  	_ =	shalt  }
0x62: {  	_ =	shalt  }
0x63: {  	_ =	shalt  }
0x64: {  	_ =	shalt  }
0x65: {  	_ =	shalt  }
0x66: {  	_ =	shalt  }
0x67: {  	_ =	shalt  }
0x68: {  	_ =	shalt  }
0x69: {  	_ =	shalt  }
0x6a: {  	_ =	shalt  }
0x6b: {  	_ =	shalt  }
0x6c: {  	_ =	shalt  }
0x6d: {  	_ =	shalt  }
0x6e: {  	_ =	shalt  }
0x6f: {  	_ =	shalt  }
0x70: {  	_ =	shalt  }
0x71: {  	_ =	shalt  }
0x72: {  	_ =	shalt  }
0x73: {  	_ =	shalt  }
0x74: {  	_ =	shalt  }
0x75: {  	_ =	shalt  }
0x76: {  	_ =	shalt  }
0x77: {  	_ =	shalt  }
0x78: {  	_ =	shalt  }
0x79: {  	_ =	shalt  }
0x7a: {  	_ =	shalt  }
0x7b: {  	_ =	shalt  }
0x7c: {  	_ =	shalt  }
0x7d: {  	_ =	shalt  }
0x7e: {  	_ =	shalt  }
0x7f: {  	_ =	shalt  }
0x80: {  	_ =	shalt  }
0x81: {  	_ =	shalt  }
0x82: {  	_ =	shalt  }
0x83: {  	_ =	shalt  }
0x84: {  	_ =	shalt  }
0x85: {  	_ =	shalt  }
0x86: {  	_ =	shalt  }
0x87: {  	_ =	shalt  }
.Lfunc_end0:
.L_simem_size_0:
called_computation.1_lowered:
.L_overlay_start_0:
0x88: {  	s2 =	sld [smem:$0x3FD9]  }
0x89: {  	s3 =	sld [smem:$0x3FFE];
	_ =	sdelay $0x1  }
0x8a: {  	s1 =	srdreg.scid  }
0x8b: {  	s0 =	sand.u32 $0x1, s1  }
0x8c: {  	s17 =	sshll.u32 s0, $0xA;
	s2 =	sadd.s32 s3, s2  }
0x8d: {  	s2 =	sadd.s32 s2, s17  }
0x8e: {  	[smem:$0x3FB6] =	sst s2  }
0x8f: {  	_ = 	snop  }
0x90: {  	s2 =	sld [smem:$0x3FD0];
	(tm) =	ssettm $0x1  }
0x91: {  	s18 =	sld [smem:$0x3FFB];
	_ =	sdelay $0x3  }
0x92: {  	_ =	strace s18  }
0x93: {  	s3 =	sld [smem:$0x3FFC];
	_ =	sdelay $0x3  }
0x94: {  	_ =	strace s3  }
0x95: {  	s3 =	sld [smem:$0x3FFD];
	_ =	sdelay $0x3  }
0x96: {  	_ =	strace s3  }
0x97: {  	_ =	strace $0x8FFFFFFF  }
0x98: {  	s19 =	sld [smem:$0x3FDB];
	_ =	sdelay $0x1  }
0x99: {  	s4 =	simm.s32 $_scs_section_size  }
0x9a: {  	s5 =	simm.s32 $_size__tile_overlayer_lowered;
	s6 =	simm.s32 $_tile_overlayer_lowered  }
0x9b: {  	s22 =	simm.s32 $0x1BFF;
	s21 =	sshll.u32 s6, $0x1;
	s3 =	sadd.s32 s4, s19  }
0x9c: {  	s7 =	simm.s32 $0x0;
	s20 =	sshll.u32 s5, $0x1;
	s5 =	sadd.s32 s21, s3  }
0x9d: {  	[timem:s7], [sflag:s22] =	dma.local [hbm:s5], s20  }
0x9e: {  	_ =	swait.ge [sflag:s22], s20  }
0x9f: {  	s4 =	ssub.s32 $0x0, s20;
	[sflag:s22] =	ssyncset.done $0x0  }
0xa0: {  	[sflag:s22] =	ssyncadd.s32 s4;
	_ =	sdelay $0x1  }
0xa1: {  	s23 =	simm.s32 $0x1B8B  }
0xa2: {  	_ =	swait.ge [sflag:s23], $0x1  }
0xa3: {  	[sflag:s23] =	ssyncset.done $0x0  }
0xa4: {  	s25 =	simm.s32 $0x1B8E;
	s24 =	sld [smem:$0x3FFE];
	[sflag:s23] =	ssyncadd.s32 $0xFFFFFFFF  }
0xa5: {  	s26 =	simm.s32 $execute0_lowered;
	[smem:$0x3FD2] =	sst s25  }
0xa6: {  	s5 =	sshll.u32 s26, $0x1;
	_ =	strace $0x80000049;
	[dreg:$0x1] =	wrdreg $0xFFFFFFFF  }
0xa7: {  	s28 =	simm.s32 $_size_execute0_lowered;
	s3 =	sadd.s32 s3, s5;
	[dreg:$0x0] =	wrdreg $0x0  }
0xa8: {  	s5 =	sshll.u32 s28, $0x1;
	[dreg:$0x2] =	wrdreg s3  }
0xa9: {  	[dreg:$0x3] =	wrdreg s5  }
0xaa: {  	[dreg:$0x4] =	wrdreg $0xC0  }
0xab: {  	_ =	task [dreg:s7], $0x5FFFF  }
0xac: {  	[dreg:$0x1] =	wrdreg $0xFFFFFFFF  }
0xad: {  	[dreg:$0x0] =	wrdreg $0x60  }
0xae: {  	[dreg:$0x2] =	wrdreg s24  }
0xaf: {  	[dreg:$0x3] =	wrdreg s2  }
0xb0: {  	[dreg:$0x4] =	wrdreg $0xAF000  }
0xb1: {  	[dreg:$0x5] =	wrdreg $0x9  }
0xb2: {  	_ =	task.clear_ibuf [dreg:s7], $0x6FFFF;
	_ =	strace $0x90000049  }
0xb3: {  	s29 =	simm.s32 $0x9;
	_ =	strace $0x8000004B  }
0xb4: {  	_ =	swait.ge [sflag:s29], $0x1  }
0xb5: {  	[sflag:s29] =	ssyncadd.s32 $0xFFFFFFFF  }
0xb6: {  	_ =	strace $0x9000004B  }
0xb7: {  	_ =	sfence  }
0xb8: {  	s30 =	sld [smem:$0x0];
	_ =	sdelay $0x2  }
0xb9: {  	s31 =	sshll.u32 s1, $0xD;
	s1 =	sshrl.u32 s1, $0x2  }
0xba: {  	s3 =	sand.u32 $0x4000, s31;
	s1 =	sadd.s32 s1, s30  }
0xbb: {  	s0 =	sor.u32 s3, s0;
	s1 =	sshll.u32 s1, $0x11  }
0xbc: {  	s0 =	sor.u32 s1, s0  }
0xbd: {  	s0 =	sadd.s32 $0x8F2B, s0  }
0xbe: {  	[sflag:s0] =	ssyncadd.remote.s32 $0x1  }
0xbf: {  	_ =	sfence.sel $0xFFFF  }
0xc0: {  	[dreg:$0x0] =	wrdreg $0xFFFFFFFF;
	(pc) =	sbr.abs _section_cstart, $3  }
0xc1: {  	[dreg:$0x1] =	wrdreg $0xFFFFFFFF  }
0xc2: {  	_ =	task.clear_ibuf [dreg:s7], $0x2FFFF;
	_ =	strace $0x9FFFFFFF  }
0xc3: {  	(tm) =	ssettm $0x7FFFFFFF  }
tec
execute0_lowered:
.L_overlay_start_1:
0x0: {  	(tag) =	ssettag $0x1  }
0x1: {  	s0 =	rddreg [dreg:$0x0]  }
0x2: {  	s1 =	rddreg [dreg:$0x1];
	s3 =	srdreg.scid  }
0x3: {  	s11 =	stileid.u32;
	s2 =	rddreg [dreg:$0x2];
	s28 =	simm.s32 $0x80  }
0x4: {  	s29 =	simm.s32 $0x100;
	s31 =	simm.s32 $0x200;
	s30 =	simm.s32 $0x9  }
0x5: {  	s7 =	sand.u32 $0x1, s3;
	s4 =	sshll.u32 s11, $0x1;
	s21 =	smul.u32 $0x280, s11  }
0x6: {  	s3 =	simm.s32 $0x0;
	s25 =	smul.u32 $0x50000, s11;
	s11 =	simm.s32 $0x2F00  }
0x7: {  	s6 =	sor.u32 s7, s4;
	s10 =	ssub.s32 $0x2, s7;
	s7 =	smul.u32 $0x2800, s7  }
0x8: {  	[smem:$0x7FF] =	sst s3;
	s4 =	sadd.s32 $0x2B400, s0;
	s5 =	smul.u32 $0x500, s6  }
0x9: {  	_ =	strace $0x8000004A;
	s8 =	smul.u32 $0x2800, s6;
	s19 =	sshrl.u32 s10, $0x1  }
0xa: {  	s6 =	smul.u32 $0x50, s6;
	s26 =	sadd.s32 $0x80, s21;
	s12 =	sadd.s32 $0x100, s21  }
0xb: {  	s15 =	sadd.s32 $0x180, s21;
	s13 =	sadd.s32 s21, s7;
	s14 =	sadd.s32 s7, s26  }
0xc: {  	s18 =	sadd.s32 s7, s12;
	s9 =	sadd.s32 s5, s0;
	s13 =	sshll.u32 s13, $0x4  }
0xd: {  	s5 =	sadd.s32 $0x3400, s0;
	s14 =	sshll.u32 s14, $0x4;
	s13 =	sadd.s32 s1, s13  }
0xe: {  	s8 =	sshrl.u32 s8, $0x3;
	s17 =	sadd.s32 s1, s14;
	[dreg:$0xa] =	wrdreg s13  }
0xf: {  	s0 =	ssub.s32 s10, s19;
	s9 =	sadd.s32 $0x3F600, s9;
	[dreg:$0xb] =	wrdreg s17  }
0x10: {  	s19 =	sadd.s32 s7, s15;
	s0 =	smax.u32 s0, $0x1;
	[dreg:$0x10] =	wrdreg s9  }
0x11: {  	s16 =	sadd.s32 s4, s8;
	s14 =	sshll.u32 s19, $0x4;
	[dreg:$0x16] =	wrdreg s0  }
0x12: {  	s19 =	simm.s32 $0x2;
	s8 =	sadd.s32 $0xA080, s16;
	[dreg:$0x4] =	wrdreg s16  }
0x13: {  	s20 =	sadd.s32 $0x10, s16;
	s22 =	sadd.s32 $0xA090, s16;
	[dreg:$0x5] =	wrdreg s8  }
0x14: {  	s23 =	sadd.s32 $0x20, s16;
	s24 =	sadd.s32 $0xA0A0, s16;
	[dreg:$0x6] =	wrdreg s20  }
0x15: {  	s13 =	sshll.u32 s18, $0x4;
	s0 =	simm.s32 $0x300;
	[dreg:$0x7] =	wrdreg s22  }
0x16: {  	s9 =	simm.s32 $0x400;
	s17 =	simm.s32 $0x3;
	[dreg:$0x8] =	wrdreg s23  }
0x17: {  	s18 =	simm.s32 $0x7;
	[dreg:$0x9] =	wrdreg s24;
	s8 =	sadd.s32 $0x200, s21  }
0x18: {  	s13 =	sadd.s32 s1, s13;
	s20 =	sadd.s32 s1, s14;
	s21 =	sadd.s32 $0x30, s16  }
0x19: {  	s22 =	sshrl.u32 s25, $0x2;
	s23 =	sshll.u32 s26, $0x7;
	s24 =	sshll.u32 s12, $0x7  }
0x1a: {  	s25 =	sshll.u32 s15, $0x7;
	s26 =	sadd.s32 $0xA0B0, s16;
	[dreg:$0xc] =	wrdreg s13  }
0x1b: {  	s12 =	simm.s32 $0x5;
	s14 =	simm.s32 $0x6F00;
	[dreg:$0xd] =	wrdreg s20  }
0x1c: {  	s15 =	simm.s32 $0x1;
	s16 =	simm.s32 $0x2E00;
	[dreg:$0xf] =	wrdreg s21  }
0x1d: {  	s7 =	sadd.s32 s7, s8;
	s10 =	sadd.s32 s22, s2;
	[dreg:$0x17] =	wrdreg s26  }
0x1e: {  	s22 =	sadd.s32 s23, s2;
	s8 =	sshll.u32 s8, $0x7;
	[dreg:$0x11] =	wrdreg s10  }
0x1f: {  	s23 =	sadd.s32 s24, s2;
	s24 =	sadd.s32 s25, s2;
	[dreg:$0x12] =	wrdreg s22  }
0x20: {  	s13 =	simm.s32 $0x6;
	s25 =	simm.s32 $0x2E80;
	[dreg:$0x13] =	wrdreg s23  }
0x21: {  	s7 =	sshll.u32 s7, $0x4;
	s8 =	sadd.s32 s8, s2;
	[dreg:$0x14] =	wrdreg s24  }
0x22: {  	s26 =	simm.s32 $0x4;
	s1 =	sadd.s32 s1, s7;
	[dreg:$0x15] =	wrdreg s8  }
0x23: {  	v0 =	vimm.f32 $0.0e+00;
	s20 =	simm.s32 $0x0;
	s7 =	simm.s32 $0x8;
	[dreg:$0xe] =	wrdreg s1  }
.LBB2_1:
0x24: {  	[dreg:$0x18] =	wrdreg s20  }
0x25: {  	s1 =	rddreg [dreg:$0x4]  }
0x26: {  	[tilespmem:s3], [sflag:$0x5] =	stream.linear.gather [hbm4b:s1+s3], $0x80, $0x38;
	[tilespmem:$0x1EF00] =	vst v63  }
0x27: {  	s20 =	rddreg [dreg:$0x5]  }
0x28: {  	[tilespmem:s28], [sflag:$0x5] =	stream.linear.gather [hbm4b:s20+s3], $0x80, $0x38;
	[tilespmem:$0x1EF00] =	vst v63  }
0x29: {  	s21 =	rddreg [dreg:$0x6]  }
0x2a: {  	[tilespmem:s29], [sflag:$0x6] =	stream.linear.gather [hbm4b:s21+s3], $0x80, $0x38;
	[tilespmem:$0x1EF00] =	vst v63  }
0x2b: {  	s20 =	rddreg [dreg:$0x7];
	s21 =	simm.s32 $0x180  }
0x2c: {  	[tilespmem:s21], [sflag:$0x6] =	stream.linear.gather [hbm4b:s20+s3], $0x80, $0x38;
	[tilespmem:$0x1EF00] =	vst v63  }
0x2d: {  	s21 =	rddreg [dreg:$0x8]  }
0x2e: {  	[tilespmem:s31], [sflag:$0x7] =	stream.linear.gather [hbm4b:s21+s3], $0x80, $0x38;
	[tilespmem:$0x1EF00] =	vst v63  }
0x2f: {  	s20 =	rddreg [dreg:$0x9];
	s21 =	simm.s32 $0x280  }
0x30: {  	[tilespmem:s21], [sflag:$0x7] =	stream.linear.gather [hbm4b:s20+s3], $0x80, $0x38;
	[tilespmem:$0x1EF00] =	vst v63  }
0x31: {  	s21 =	rddreg [dreg:$0xf]  }
0x32: {  	[tilespmem:s0], [sflag:$0x8] =	stream.linear.gather [hbm4b:s21+s3], $0x80, $0x38;
	[tilespmem:$0x1EF00] =	vst v63  }
0x33: {  	s20 =	rddreg [dreg:$0x17];
	s21 =	simm.s32 $0x380  }
0x34: {  	[tilespmem:s21], [sflag:$0x8] =	stream.linear.gather [hbm4b:s20+s3], $0x80, $0x38;
	[tilespmem:$0x1EF00] =	vst v63  }
0x35: {  	s21 =	rddreg [dreg:$0x10]  }
0x36: {  	[tilespmem:s9], [sflag:$0x9] =	stream.linear.gather [hbm4b:s21+s3], $0x2A00, $0x38;
	[tilespmem:$0x1EF00] =	vst v63  }
0x37: {  	_ =	swait.ge [sflag:s30], $0x2A00  }
0x38: {  	[sflag:s30] =	ssyncset.done $0x0  }
0x39: {  	s20 =	simm.s32 $0x0;
	s21 =	simm.s32 $0x200;
	[sflag:s30] =	ssyncadd.s32 $0xFFFFD600  }
.LBB2_2:
0x3a: {  	p0 =	sne.s32 s21, $0xFE00;
	[tilespmem:s20+$0x2F70] =	vst v0  }
0x3b: {  	[tilespmem:s20+$0x2F00] =	vst v0  }
0x3c: {  	[tilespmem:s20+$0x2F10] =	vst v0  }
.Ltmp0:
0x3d: {  	[tilespmem:s20+$0x2F20] =	vst v0;
	(pc) =	sbr.rel @p0 .LBB2_2-.Ltmp0, $4  }
0x3e: {  	[tilespmem:s20+$0x2F30] =	vst v0  }
0x3f: {  	[tilespmem:s20+$0x2F40] =	vst v0  }
0x40: {  	[tilespmem:s20+$0x2F50] =	vst v0  }
0x41: {  	[tilespmem:s20+$0x2F60] =	vst v0;
	s20 =	sshra.s32 s21, $0x2;
	s21 =	sadd.s32 $0x200, s21  }
0x42: {  	[tilespmem:s20+$0x2F70] =	vst v0  }
0x43: {  	[tilespmem:s20+$0x2F00] =	vst v0  }
0x44: {  	[tilespmem:s20+$0x2F10] =	vst v0  }
0x45: {  	[tilespmem:s20+$0x2F20] =	vst v0  }
0x46: {  	[tilespmem:s20+$0x2F30] =	vst v0  }
0x47: {  	[tilespmem:s20+$0x2F40] =	vst v0  }
0x48: {  	[tilespmem:s20+$0x2F50] =	vst v0  }
0x49: {  	[tilespmem:s20+$0x2F60] =	vst v0  }
0x4a: {  	[spmem:s10] =	stream.linear.scatter [tilespmem:s11], [sflag:$0x9], $0x4000, $0x38;
	[tilespmem:$0x1EF00] =	vst v63  }
0x4b: {  	_ =	swait.ge [sflag:s30], $0x4000  }
0x4c: {  	[sflag:s30] =	ssyncset.done $0x0  }
0x4d: {  	[sflag:s30] =	ssyncadd.s32 $0xFFFFC000  }
0x4e: {  	[spmem:s22] =	stream.linear.scatter [tilespmem:s11], [sflag:$0x9], $0x4000, $0x38;
	[tilespmem:$0x1EF00] =	vst v63  }
0x4f: {  	_ =	swait.ge [sflag:s30], $0x4000  }
0x50: {  	[sflag:s30] =	ssyncset.done $0x0  }
0x51: {  	[sflag:s30] =	ssyncadd.s32 $0xFFFFC000  }
0x52: {  	[spmem:s23] =	stream.linear.scatter [tilespmem:s11], [sflag:$0x9], $0x4000, $0x38;
	[tilespmem:$0x1EF00] =	vst v63  }
0x53: {  	_ =	swait.ge [sflag:s30], $0x4000  }
0x54: {  	[sflag:s30] =	ssyncset.done $0x0  }
0x55: {  	[sflag:s30] =	ssyncadd.s32 $0xFFFFC000  }
0x56: {  	[spmem:s24] =	stream.linear.scatter [tilespmem:s11], [sflag:$0x9], $0x4000, $0x38;
	[tilespmem:$0x1EF00] =	vst v63  }
0x57: {  	_ =	swait.ge [sflag:s30], $0x4000  }
0x58: {  	[sflag:s30] =	ssyncset.done $0x0  }
0x59: {  	[sflag:s30] =	ssyncadd.s32 $0xFFFFC000  }
0x5a: {  	[spmem:s8] =	stream.linear.scatter [tilespmem:s11], [sflag:$0x9], $0x4000, $0x38;
	[tilespmem:$0x1EF00] =	vst v63  }
0x5b: {  	_ =	swait.ge [sflag:s30], $0x4000  }
0x5c: {  	[sflag:s30] =	ssyncset.done $0x0  }
0x5d: {  	[sflag:s30] =	ssyncadd.s32 $0xFFFFC000  }
0x5e: {  	[bflag:$0x0] =	sbarrier.arrive $0xFFFF  }
0x5f: {  	_ =	swait.ge [sflag:s12], $0x80  }
0x60: {  	[sflag:s12] =	ssyncset.done $0x0  }
0x61: {  	[sflag:s12] =	ssyncadd.s32 $0xFFFFFF80  }
0x62: {  	_ =	swait.ge [sflag:s12], $0x80  }
0x63: {  	[sflag:s12] =	ssyncset.done $0x0  }
0x64: {  	s21 =	simm.s32 $0x0;
	s22 =	simm.s32 $0x0;
	[sflag:s12] =	ssyncadd.s32 $0xFFFFFF80  }
0x65: {  	[tilespmem:s11], [sflag:$0x1] =	stream.indirect.gather [hbm4b:s5+s28], $0x80, s21, s28, $0xb8;
	[tilespmem:$0x1EF00] =	vst v63  }
.LBB2_4:
0x66: {  	p0 =	seq.s32 s22, $0x0  }
0x67: {  	s20 =	simm.s32 @!p0 $0x4  }
0x68: {  	_ =	swait.ge @!p0 [sflag:s20], $0x4000  }
0x69: {  	[sflag:s20] =	ssyncset.done @!p0 $0x0  }
0x6a: {  	[sflag:s20] =	ssyncadd.s32 @!p0 $0xFFFFC000  }
0x6b: {  	_ =	swait.ge [sflag:s13], $0x80  }
0x6c: {  	[sflag:s13] =	ssyncset.done $0x0  }
0x6d: {  	[sflag:s13] =	ssyncadd.s32 $0xFFFFFF80  }
0x6e: {  	_ =	swait.ge [sflag:s13], $0x80  }
0x6f: {  	[sflag:s13] =	ssyncset.done $0x0  }
0x70: {  	[sflag:s13] =	ssyncadd.s32 $0xFFFFFF80  }
0x71: {  	[tilespmem:s14], [sflag:$0x2] =	stream.indirect.gather [hbm4b:s5+s28], $0x80, s29, s28, $0xb8;
	[tilespmem:$0x1EF00] =	vst v63  }
0x72: {  	_ =	swait.ge [sflag:s15], $0x4000  }
0x73: {  	[sflag:s15] =	ssyncset.done $0x0  }
0x74: {  	[sflag:s15] =	ssyncadd.s32 $0xFFFFC000  }
0x75: {  	v1 =	vld [tilespmem:$0x80]  }
0x76: {  	v2 =	vld [tilespmem:$0x90]  }
0x77: {  	v3 =	vld [tilespmem:$0xA0]  }
0x78: {  	v4 =	vld [tilespmem:$0xB0]  }
0x79: {  	v5 =	vld [tilespmem:$0xC0]  }
0x7a: {  	s23 =	sshll.u32 s22, $0x2;
	[tilespmem:$0x2E00] =	vst v1;
	v1 =	vld [tilespmem:$0xD0]  }
0x7b: {  	s1 =	sadd.s32 $0x4, s23;
	[tilespmem:$0x2E10] =	vst v2;
	v2 =	vld [tilespmem:$0xE0]  }
0x7c: {  	s24 =	sadd.s32 s6, s1;
	[tilespmem:$0x2E20] =	vst v3;
	v3 =	vld [tilespmem:$0xF0]  }
0x7d: {  	s24 =	sshll.u32 s24, $0x7;
	s20 =	sshll.u32 s1, $0x7;
	[tilespmem:$0x2E30] =	vst v4  }
0x7e: {  	s24 =	sand.u32 $0x7FFFFC00, s24;
	s20 =	sand.u32 $0x200, s20;
	[tilespmem:$0x2E40] =	vst v5  }
0x7f: {  	s30 =	sadd.s32 $0xFFFFFFFC, s21;
	s20 =	sor.u32 s20, s24;
	[tilespmem:$0x2E50] =	vst v1  }
0x80: {  	s1 =	sadd.s32 $0x6, s30;
	s8 =	sshrl.u32 s20, $0x3;
	[tilespmem:$0x2E60] =	vst v2  }
0x81: {  	s10 =	sadd.s32 $0x4, s30;
	v1 =	vmov s1;
	[tilespmem:$0x2E70] =	vst v3;
	s1 =	sadd.s32 s4, s8;
	s8 =	sadd.s32 $0x50400, s20  }
0x82: {  	v2 =	vmov s10;
	[tilespmem:s3], [sflag:$0x5] =	stream.linear.gather [hbm4b:s1+s3], $0x80, $0x38;
	[tilespmem:$0x1EF00] =	vst v63  }
0x83: {  	v2 =	vand.u32 $0xFFFFFFFC, v2;
	s1 =	sshrl.u32 s8, $0x3  }
0x84: {  	s24 =	simm.s32 $0x3000;
	v1 =	vand.u32 $0xFFFFFFFE, v1;
	v2 =	vbroadcast v2, $0x0;
	s1 =	sadd.s32 s4, s1  }
0x85: {  	v1 =	vbroadcast v1, $0x0;
	[tilespmem:s28], [sflag:$0x5] =	stream.linear.gather [hbm4b:s1+s3], $0x80, $0x38;
	[tilespmem:$0x1EF00] =	vst v63  }
0x86: {  	v3 =	vld [tilespmem:s24+$0x70]  }
0x87: {  	v5 =	vld [tilespmem:s24+$0xFFFFFF00]  }
0x88: {  	s10 =	sadd.s32 $0x5, s30;
	v6 =	vld [tilespmem:s24+$0xFFFFFF10]  }
0x89: {  	v4 =	vmov s10;
	v7 =	vld [tilespmem:s24+$0xFFFFFF20]  }
0x8a: {  	v4 =	vand.u32 $0xFFFFFFFD, v4;
	v2 =	vld.idx.msk [tilespmem:v2+s9+$0x0], $0xffff  }
0x8b: {  	v4 =	vbroadcast v4, $0x0;
	v1 =	vld.idx.msk [tilespmem:v1+s9+$0x0], $0xffff  }
0x8c: {  	v8 =	vld [tilespmem:s24+$0xFFFFFF30]  }
0x8d: {  	v9 =	vld [tilespmem:s24+$0xFFFFFF40]  }
0x8e: {  	v10 =	vld [tilespmem:s24+$0xFFFFFF50]  }
0x8f: {  	v11 =	vld [tilespmem:s24+$0xFFFFFF60];
	v5 =	vmul.f32 v5, v2  }
0x90: {  	v13 =	vld [tilespmem:s24+$0xFFFFFFD0];
	v3 =	vmul.f32 v3, v1  }
0x91: {  	v4 =	vld.idx.msk [tilespmem:v4+s9+$0x0], $0xffff;
	[tilespmem:s24+$0xFFFFFF00] =	vst v5;
	v5 =	vmul.f32 v6, v2  }
0x92: {  	v6 =	vld [tilespmem:s24+$0xFFFFFF70];
	[tilespmem:s24+$0x70] =	vst v3;
	v3 =	vmul.f32 v7, v2  }
0x93: {  	s20 =	sadd.s32 $0x7, s30;
	v7 =	vld [tilespmem:s24+$0xFFFFFF80];
	[tilespmem:s24+$0xFFFFFF10] =	vst v5;
	v5 =	vmul.f32 v8, v2  }
0x94: {  	v12 =	vmov s20;
	v8 =	vld [tilespmem:s24+$0xFFFFFF90];
	[tilespmem:s24+$0xFFFFFF20] =	vst v3;
	v3 =	vmul.f32 v9, v2  }
0x95: {  	v9 =	vld [tilespmem:s24+$0xFFFFFFA0];
	[tilespmem:s24+$0xFFFFFF30] =	vst v5;
	v5 =	vmul.f32 v10, v2  }
0x96: {  	v10 =	vld [tilespmem:s24+$0xFFFFFFB0];
	[tilespmem:s24+$0xFFFFFF40] =	vst v3;
	v3 =	vmul.f32 v11, v2  }
0x97: {  	v11 =	vld [tilespmem:s24+$0xFFFFFFC0];
	v6 =	vmul.f32 v6, v2;
	[tilespmem:s24+$0xFFFFFF50] =	vst v5  }
0x98: {  	v14 =	vld [tilespmem:s24+$0xFFFFFFE0];
	v5 =	vmul.f32 v7, v4;
	[tilespmem:s24+$0xFFFFFF60] =	vst v3  }
0x99: {  	v2 =	vld.idx.msk [tilespmem:v12+s9+$0x0], $0xffff;
	v3 =	vmul.f32 v8, v4;
	[tilespmem:s24+$0xFFFFFF70] =	vst v6  }
0x9a: {  	v8 =	vld [tilespmem:s24+$0xFFFFFFF0];
	[tilespmem:s24+$0xFFFFFF80] =	vst v5;
	v5 =	vmul.f32 v9, v4  }
0x9b: {  	v7 =	vld [tilespmem:s24+$0x0];
	[tilespmem:s24+$0xFFFFFF90] =	vst v3;
	v3 =	vmul.f32 v10, v4  }
0x9c: {  	v6 =	vld [tilespmem:s24+$0x10];
	v9 =	vmul.f32 v11, v4;
	[tilespmem:s24+$0xFFFFFFA0] =	vst v5  }
0x9d: {  	v10 =	vmul.f32 v13, v4;
	v5 =	vld [tilespmem:s24+$0x20];
	[tilespmem:s24+$0xFFFFFFB0] =	vst v3  }
0x9e: {  	[tilespmem:s24+$0xFFFFFFC0] =	vst v9;
	v3 =	vld [tilespmem:s24+$0x30];
	v9 =	vmul.f32 v14, v4  }
0x9f: {  	s30 =	simm.s32 $0x0;
	s20 =	simm.s32 $0x3000;
	[tilespmem:s24+$0xFFFFFFD0] =	vst v10;
	v8 =	vmul.f32 v8, v4;
	v4 =	vld [tilespmem:s24+$0x40]  }
.LBB2_5:
0xa0: {  	s1 =	sadd.s32 s30, s21;
	s30 =	sadd.s32 $0x4, s30;
	[tilespmem:s24+$0xFFFFFFE0] =	vst v9;
	v7 =	vmul.f32 v7, v1;
	v9 =	vld [tilespmem:s24+$0x50]  }
0xa1: {  	s8 =	sadd.s32 $0x4, s1;
	s10 =	sadd.s32 $0x6, s1;
	p0 =	slt.u32 s30, $0x7C;
	[tilespmem:s24+$0xFFFFFFF0] =	vst v8;
	v6 =	vmul.f32 v6, v1;
	v8 =	vld [tilespmem:s24+$0x60]  }
0xa2: {  	v10 =	vmov s8;
	s8 =	sadd.s32 $0x5, s1;
	v11 =	vmov s10;
	s1 =	sadd.s32 $0x7, s1;
	[tilespmem:s24+$0x0] =	vst v7;
	v5 =	vmul.f32 v5, v1;
	v7 =	vld [tilespmem:s24+$0x80]  }
0xa3: {  	v10 =	vand.u32 $0xFFFFFFFC, v10;
	v12 =	vmov s8;
	v11 =	vand.u32 $0xFFFFFFFE, v11;
	[tilespmem:s24+$0x10] =	vst v6;
	v6 =	vld [tilespmem:s24+$0x90]  }
0xa4: {  	v10 =	vbroadcast v10, $0x0;
	v12 =	vand.u32 $0xFFFFFFFD, v12;
	v11 =	vbroadcast v11, $0x0;
	[tilespmem:s24+$0x20] =	vst v5;
	v5 =	vld [tilespmem:s24+$0xA0]  }
0xa5: {  	v13 =	vmov s1;
	v3 =	vmul.f32 v3, v1;
	v12 =	vbroadcast v12, $0x0;
	v14 =	vld [tilespmem:s24+$0xB0]  }
0xa6: {  	v4 =	vmul.f32 v4, v1;
	v9 =	vmul.f32 v9, v1;
	v15 =	vld [tilespmem:s24+$0xC0]  }
0xa7: {  	[tilespmem:s24+$0x30] =	vst v3;
	v3 =	vmul.f32 v8, v1;
	v7 =	vmul.f32 v7, v2;
	v8 =	vld [tilespmem:s24+$0xD0]  }
0xa8: {  	[tilespmem:s24+$0x40] =	vst v4;
	v4 =	vmul.f32 v6, v2;
	v6 =	vld [tilespmem:s24+$0xE0]  }
0xa9: {  	[tilespmem:s24+$0x50] =	vst v9;
	v5 =	vmul.f32 v5, v2;
	v9 =	vld [tilespmem:s24+$0xF0]  }
0xaa: {  	s24 =	sadd.s32 $0x200, s24;
	v1 =	vld.idx.msk [tilespmem:v11+s9+$0x0], $0xffff;
	[tilespmem:s20+$0x60] =	vst v3;
	v3 =	vmul.f32 v14, v2  }
0xab: {  	v11 =	vld [tilespmem:s24+$0x70];
	[tilespmem:s20+$0x80] =	vst v7;
	v7 =	vmul.f32 v15, v2  }
0xac: {  	v10 =	vld.idx.msk [tilespmem:v10+s9+$0x0], $0xffff;
	[tilespmem:s20+$0x90] =	vst v4;
	v4 =	vmul.f32 v8, v2  }
0xad: {  	v8 =	vld.idx.msk [tilespmem:v12+s9+$0x0], $0xffff;
	[tilespmem:s20+$0xA0] =	vst v5;
	v5 =	vmul.f32 v6, v2  }
0xae: {  	[tilespmem:s20+$0xB0] =	vst v3;
	v3 =	vmul.f32 v9, v2;
	v2 =	vld.idx.msk [tilespmem:v13+s9+$0x0], $0xffff  }
0xaf: {  	v6 =	vld [tilespmem:s24+$0xFFFFFF00];
	[tilespmem:s20+$0xC0] =	vst v7  }
0xb0: {  	v7 =	vld [tilespmem:s24+$0xFFFFFF10];
	v9 =	vmul.f32 v11, v1;
	[tilespmem:s20+$0xD0] =	vst v4  }
0xb1: {  	v4 =	vld [tilespmem:s24+$0xFFFFFF20];
	[tilespmem:s20+$0xE0] =	vst v5  }
0xb2: {  	v5 =	vld [tilespmem:s24+$0xFFFFFF30];
	[tilespmem:s24+$0x70] =	vst v9  }
0xb3: {  	v9 =	vld [tilespmem:s24+$0xFFFFFF40];
	[tilespmem:s20+$0xF0] =	vst v3;
	s20 =	smov.u32 s24  }
0xb4: {  	v3 =	vmul.f32 v6, v10;
	v6 =	vld [tilespmem:s24+$0xFFFFFF50]  }
0xb5: {  	v7 =	vmul.f32 v7, v10;
	v11 =	vld [tilespmem:s24+$0xFFFFFF60]  }
0xb6: {  	[tilespmem:s24+$0xFFFFFF00] =	vst v3;
	v3 =	vmul.f32 v4, v10;
	v4 =	vld [tilespmem:s24+$0xFFFFFF70]  }
0xb7: {  	[tilespmem:s24+$0xFFFFFF10] =	vst v7;
	v5 =	vmul.f32 v5, v10;
	v7 =	vld [tilespmem:s24+$0xFFFFFF80]  }
0xb8: {  	[tilespmem:s24+$0xFFFFFF20] =	vst v3;
	v3 =	vmul.f32 v9, v10;
	v9 =	vld [tilespmem:s24+$0xFFFFFF90]  }
0xb9: {  	[tilespmem:s24+$0xFFFFFF30] =	vst v5;
	v5 =	vmul.f32 v6, v10;
	v6 =	vld [tilespmem:s24+$0xFFFFFFA0]  }
0xba: {  	[tilespmem:s24+$0xFFFFFF40] =	vst v3;
	v3 =	vmul.f32 v11, v10;
	v11 =	vld [tilespmem:s24+$0xFFFFFFB0]  }
0xbb: {  	[tilespmem:s24+$0xFFFFFF50] =	vst v5;
	v4 =	vmul.f32 v4, v10;
	v5 =	vld [tilespmem:s24+$0xFFFFFFC0]  }
0xbc: {  	[tilespmem:s24+$0xFFFFFF60] =	vst v3;
	v3 =	vmul.f32 v7, v8;
	v10 =	vld [tilespmem:s24+$0xFFFFFFD0]  }
0xbd: {  	[tilespmem:s24+$0xFFFFFF70] =	vst v4;
	v4 =	vmul.f32 v9, v8;
	v9 =	vld [tilespmem:s24+$0xFFFFFFE0]  }
0xbe: {  	[tilespmem:s24+$0xFFFFFF80] =	vst v3;
	v3 =	vmul.f32 v6, v8;
	v12 =	vld [tilespmem:s24+$0xFFFFFFF0]  }
.Ltmp1:
0xbf: {  	[tilespmem:s24+$0xFFFFFF90] =	vst v4;
	v4 =	vmul.f32 v11, v8;
	v7 =	vld [tilespmem:s24+$0x0];
	(pc) =	sbr.rel @p0 .LBB2_5-.Ltmp1, $4  }
0xc0: {  	[tilespmem:s24+$0xFFFFFFA0] =	vst v3;
	v3 =	vmul.f32 v5, v8;
	v6 =	vld [tilespmem:s24+$0x10]  }
0xc1: {  	[tilespmem:s24+$0xFFFFFFB0] =	vst v4;
	v4 =	vmul.f32 v10, v8;
	v5 =	vld [tilespmem:s24+$0x20]  }
0xc2: {  	[tilespmem:s24+$0xFFFFFFC0] =	vst v3;
	v9 =	vmul.f32 v9, v8;
	v3 =	vld [tilespmem:s24+$0x30]  }
0xc3: {  	[tilespmem:s24+$0xFFFFFFD0] =	vst v4;
	v8 =	vmul.f32 v12, v8;
	v4 =	vld [tilespmem:s24+$0x40]  }
0xc4: {  	v10 =	vld [tilespmem:s24+$0x50];
	[tilespmem:s24+$0xFFFFFFE0] =	vst v9;
	v7 =	vmul.f32 v7, v1  }
0xc5: {  	v9 =	vld [tilespmem:s24+$0x60];
	[tilespmem:s24+$0xFFFFFFF0] =	vst v8;
	v6 =	vmul.f32 v6, v1  }
0xc6: {  	v8 =	vld [tilespmem:s24+$0x80];
	[tilespmem:s24+$0x0] =	vst v7;
	v5 =	vmul.f32 v5, v1  }
0xc7: {  	v7 =	vld [tilespmem:s24+$0x90];
	[tilespmem:s24+$0x10] =	vst v6;
	v3 =	vmul.f32 v3, v1  }
0xc8: {  	v6 =	vld [tilespmem:s24+$0xA0];
	[tilespmem:s24+$0x20] =	vst v5;
	v4 =	vmul.f32 v4, v1  }
0xc9: {  	v5 =	vld [tilespmem:s24+$0xB0];
	v10 =	vmul.f32 v10, v1;
	[tilespmem:s24+$0x30] =	vst v3  }
0xca: {  	v11 =	vld [tilespmem:s24+$0xC0];
	v1 =	vmul.f32 v9, v1;
	[tilespmem:s24+$0x40] =	vst v4  }
0xcb: {  	v3 =	vld [tilespmem:s24+$0xD0];
	v4 =	vmul.f32 v8, v2;
	[tilespmem:s24+$0x50] =	vst v10  }
0xcc: {  	v8 =	vld [tilespmem:s24+$0xE0];
	v7 =	vmul.f32 v7, v2;
	[tilespmem:s20+$0x60] =	vst v1  }
0xcd: {  	v9 =	vld [tilespmem:s24+$0xF0];
	v1 =	vmul.f32 v6, v2;
	[tilespmem:s20+$0x80] =	vst v4  }
0xce: {  	v4 =	vmul.f32 v5, v2;
	[tilespmem:s20+$0x90] =	vst v7  }
0xcf: {  	v5 =	vmul.f32 v11, v2;
	[tilespmem:s20+$0xA0] =	vst v1  }
0xd0: {  	v1 =	vmul.f32 v3, v2;
	[tilespmem:s20+$0xB0] =	vst v4  }
0xd1: {  	v3 =	vmul.f32 v8, v2;
	[tilespmem:s20+$0xC0] =	vst v5  }
0xd2: {  	v2 =	vmul.f32 v9, v2;
	[tilespmem:s20+$0xD0] =	vst v1  }
0xd3: {  	[tilespmem:s20+$0xE0] =	vst v3  }
0xd4: {  	[tilespmem:s20+$0xF0] =	vst v2  }
0xd5: {  	[spmem:s2] =	stream.indirect.scatter.add.f32 [tilespmem:s11], [sflag:$0x3], $0x80, s16, s28, $0xb8;
	[tilespmem:$0x1EF00] =	vst v63  }
0xd6: {  	_ =	swait.ge [sflag:s17], $0x4000  }
0xd7: {  	[sflag:s17] =	ssyncset.done $0x0  }
0xd8: {  	[sflag:s17] =	ssyncadd.s32 $0xFFFFC000  }
0xd9: {  	_ =	swait.ge [sflag:s18], $0x80  }
0xda: {  	[sflag:s18] =	ssyncset.done $0x0  }
0xdb: {  	[sflag:s18] =	ssyncadd.s32 $0xFFFFFF80  }
0xdc: {  	_ =	swait.ge [sflag:s18], $0x80  }
0xdd: {  	[sflag:s18] =	ssyncset.done $0x0  }
0xde: {  	[sflag:s18] =	ssyncadd.s32 $0xFFFFFF80  }
0xdf: {  	[tilespmem:s11], [sflag:$0x1] =	stream.indirect.gather [hbm4b:s5+s28], $0x80, s31, s28, $0xb8;
	[tilespmem:$0x1EF00] =	vst v63  }
0xe0: {  	_ =	swait.ge [sflag:s19], $0x4000  }
0xe1: {  	[sflag:s19] =	ssyncset.done $0x0  }
0xe2: {  	[sflag:s19] =	ssyncadd.s32 $0xFFFFC000  }
0xe3: {  	v1 =	vld [tilespmem:$0x180]  }
0xe4: {  	v2 =	vld [tilespmem:$0x190]  }
0xe5: {  	v3 =	vld [tilespmem:$0x1A0]  }
0xe6: {  	v4 =	vld [tilespmem:$0x1B0]  }
0xe7: {  	v5 =	vld [tilespmem:$0x1C0]  }
0xe8: {  	[tilespmem:$0x2E80] =	vst v1;
	v1 =	vld [tilespmem:$0x1D0]  }
0xe9: {  	s1 =	sadd.s32 $0x5, s23;
	[tilespmem:$0x2E90] =	vst v2;
	v2 =	vld [tilespmem:$0x1E0]  }
0xea: {  	s8 =	sadd.s32 s6, s1;
	[tilespmem:$0x2EA0] =	vst v3;
	v3 =	vld [tilespmem:$0x1F0]  }
0xeb: {  	s1 =	sshll.u32 s1, $0x7;
	s8 =	sshll.u32 s8, $0x7;
	[tilespmem:$0x2EB0] =	vst v4  }
0xec: {  	s1 =	sand.u32 $0x280, s1;
	s8 =	sand.u32 $0x7FFFFC00, s8;
	[tilespmem:$0x2EC0] =	vst v5  }
0xed: {  	s10 =	sadd.s32 $0xFFFFFFFC, s21;
	s1 =	sor.u32 s1, s8;
	[tilespmem:$0x2ED0] =	vst v1  }
0xee: {  	s8 =	sshrl.u32 s1, $0x3;
	s1 =	sadd.s32 $0x50400, s1;
	s24 =	sadd.s32 $0x86, s10;
	[tilespmem:$0x2EE0] =	vst v2  }
0xef: {  	s8 =	sadd.s32 s4, s8;
	s1 =	sshrl.u32 s1, $0x3;
	v1 =	vmov s24;
	s24 =	sadd.s32 $0x84, s10;
	[tilespmem:$0x2EF0] =	vst v3  }
0xf0: {  	[tilespmem:s29], [sflag:$0x6] =	stream.linear.gather [hbm4b:s8+s3], $0x80, $0x38;
	[tilespmem:$0x1EF00] =	vst v63  }
0xf1: {  	s1 =	sadd.s32 s4, s1;
	v1 =	vand.u32 $0xFFFFFFFE, v1;
	v2 =	vmov s24;
	s24 =	simm.s32 $0x180  }
0xf2: {  	v1 =	vbroadcast v1, $0x0;
	v2 =	vand.u32 $0xFFFFFFFC, v2;
	[tilespmem:s24], [sflag:$0x6] =	stream.linear.gather [hbm4b:s1+s3], $0x80, $0x38;
	[tilespmem:$0x1EF00] =	vst v63  }
0xf3: {  	v2 =	vbroadcast v2, $0x0;
	s24 =	simm.s32 $0x7000  }
0xf4: {  	v3 =	vld [tilespmem:s24+$0x70]  }
0xf5: {  	v5 =	vld [tilespmem:s24+$0xFFFFFF00]  }
0xf6: {  	s8 =	sadd.s32 $0x85, s10;
	v6 =	vld [tilespmem:s24+$0xFFFFFF10]  }
0xf7: {  	v4 =	vmov s8;
	v7 =	vld [tilespmem:s24+$0xFFFFFF20]  }
0xf8: {  	v4 =	vand.u32 $0xFFFFFFFD, v4;
	v1 =	vld.idx.msk [tilespmem:v1+s9+$0x0], $0xffff  }
0xf9: {  	v4 =	vbroadcast v4, $0x0;
	v2 =	vld.idx.msk [tilespmem:v2+s9+$0x0], $0xffff  }
0xfa: {  	v8 =	vld [tilespmem:s24+$0xFFFFFF30]  }
0xfb: {  	v9 =	vld [tilespmem:s24+$0xFFFFFF40]  }
0xfc: {  	v10 =	vld [tilespmem:s24+$0xFFFFFF50]  }
0xfd: {  	v11 =	vld [tilespmem:s24+$0xFFFFFF60];
	v3 =	vmul.f32 v3, v1  }
0xfe: {  	v13 =	vld [tilespmem:s24+$0xFFFFFFD0];
	v5 =	vmul.f32 v5, v2  }
0xff: {  	v4 =	vld.idx.msk [tilespmem:v4+s9+$0x0], $0xffff;
	[tilespmem:s24+$0x70] =	vst v3;
	v3 =	vmul.f32 v7, v2  }
0x100: {  	[tilespmem:s24+$0xFFFFFF00] =	vst v5;
	v5 =	vmul.f32 v6, v2;
	v6 =	vld [tilespmem:s24+$0xFFFFFF70]  }
0x101: {  	s20 =	sadd.s32 $0x87, s10;
	v7 =	vld [tilespmem:s24+$0xFFFFFF80];
	[tilespmem:s24+$0xFFFFFF20] =	vst v3;
	v3 =	vmul.f32 v9, v2  }
0x102: {  	v12 =	vmov s20;
	[tilespmem:s24+$0xFFFFFF10] =	vst v5;
	v5 =	vmul.f32 v8, v2;
	v8 =	vld [tilespmem:s24+$0xFFFFFF90]  }
0x103: {  	v9 =	vld [tilespmem:s24+$0xFFFFFFA0];
	[tilespmem:s24+$0xFFFFFF40] =	vst v3;
	v3 =	vmul.f32 v11, v2  }
0x104: {  	v11 =	vld [tilespmem:s24+$0xFFFFFFC0];
	[tilespmem:s24+$0xFFFFFF30] =	vst v5;
	v5 =	vmul.f32 v10, v2  }
0x105: {  	v10 =	vld [tilespmem:s24+$0xFFFFFFB0];
	v6 =	vmul.f32 v6, v2;
	[tilespmem:s24+$0xFFFFFF60] =	vst v3  }
0x106: {  	v14 =	vld [tilespmem:s24+$0xFFFFFFE0];
	[tilespmem:s24+$0xFFFFFF50] =	vst v5;
	v5 =	vmul.f32 v7, v4  }
0x107: {  	v2 =	vld.idx.msk [tilespmem:v12+s9+$0x0], $0xffff;
	v3 =	vmul.f32 v8, v4;
	[tilespmem:s24+$0xFFFFFF70] =	vst v6  }
0x108: {  	v8 =	vld [tilespmem:s24+$0xFFFFFFF0];
	[tilespmem:s24+$0xFFFFFF80] =	vst v5;
	v5 =	vmul.f32 v9, v4  }
0x109: {  	v7 =	vld [tilespmem:s24+$0x0];
	v9 =	vmul.f32 v11, v4;
	[tilespmem:s24+$0xFFFFFF90] =	vst v3  }
0x10a: {  	v6 =	vld [tilespmem:s24+$0x10];
	v3 =	vmul.f32 v10, v4;
	[tilespmem:s24+$0xFFFFFFA0] =	vst v5  }
0x10b: {  	v10 =	vmul.f32 v13, v4;
	v5 =	vld [tilespmem:s24+$0x20];
	[tilespmem:s24+$0xFFFFFFC0] =	vst v9  }
0x10c: {  	v9 =	vmul.f32 v14, v4;
	[tilespmem:s24+$0xFFFFFFB0] =	vst v3;
	v3 =	vld [tilespmem:s24+$0x30]  }
0x10d: {  	s30 =	simm.s32 $0x0;
	s20 =	simm.s32 $0x7000;
	[tilespmem:s24+$0xFFFFFFD0] =	vst v10;
	v8 =	vmul.f32 v8, v4;
	v4 =	vld [tilespmem:s24+$0x40]  }
.LBB2_7:
0x10e: {  	s1 =	sadd.s32 s30, s21;
	s30 =	sadd.s32 $0x4, s30;
	[tilespmem:s24+$0xFFFFFFE0] =	vst v9;
	v7 =	vmul.f32 v7, v1;
	v9 =	vld [tilespmem:s24+$0x50]  }
0x10f: {  	s8 =	sadd.s32 $0x84, s1;
	s10 =	sadd.s32 $0x86, s1;
	p0 =	slt.u32 s30, $0x7C;
	[tilespmem:s24+$0xFFFFFFF0] =	vst v8;
	v6 =	vmul.f32 v6, v1;
	v8 =	vld [tilespmem:s24+$0x60]  }
0x110: {  	v10 =	vmov s8;
	s8 =	sadd.s32 $0x85, s1;
	v11 =	vmov s10;
	s1 =	sadd.s32 $0x87, s1;
	[tilespmem:s24+$0x0] =	vst v7;
	v5 =	vmul.f32 v5, v1;
	v7 =	vld [tilespmem:s24+$0x80]  }
0x111: {  	v10 =	vand.u32 $0xFFFFFFFC, v10;
	v12 =	vmov s8;
	v11 =	vand.u32 $0xFFFFFFFE, v11;
	[tilespmem:s24+$0x10] =	vst v6;
	v6 =	vld [tilespmem:s24+$0x90]  }
0x112: {  	v10 =	vbroadcast v10, $0x0;
	v12 =	vand.u32 $0xFFFFFFFD, v12;
	v11 =	vbroadcast v11, $0x0;
	[tilespmem:s24+$0x20] =	vst v5;
	v5 =	vld [tilespmem:s24+$0xA0]  }
0x113: {  	v13 =	vmov s1;
	v3 =	vmul.f32 v3, v1;
	v12 =	vbroadcast v12, $0x0;
	v14 =	vld [tilespmem:s24+$0xB0]  }
0x114: {  	v4 =	vmul.f32 v4, v1;
	v9 =	vmul.f32 v9, v1;
	v15 =	vld [tilespmem:s24+$0xC0]  }
0x115: {  	[tilespmem:s24+$0x30] =	vst v3;
	v3 =	vmul.f32 v8, v1;
	v7 =	vmul.f32 v7, v2;
	v8 =	vld [tilespmem:s24+$0xD0]  }
0x116: {  	[tilespmem:s24+$0x40] =	vst v4;
	v4 =	vmul.f32 v6, v2;
	v6 =	vld [tilespmem:s24+$0xE0]  }
0x117: {  	[tilespmem:s24+$0x50] =	vst v9;
	v5 =	vmul.f32 v5, v2;
	v9 =	vld [tilespmem:s24+$0xF0]  }
0x118: {  	s24 =	sadd.s32 $0x200, s24;
	v1 =	vld.idx.msk [tilespmem:v11+s9+$0x0], $0xffff;
	[tilespmem:s20+$0x60] =	vst v3;
	v3 =	vmul.f32 v14, v2  }
0x119: {  	v11 =	vld [tilespmem:s24+$0x70];
	[tilespmem:s20+$0x80] =	vst v7;
	v7 =	vmul.f32 v15, v2  }
0x11a: {  	v10 =	vld.idx.msk [tilespmem:v10+s9+$0x0], $0xffff;
	[tilespmem:s20+$0x90] =	vst v4;
	v4 =	vmul.f32 v8, v2  }
0x11b: {  	v8 =	vld.idx.msk [tilespmem:v12+s9+$0x0], $0xffff;
	[tilespmem:s20+$0xA0] =	vst v5;
	v5 =	vmul.f32 v6, v2  }
0x11c: {  	[tilespmem:s20+$0xB0] =	vst v3;
	v3 =	vmul.f32 v9, v2;
	v2 =	vld.idx.msk [tilespmem:v13+s9+$0x0], $0xffff  }
0x11d: {  	v6 =	vld [tilespmem:s24+$0xFFFFFF00];
	[tilespmem:s20+$0xC0] =	vst v7  }
0x11e: {  	v7 =	vld [tilespmem:s24+$0xFFFFFF10];
	v9 =	vmul.f32 v11, v1;
	[tilespmem:s20+$0xD0] =	vst v4  }
0x11f: {  	v4 =	vld [tilespmem:s24+$0xFFFFFF20];
	[tilespmem:s20+$0xE0] =	vst v5  }
0x120: {  	v5 =	vld [tilespmem:s24+$0xFFFFFF30];
	[tilespmem:s24+$0x70] =	vst v9  }
0x121: {  	v9 =	vld [tilespmem:s24+$0xFFFFFF40];
	[tilespmem:s20+$0xF0] =	vst v3;
	s20 =	smov.u32 s24  }
0x122: {  	v3 =	vmul.f32 v6, v10;
	v6 =	vld [tilespmem:s24+$0xFFFFFF50]  }
0x123: {  	v7 =	vmul.f32 v7, v10;
	v11 =	vld [tilespmem:s24+$0xFFFFFF60]  }
0x124: {  	[tilespmem:s24+$0xFFFFFF00] =	vst v3;
	v3 =	vmul.f32 v4, v10;
	v4 =	vld [tilespmem:s24+$0xFFFFFF70]  }
0x125: {  	[tilespmem:s24+$0xFFFFFF10] =	vst v7;
	v5 =	vmul.f32 v5, v10;
	v7 =	vld [tilespmem:s24+$0xFFFFFF80]  }
0x126: {  	[tilespmem:s24+$0xFFFFFF20] =	vst v3;
	v3 =	vmul.f32 v9, v10;
	v9 =	vld [tilespmem:s24+$0xFFFFFF90]  }
0x127: {  	[tilespmem:s24+$0xFFFFFF30] =	vst v5;
	v5 =	vmul.f32 v6, v10;
	v6 =	vld [tilespmem:s24+$0xFFFFFFA0]  }
0x128: {  	[tilespmem:s24+$0xFFFFFF40] =	vst v3;
	v3 =	vmul.f32 v11, v10;
	v11 =	vld [tilespmem:s24+$0xFFFFFFB0]  }
0x129: {  	[tilespmem:s24+$0xFFFFFF50] =	vst v5;
	v4 =	vmul.f32 v4, v10;
	v5 =	vld [tilespmem:s24+$0xFFFFFFC0]  }
0x12a: {  	[tilespmem:s24+$0xFFFFFF60] =	vst v3;
	v3 =	vmul.f32 v7, v8;
	v10 =	vld [tilespmem:s24+$0xFFFFFFD0]  }
0x12b: {  	[tilespmem:s24+$0xFFFFFF70] =	vst v4;
	v4 =	vmul.f32 v9, v8;
	v9 =	vld [tilespmem:s24+$0xFFFFFFE0]  }
0x12c: {  	[tilespmem:s24+$0xFFFFFF80] =	vst v3;
	v3 =	vmul.f32 v6, v8;
	v12 =	vld [tilespmem:s24+$0xFFFFFFF0]  }
.Ltmp2:
0x12d: {  	[tilespmem:s24+$0xFFFFFF90] =	vst v4;
	v4 =	vmul.f32 v11, v8;
	v7 =	vld [tilespmem:s24+$0x0];
	(pc) =	sbr.rel @p0 .LBB2_7-.Ltmp2, $4  }
0x12e: {  	[tilespmem:s24+$0xFFFFFFA0] =	vst v3;
	v3 =	vmul.f32 v5, v8;
	v6 =	vld [tilespmem:s24+$0x10]  }
0x12f: {  	[tilespmem:s24+$0xFFFFFFB0] =	vst v4;
	v4 =	vmul.f32 v10, v8;
	v5 =	vld [tilespmem:s24+$0x20]  }
0x130: {  	[tilespmem:s24+$0xFFFFFFC0] =	vst v3;
	v9 =	vmul.f32 v9, v8;
	v3 =	vld [tilespmem:s24+$0x30]  }
0x131: {  	[tilespmem:s24+$0xFFFFFFD0] =	vst v4;
	v8 =	vmul.f32 v12, v8;
	v4 =	vld [tilespmem:s24+$0x40]  }
0x132: {  	v10 =	vld [tilespmem:s24+$0x50];
	[tilespmem:s24+$0xFFFFFFE0] =	vst v9;
	v7 =	vmul.f32 v7, v1  }
0x133: {  	v9 =	vld [tilespmem:s24+$0x60];
	[tilespmem:s24+$0xFFFFFFF0] =	vst v8;
	v6 =	vmul.f32 v6, v1  }
0x134: {  	v8 =	vld [tilespmem:s24+$0x80];
	[tilespmem:s24+$0x0] =	vst v7;
	v5 =	vmul.f32 v5, v1  }
0x135: {  	v7 =	vld [tilespmem:s24+$0x90];
	[tilespmem:s24+$0x10] =	vst v6;
	v3 =	vmul.f32 v3, v1  }
0x136: {  	v6 =	vld [tilespmem:s24+$0xA0];
	[tilespmem:s24+$0x20] =	vst v5;
	v4 =	vmul.f32 v4, v1  }
0x137: {  	v5 =	vld [tilespmem:s24+$0xB0];
	v10 =	vmul.f32 v10, v1;
	[tilespmem:s24+$0x30] =	vst v3  }
0x138: {  	v11 =	vld [tilespmem:s24+$0xC0];
	v1 =	vmul.f32 v9, v1;
	[tilespmem:s24+$0x40] =	vst v4  }
0x139: {  	v3 =	vld [tilespmem:s24+$0xD0];
	v4 =	vmul.f32 v8, v2;
	[tilespmem:s24+$0x50] =	vst v10  }
0x13a: {  	v8 =	vld [tilespmem:s24+$0xE0];
	v7 =	vmul.f32 v7, v2;
	[tilespmem:s20+$0x60] =	vst v1  }
0x13b: {  	v9 =	vld [tilespmem:s24+$0xF0];
	v1 =	vmul.f32 v6, v2;
	[tilespmem:s20+$0x80] =	vst v4  }
0x13c: {  	v4 =	vmul.f32 v5, v2;
	[tilespmem:s20+$0x90] =	vst v7  }
0x13d: {  	v5 =	vmul.f32 v11, v2;
	[tilespmem:s20+$0xA0] =	vst v1  }
0x13e: {  	v1 =	vmul.f32 v3, v2;
	[tilespmem:s20+$0xB0] =	vst v4  }
0x13f: {  	v3 =	vmul.f32 v8, v2;
	[tilespmem:s20+$0xC0] =	vst v5  }
0x140: {  	v2 =	vmul.f32 v9, v2;
	[tilespmem:s20+$0xD0] =	vst v1  }
0x141: {  	[tilespmem:s20+$0xE0] =	vst v3  }
0x142: {  	[tilespmem:s20+$0xF0] =	vst v2  }
0x143: {  	[spmem:s2] =	stream.indirect.scatter.add.f32 [tilespmem:s14], [sflag:$0x4], $0x80, s25, s28, $0xb8;
	[tilespmem:$0x1EF00] =	vst v63  }
0x144: {  	_ =	swait.ge [sflag:s26], $0x4000  }
0x145: {  	[sflag:s26] =	ssyncset.done $0x0  }
0x146: {  	[sflag:s26] =	ssyncadd.s32 $0xFFFFC000  }
0x147: {  	_ =	swait.ge [sflag:s7], $0x80  }
0x148: {  	[sflag:s7] =	ssyncset.done $0x0  }
0x149: {  	[sflag:s7] =	ssyncadd.s32 $0xFFFFFF80  }
0x14a: {  	_ =	swait.ge [sflag:s7], $0x80  }
0x14b: {  	[sflag:s7] =	ssyncset.done $0x0  }
0x14c: {  	[sflag:s7] =	ssyncadd.s32 $0xFFFFFF80  }
0x14d: {  	[tilespmem:s14], [sflag:$0x2] =	stream.indirect.gather [hbm4b:s5+s28], $0x80, s0, s28, $0xb8;
	[tilespmem:$0x1EF00] =	vst v63  }
0x14e: {  	_ =	swait.ge [sflag:s15], $0x4000  }
0x14f: {  	[sflag:s15] =	ssyncset.done $0x0  }
0x150: {  	[sflag:s15] =	ssyncadd.s32 $0xFFFFC000  }
0x151: {  	v1 =	vld [tilespmem:$0x280]  }
0x152: {  	v2 =	vld [tilespmem:$0x290]  }
0x153: {  	v3 =	vld [tilespmem:$0x2A0]  }
0x154: {  	v4 =	vld [tilespmem:$0x2B0]  }
0x155: {  	v5 =	vld [tilespmem:$0x2C0]  }
0x156: {  	[tilespmem:$0x2E00] =	vst v1;
	v1 =	vld [tilespmem:$0x2D0]  }
0x157: {  	s1 =	sadd.s32 $0x6, s23;
	[tilespmem:$0x2E10] =	vst v2;
	v2 =	vld [tilespmem:$0x2E0]  }
0x158: {  	s8 =	sadd.s32 s6, s1;
	[tilespmem:$0x2E20] =	vst v3;
	v3 =	vld [tilespmem:$0x2F0]  }
0x159: {  	s1 =	sshll.u32 s1, $0x7;
	s8 =	sshll.u32 s8, $0x7;
	[tilespmem:$0x2E30] =	vst v4  }
0x15a: {  	s1 =	sand.u32 $0x300, s1;
	s8 =	sand.u32 $0x7FFFFC00, s8;
	[tilespmem:$0x2E40] =	vst v5  }
0x15b: {  	s10 =	sadd.s32 $0xFFFFFFFC, s21;
	s1 =	sor.u32 s1, s8;
	[tilespmem:$0x2E50] =	vst v1  }
0x15c: {  	s8 =	sshrl.u32 s1, $0x3;
	s1 =	sadd.s32 $0x50400, s1;
	s24 =	sadd.s32 $0x106, s10;
	[tilespmem:$0x2E60] =	vst v2  }
0x15d: {  	s8 =	sadd.s32 s4, s8;
	s1 =	sshrl.u32 s1, $0x3;
	v1 =	vmov s24;
	s24 =	sadd.s32 $0x104, s10;
	[tilespmem:$0x2E70] =	vst v3  }
0x15e: {  	[tilespmem:s31], [sflag:$0x7] =	stream.linear.gather [hbm4b:s8+s3], $0x80, $0x38;
	[tilespmem:$0x1EF00] =	vst v63  }
0x15f: {  	s1 =	sadd.s32 s4, s1;
	v1 =	vand.u32 $0xFFFFFFFE, v1;
	v2 =	vmov s24;
	s24 =	simm.s32 $0x280  }
0x160: {  	v1 =	vbroadcast v1, $0x0;
	v2 =	vand.u32 $0xFFFFFFFC, v2;
	[tilespmem:s24], [sflag:$0x7] =	stream.linear.gather [hbm4b:s1+s3], $0x80, $0x38;
	[tilespmem:$0x1EF00] =	vst v63  }
0x161: {  	v2 =	vbroadcast v2, $0x0;
	s24 =	simm.s32 $0x3000  }
0x162: {  	v3 =	vld [tilespmem:s24+$0x70]  }
0x163: {  	v5 =	vld [tilespmem:s24+$0xFFFFFF00]  }
0x164: {  	s8 =	sadd.s32 $0x105, s10;
	v6 =	vld [tilespmem:s24+$0xFFFFFF10]  }
0x165: {  	v4 =	vmov s8;
	v7 =	vld [tilespmem:s24+$0xFFFFFF20]  }
0x166: {  	v4 =	vand.u32 $0xFFFFFFFD, v4;
	v1 =	vld.idx.msk [tilespmem:v1+s9+$0x0], $0xffff  }
0x167: {  	v4 =	vbroadcast v4, $0x0;
	v2 =	vld.idx.msk [tilespmem:v2+s9+$0x0], $0xffff  }
0x168: {  	v8 =	vld [tilespmem:s24+$0xFFFFFF30]  }
0x169: {  	v9 =	vld [tilespmem:s24+$0xFFFFFF40]  }
0x16a: {  	v10 =	vld [tilespmem:s24+$0xFFFFFF50]  }
0x16b: {  	v11 =	vld [tilespmem:s24+$0xFFFFFF60];
	v3 =	vmul.f32 v3, v1  }
0x16c: {  	v13 =	vld [tilespmem:s24+$0xFFFFFFD0];
	v5 =	vmul.f32 v5, v2  }
0x16d: {  	v4 =	vld.idx.msk [tilespmem:v4+s9+$0x0], $0xffff;
	[tilespmem:s24+$0x70] =	vst v3;
	v3 =	vmul.f32 v7, v2  }
0x16e: {  	[tilespmem:s24+$0xFFFFFF00] =	vst v5;
	v5 =	vmul.f32 v6, v2;
	v6 =	vld [tilespmem:s24+$0xFFFFFF70]  }
0x16f: {  	s20 =	sadd.s32 $0x107, s10;
	v7 =	vld [tilespmem:s24+$0xFFFFFF80];
	[tilespmem:s24+$0xFFFFFF20] =	vst v3;
	v3 =	vmul.f32 v9, v2  }
0x170: {  	v12 =	vmov s20;
	[tilespmem:s24+$0xFFFFFF10] =	vst v5;
	v5 =	vmul.f32 v8, v2;
	v8 =	vld [tilespmem:s24+$0xFFFFFF90]  }
0x171: {  	v9 =	vld [tilespmem:s24+$0xFFFFFFA0];
	[tilespmem:s24+$0xFFFFFF40] =	vst v3;
	v3 =	vmul.f32 v11, v2  }
0x172: {  	v11 =	vld [tilespmem:s24+$0xFFFFFFC0];
	[tilespmem:s24+$0xFFFFFF30] =	vst v5;
	v5 =	vmul.f32 v10, v2  }
0x173: {  	v10 =	vld [tilespmem:s24+$0xFFFFFFB0];
	v6 =	vmul.f32 v6, v2;
	[tilespmem:s24+$0xFFFFFF60] =	vst v3  }
0x174: {  	v14 =	vld [tilespmem:s24+$0xFFFFFFE0];
	[tilespmem:s24+$0xFFFFFF50] =	vst v5;
	v5 =	vmul.f32 v7, v4  }
0x175: {  	v2 =	vld.idx.msk [tilespmem:v12+s9+$0x0], $0xffff;
	v3 =	vmul.f32 v8, v4;
	[tilespmem:s24+$0xFFFFFF70] =	vst v6  }
0x176: {  	v8 =	vld [tilespmem:s24+$0xFFFFFFF0];
	[tilespmem:s24+$0xFFFFFF80] =	vst v5;
	v5 =	vmul.f32 v9, v4  }
0x177: {  	v7 =	vld [tilespmem:s24+$0x0];
	v9 =	vmul.f32 v11, v4;
	[tilespmem:s24+$0xFFFFFF90] =	vst v3  }
0x178: {  	v6 =	vld [tilespmem:s24+$0x10];
	v3 =	vmul.f32 v10, v4;
	[tilespmem:s24+$0xFFFFFFA0] =	vst v5  }
0x179: {  	v10 =	vmul.f32 v13, v4;
	v5 =	vld [tilespmem:s24+$0x20];
	[tilespmem:s24+$0xFFFFFFC0] =	vst v9  }
0x17a: {  	v9 =	vmul.f32 v14, v4;
	[tilespmem:s24+$0xFFFFFFB0] =	vst v3;
	v3 =	vld [tilespmem:s24+$0x30]  }
0x17b: {  	s30 =	simm.s32 $0x0;
	s20 =	simm.s32 $0x3000;
	[tilespmem:s24+$0xFFFFFFD0] =	vst v10;
	v8 =	vmul.f32 v8, v4;
	v4 =	vld [tilespmem:s24+$0x40]  }
.LBB2_9:
0x17c: {  	s1 =	sadd.s32 s30, s21;
	s30 =	sadd.s32 $0x4, s30;
	[tilespmem:s24+$0xFFFFFFE0] =	vst v9;
	v7 =	vmul.f32 v7, v1;
	v9 =	vld [tilespmem:s24+$0x50]  }
0x17d: {  	s8 =	sadd.s32 $0x104, s1;
	s10 =	sadd.s32 $0x106, s1;
	p0 =	slt.u32 s30, $0x7C;
	[tilespmem:s24+$0xFFFFFFF0] =	vst v8;
	v6 =	vmul.f32 v6, v1;
	v8 =	vld [tilespmem:s24+$0x60]  }
0x17e: {  	v10 =	vmov s8;
	s8 =	sadd.s32 $0x105, s1;
	v11 =	vmov s10;
	s1 =	sadd.s32 $0x107, s1;
	[tilespmem:s24+$0x0] =	vst v7;
	v5 =	vmul.f32 v5, v1;
	v7 =	vld [tilespmem:s24+$0x80]  }
0x17f: {  	v10 =	vand.u32 $0xFFFFFFFC, v10;
	v12 =	vmov s8;
	v11 =	vand.u32 $0xFFFFFFFE, v11;
	[tilespmem:s24+$0x10] =	vst v6;
	v6 =	vld [tilespmem:s24+$0x90]  }
0x180: {  	v10 =	vbroadcast v10, $0x0;
	v12 =	vand.u32 $0xFFFFFFFD, v12;
	v11 =	vbroadcast v11, $0x0;
	[tilespmem:s24+$0x20] =	vst v5;
	v5 =	vld [tilespmem:s24+$0xA0]  }
0x181: {  	v13 =	vmov s1;
	v3 =	vmul.f32 v3, v1;
	v12 =	vbroadcast v12, $0x0;
	v14 =	vld [tilespmem:s24+$0xB0]  }
0x182: {  	v4 =	vmul.f32 v4, v1;
	v9 =	vmul.f32 v9, v1;
	v15 =	vld [tilespmem:s24+$0xC0]  }
0x183: {  	[tilespmem:s24+$0x30] =	vst v3;
	v3 =	vmul.f32 v8, v1;
	v7 =	vmul.f32 v7, v2;
	v8 =	vld [tilespmem:s24+$0xD0]  }
0x184: {  	[tilespmem:s24+$0x40] =	vst v4;
	v4 =	vmul.f32 v6, v2;
	v6 =	vld [tilespmem:s24+$0xE0]  }
0x185: {  	[tilespmem:s24+$0x50] =	vst v9;
	v5 =	vmul.f32 v5, v2;
	v9 =	vld [tilespmem:s24+$0xF0]  }
0x186: {  	s24 =	sadd.s32 $0x200, s24;
	v1 =	vld.idx.msk [tilespmem:v11+s9+$0x0], $0xffff;
	[tilespmem:s20+$0x60] =	vst v3;
	v3 =	vmul.f32 v14, v2  }
0x187: {  	v11 =	vld [tilespmem:s24+$0x70];
	[tilespmem:s20+$0x80] =	vst v7;
	v7 =	vmul.f32 v15, v2  }
0x188: {  	v10 =	vld.idx.msk [tilespmem:v10+s9+$0x0], $0xffff;
	[tilespmem:s20+$0x90] =	vst v4;
	v4 =	vmul.f32 v8, v2  }
0x189: {  	v8 =	vld.idx.msk [tilespmem:v12+s9+$0x0], $0xffff;
	[tilespmem:s20+$0xA0] =	vst v5;
	v5 =	vmul.f32 v6, v2  }
0x18a: {  	[tilespmem:s20+$0xB0] =	vst v3;
	v3 =	vmul.f32 v9, v2;
	v2 =	vld.idx.msk [tilespmem:v13+s9+$0x0], $0xffff  }
0x18b: {  	v6 =	vld [tilespmem:s24+$0xFFFFFF00];
	[tilespmem:s20+$0xC0] =	vst v7  }
0x18c: {  	v7 =	vld [tilespmem:s24+$0xFFFFFF10];
	v9 =	vmul.f32 v11, v1;
	[tilespmem:s20+$0xD0] =	vst v4  }
0x18d: {  	v4 =	vld [tilespmem:s24+$0xFFFFFF20];
	[tilespmem:s20+$0xE0] =	vst v5  }
0x18e: {  	v5 =	vld [tilespmem:s24+$0xFFFFFF30];
	[tilespmem:s24+$0x70] =	vst v9  }
0x18f: {  	v9 =	vld [tilespmem:s24+$0xFFFFFF40];
	[tilespmem:s20+$0xF0] =	vst v3;
	s20 =	smov.u32 s24  }
0x190: {  	v3 =	vmul.f32 v6, v10;
	v6 =	vld [tilespmem:s24+$0xFFFFFF50]  }
0x191: {  	v7 =	vmul.f32 v7, v10;
	v11 =	vld [tilespmem:s24+$0xFFFFFF60]  }
0x192: {  	[tilespmem:s24+$0xFFFFFF00] =	vst v3;
	v3 =	vmul.f32 v4, v10;
	v4 =	vld [tilespmem:s24+$0xFFFFFF70]  }
0x193: {  	[tilespmem:s24+$0xFFFFFF10] =	vst v7;
	v5 =	vmul.f32 v5, v10;
	v7 =	vld [tilespmem:s24+$0xFFFFFF80]  }
0x194: {  	[tilespmem:s24+$0xFFFFFF20] =	vst v3;
	v3 =	vmul.f32 v9, v10;
	v9 =	vld [tilespmem:s24+$0xFFFFFF90]  }
0x195: {  	[tilespmem:s24+$0xFFFFFF30] =	vst v5;
	v5 =	vmul.f32 v6, v10;
	v6 =	vld [tilespmem:s24+$0xFFFFFFA0]  }
0x196: {  	[tilespmem:s24+$0xFFFFFF40] =	vst v3;
	v3 =	vmul.f32 v11, v10;
	v11 =	vld [tilespmem:s24+$0xFFFFFFB0]  }
0x197: {  	[tilespmem:s24+$0xFFFFFF50] =	vst v5;
	v4 =	vmul.f32 v4, v10;
	v5 =	vld [tilespmem:s24+$0xFFFFFFC0]  }
0x198: {  	[tilespmem:s24+$0xFFFFFF60] =	vst v3;
	v3 =	vmul.f32 v7, v8;
	v10 =	vld [tilespmem:s24+$0xFFFFFFD0]  }
0x199: {  	[tilespmem:s24+$0xFFFFFF70] =	vst v4;
	v4 =	vmul.f32 v9, v8;
	v9 =	vld [tilespmem:s24+$0xFFFFFFE0]  }
0x19a: {  	[tilespmem:s24+$0xFFFFFF80] =	vst v3;
	v3 =	vmul.f32 v6, v8;
	v12 =	vld [tilespmem:s24+$0xFFFFFFF0]  }
.Ltmp3:
0x19b: {  	[tilespmem:s24+$0xFFFFFF90] =	vst v4;
	v4 =	vmul.f32 v11, v8;
	v7 =	vld [tilespmem:s24+$0x0];
	(pc) =	sbr.rel @p0 .LBB2_9-.Ltmp3, $4  }
0x19c: {  	[tilespmem:s24+$0xFFFFFFA0] =	vst v3;
	v3 =	vmul.f32 v5, v8;
	v6 =	vld [tilespmem:s24+$0x10]  }
0x19d: {  	[tilespmem:s24+$0xFFFFFFB0] =	vst v4;
	v4 =	vmul.f32 v10, v8;
	v5 =	vld [tilespmem:s24+$0x20]  }
0x19e: {  	[tilespmem:s24+$0xFFFFFFC0] =	vst v3;
	v9 =	vmul.f32 v9, v8;
	v3 =	vld [tilespmem:s24+$0x30]  }
0x19f: {  	[tilespmem:s24+$0xFFFFFFD0] =	vst v4;
	v8 =	vmul.f32 v12, v8;
	v4 =	vld [tilespmem:s24+$0x40]  }
0x1a0: {  	v10 =	vld [tilespmem:s24+$0x50];
	[tilespmem:s24+$0xFFFFFFE0] =	vst v9;
	v7 =	vmul.f32 v7, v1  }
0x1a1: {  	v9 =	vld [tilespmem:s24+$0x60];
	[tilespmem:s24+$0xFFFFFFF0] =	vst v8;
	v6 =	vmul.f32 v6, v1  }
0x1a2: {  	v8 =	vld [tilespmem:s24+$0x80];
	[tilespmem:s24+$0x0] =	vst v7;
	v5 =	vmul.f32 v5, v1  }
0x1a3: {  	v7 =	vld [tilespmem:s24+$0x90];
	[tilespmem:s24+$0x10] =	vst v6;
	v3 =	vmul.f32 v3, v1  }
0x1a4: {  	v6 =	vld [tilespmem:s24+$0xA0];
	[tilespmem:s24+$0x20] =	vst v5;
	v4 =	vmul.f32 v4, v1  }
0x1a5: {  	v5 =	vld [tilespmem:s24+$0xB0];
	v10 =	vmul.f32 v10, v1;
	[tilespmem:s24+$0x30] =	vst v3  }
0x1a6: {  	v11 =	vld [tilespmem:s24+$0xC0];
	v1 =	vmul.f32 v9, v1;
	[tilespmem:s24+$0x40] =	vst v4  }
0x1a7: {  	v3 =	vld [tilespmem:s24+$0xD0];
	v4 =	vmul.f32 v8, v2;
	[tilespmem:s24+$0x50] =	vst v10  }
0x1a8: {  	v8 =	vld [tilespmem:s24+$0xE0];
	v7 =	vmul.f32 v7, v2;
	[tilespmem:s20+$0x60] =	vst v1  }
0x1a9: {  	v9 =	vld [tilespmem:s24+$0xF0];
	v1 =	vmul.f32 v6, v2;
	[tilespmem:s20+$0x80] =	vst v4  }
0x1aa: {  	v4 =	vmul.f32 v5, v2;
	[tilespmem:s20+$0x90] =	vst v7  }
0x1ab: {  	v5 =	vmul.f32 v11, v2;
	[tilespmem:s20+$0xA0] =	vst v1  }
0x1ac: {  	v1 =	vmul.f32 v3, v2;
	[tilespmem:s20+$0xB0] =	vst v4  }
0x1ad: {  	v3 =	vmul.f32 v8, v2;
	[tilespmem:s20+$0xC0] =	vst v5  }
0x1ae: {  	v2 =	vmul.f32 v9, v2;
	[tilespmem:s20+$0xD0] =	vst v1  }
0x1af: {  	[tilespmem:s20+$0xE0] =	vst v3  }
0x1b0: {  	[tilespmem:s20+$0xF0] =	vst v2  }
0x1b1: {  	[spmem:s2] =	stream.indirect.scatter.add.f32 [tilespmem:s11], [sflag:$0x3], $0x80, s16, s28, $0xb8;
	[tilespmem:$0x1EF00] =	vst v63  }
0x1b2: {  	_ =	swait.ge [sflag:s17], $0x4000  }
0x1b3: {  	[sflag:s17] =	ssyncset.done $0x0  }
0x1b4: {  	[sflag:s17] =	ssyncadd.s32 $0xFFFFC000  }
0x1b5: {  	_ =	swait.ge [sflag:s12], $0x80  }
0x1b6: {  	[sflag:s12] =	ssyncset.done $0x0  }
0x1b7: {  	[sflag:s12] =	ssyncadd.s32 $0xFFFFFF80  }
0x1b8: {  	_ =	swait.ge [sflag:s12], $0x80  }
0x1b9: {  	[sflag:s12] =	ssyncset.done $0x0  }
0x1ba: {  	[sflag:s12] =	ssyncadd.s32 $0xFFFFFF80  }
0x1bb: {  	[tilespmem:s11], [sflag:$0x1] =	stream.indirect.gather [hbm4b:s5+s28], $0x80, s3, s28, $0xb8;
	[tilespmem:$0x1EF00] =	vst v63  }
0x1bc: {  	_ =	swait.ge [sflag:s19], $0x4000  }
0x1bd: {  	[sflag:s19] =	ssyncset.done $0x0  }
0x1be: {  	[sflag:s19] =	ssyncadd.s32 $0xFFFFC000  }
0x1bf: {  	v1 =	vld [tilespmem:$0x380]  }
0x1c0: {  	v2 =	vld [tilespmem:$0x390]  }
0x1c1: {  	v3 =	vld [tilespmem:$0x3A0]  }
0x1c2: {  	v4 =	vld [tilespmem:$0x3B0]  }
0x1c3: {  	v5 =	vld [tilespmem:$0x3C0]  }
0x1c4: {  	[tilespmem:$0x2E80] =	vst v1;
	v1 =	vld [tilespmem:$0x3D0]  }
0x1c5: {  	s1 =	sadd.s32 $0x7, s23;
	[tilespmem:$0x2E90] =	vst v2;
	v2 =	vld [tilespmem:$0x3E0]  }
0x1c6: {  	s8 =	sadd.s32 s6, s1;
	[tilespmem:$0x2EA0] =	vst v3;
	v3 =	vld [tilespmem:$0x3F0]  }
0x1c7: {  	s1 =	sshll.u32 s1, $0x7;
	s8 =	sshll.u32 s8, $0x7;
	[tilespmem:$0x2EB0] =	vst v4  }
0x1c8: {  	s1 =	sand.u32 $0x380, s1;
	s8 =	sand.u32 $0x7FFFFC00, s8;
	[tilespmem:$0x2EC0] =	vst v5  }
0x1c9: {  	s10 =	sadd.s32 $0xFFFFFFFC, s21;
	s1 =	sor.u32 s1, s8;
	[tilespmem:$0x2ED0] =	vst v1  }
0x1ca: {  	s30 =	sadd.s32 $0x184, s10;
	s8 =	sshrl.u32 s1, $0x3;
	s1 =	sadd.s32 $0x50400, s1;
	[tilespmem:$0x2EE0] =	vst v2  }
0x1cb: {  	s8 =	sadd.s32 s4, s8;
	s1 =	sshrl.u32 s1, $0x3;
	s24 =	sadd.s32 $0x186, s10;
	[tilespmem:$0x2EF0] =	vst v3  }
0x1cc: {  	v2 =	vmov s30;
	[tilespmem:s0], [sflag:$0x8] =	stream.linear.gather [hbm4b:s8+s3], $0x80, $0x38;
	[tilespmem:$0x1EF00] =	vst v63  }
0x1cd: {  	s23 =	simm.s32 $0x380;
	s1 =	sadd.s32 s4, s1;
	v1 =	vmov s24;
	v2 =	vand.u32 $0xFFFFFFFC, v2  }
0x1ce: {  	v1 =	vand.u32 $0xFFFFFFFE, v1;
	v2 =	vbroadcast v2, $0x0;
	[tilespmem:s23], [sflag:$0x8] =	stream.linear.gather [hbm4b:s1+s3], $0x80, $0x38;
	[tilespmem:$0x1EF00] =	vst v63  }
0x1cf: {  	v1 =	vbroadcast v1, $0x0;
	s23 =	simm.s32 $0x7000  }
0x1d0: {  	v3 =	vld [tilespmem:s23+$0x70]  }
0x1d1: {  	v5 =	vld [tilespmem:s23+$0xFFFFFF00]  }
0x1d2: {  	s24 =	sadd.s32 $0x185, s10;
	v6 =	vld [tilespmem:s23+$0xFFFFFF10]  }
0x1d3: {  	v4 =	vmov s24;
	v7 =	vld [tilespmem:s23+$0xFFFFFF20]  }
0x1d4: {  	v4 =	vand.u32 $0xFFFFFFFD, v4;
	v2 =	vld.idx.msk [tilespmem:v2+s9+$0x0], $0xffff  }
0x1d5: {  	v4 =	vbroadcast v4, $0x0;
	v1 =	vld.idx.msk [tilespmem:v1+s9+$0x0], $0xffff  }
0x1d6: {  	v8 =	vld [tilespmem:s23+$0xFFFFFF30]  }
0x1d7: {  	v9 =	vld [tilespmem:s23+$0xFFFFFF40]  }
0x1d8: {  	v10 =	vld [tilespmem:s23+$0xFFFFFF50]  }
0x1d9: {  	v11 =	vld [tilespmem:s23+$0xFFFFFF60];
	v5 =	vmul.f32 v5, v2  }
0x1da: {  	v13 =	vld [tilespmem:s23+$0xFFFFFFD0];
	v3 =	vmul.f32 v3, v1  }
0x1db: {  	v4 =	vld.idx.msk [tilespmem:v4+s9+$0x0], $0xffff;
	[tilespmem:s23+$0xFFFFFF00] =	vst v5;
	v5 =	vmul.f32 v6, v2  }
0x1dc: {  	v6 =	vld [tilespmem:s23+$0xFFFFFF70];
	[tilespmem:s23+$0x70] =	vst v3;
	v3 =	vmul.f32 v7, v2  }
0x1dd: {  	s30 =	sadd.s32 $0x187, s10;
	v7 =	vld [tilespmem:s23+$0xFFFFFF80];
	[tilespmem:s23+$0xFFFFFF10] =	vst v5;
	v5 =	vmul.f32 v8, v2  }
0x1de: {  	v12 =	vmov s30;
	v8 =	vld [tilespmem:s23+$0xFFFFFF90];
	[tilespmem:s23+$0xFFFFFF20] =	vst v3;
	v3 =	vmul.f32 v9, v2  }
0x1df: {  	v9 =	vld [tilespmem:s23+$0xFFFFFFA0];
	[tilespmem:s23+$0xFFFFFF30] =	vst v5;
	v5 =	vmul.f32 v10, v2  }
0x1e0: {  	v10 =	vld [tilespmem:s23+$0xFFFFFFB0];
	[tilespmem:s23+$0xFFFFFF40] =	vst v3;
	v3 =	vmul.f32 v11, v2  }
0x1e1: {  	v11 =	vld [tilespmem:s23+$0xFFFFFFC0];
	v6 =	vmul.f32 v6, v2;
	[tilespmem:s23+$0xFFFFFF50] =	vst v5  }
0x1e2: {  	v14 =	vld [tilespmem:s23+$0xFFFFFFE0];
	v5 =	vmul.f32 v7, v4;
	[tilespmem:s23+$0xFFFFFF60] =	vst v3  }
0x1e3: {  	v2 =	vld.idx.msk [tilespmem:v12+s9+$0x0], $0xffff;
	v3 =	vmul.f32 v8, v4;
	[tilespmem:s23+$0xFFFFFF70] =	vst v6  }
0x1e4: {  	v8 =	vld [tilespmem:s23+$0xFFFFFFF0];
	[tilespmem:s23+$0xFFFFFF80] =	vst v5;
	v5 =	vmul.f32 v9, v4  }
0x1e5: {  	v7 =	vld [tilespmem:s23+$0x0];
	[tilespmem:s23+$0xFFFFFF90] =	vst v3;
	v3 =	vmul.f32 v10, v4  }
0x1e6: {  	v6 =	vld [tilespmem:s23+$0x10];
	v9 =	vmul.f32 v11, v4;
	[tilespmem:s23+$0xFFFFFFA0] =	vst v5  }
0x1e7: {  	v10 =	vmul.f32 v13, v4;
	v5 =	vld [tilespmem:s23+$0x20];
	[tilespmem:s23+$0xFFFFFFB0] =	vst v3  }
0x1e8: {  	[tilespmem:s23+$0xFFFFFFC0] =	vst v9;
	v3 =	vld [tilespmem:s23+$0x30];
	v9 =	vmul.f32 v14, v4  }
0x1e9: {  	s20 =	simm.s32 $0x7000;
	s24 =	simm.s32 $0x0;
	[tilespmem:s23+$0xFFFFFFD0] =	vst v10;
	v8 =	vmul.f32 v8, v4;
	v4 =	vld [tilespmem:s23+$0x40]  }
.LBB2_11:
0x1ea: {  	s1 =	sadd.s32 s24, s21;
	s24 =	sadd.s32 $0x4, s24;
	[tilespmem:s23+$0xFFFFFFE0] =	vst v9;
	v7 =	vmul.f32 v7, v1;
	v9 =	vld [tilespmem:s23+$0x50]  }
0x1eb: {  	s8 =	sadd.s32 $0x184, s1;
	s10 =	sadd.s32 $0x186, s1;
	p0 =	slt.u32 s24, $0x7C;
	[tilespmem:s23+$0xFFFFFFF0] =	vst v8;
	v6 =	vmul.f32 v6, v1;
	v8 =	vld [tilespmem:s23+$0x60]  }
0x1ec: {  	v10 =	vmov s8;
	s8 =	sadd.s32 $0x185, s1;
	v11 =	vmov s10;
	s1 =	sadd.s32 $0x187, s1;
	[tilespmem:s23+$0x0] =	vst v7;
	v5 =	vmul.f32 v5, v1;
	v7 =	vld [tilespmem:s23+$0x80]  }
0x1ed: {  	v10 =	vand.u32 $0xFFFFFFFC, v10;
	v12 =	vmov s8;
	v11 =	vand.u32 $0xFFFFFFFE, v11;
	[tilespmem:s23+$0x10] =	vst v6;
	v6 =	vld [tilespmem:s23+$0x90]  }
0x1ee: {  	v10 =	vbroadcast v10, $0x0;
	v12 =	vand.u32 $0xFFFFFFFD, v12;
	v11 =	vbroadcast v11, $0x0;
	[tilespmem:s23+$0x20] =	vst v5;
	v5 =	vld [tilespmem:s23+$0xA0]  }
0x1ef: {  	v13 =	vmov s1;
	v3 =	vmul.f32 v3, v1;
	v12 =	vbroadcast v12, $0x0;
	v14 =	vld [tilespmem:s23+$0xB0]  }
0x1f0: {  	v4 =	vmul.f32 v4, v1;
	v9 =	vmul.f32 v9, v1;
	v15 =	vld [tilespmem:s23+$0xC0]  }
0x1f1: {  	[tilespmem:s23+$0x30] =	vst v3;
	v3 =	vmul.f32 v8, v1;
	v7 =	vmul.f32 v7, v2;
	v8 =	vld [tilespmem:s23+$0xD0]  }
0x1f2: {  	[tilespmem:s23+$0x40] =	vst v4;
	v4 =	vmul.f32 v6, v2;
	v6 =	vld [tilespmem:s23+$0xE0]  }
0x1f3: {  	[tilespmem:s23+$0x50] =	vst v9;
	v5 =	vmul.f32 v5, v2;
	v9 =	vld [tilespmem:s23+$0xF0]  }
0x1f4: {  	s23 =	sadd.s32 $0x200, s23;
	v1 =	vld.idx.msk [tilespmem:v11+s9+$0x0], $0xffff;
	[tilespmem:s20+$0x60] =	vst v3;
	v3 =	vmul.f32 v14, v2  }
0x1f5: {  	v11 =	vld [tilespmem:s23+$0x70];
	[tilespmem:s20+$0x80] =	vst v7;
	v7 =	vmul.f32 v15, v2  }
0x1f6: {  	v10 =	vld.idx.msk [tilespmem:v10+s9+$0x0], $0xffff;
	[tilespmem:s20+$0x90] =	vst v4;
	v4 =	vmul.f32 v8, v2  }
0x1f7: {  	v8 =	vld.idx.msk [tilespmem:v12+s9+$0x0], $0xffff;
	[tilespmem:s20+$0xA0] =	vst v5;
	v5 =	vmul.f32 v6, v2  }
0x1f8: {  	[tilespmem:s20+$0xB0] =	vst v3;
	v3 =	vmul.f32 v9, v2;
	v2 =	vld.idx.msk [tilespmem:v13+s9+$0x0], $0xffff  }
0x1f9: {  	v6 =	vld [tilespmem:s23+$0xFFFFFF00];
	[tilespmem:s20+$0xC0] =	vst v7  }
0x1fa: {  	v7 =	vld [tilespmem:s23+$0xFFFFFF10];
	v9 =	vmul.f32 v11, v1;
	[tilespmem:s20+$0xD0] =	vst v4  }
0x1fb: {  	v4 =	vld [tilespmem:s23+$0xFFFFFF20];
	[tilespmem:s20+$0xE0] =	vst v5  }
0x1fc: {  	v5 =	vld [tilespmem:s23+$0xFFFFFF30];
	[tilespmem:s23+$0x70] =	vst v9  }
0x1fd: {  	v9 =	vld [tilespmem:s23+$0xFFFFFF40];
	[tilespmem:s20+$0xF0] =	vst v3;
	s20 =	smov.u32 s23  }
0x1fe: {  	v3 =	vmul.f32 v6, v10;
	v6 =	vld [tilespmem:s23+$0xFFFFFF50]  }
0x1ff: {  	v7 =	vmul.f32 v7, v10;
	v11 =	vld [tilespmem:s23+$0xFFFFFF60]  }
0x200: {  	[tilespmem:s23+$0xFFFFFF00] =	vst v3;
	v3 =	vmul.f32 v4, v10;
	v4 =	vld [tilespmem:s23+$0xFFFFFF70]  }
0x201: {  	[tilespmem:s23+$0xFFFFFF10] =	vst v7;
	v5 =	vmul.f32 v5, v10;
	v7 =	vld [tilespmem:s23+$0xFFFFFF80]  }
0x202: {  	[tilespmem:s23+$0xFFFFFF20] =	vst v3;
	v3 =	vmul.f32 v9, v10;
	v9 =	vld [tilespmem:s23+$0xFFFFFF90]  }
0x203: {  	[tilespmem:s23+$0xFFFFFF30] =	vst v5;
	v5 =	vmul.f32 v6, v10;
	v6 =	vld [tilespmem:s23+$0xFFFFFFA0]  }
0x204: {  	[tilespmem:s23+$0xFFFFFF40] =	vst v3;
	v3 =	vmul.f32 v11, v10;
	v11 =	vld [tilespmem:s23+$0xFFFFFFB0]  }
0x205: {  	[tilespmem:s23+$0xFFFFFF50] =	vst v5;
	v4 =	vmul.f32 v4, v10;
	v5 =	vld [tilespmem:s23+$0xFFFFFFC0]  }
0x206: {  	[tilespmem:s23+$0xFFFFFF60] =	vst v3;
	v3 =	vmul.f32 v7, v8;
	v10 =	vld [tilespmem:s23+$0xFFFFFFD0]  }
0x207: {  	[tilespmem:s23+$0xFFFFFF70] =	vst v4;
	v4 =	vmul.f32 v9, v8;
	v9 =	vld [tilespmem:s23+$0xFFFFFFE0]  }
0x208: {  	[tilespmem:s23+$0xFFFFFF80] =	vst v3;
	v3 =	vmul.f32 v6, v8;
	v12 =	vld [tilespmem:s23+$0xFFFFFFF0]  }
.Ltmp4:
0x209: {  	[tilespmem:s23+$0xFFFFFF90] =	vst v4;
	v4 =	vmul.f32 v11, v8;
	v7 =	vld [tilespmem:s23+$0x0];
	(pc) =	sbr.rel @p0 .LBB2_11-.Ltmp4, $4  }
0x20a: {  	[tilespmem:s23+$0xFFFFFFA0] =	vst v3;
	v3 =	vmul.f32 v5, v8;
	v6 =	vld [tilespmem:s23+$0x10]  }
0x20b: {  	[tilespmem:s23+$0xFFFFFFB0] =	vst v4;
	v4 =	vmul.f32 v10, v8;
	v5 =	vld [tilespmem:s23+$0x20]  }
0x20c: {  	[tilespmem:s23+$0xFFFFFFC0] =	vst v3;
	v9 =	vmul.f32 v9, v8;
	v3 =	vld [tilespmem:s23+$0x30]  }
0x20d: {  	[tilespmem:s23+$0xFFFFFFD0] =	vst v4;
	v8 =	vmul.f32 v12, v8;
	v4 =	vld [tilespmem:s23+$0x40]  }
0x20e: {  	v10 =	vld [tilespmem:s23+$0x50]  }
0x20f: {  	[tilespmem:s23+$0xFFFFFFE0] =	vst v9;
	v7 =	vmul.f32 v7, v1;
	v54 =	vld [tilespmem:s23+$0x60]  }
0x210: {  	v55 =	vld [tilespmem:s23+$0x80];
	[tilespmem:s23+$0xFFFFFFF0] =	vst v8;
	v6 =	vmul.f32 v6, v1  }
0x211: {  	v56 =	vld [tilespmem:s23+$0x90];
	[tilespmem:s23+$0x0] =	vst v7;
	v5 =	vmul.f32 v5, v1  }
0x212: {  	v57 =	vld [tilespmem:s23+$0xA0];
	[tilespmem:s23+$0x10] =	vst v6;
	v3 =	vmul.f32 v3, v1  }
0x213: {  	v58 =	vld [tilespmem:s23+$0xB0];
	[tilespmem:s23+$0x20] =	vst v5;
	v4 =	vmul.f32 v4, v1  }
0x214: {  	v11 =	vld [tilespmem:s23+$0xC0];
	v10 =	vmul.f32 v10, v1;
	[tilespmem:s23+$0x30] =	vst v3  }
0x215: {  	v60 =	vld [tilespmem:s23+$0xE0];
	v59 =	vmul.f32 v55, v2;
	[tilespmem:s23+$0x40] =	vst v4  }
0x216: {  	v3 =	vld [tilespmem:s23+$0xD0];
	v7 =	vmul.f32 v56, v2;
	[tilespmem:s23+$0x50] =	vst v10  }
0x217: {  	v61 =	vld [tilespmem:s23+$0xF0];
	v1 =	vmul.f32 v54, v1;
	[tilespmem:s20+$0x80] =	vst v59  }
0x218: {  	v62 =	vmul.f32 v58, v2;
	[tilespmem:s20+$0x90] =	vst v7  }
0x219: {  	[tilespmem:s20+$0x60] =	vst v1;
	v1 =	vmul.f32 v57, v2  }
0x21a: {  	s22 =	sadd.s32 $0x1, s22;
	v63 =	vmul.f32 v11, v2;
	[tilespmem:s20+$0xB0] =	vst v62  }
0x21b: {  	p0 =	sne.s32 s22, $0x14;
	[tilespmem:s20+$0xA0] =	vst v1;
	v1 =	vmul.f32 v3, v2  }
.Ltmp5:
0x21c: {  	[tilespmem:s20+$0xC0] =	vst v63;
	v3 =	vmul.f32 v60, v2;
	(pc) =	sbr.rel @p0 .LBB2_4-.Ltmp5, $4  }
0x21d: {  	v2 =	vmul.f32 v61, v2;
	[tilespmem:s20+$0xD0] =	vst v1  }
0x21e: {  	[tilespmem:s20+$0xE0] =	vst v3  }
0x21f: {  	s21 =	sadd.s32 $0x200, s21;
	[tilespmem:s20+$0xF0] =	vst v2  }
0x220: {  	[spmem:s2] =	stream.indirect.scatter.add.f32 [tilespmem:s14], [sflag:$0x4], $0x80, s25, s28, $0xb8;
	[tilespmem:$0x1EF00] =	vst v63  }
0x221: {  	_ =	swait.ge [sflag:s15], $0x4000  }
0x222: {  	[sflag:s15] =	ssyncset.done $0x0  }
0x223: {  	[sflag:s15] =	ssyncadd.s32 $0xFFFFC000  }
0x224: {  	_ =	swait.ge [sflag:s26], $0x4000  }
0x225: {  	[sflag:s26] =	ssyncset.done $0x0  }
0x226: {  	[sflag:s26] =	ssyncadd.s32 $0xFFFFC000  }
0x227: {  	_ =	swait.ge [sflag:s13], $0x80  }
0x228: {  	[sflag:s13] =	ssyncset.done $0x0  }
0x229: {  	[sflag:s13] =	ssyncadd.s32 $0xFFFFFF80  }
0x22a: {  	_ =	swait.ge [sflag:s13], $0x80  }
0x22b: {  	[sflag:s13] =	ssyncset.done $0x0  }
0x22c: {  	[sflag:s13] =	ssyncadd.s32 $0xFFFFFF80  }
0x22d: {  	_ =	swait.ge [sflag:s18], $0x80  }
0x22e: {  	[sflag:s18] =	ssyncset.done $0x0  }
0x22f: {  	[sflag:s18] =	ssyncadd.s32 $0xFFFFFF80  }
0x230: {  	_ =	swait.ge [sflag:s18], $0x80  }
0x231: {  	[sflag:s18] =	ssyncset.done $0x0  }
0x232: {  	[sflag:s18] =	ssyncadd.s32 $0xFFFFFF80  }
0x233: {  	_ =	swait.ge [sflag:s7], $0x80  }
0x234: {  	[sflag:s7] =	ssyncset.done $0x0  }
0x235: {  	[sflag:s7] =	ssyncadd.s32 $0xFFFFFF80  }
0x236: {  	_ =	swait.ge [sflag:s7], $0x80  }
0x237: {  	[sflag:s7] =	ssyncset.done $0x0  }
0x238: {  	[sflag:s7] =	ssyncadd.s32 $0xFFFFFF80  }
0x239: {  	[bflag:$0x0] =	sbarrier.arrive $0xFFFF  }
0x23a: {  	s30 =	simm.s32 $0x9;
	s10 =	rddreg [dreg:$0x11]  }
0x23b: {  	[tilespmem:s11], [sflag:$0x9] =	stream.linear.gather [spmem:s10], $0x4000, $0x38;
	[tilespmem:$0x1EF00] =	vst v63  }
0x23c: {  	_ =	swait.ge [sflag:s30], $0x4000  }
0x23d: {  	[sflag:s30] =	ssyncset.done $0x0  }
0x23e: {  	s1 =	rddreg [dreg:$0xa];
	[sflag:s30] =	ssyncadd.s32 $0xFFFFC000  }
0x23f: {  	[hbm4b:s1+s3] =	stream.linear.scatter [tilespmem:s11], [sflag:$0x1], $0x4000, $0x38;
	[tilespmem:$0x1EF00] =	vst v63  }
0x240: {  	s22 =	rddreg [dreg:$0x12]  }
0x241: {  	[tilespmem:s14], [sflag:$0x9] =	stream.linear.gather [spmem:s22], $0x4000, $0x38;
	[tilespmem:$0x1EF00] =	vst v63  }
0x242: {  	_ =	swait.ge [sflag:s30], $0x4000  }
0x243: {  	[sflag:s30] =	ssyncset.done $0x0  }
0x244: {  	s23 =	rddreg [dreg:$0xb];
	[sflag:s30] =	ssyncadd.s32 $0xFFFFC000  }
0x245: {  	[hbm4b:s23+s3] =	stream.linear.scatter [tilespmem:s14], [sflag:$0x2], $0x4000, $0x38;
	[tilespmem:$0x1EF00] =	vst v63  }
0x246: {  	_ =	swait.ge [sflag:s15], $0x4000  }
0x247: {  	[sflag:s15] =	ssyncset.done $0x0  }
0x248: {  	s23 =	rddreg [dreg:$0x13];
	[sflag:s15] =	ssyncadd.s32 $0xFFFFC000  }
0x249: {  	[tilespmem:s11], [sflag:$0x9] =	stream.linear.gather [spmem:s23], $0x4000, $0x38;
	[tilespmem:$0x1EF00] =	vst v63  }
0x24a: {  	_ =	swait.ge [sflag:s30], $0x4000  }
0x24b: {  	[sflag:s30] =	ssyncset.done $0x0  }
0x24c: {  	s24 =	rddreg [dreg:$0xc];
	[sflag:s30] =	ssyncadd.s32 $0xFFFFC000  }
0x24d: {  	[hbm4b:s24+s3] =	stream.linear.scatter [tilespmem:s11], [sflag:$0x1], $0x4000, $0x38;
	[tilespmem:$0x1EF00] =	vst v63  }
0x24e: {  	_ =	swait.ge [sflag:s19], $0x4000  }
0x24f: {  	[sflag:s19] =	ssyncset.done $0x0  }
0x250: {  	s24 =	rddreg [dreg:$0x14];
	[sflag:s19] =	ssyncadd.s32 $0xFFFFC000  }
0x251: {  	[tilespmem:s14], [sflag:$0x9] =	stream.linear.gather [spmem:s24], $0x4000, $0x38;
	[tilespmem:$0x1EF00] =	vst v63  }
0x252: {  	_ =	swait.ge [sflag:s30], $0x4000  }
0x253: {  	[sflag:s30] =	ssyncset.done $0x0  }
0x254: {  	s8 =	rddreg [dreg:$0xd];
	[sflag:s30] =	ssyncadd.s32 $0xFFFFC000  }
0x255: {  	[hbm4b:s8+s3] =	stream.linear.scatter [tilespmem:s14], [sflag:$0x2], $0x4000, $0x38;
	[tilespmem:$0x1EF00] =	vst v63  }
0x256: {  	_ =	swait.ge [sflag:s15], $0x4000  }
0x257: {  	[sflag:s15] =	ssyncset.done $0x0  }
0x258: {  	s8 =	rddreg [dreg:$0x15];
	[sflag:s15] =	ssyncadd.s32 $0xFFFFC000  }
0x259: {  	[tilespmem:s11], [sflag:$0x9] =	stream.linear.gather [spmem:s8], $0x4000, $0x38;
	[tilespmem:$0x1EF00] =	vst v63  }
0x25a: {  	_ =	swait.ge [sflag:s30], $0x4000  }
0x25b: {  	[sflag:s30] =	ssyncset.done $0x0  }
0x25c: {  	s20 =	rddreg [dreg:$0xe];
	[sflag:s30] =	ssyncadd.s32 $0xFFFFC000  }
0x25d: {  	[hbm4b:s20+s3] =	stream.linear.scatter [tilespmem:s11], [sflag:$0x1], $0x4000, $0x38;
	[tilespmem:$0x1EF00] =	vst v63  }
0x25e: {  	_ =	swait.ge [sflag:s19], $0x4000  }
0x25f: {  	[sflag:s19] =	ssyncset.done $0x0  }
0x260: {  	[sflag:s19] =	ssyncadd.s32 $0xFFFFC000  }
0x261: {  	_ =	swait.ge [sflag:s15], $0x4000  }
0x262: {  	s20 =	rddreg [dreg:$0x18]  }
0x263: {  	s21 =	rddreg [dreg:$0x16];
	s20 =	sadd.s32 $0x1, s20  }
0x264: {  	p0 =	sne.s32 s20, s21  }
.Ltmp6:
0x265: {  	_ = 	snop;
	(pc) =	sbr.rel @p0 .LBB2_1-.Ltmp6, $3  }
0x266: {  	_ =	sdelay $0x1  }
0x267: {  	[sflag:s15] =	ssyncset.done $0x0  }
0x268: {  	[sflag:s15] =	ssyncadd.s32 $0xFFFFC000  }
0x269: {  	_ =	sfence.sel $0x180000  }
0x26a: {  	[bflag:$0x0] =	sbarrier.arrive $0xFFFF  }
0x26b: {  	_ =	strace $0x9000004A  }
0x26c: {  	s0 =	stileid.u32;
	[bflag:$0x2] =	sbarrier.arrive $0xFFFF  }
0x26d: {  	p0 =	sne.s32 s0, $0x0;
	s0 =	rddreg [dreg:$0x3]  }
0x26e: {  	s0 =	sadd.s32 @!p0 $0x100000, s0  }
0x26f: {  	[sflag:s0] =	ssyncadd.tile.s32 @!p0 $0x1;
	_ =	shalt  }
.Lfunc_end2:
_tile_overlayer_lowered:
.L_overlay_start_2:
0x270: {  	(tag) =	ssettag $0x2  }
0x271: {  	s0 =	rddreg [dreg:$0x0];
	s2 =	stileid.u32  }
0x272: {  	s1 =	rddreg [dreg:$0x1];
	p0 =	sne.s32 s2, $0x0  }
0x273: {  	s3 =	rddreg [dreg:$0x2];
	[bflag:$0x3] =	sbarrier.arrive $0xFFFF;
	s2 =	simm.s32 @!p0 $0x1C09  }
0x274: {  	[timem:s3], [sflag:s2] =	dma.local @!p0 [hbm:s0], s1  }
0x275: {  	s0 =	simm.s32 @!p0 $0x9  }
0x276: {  	_ =	swait.ge @!p0 [sflag:s0], s1  }
0x277: {  	s1 =	ssub.s32 @!p0 $0x0, s1;
	[sflag:s0] =	ssyncset.done @!p0 $0x0  }
0x278: {  	[sflag:s0] =	ssyncadd.s32 @!p0 s1  }
0x279: {  	[bflag:$0x3] =	sbarrier.arrive $0xFFFF  }
0x27a: {  	_ =	shalt  }

// kernel: kernel.8.cloned.1.call-start
scs
__scs_entry_jumppad:
0x0: {  	(pc) =	sbr.rel $0x88, $3  }
0x1: {  	(tag) =	ssettag $0x0;
	lr =	simm.s32 $0x1  }
0x2: {  	[smem:$0x3F8F] =	sst lr;
	_ =	strace $0xD0000000  }
0x3: {  	_ = 	snop  }
0x4: {  	_ = 	snop  }
0x5: {  	_ = 	snop  }
0x6: {  	_ = 	snop  }
0x7: {  	_ = 	snop  }
__scs_overlays_trampoline_lowered:
0x8: {  	[smem:$0x3F9E] =	sst s0  }
0x9: {  	[smem:$0x3F9F] =	sst s1  }
0xa: {  	[smem:$0x3FA0] =	sst s2  }
0xb: {  	[smem:$0x3FA1] =	sst s3  }
0xc: {  	[smem:$0x3FA2] =	sst s4  }
0xd: {  	[smem:$0x3FA3] =	sst s5  }
0xe: {  	[smem:$0x3FA4] =	sst s6  }
0xf: {  	[smem:$0x3FA5] =	sst s7  }
0x10: {  	[smem:$0x3FA6] =	sst s8  }
0x11: {  	[smem:$0x3FA7] =	sst s9;
	s0 =	simm.s32 @!p0 $0x0  }
0x12: {  	s1 =	sld [smem:$0x3F8D];
	s0 =	simm.s32 @p0 $0x1  }
0x13: {  	[smem:$0x3FA8] =	sst s0;
	s0 =	simm.s32 @!p1 $0x0  }
0x14: {  	s2 =	sld [smem:$0x3F8C];
	s0 =	simm.s32 @p1 $0x1  }
0x15: {  	[smem:$0x3FA9] =	sst s0;
	s0 =	simm.s32 @!p2 $0x0  }
0x16: {  	s3 =	sld [smem:$0x3FDB];
	s0 =	simm.s32 @p2 $0x1  }
0x17: {  	s4 =	simm.s32 $0x1BF5;
	[smem:$0x3FAB] =	sst s0  }
0x18: {  	s0 =	sld [smem:$0x3F8E];
	_ =	swait.ge [sflag:s4], $0x0  }
0x19: {  	s7 =	sld [smem:$0x3F8F]  }
0x1a: {  	s8 =	sadd.s32 $0xFFFFE003, lr  }
0x1b: {  	s9 =	sadd.s32 $0xFFFFFEF7, lr;
	s5 =	simm.s32 $0xFFFFFFFF;
	p2 =	slt.u32 s8, $0xFFFFF086  }
0x1c: {  	p1 =	slt.u32 s9, $0xF7A;
	s5 =	simm.s32 @!p2 $0x0  }
0x1d: {  	s5 =	simm.s32 @p1 $0x1;
	p0 =	seq.s32 s7, s2  }
0x1e: {  	s7 =	smul.u32 @!p0 $0xF7A, s2;
	p2 =	seq.s32 @!p0 s5, $0x0  }
0x1f: {  	s9 =	smul.u32 $0xF7A, s1;
	s8 =	simm.s32 @!p0 $0x1BF5;
	p2 =	por !p2, p0  }
0x20: {  	[sflag:s8] =	ssyncset.s32 @!p0 $0xFFFFF086;
	s6 =	sadd.s32 @!p0 s3, s7;
	s7 =	simm.s32 @!p0 $0x108  }
0x21: {  	s3 =	sadd.s32 s3, s9;
	s6 =	sadd.s32 @!p0 $0x88, s6;
	s7 =	simm.s32 @p2 $0x1082  }
0x22: {  	[simem:s7], [sflag:s8] =	dma.local @!p0 [hbm:s6], $0xF7A  }
0x23: {  	s9 =	sor.u32 $0xD0000000, s2;
	s6 =	simm.s32 $0x108;
	_ =	swait.ge @!p0 [sflag:s8], $0x0  }
0x24: {  	s3 =	sadd.s32 $0x88, s3;
	s6 =	simm.s32 @!p1 $0x1082;
	[sflag:s4] =	ssyncset.s32 $0xFFFFF086  }
0x25: {  	[simem:s6], [sflag:s4] =	dma.local [hbm:s3], $0xF7A  }
0x26: {  	[smem:$0x3F8F] =	sst s1;
	(tag) =	ssettag s2;
	_ =	strace s9  }
0x27: {  	s1 =	sld [smem:$0x3F9F]  }
0x28: {  	s2 =	sld [smem:$0x3FA0]  }
0x29: {  	s4 =	sld [smem:$0x3FA2]  }
0x2a: {  	p0 =	seq.s32 s5, $0x0;
	s5 =	sld [smem:$0x3FA3]  }
0x2b: {  	s6 =	sld [smem:$0x3FA4]  }
0x2c: {  	s7 =	sld [smem:$0x3FA5]  }
0x2d: {  	s3 =	simm.s32 $0x108;
	s8 =	sld [smem:$0x3FA6]  }
0x2e: {  	s3 =	simm.s32 @!p0 $0x1082;
	s9 =	sld [smem:$0x3FA7]  }
0x2f: {  	lr =	sadd.s32 s0, s3;
	s0 =	sld [smem:$0x3F9E]  }
0x30: {  	s3 =	sld [smem:$0x3FA1]  }
0x31: {  	[smem:$0x3FAA] =	sst s10  }
0x32: {  	s10 =	sld [smem:$0x3FA8];
	_ =	sdelay $0x3  }
0x33: {  	p0 =	seq.s32 s10, $0x1;
	s10 =	sld [smem:$0x3FAA];
	_ =	sdelay $0x3  }
0x34: {  	[smem:$0x3FAA] =	sst s10  }
0x35: {  	s10 =	sld [smem:$0x3FA9];
	_ =	sdelay $0x3  }
0x36: {  	p1 =	seq.s32 s10, $0x1;
	s10 =	sld [smem:$0x3FAA];
	_ =	sdelay $0x3  }
0x37: {  	[smem:$0x3FAA] =	sst s10  }
0x38: {  	s10 =	sld [smem:$0x3FAB]  }
0x39: {  	_ = 	snop;
	(pc) =	sbr.ind lr, $3  }
0x3a: {  	_ = 	snop  }
0x3b: {  	_ = 	snop  }
0x3c: {  	p2 =	seq.s32 s10, $0x1;
	s10 =	sld [smem:$0x3FAA]  }
0x3d: {  	_ =	shalt  }
0x3e: {  	_ =	shalt  }
0x3f: {  	_ =	shalt  }
0x40: {  	_ =	shalt  }
0x41: {  	_ =	shalt  }
0x42: {  	_ =	shalt  }
0x43: {  	_ =	shalt  }
0x44: {  	_ =	shalt  }
0x45: {  	_ =	shalt  }
0x46: {  	_ =	shalt  }
0x47: {  	_ =	shalt  }
0x48: {  	_ =	shalt  }
0x49: {  	_ =	shalt  }
0x4a: {  	_ =	shalt  }
0x4b: {  	_ =	shalt  }
0x4c: {  	_ =	shalt  }
0x4d: {  	_ =	shalt  }
0x4e: {  	_ =	shalt  }
0x4f: {  	_ =	shalt  }
0x50: {  	_ =	shalt  }
0x51: {  	_ =	shalt  }
0x52: {  	_ =	shalt  }
0x53: {  	_ =	shalt  }
0x54: {  	_ =	shalt  }
0x55: {  	_ =	shalt  }
0x56: {  	_ =	shalt  }
0x57: {  	_ =	shalt  }
0x58: {  	_ =	shalt  }
0x59: {  	_ =	shalt  }
0x5a: {  	_ =	shalt  }
0x5b: {  	_ =	shalt  }
0x5c: {  	_ =	shalt  }
0x5d: {  	_ =	shalt  }
0x5e: {  	_ =	shalt  }
0x5f: {  	_ =	shalt  }
0x60: {  	_ =	shalt  }
0x61: {  	_ =	shalt  }
0x62: {  	_ =	shalt  }
0x63: {  	_ =	shalt  }
0x64: {  	_ =	shalt  }
0x65: {  	_ =	shalt  }
0x66: {  	_ =	shalt  }
0x67: {  	_ =	shalt  }
0x68: {  	_ =	shalt  }
0x69: {  	_ =	shalt  }
0x6a: {  	_ =	shalt  }
0x6b: {  	_ =	shalt  }
0x6c: {  	_ =	shalt  }
0x6d: {  	_ =	shalt  }
0x6e: {  	_ =	shalt  }
0x6f: {  	_ =	shalt  }
0x70: {  	_ =	shalt  }
0x71: {  	_ =	shalt  }
0x72: {  	_ =	shalt  }
0x73: {  	_ =	shalt  }
0x74: {  	_ =	shalt  }
0x75: {  	_ =	shalt  }
0x76: {  	_ =	shalt  }
0x77: {  	_ =	shalt  }
0x78: {  	_ =	shalt  }
0x79: {  	_ =	shalt  }
0x7a: {  	_ =	shalt  }
0x7b: {  	_ =	shalt  }
0x7c: {  	_ =	shalt  }
0x7d: {  	_ =	shalt  }
0x7e: {  	_ =	shalt  }
0x7f: {  	_ =	shalt  }
0x80: {  	_ =	shalt  }
0x81: {  	_ =	shalt  }
0x82: {  	_ =	shalt  }
0x83: {  	_ =	shalt  }
0x84: {  	_ =	shalt  }
0x85: {  	_ =	shalt  }
0x86: {  	_ =	shalt  }
0x87: {  	_ =	shalt  }
.Lfunc_end0:
.L_simem_size_0:
called_computation_lowered:
.L_overlay_start_0:
0x88: {  	s2 =	sld [smem:$0x3FD9]  }
0x89: {  	s3 =	sld [smem:$0x3FFE];
	_ =	sdelay $0x1  }
0x8a: {  	s1 =	srdreg.scid  }
0x8b: {  	s0 =	sand.u32 $0x1, s1  }
0x8c: {  	s17 =	sshll.u32 s0, $0xA;
	s2 =	sadd.s32 s3, s2  }
0x8d: {  	s2 =	sadd.s32 s2, s17  }
0x8e: {  	[smem:$0x3FB6] =	sst s2  }
0x8f: {  	_ = 	snop  }
0x90: {  	s2 =	sld [smem:$0x3FC5]  }
0x91: {  	s18 =	sld [smem:$0x3FD0];
	(tm) =	ssettm $0x1  }
0x92: {  	s4 =	sld [smem:$0x3FFB];
	_ =	sdelay $0x3  }
0x93: {  	_ =	strace s4  }
0x94: {  	s4 =	sld [smem:$0x3FFC];
	_ =	sdelay $0x3  }
0x95: {  	_ =	strace s4  }
0x96: {  	s4 =	sld [smem:$0x3FFD];
	_ =	sdelay $0x3  }
0x97: {  	_ =	strace s4  }
0x98: {  	_ =	strace $0x8FFFFFFF  }
0x99: {  	s19 =	sld [smem:$0x3FDB];
	_ =	sdelay $0x1  }
0x9a: {  	s5 =	simm.s32 $_scs_section_size  }
0x9b: {  	s6 =	simm.s32 $_size__tile_overlayer_lowered;
	s7 =	simm.s32 $_tile_overlayer_lowered  }
0x9c: {  	s22 =	simm.s32 $0x1BFF;
	s21 =	sshll.u32 s7, $0x1;
	s4 =	sadd.s32 s5, s19  }
0x9d: {  	s8 =	simm.s32 $0x0;
	s20 =	sshll.u32 s6, $0x1;
	s6 =	sadd.s32 s21, s4  }
0x9e: {  	[timem:s8], [sflag:s22] =	dma.local [hbm:s6], s20  }
0x9f: {  	_ =	swait.ge [sflag:s22], s20  }
0xa0: {  	s5 =	ssub.s32 $0x0, s20;
	[sflag:s22] =	ssyncset.done $0x0  }
0xa1: {  	[sflag:s22] =	ssyncadd.s32 s5;
	_ =	sdelay $0x1  }
0xa2: {  	s23 =	simm.s32 $0x1B8B  }
0xa3: {  	_ =	swait.ge [sflag:s23], $0x1  }
0xa4: {  	[sflag:s23] =	ssyncset.done $0x0  }
0xa5: {  	s25 =	simm.s32 $0x1B8E;
	s24 =	sld [smem:$0x3FFE];
	[sflag:s23] =	ssyncadd.s32 $0xFFFFFFFF  }
0xa6: {  	s26 =	simm.s32 $execute0_lowered;
	[smem:$0x3FD2] =	sst s25  }
0xa7: {  	s6 =	sshll.u32 s26, $0x1;
	_ =	strace $0x80000046;
	[dreg:$0x1] =	wrdreg $0xFFFFFFFF  }
0xa8: {  	s28 =	simm.s32 $_size_execute0_lowered;
	s4 =	sadd.s32 s4, s6;
	[dreg:$0x0] =	wrdreg $0x0  }
0xa9: {  	s6 =	sshll.u32 s28, $0x1;
	[dreg:$0x2] =	wrdreg s4  }
0xaa: {  	[dreg:$0x3] =	wrdreg s6  }
0xab: {  	[dreg:$0x4] =	wrdreg $0xC0  }
0xac: {  	_ =	task [dreg:s8], $0x5FFFF  }
0xad: {  	[dreg:$0x1] =	wrdreg $0xFFFFFFFF  }
0xae: {  	[dreg:$0x0] =	wrdreg $0x60  }
0xaf: {  	[dreg:$0x2] =	wrdreg s18  }
0xb0: {  	[dreg:$0x3] =	wrdreg s2  }
0xb1: {  	[dreg:$0x4] =	wrdreg s24  }
0xb2: {  	[dreg:$0x5] =	wrdreg $0x9  }
0xb3: {  	_ =	task.clear_ibuf [dreg:s8], $0x6FFFF;
	_ =	strace $0x90000046  }
0xb4: {  	s29 =	simm.s32 $0x9;
	_ =	strace $0x80000048  }
0xb5: {  	_ =	swait.ge [sflag:s29], $0x1  }
0xb6: {  	[sflag:s29] =	ssyncadd.s32 $0xFFFFFFFF  }
0xb7: {  	_ =	strace $0x90000048  }
0xb8: {  	_ =	sfence  }
0xb9: {  	s30 =	sld [smem:$0x0];
	_ =	sdelay $0x2  }
0xba: {  	s31 =	sshll.u32 s1, $0xD;
	s1 =	sshrl.u32 s1, $0x2  }
0xbb: {  	s3 =	sand.u32 $0x4000, s31;
	s1 =	sadd.s32 s1, s30  }
0xbc: {  	s0 =	sor.u32 s3, s0;
	s1 =	sshll.u32 s1, $0x11  }
0xbd: {  	s0 =	sor.u32 s1, s0  }
0xbe: {  	s0 =	sadd.s32 $0x8F2B, s0  }
0xbf: {  	[sflag:s0] =	ssyncadd.remote.s32 $0x1  }
0xc0: {  	_ =	sfence.sel $0xFFFF  }
0xc1: {  	[dreg:$0x0] =	wrdreg $0xFFFFFFFF;
	(pc) =	sbr.abs _section_cstart, $3  }
0xc2: {  	[dreg:$0x1] =	wrdreg $0xFFFFFFFF  }
0xc3: {  	_ =	task.clear_ibuf [dreg:s8], $0x2FFFF;
	_ =	strace $0x9FFFFFFF  }
0xc4: {  	(tm) =	ssettm $0x7FFFFFFF  }
0xc5: {  	_ =	shalt  }
tec
execute0_lowered:
.L_overlay_start_1:
0x0: {  	(tag) =	ssettag $0x1  }
0x1: {  	s4 =	rddreg [dreg:$0x0]  }
0x2: {  	s2 =	rddreg [dreg:$0x1]  }
0x3: {  	s1 =	srdreg.scid;
	s0 =	stileid.u32  }
0x4: {  	s15 =	rddreg [dreg:$0x2];
	s16 =	sand.u32 $0x1, s1;
	s5 =	sshll.u32 s0, $0x1  }
0x5: {  	s3 =	simm.s32 $0x0;
	s1 =	rddreg [dreg:$0x3];
	s17 =	sor.u32 s16, s5  }
0x6: {  	[smem:$0x7FF] =	sst s3;
	s5 =	sshll.u32 s17, $0x6  }
0x7: {  	_ =	strace $0x80000047;
	s5 =	sadd.s32 s4, s5;
	s4 =	simm.s32 $0x2  }
0x8: {  	[tilespmem:s3], [sflag:$0x2] =	stream.linear.gather [hbm4b:s5+s3], $0x200, $0x38;
	[tilespmem:$0xA200] =	vst v63  }
0x9: {  	_ =	swait.ge [sflag:s4], $0x200  }
0xa: {  	[sflag:s4] =	ssyncset.done $0x0  }
0xb: {  	s6 =	simm.s32 $0x50;
	s7 =	simm.s32 $0x200;
	[sflag:s4] =	ssyncadd.s32 $0xFFFFFE00  }
0xc: {  	[tilespmem:s7], [sflag:$0x1] =	stream.indirect.gather [hbm4b:s2+s6], $0x80, s3, s6, $0xb8;
	[tilespmem:$0xA200] =	vst v63  }
0xd: {  	s8 =	simm.s32 $0x80;
	s9 =	simm.s32 $0x2A00  }
0xe: {  	[tilespmem:s9], [sflag:$0x1] =	stream.indirect.gather [hbm4b:s2+s6], $0x80, s8, s6, $0xb8;
	[tilespmem:$0xA200] =	vst v63  }
0xf: {  	s10 =	simm.s32 $0x100;
	s11 =	simm.s32 $0x5200  }
0x10: {  	[tilespmem:s11], [sflag:$0x1] =	stream.indirect.gather [hbm4b:s2+s6], $0x80, s10, s6, $0xb8;
	[tilespmem:$0xA200] =	vst v63  }
0x11: {  	s12 =	simm.s32 $0x180;
	s13 =	simm.s32 $0x7A00;
	s14 =	simm.s32 $0x1  }
0x12: {  	[tilespmem:s13], [sflag:$0x1] =	stream.indirect.gather [hbm4b:s2+s6], $0x80, s12, s6, $0xb8;
	[tilespmem:$0xA200] =	vst v63  }
0x13: {  	_ =	swait.ge [sflag:s14], $0x2800  }
0x14: {  	[sflag:s14] =	ssyncset.done $0x0  }
0x15: {  	[sflag:s14] =	ssyncadd.s32 $0xFFFFD800  }
0x16: {  	_ =	swait.ge [sflag:s14], $0x2800  }
0x17: {  	[sflag:s14] =	ssyncset.done $0x0  }
0x18: {  	s16 =	ssub.s32 $0x2, s16;
	[sflag:s14] =	ssyncadd.s32 $0xFFFFD800  }
0x19: {  	s18 =	sshrl.u32 s16, $0x1;
	_ =	swait.ge [sflag:s14], $0x2800  }
0x1a: {  	s16 =	ssub.s32 s16, s18;
	[sflag:s14] =	ssyncset.done $0x0  }
0x1b: {  	s17 =	smul.u32 $0x1400, s17;
	s16 =	smax.u32 s16, $0x1;
	[sflag:s14] =	ssyncadd.s32 $0xFFFFD800  }
0x1c: {  	p0 =	sne.s32 s16, $0x1;
	_ =	swait.ge [sflag:s14], $0x2800  }
.Ltmp0:
0x1d: {  	s15 =	sadd.s32 s17, s15;
	[sflag:s14] =	ssyncset.done $0x0;
	(pc) =	sbr.rel @!p0 .LBB2_2-.Ltmp0, $4  }
0x1e: {  	s15 =	sadd.s32 $0x3400, s15;
	[sflag:s14] =	ssyncadd.s32 $0xFFFFD800  }
0x1f: {  	[hbm4b:s15+s3] =	stream.linear.scatter [tilespmem:s7], [sflag:$0x2], $0xA000, $0x38;
	[tilespmem:$0xA200] =	vst v63  }
0x20: {  	_ =	swait.ge [sflag:s4], $0xA000  }
0x21: {  	s16 =	sadd.s32 $0xFFFFFFFF, s16;
	[sflag:s4] =	ssyncset.done $0x0  }
.LBB2_1:
0x22: {  	p0 =	sne.s32 s16, $0x1;
	s16 =	sadd.s32 $0xFFFFFFFF, s16;
	[sflag:s4] =	ssyncadd.s32 $0xFFFF6000  }
0x23: {  	[tilespmem:s3], [sflag:$0x2] =	stream.linear.gather [hbm4b:s5+s3], $0x200, $0x38;
	[tilespmem:$0xA200] =	vst v63  }
0x24: {  	_ =	swait.ge [sflag:s4], $0x200  }
0x25: {  	[sflag:s4] =	ssyncset.done $0x0  }
0x26: {  	[sflag:s4] =	ssyncadd.s32 $0xFFFFFE00  }
0x27: {  	[tilespmem:s7], [sflag:$0x1] =	stream.indirect.gather [hbm4b:s2+s6], $0x80, s3, s6, $0xb8;
	[tilespmem:$0xA200] =	vst v63  }
0x28: {  	_ = 	snop  }
0x29: {  	[tilespmem:s9], [sflag:$0x1] =	stream.indirect.gather [hbm4b:s2+s6], $0x80, s8, s6, $0xb8;
	[tilespmem:$0xA200] =	vst v63  }
0x2a: {  	_ = 	snop  }
0x2b: {  	[tilespmem:s11], [sflag:$0x1] =	stream.indirect.gather [hbm4b:s2+s6], $0x80, s10, s6, $0xb8;
	[tilespmem:$0xA200] =	vst v63  }
0x2c: {  	_ = 	snop  }
0x2d: {  	[tilespmem:s13], [sflag:$0x1] =	stream.indirect.gather [hbm4b:s2+s6], $0x80, s12, s6, $0xb8;
	[tilespmem:$0xA200] =	vst v63  }
0x2e: {  	_ =	swait.ge [sflag:s14], $0x2800  }
0x2f: {  	[sflag:s14] =	ssyncset.done $0x0  }
0x30: {  	[sflag:s14] =	ssyncadd.s32 $0xFFFFD800  }
0x31: {  	_ =	swait.ge [sflag:s14], $0x2800  }
0x32: {  	[sflag:s14] =	ssyncset.done $0x0  }
0x33: {  	[sflag:s14] =	ssyncadd.s32 $0xFFFFD800  }
0x34: {  	_ =	swait.ge [sflag:s14], $0x2800  }
0x35: {  	[sflag:s14] =	ssyncset.done $0x0  }
0x36: {  	[sflag:s14] =	ssyncadd.s32 $0xFFFFD800  }
0x37: {  	_ =	swait.ge [sflag:s14], $0x2800  }
.Ltmp1:
0x38: {  	[sflag:s14] =	ssyncset.done $0x0;
	(pc) =	sbr.rel @p0 .LBB2_1-.Ltmp1, $4  }
0x39: {  	[sflag:s14] =	ssyncadd.s32 $0xFFFFD800  }
0x3a: {  	[hbm4b:s15+s3] =	stream.linear.scatter [tilespmem:s7], [sflag:$0x2], $0xA000, $0x38;
	[tilespmem:$0xA200] =	vst v63  }
0x3b: {  	_ =	swait.ge [sflag:s4], $0xA000  }
0x3c: {  	[sflag:s4] =	ssyncset.done $0x0  }
.LBB2_2:
0x3d: {  	[sflag:s4] =	ssyncadd.s32 $0xFFFF6000  }
0x3e: {  	_ =	sfence.sel $0x180000  }
0x3f: {  	[bflag:$0x0] =	sbarrier.arrive $0xFFFF  }
0x40: {  	p0 =	sne.s32 s0, $0x0;
	_ =	strace $0x90000047  }
0x41: {  	s0 =	sadd.s32 @!p0 $0x100000, s1;
	[bflag:$0x2] =	sbarrier.arrive $0xFFFF  }
0x42: {  	[sflag:s0] =	ssyncadd.tile.s32 @!p0 $0x1;
	_ =	shalt  }
.Lfunc_end2:
_tile_overlayer_lowered:
.L_overlay_start_2:
0x43: {  	(tag) =	ssettag $0x2  }
0x44: {  	s0 =	rddreg [dreg:$0x0];
	s2 =	stileid.u32  }
0x45: {  	s1 =	rddreg [dreg:$0x1];
	p0 =	sne.s32 s2, $0x0  }
0x46: {  	s3 =	rddreg [dreg:$0x2];
	[bflag:$0x3] =	sbarrier.arrive $0xFFFF;
	s2 =	simm.s32 @!p0 $0x1C02  }
0x47: {  	[timem:s3], [sflag:s2] =	dma.local @!p0 [hbm:s0], s1  }
0x48: {  	s0 =	simm.s32 @!p0 $0x2  }
0x49: {  	_ =	swait.ge @!p0 [sflag:s0], s1  }
0x4a: {  	s1 =	ssub.s32 @!p0 $0x0, s1;
	[sflag:s0] =	ssyncset.done @!p0 $0x0  }
0x4b: {  	[sflag:s0] =	ssyncadd.s32 @!p0 s1  }
0x4c: {  	[bflag:$0x3] =	sbarrier.arrive $0xFFFF  }
0x4d: {  	_ =	shalt  }

</sc_bundles>
